<compile_context>
chip_gen: v7x
topology: tpu7x:2x2x1
jax: 0.10.2.dev20260603
libtpu: 0.0.44.dev20260713+nightly
codegen_flags: <defaults>
</compile_context>

<pallas_src>
import jax
import jax.numpy as jnp
from jax import lax
from jax.experimental import pallas as pl
from jax.experimental.pallas import tpu as pltpu
from jax.experimental.pallas import tpu_sc as plsc

_C = 192
_K = 32
_H = 224
_W = 224
_BC = 2 * _C
_NW = 32
_IPW = _BC // _NW
_ROWS = 56
_NCHUNK = _H // _ROWS
_CVEC = _W // 16
_SEG = 48
_SCALE = (_K - 1) / 2.0


def _body(x_hbm, a_hbm, b_hbm, alpha_hbm, g_hbm, bias_hbm, out_hbm,
          in0, in1, ou0, ou1, alpha_v, a_v, b_v, g_v, bias_v,
          p0, p1, p2, p3, in_sem, out_sem):
    wid = lax.axis_index("s") * 2 + lax.axis_index("c")

    pltpu.sync_copy(alpha_hbm, alpha_v)
    pltpu.sync_copy(a_hbm, a_v)
    pltpu.sync_copy(b_hbm, b_v)
    pltpu.sync_copy(g_hbm, g_v)
    pltpu.sync_copy(bias_hbm, bias_v)

    iota = lax.iota(jnp.int32, 16)

    @pl.loop(0, _IPW)
    def _build(j):
        c = lax.rem(_IPW * wid + j, _C)
        c_splat = jnp.full((16,), c, dtype=jnp.int32)
        bias_s = plsc.load_gather(bias_v, [c_splat])
        for k in range(_SEG // 16):
            s = iota + (16 * k)
            i = s - 2
            i0 = jnp.maximum(jnp.minimum(i - 1, _K - 1), 0)
            i1 = jnp.maximum(jnp.minimum(i, _K - 1), 0)
            i2 = jnp.maximum(jnp.minimum(i + 1, _K - 1), 0)
            i3 = jnp.maximum(jnp.minimum(i + 2, _K - 1), 0)
            a0 = plsc.load_gather(alpha_v, [c_splat, i0])
            a1 = plsc.load_gather(alpha_v, [c_splat, i1])
            a2 = plsc.load_gather(alpha_v, [c_splat, i2])
            a3 = plsc.load_gather(alpha_v, [c_splat, i3])
            sl = pl.ds(j * _SEG + 16 * k, 16)
            p0[sl] = (a0 + 4.0 * a1 + a2) * (1.0 / 6.0) + bias_s
            p1[sl] = (a2 - a0) * 0.5
            p2[sl] = (a0 - 2.0 * a1 + a2) * 0.5
            p3[sl] = (-a0 + 3.0 * a1 - 3.0 * a2 + a3) * (1.0 / 6.0)

    nslots = _IPW * _NCHUNK

    def chunk_coords(slot):
        img = slot // _NCHUNK
        h0 = lax.rem(slot, _NCHUNK) * _ROWS
        bc = _IPW * wid + img
        return bc // _C, lax.rem(bc, _C), h0

    bufs = ((in0, ou0), (in1, ou1))

    def start_in(slot, bi):
        bb, cc, h0 = chunk_coords(slot)
        pltpu.async_copy(x_hbm.at[bb, cc, pl.ds(h0, _ROWS)], bufs[bi][0],
                         in_sem.at[bi])

    start_in(0, 0)
    start_in(1, 1)

    @pl.loop(0, nslots)
    def _main(slot):
        img = slot // _NCHUNK
        c = lax.rem(_IPW * wid + img, _C)
        c_splat = jnp.full((16,), c, dtype=jnp.int32)
        A_s = plsc.load_gather(a_v, [c_splat]) * _SCALE
        B_s = plsc.load_gather(b_v, [c_splat]) * _SCALE + (_SCALE + 2.0)
        G_s = plsc.load_gather(g_v, [c_splat])
        sbase = img * _SEG
        bb, cc, h0 = chunk_coords(slot)

        def run(bi):
            inb, oub = bufs[bi]
            pltpu.make_async_copy(x_hbm.at[0, 0, pl.ds(0, _ROWS)], inb,
                                  in_sem.at[bi]).wait()
            @pl.when(slot >= 2)
            def _():
                pltpu.make_async_copy(oub, out_hbm.at[0, 0, pl.ds(0, _ROWS)],
                                      out_sem.at[bi]).wait()

            p0s = p0.at[pl.ds(sbase, _SEG)]
            p1s = p1.at[pl.ds(sbase, _SEG)]
            p2s = p2.at[pl.ds(sbase, _SEG)]
            p3s = p3.at[pl.ds(sbase, _SEG)]

            @plsc.parallel_loop(0, 2 * _ROWS, unroll=2)
            def _inner(it):
                r = it >> 1
                cb = (it & 1) * 7
                for cj in range(_CVEC // 2):
                    ci = cb + cj
                    xv = inb[r, pl.ds(16 * ci, 16)]
                    u = xv * A_s + B_s
                    u = jnp.minimum(jnp.maximum(u, 0.0), 35.0)
                    idx = u.astype(jnp.int32)
                    t = u - idx.astype(jnp.float32)
                    q3 = plsc.load_gather(p3s, [idx])
                    q2 = plsc.load_gather(p2s, [idx])
                    q1 = plsc.load_gather(p1s, [idx])
                    q0 = plsc.load_gather(p0s, [idx])
                    r_ = ((q3 * t + q2) * t + q1) * t + q0
                    oub[r, pl.ds(16 * ci, 16)] = xv * G_s + r_

            pltpu.async_copy(oub, out_hbm.at[bb, cc, pl.ds(h0, _ROWS)],
                             out_sem.at[bi])

            @pl.when(slot + 2 < nslots)
            def _():
                start_in(slot + 2, bi)

        @pl.when(lax.rem(slot, 2) == 0)
        def _():
            run(0)

        @pl.when(lax.rem(slot, 2) != 0)
        def _():
            run(1)

    pltpu.make_async_copy(ou0, out_hbm.at[0, 0, pl.ds(0, _ROWS)],
                          out_sem.at[0]).wait()
    pltpu.make_async_copy(ou1, out_hbm.at[0, 0, pl.ds(0, _ROWS)],
                          out_sem.at[1]).wait()


_kernel_call = pl.kernel(
    _body,
    out_type=jax.ShapeDtypeStruct((2, _C, _H, _W), jnp.float32),
    mesh=plsc.VectorSubcoreMesh(core_axis_name="c", subcore_axis_name="s"),
    compiler_params=pltpu.CompilerParams(needs_layout_passes=False),
    scratch_types=[
        pltpu.VMEM((_ROWS, _W), jnp.float32),
        pltpu.VMEM((_ROWS, _W), jnp.float32),
        pltpu.VMEM((_ROWS, _W), jnp.float32),
        pltpu.VMEM((_ROWS, _W), jnp.float32),
        pltpu.VMEM((_C, _K), jnp.float32),
        pltpu.VMEM((_C,), jnp.float32),
        pltpu.VMEM((_C,), jnp.float32),
        pltpu.VMEM((_C,), jnp.float32),
        pltpu.VMEM((_C,), jnp.float32),
        pltpu.VMEM((_IPW * _SEG,), jnp.float32),
        pltpu.VMEM((_IPW * _SEG,), jnp.float32),
        pltpu.VMEM((_IPW * _SEG,), jnp.float32),
        pltpu.VMEM((_IPW * _SEG,), jnp.float32),
        pltpu.SemaphoreType.DMA((2,)),
        pltpu.SemaphoreType.DMA((2,)),
    ],
)


@jax.jit
def kernel(x, a, b, alpha, id_gain, bias):
    return _kernel_call(x, a, b, alpha, id_gain, bias)

# --- scband reference (transcript-rebuilt; emitter-appended) ---
"""Pipeline reference for scband-kancubic1-d-6743098655453 (READ-ONLY COPY).

The authoritative reference and input builder live on the scoring server;
editing this copy changes nothing except your own understanding.
"""

import jax, jax.numpy as jnp
import numpy as np

C = 192
K = 32
CLAMP = 1.5

def setup_inputs(seed: int = 0) -> dict:
    key = jax.random.key(seed)
    k1, k2, k3, k4, k5, k6 = jax.random.split(key, 6)
    x = jax.random.normal(k1, (2, C, 224, 224), dtype=jnp.float32)
    a = jnp.ones((C,), dtype=jnp.float32) + 0.1 * jax.random.normal(k2, (C,), dtype=jnp.float32)
    b = 0.1 * jax.random.normal(k3, (C,), dtype=jnp.float32)
    alpha = 0.1 * jax.random.normal(k4, (C, K), dtype=jnp.float32)
    id_gain = jnp.ones((C,), dtype=jnp.float32) + 0.1 * jax.random.normal(k5, (C,), dtype=jnp.float32)
    bias = 0.1 * jax.random.normal(k6, (C,), dtype=jnp.float32)
    return {"x": x, "a": a, "b": b, "alpha": alpha, "id_gain": id_gain, "bias": bias}

def _cubic_basis(t):
    t2 = t * t
    t3 = t2 * t
    b0 = (1 - 3 * t + 3 * t2 - t3) / 6.0
    b1 = (4 - 6 * t2 + 3 * t3) / 6.0
    b2 = (1 + 3 * t + 3 * t2 - 3 * t3) / 6.0
    b3 = t3 / 6.0
    return b0, b1, b2, b3

def reference(x, a, b, alpha, id_gain, bias):
    B, Cc, H, W = x.shape
    x_aff = x * a.reshape(1, Cc, 1, 1) + b.reshape(1, Cc, 1, 1)
    x_aff = jnp.clip(x_aff, -CLAMP, CLAMP)
    low = -1.0
    high = 1.0
    u = (x_aff - low) / (high - low) * (K - 1)
    i = jnp.floor(u).astype(jnp.int32)
    t = jnp.clip(u - i.astype(u.dtype), 0.0, 1.0)
    i0 = jnp.clip(i - 1, 0, K - 1)
    i1 = jnp.clip(i, 0, K - 1)
    i2 = jnp.clip(i + 1, 0, K - 1)
    i3 = jnp.clip(i + 2, 0, K - 1)
    b0, b1, b2, b3 = _cubic_basis(t)
    c_idx = jnp.arange(Cc, dtype=jnp.int32).reshape(1, Cc, 1, 1)
    a0 = alpha[c_idx, i0]
    a1 = alpha[c_idx, i1]
    a2 = alpha[c_idx, i2]
    a3 = alpha[c_idx, i3]
    spline_val = a0 * b0 + a1 * b1 + a2 * b2 + a3 * b3
    y = id_gain.reshape(1, Cc, 1, 1) * x + spline_val + bias.reshape(1, Cc, 1, 1)
    return y

if __name__ == "__main__":
    import jax
    _d = setup_inputs()
    print(jax.jit(kernel)(*tuple(_d.values())))

</pallas_src>

<mosaic_0001>
#map = affine_map<(d0, d1) -> (0, 0, 0, 0)>
#map1 = affine_map<(d0, d1) -> (0)>
#map2 = affine_map<(d0, d1) -> (0, 0)>
module attributes {stable_mosaic.version = 14 : i64} {
  func.func @_body(%arg0: i32, %arg1: i32, %arg2: memref<2x192x224x224xf32, #tpu.memory_space<hbm>>, %arg3: memref<192xf32, #tpu.memory_space<hbm>>, %arg4: memref<192xf32, #tpu.memory_space<hbm>>, %arg5: memref<192x32xf32, #tpu.memory_space<hbm>>, %arg6: memref<192xf32, #tpu.memory_space<hbm>>, %arg7: memref<192xf32, #tpu.memory_space<hbm>>, %arg8: memref<2x192x224x224xf32, #tpu.memory_space<hbm>>, %arg9: memref<56x224xf32, #tpu.memory_space<vmem>>, %arg10: memref<56x224xf32, #tpu.memory_space<vmem>>, %arg11: memref<56x224xf32, #tpu.memory_space<vmem>>, %arg12: memref<56x224xf32, #tpu.memory_space<vmem>>, %arg13: memref<192x32xf32, #tpu.memory_space<vmem>>, %arg14: memref<192xf32, #tpu.memory_space<vmem>>, %arg15: memref<192xf32, #tpu.memory_space<vmem>>, %arg16: memref<192xf32, #tpu.memory_space<vmem>>, %arg17: memref<192xf32, #tpu.memory_space<vmem>>, %arg18: memref<576xf32, #tpu.memory_space<vmem>>, %arg19: memref<576xf32, #tpu.memory_space<vmem>>, %arg20: memref<576xf32, #tpu.memory_space<vmem>>, %arg21: memref<576xf32, #tpu.memory_space<vmem>>, %arg22: memref<2x!tpu.dma_semaphore, #tpu.memory_space<semaphore_mem>>, %arg23: memref<2x!tpu.dma_semaphore, #tpu.memory_space<semaphore_mem>>) attributes {dimension_semantics = [#tpu.dimension_semantics<core_parallel>, #tpu.dimension_semantics<subcore_parallel>], iteration_bounds = array<i64: 2, 16>, scalar_prefetch = 0 : i64, scratch_operands = 15 : i64, tpu.core_type = #tpu.core_type<sc_vector_subcore>, window_params = [{transform_indices = #map}, {transform_indices = #map1}, {transform_indices = #map1}, {transform_indices = #map2}, {transform_indices = #map1}, {transform_indices = #map1}, {transform_indices = #map}]} {
    %mul3A = arith.constant 2 : i32
    %mul3A_0 = arith.muli %arg1, %mul3A : i32
    %add3A = arith.addi %mul3A_0, %arg0 : i32
    "tpu.region"() ({
      %run_scoped3A = tpu.sem_alloc : memref<!tpu.dma_semaphore, #tpu.memory_space<semaphore_mem>>
      tpu.enqueue_dma source(%arg5 : memref<192x32xf32, #tpu.memory_space<hbm>>) target(%arg13 : memref<192x32xf32, #tpu.memory_space<vmem>>) target_semaphore(%run_scoped3A : memref<!tpu.dma_semaphore, #tpu.memory_space<semaphore_mem>>)
      tpu.wait_dma2 semaphore(%run_scoped3A : memref<!tpu.dma_semaphore, #tpu.memory_space<semaphore_mem>>) src(%arg5 : memref<192x32xf32, #tpu.memory_space<hbm>>) dst(%arg13 : memref<192x32xf32, #tpu.memory_space<vmem>>)
      tpu.yield
    }) : () -> ()
    "tpu.region"() ({
      %run_scoped3A = tpu.sem_alloc : memref<!tpu.dma_semaphore, #tpu.memory_space<semaphore_mem>>
      tpu.enqueue_dma source(%arg3 : memref<192xf32, #tpu.memory_space<hbm>>) target(%arg14 : memref<192xf32, #tpu.memory_space<vmem>>) target_semaphore(%run_scoped3A : memref<!tpu.dma_semaphore, #tpu.memory_space<semaphore_mem>>)
      tpu.wait_dma2 semaphore(%run_scoped3A : memref<!tpu.dma_semaphore, #tpu.memory_space<semaphore_mem>>) src(%arg3 : memref<192xf32, #tpu.memory_space<hbm>>) dst(%arg14 : memref<192xf32, #tpu.memory_space<vmem>>)
      tpu.yield
    }) : () -> ()
    "tpu.region"() ({
      %run_scoped3A = tpu.sem_alloc : memref<!tpu.dma_semaphore, #tpu.memory_space<semaphore_mem>>
      tpu.enqueue_dma source(%arg4 : memref<192xf32, #tpu.memory_space<hbm>>) target(%arg15 : memref<192xf32, #tpu.memory_space<vmem>>) target_semaphore(%run_scoped3A : memref<!tpu.dma_semaphore, #tpu.memory_space<semaphore_mem>>)
      tpu.wait_dma2 semaphore(%run_scoped3A : memref<!tpu.dma_semaphore, #tpu.memory_space<semaphore_mem>>) src(%arg4 : memref<192xf32, #tpu.memory_space<hbm>>) dst(%arg15 : memref<192xf32, #tpu.memory_space<vmem>>)
      tpu.yield
    }) : () -> ()
    "tpu.region"() ({
      %run_scoped3A = tpu.sem_alloc : memref<!tpu.dma_semaphore, #tpu.memory_space<semaphore_mem>>
      tpu.enqueue_dma source(%arg6 : memref<192xf32, #tpu.memory_space<hbm>>) target(%arg16 : memref<192xf32, #tpu.memory_space<vmem>>) target_semaphore(%run_scoped3A : memref<!tpu.dma_semaphore, #tpu.memory_space<semaphore_mem>>)
      tpu.wait_dma2 semaphore(%run_scoped3A : memref<!tpu.dma_semaphore, #tpu.memory_space<semaphore_mem>>) src(%arg6 : memref<192xf32, #tpu.memory_space<hbm>>) dst(%arg16 : memref<192xf32, #tpu.memory_space<vmem>>)
      tpu.yield
    }) : () -> ()
    "tpu.region"() ({
      %run_scoped3A = tpu.sem_alloc : memref<!tpu.dma_semaphore, #tpu.memory_space<semaphore_mem>>
      tpu.enqueue_dma source(%arg7 : memref<192xf32, #tpu.memory_space<hbm>>) target(%arg17 : memref<192xf32, #tpu.memory_space<vmem>>) target_semaphore(%run_scoped3A : memref<!tpu.dma_semaphore, #tpu.memory_space<semaphore_mem>>)
      tpu.wait_dma2 semaphore(%run_scoped3A : memref<!tpu.dma_semaphore, #tpu.memory_space<semaphore_mem>>) src(%arg7 : memref<192xf32, #tpu.memory_space<hbm>>) dst(%arg17 : memref<192xf32, #tpu.memory_space<vmem>>)
      tpu.yield
    }) : () -> ()
    %iota3A = tpu.iota {dimensions = array<i32: 0>} : vector<16xi32>
    %scan3A = arith.constant 0 : i32
    %scan3A_1 = arith.constant 12 : i32
    %scan3A_2 = arith.addi %scan3A, %scan3A_1 : i32
    %scan3A_3 = arith.constant 1 : i32
    scf.for %scan3A_114 = %scan3A to %scan3A_2 step %scan3A_3  : i32 {
      %mul3A_115 = arith.constant 1 : i32
      %mul3A_116 = arith.muli %scan3A_114, %mul3A_115 : i32
      %add3A_117 = arith.constant 0 : i32
      %add3A_118 = arith.addi %add3A_117, %mul3A_116 : i32
      %mul3A_119 = arith.constant 12 : i32
      %mul3A_120 = arith.muli %mul3A_119, %add3A : i32
      %add3A_121 = arith.addi %mul3A_120, %add3A_118 : i32
      %rem3A_122 = arith.constant 192 : i32
      %rem3A_123 = arith.remsi %add3A_121, %rem3A_122 : i32
      %broadcast_in_dim3A = vector.broadcast %rem3A_123 : i32 to vector<16xi32>
      %gather3A = tpu.vector_load_idx %arg17[%broadcast_in_dim3A] : memref<192xf32, #tpu.memory_space<vmem>>[vector<16xi32>], vector<16xf32>,
      %add3A_124 = arith.constant 0 : i32
      %add3A_125 = vector.broadcast %add3A_124 : i32 to vector<16xi32>
      %add3A_126 = arith.addi %iota3A, %add3A_125 : vector<16xi32>
      %sub3A_127 = arith.constant 2 : i32
      %sub3A_128 = vector.broadcast %sub3A_127 : i32 to vector<16xi32>
      %sub3A_129 = arith.subi %add3A_126, %sub3A_128 : vector<16xi32>
      %sub3A_130 = arith.constant 1 : i32
      %sub3A_131 = vector.broadcast %sub3A_130 : i32 to vector<16xi32>
      %sub3A_132 = arith.subi %sub3A_129, %sub3A_131 : vector<16xi32>
      %min3A = arith.constant 31 : i32
      %min3A_133 = vector.broadcast %min3A : i32 to vector<16xi32>
      %min3A_134 = arith.minsi %sub3A_132, %min3A_133 : vector<16xi32>
      %max3A = arith.constant 0 : i32
      %max3A_135 = vector.broadcast %max3A : i32 to vector<16xi32>
      %max3A_136 = arith.maxsi %min3A_134, %max3A_135 : vector<16xi32>
      %min3A_137 = arith.constant 31 : i32
      %min3A_138 = vector.broadcast %min3A_137 : i32 to vector<16xi32>
      %min3A_139 = arith.minsi %sub3A_129, %min3A_138 : vector<16xi32>
      %max3A_140 = arith.constant 0 : i32
      %max3A_141 = vector.broadcast %max3A_140 : i32 to vector<16xi32>
      %max3A_142 = arith.maxsi %min3A_139, %max3A_141 : vector<16xi32>
      %add3A_143 = arith.constant 1 : i32
      %add3A_144 = vector.broadcast %add3A_143 : i32 to vector<16xi32>
      %add3A_145 = arith.addi %sub3A_129, %add3A_144 : vector<16xi32>
      %min3A_146 = arith.constant 31 : i32
      %min3A_147 = vector.broadcast %min3A_146 : i32 to vector<16xi32>
      %min3A_148 = arith.minsi %add3A_145, %min3A_147 : vector<16xi32>
      %max3A_149 = arith.constant 0 : i32
      %max3A_150 = vector.broadcast %max3A_149 : i32 to vector<16xi32>
      %max3A_151 = arith.maxsi %min3A_148, %max3A_150 : vector<16xi32>
      %add3A_152 = arith.constant 2 : i32
      %add3A_153 = vector.broadcast %add3A_152 : i32 to vector<16xi32>
      %add3A_154 = arith.addi %sub3A_129, %add3A_153 : vector<16xi32>
      %min3A_155 = arith.constant 31 : i32
      %min3A_156 = vector.broadcast %min3A_155 : i32 to vector<16xi32>
      %min3A_157 = arith.minsi %add3A_154, %min3A_156 : vector<16xi32>
      %max3A_158 = arith.constant 0 : i32
      %max3A_159 = vector.broadcast %max3A_158 : i32 to vector<16xi32>
      %max3A_160 = arith.maxsi %min3A_157, %max3A_159 : vector<16xi32>
      %gather3A_161 = tpu.vector_load_idx %arg13[%broadcast_in_dim3A, %max3A_136] : memref<192x32xf32, #tpu.memory_space<vmem>>[vector<16xi32>, vector<16xi32>], vector<16xf32>,
      %gather3A_162 = tpu.vector_load_idx %arg13[%broadcast_in_dim3A, %max3A_142] : memref<192x32xf32, #tpu.memory_space<vmem>>[vector<16xi32>, vector<16xi32>], vector<16xf32>,
      %gather3A_163 = tpu.vector_load_idx %arg13[%broadcast_in_dim3A, %max3A_151] : memref<192x32xf32, #tpu.memory_space<vmem>>[vector<16xi32>, vector<16xi32>], vector<16xf32>,
      %gather3A_164 = tpu.vector_load_idx %arg13[%broadcast_in_dim3A, %max3A_160] : memref<192x32xf32, #tpu.memory_space<vmem>>[vector<16xi32>, vector<16xi32>], vector<16xf32>,
      %mul3A_165 = arith.constant 48 : i32
      %mul3A_166 = arith.muli %add3A_118, %mul3A_165 : i32
      %add3A_167 = arith.constant 0 : i32
      %add3A_168 = arith.addi %mul3A_166, %add3A_167 : i32
      %mul3A_169 = arith.constant 4.000000e+00 : f32
      %mul3A_170 = vector.broadcast %mul3A_169 : f32 to vector<16xf32>
      %mul3A_171 = arith.mulf %mul3A_170, %gather3A_162 : vector<16xf32>
      %add3A_172 = arith.addf %gather3A_161, %mul3A_171 : vector<16xf32>
      %add3A_173 = arith.addf %add3A_172, %gather3A_163 : vector<16xf32>
      %mul3A_174 = arith.constant 0.166666672 : f32
      %mul3A_175 = vector.broadcast %mul3A_174 : f32 to vector<16xf32>
      %mul3A_176 = arith.mulf %add3A_173, %mul3A_175 : vector<16xf32>
      %add3A_177 = arith.addf %mul3A_176, %gather3A : vector<16xf32>
      %swap3A = arith.index_cast %add3A_168 : i32 to index
      %swap3A_178 = tpu.vector_load %arg18[%swap3A] {strides = array<i32>} : memref<576xf32, #tpu.memory_space<vmem>>, vector<16xf32>,
      tpu.vector_store %arg18[%swap3A], %add3A_177 {strides = array<i32>} : memref<576xf32, #tpu.memory_space<vmem>>, vector<16xf32>,
      %sub3A_179 = arith.subf %gather3A_163, %gather3A_161 : vector<16xf32>
      %mul3A_180 = arith.constant 5.000000e-01 : f32
      %mul3A_181 = vector.broadcast %mul3A_180 : f32 to vector<16xf32>
      %mul3A_182 = arith.mulf %sub3A_179, %mul3A_181 : vector<16xf32>
      %swap3A_183 = arith.index_cast %add3A_168 : i32 to index
      %swap3A_184 = tpu.vector_load %arg19[%swap3A_183] {strides = array<i32>} : memref<576xf32, #tpu.memory_space<vmem>>, vector<16xf32>,
      tpu.vector_store %arg19[%swap3A_183], %mul3A_182 {strides = array<i32>} : memref<576xf32, #tpu.memory_space<vmem>>, vector<16xf32>,
      %mul3A_185 = arith.constant 2.000000e+00 : f32
      %mul3A_186 = vector.broadcast %mul3A_185 : f32 to vector<16xf32>
      %mul3A_187 = arith.mulf %mul3A_186, %gather3A_162 : vector<16xf32>
      %sub3A_188 = arith.subf %gather3A_161, %mul3A_187 : vector<16xf32>
      %add3A_189 = arith.addf %sub3A_188, %gather3A_163 : vector<16xf32>
      %mul3A_190 = arith.constant 5.000000e-01 : f32
      %mul3A_191 = vector.broadcast %mul3A_190 : f32 to vector<16xf32>
      %mul3A_192 = arith.mulf %add3A_189, %mul3A_191 : vector<16xf32>
      %swap3A_193 = arith.index_cast %add3A_168 : i32 to index
      %swap3A_194 = tpu.vector_load %arg20[%swap3A_193] {strides = array<i32>} : memref<576xf32, #tpu.memory_space<vmem>>, vector<16xf32>,
      tpu.vector_store %arg20[%swap3A_193], %mul3A_192 {strides = array<i32>} : memref<576xf32, #tpu.memory_space<vmem>>, vector<16xf32>,
      %neg3A = arith.constant 0.000000e+00 : f32
      %neg3A_195 = vector.broadcast %neg3A : f32 to vector<16xf32>
      %neg3A_196 = arith.subf %neg3A_195, %gather3A_161 : vector<16xf32>
      %mul3A_197 = arith.constant 3.000000e+00 : f32
      %mul3A_198 = vector.broadcast %mul3A_197 : f32 to vector<16xf32>
      %mul3A_199 = arith.mulf %mul3A_198, %gather3A_162 : vector<16xf32>
      %add3A_200 = arith.addf %neg3A_196, %mul3A_199 : vector<16xf32>
      %mul3A_201 = arith.constant 3.000000e+00 : f32
      %mul3A_202 = vector.broadcast %mul3A_201 : f32 to vector<16xf32>
      %mul3A_203 = arith.mulf %mul3A_202, %gather3A_163 : vector<16xf32>
      %sub3A_204 = arith.subf %add3A_200, %mul3A_203 : vector<16xf32>
      %add3A_205 = arith.addf %sub3A_204, %gather3A_164 : vector<16xf32>
      %mul3A_206 = arith.constant 0.166666672 : f32
      %mul3A_207 = vector.broadcast %mul3A_206 : f32 to vector<16xf32>
      %mul3A_208 = arith.mulf %add3A_205, %mul3A_207 : vector<16xf32>
      %swap3A_209 = arith.index_cast %add3A_168 : i32 to index
      %swap3A_210 = tpu.vector_load %arg21[%swap3A_209] {strides = array<i32>} : memref<576xf32, #tpu.memory_space<vmem>>, vector<16xf32>,
      tpu.vector_store %arg21[%swap3A_209], %mul3A_208 {strides = array<i32>} : memref<576xf32, #tpu.memory_space<vmem>>, vector<16xf32>,
      %add3A_211 = arith.constant 16 : i32
      %add3A_212 = vector.broadcast %add3A_211 : i32 to vector<16xi32>
      %add3A_213 = arith.addi %iota3A, %add3A_212 : vector<16xi32>
      %sub3A_214 = arith.constant 2 : i32
      %sub3A_215 = vector.broadcast %sub3A_214 : i32 to vector<16xi32>
      %sub3A_216 = arith.subi %add3A_213, %sub3A_215 : vector<16xi32>
      %sub3A_217 = arith.constant 1 : i32
      %sub3A_218 = vector.broadcast %sub3A_217 : i32 to vector<16xi32>
      %sub3A_219 = arith.subi %sub3A_216, %sub3A_218 : vector<16xi32>
      %min3A_220 = arith.constant 31 : i32
      %min3A_221 = vector.broadcast %min3A_220 : i32 to vector<16xi32>
      %min3A_222 = arith.minsi %sub3A_219, %min3A_221 : vector<16xi32>
      %max3A_223 = arith.constant 0 : i32
      %max3A_224 = vector.broadcast %max3A_223 : i32 to vector<16xi32>
      %max3A_225 = arith.maxsi %min3A_222, %max3A_224 : vector<16xi32>
      %min3A_226 = arith.constant 31 : i32
      %min3A_227 = vector.broadcast %min3A_226 : i32 to vector<16xi32>
      %min3A_228 = arith.minsi %sub3A_216, %min3A_227 : vector<16xi32>
      %max3A_229 = arith.constant 0 : i32
      %max3A_230 = vector.broadcast %max3A_229 : i32 to vector<16xi32>
      %max3A_231 = arith.maxsi %min3A_228, %max3A_230 : vector<16xi32>
      %add3A_232 = arith.constant 1 : i32
      %add3A_233 = vector.broadcast %add3A_232 : i32 to vector<16xi32>
      %add3A_234 = arith.addi %sub3A_216, %add3A_233 : vector<16xi32>
      %min3A_235 = arith.constant 31 : i32
      %min3A_236 = vector.broadcast %min3A_235 : i32 to vector<16xi32>
      %min3A_237 = arith.minsi %add3A_234, %min3A_236 : vector<16xi32>
      %max3A_238 = arith.constant 0 : i32
      %max3A_239 = vector.broadcast %max3A_238 : i32 to vector<16xi32>
      %max3A_240 = arith.maxsi %min3A_237, %max3A_239 : vector<16xi32>
      %add3A_241 = arith.constant 2 : i32
      %add3A_242 = vector.broadcast %add3A_241 : i32 to vector<16xi32>
      %add3A_243 = arith.addi %sub3A_216, %add3A_242 : vector<16xi32>
      %min3A_244 = arith.constant 31 : i32
      %min3A_245 = vector.broadcast %min3A_244 : i32 to vector<16xi32>
      %min3A_246 = arith.minsi %add3A_243, %min3A_245 : vector<16xi32>
      %max3A_247 = arith.constant 0 : i32
      %max3A_248 = vector.broadcast %max3A_247 : i32 to vector<16xi32>
      %max3A_249 = arith.maxsi %min3A_246, %max3A_248 : vector<16xi32>
      %gather3A_250 = tpu.vector_load_idx %arg13[%broadcast_in_dim3A, %max3A_225] : memref<192x32xf32, #tpu.memory_space<vmem>>[vector<16xi32>, vector<16xi32>], vector<16xf32>,
      %gather3A_251 = tpu.vector_load_idx %arg13[%broadcast_in_dim3A, %max3A_231] : memref<192x32xf32, #tpu.memory_space<vmem>>[vector<16xi32>, vector<16xi32>], vector<16xf32>,
      %gather3A_252 = tpu.vector_load_idx %arg13[%broadcast_in_dim3A, %max3A_240] : memref<192x32xf32, #tpu.memory_space<vmem>>[vector<16xi32>, vector<16xi32>], vector<16xf32>,
      %gather3A_253 = tpu.vector_load_idx %arg13[%broadcast_in_dim3A, %max3A_249] : memref<192x32xf32, #tpu.memory_space<vmem>>[vector<16xi32>, vector<16xi32>], vector<16xf32>,
      %mul3A_254 = arith.constant 48 : i32
      %mul3A_255 = arith.muli %add3A_118, %mul3A_254 : i32
      %add3A_256 = arith.constant 16 : i32
      %add3A_257 = arith.addi %mul3A_255, %add3A_256 : i32
      %mul3A_258 = arith.constant 4.000000e+00 : f32
      %mul3A_259 = vector.broadcast %mul3A_258 : f32 to vector<16xf32>
      %mul3A_260 = arith.mulf %mul3A_259, %gather3A_251 : vector<16xf32>
      %add3A_261 = arith.addf %gather3A_250, %mul3A_260 : vector<16xf32>
      %add3A_262 = arith.addf %add3A_261, %gather3A_252 : vector<16xf32>
      %mul3A_263 = arith.constant 0.166666672 : f32
      %mul3A_264 = vector.broadcast %mul3A_263 : f32 to vector<16xf32>
      %mul3A_265 = arith.mulf %add3A_262, %mul3A_264 : vector<16xf32>
      %add3A_266 = arith.addf %mul3A_265, %gather3A : vector<16xf32>
      %swap3A_267 = arith.index_cast %add3A_257 : i32 to index
      %swap3A_268 = tpu.vector_load %arg18[%swap3A_267] {strides = array<i32>} : memref<576xf32, #tpu.memory_space<vmem>>, vector<16xf32>,
      tpu.vector_store %arg18[%swap3A_267], %add3A_266 {strides = array<i32>} : memref<576xf32, #tpu.memory_space<vmem>>, vector<16xf32>,
      %sub3A_269 = arith.subf %gather3A_252, %gather3A_250 : vector<16xf32>
      %mul3A_270 = arith.constant 5.000000e-01 : f32
      %mul3A_271 = vector.broadcast %mul3A_270 : f32 to vector<16xf32>
      %mul3A_272 = arith.mulf %sub3A_269, %mul3A_271 : vector<16xf32>
      %swap3A_273 = arith.index_cast %add3A_257 : i32 to index
      %swap3A_274 = tpu.vector_load %arg19[%swap3A_273] {strides = array<i32>} : memref<576xf32, #tpu.memory_space<vmem>>, vector<16xf32>,
      tpu.vector_store %arg19[%swap3A_273], %mul3A_272 {strides = array<i32>} : memref<576xf32, #tpu.memory_space<vmem>>, vector<16xf32>,
      %mul3A_275 = arith.constant 2.000000e+00 : f32
      %mul3A_276 = vector.broadcast %mul3A_275 : f32 to vector<16xf32>
      %mul3A_277 = arith.mulf %mul3A_276, %gather3A_251 : vector<16xf32>
      %sub3A_278 = arith.subf %gather3A_250, %mul3A_277 : vector<16xf32>
      %add3A_279 = arith.addf %sub3A_278, %gather3A_252 : vector<16xf32>
      %mul3A_280 = arith.constant 5.000000e-01 : f32
      %mul3A_281 = vector.broadcast %mul3A_280 : f32 to vector<16xf32>
      %mul3A_282 = arith.mulf %add3A_279, %mul3A_281 : vector<16xf32>
      %swap3A_283 = arith.index_cast %add3A_257 : i32 to index
      %swap3A_284 = tpu.vector_load %arg20[%swap3A_283] {strides = array<i32>} : memref<576xf32, #tpu.memory_space<vmem>>, vector<16xf32>,
      tpu.vector_store %arg20[%swap3A_283], %mul3A_282 {strides = array<i32>} : memref<576xf32, #tpu.memory_space<vmem>>, vector<16xf32>,
      %neg3A_285 = arith.constant 0.000000e+00 : f32
      %neg3A_286 = vector.broadcast %neg3A_285 : f32 to vector<16xf32>
      %neg3A_287 = arith.subf %neg3A_286, %gather3A_250 : vector<16xf32>
      %mul3A_288 = arith.constant 3.000000e+00 : f32
      %mul3A_289 = vector.broadcast %mul3A_288 : f32 to vector<16xf32>
      %mul3A_290 = arith.mulf %mul3A_289, %gather3A_251 : vector<16xf32>
      %add3A_291 = arith.addf %neg3A_287, %mul3A_290 : vector<16xf32>
      %mul3A_292 = arith.constant 3.000000e+00 : f32
      %mul3A_293 = vector.broadcast %mul3A_292 : f32 to vector<16xf32>
      %mul3A_294 = arith.mulf %mul3A_293, %gather3A_252 : vector<16xf32>
      %sub3A_295 = arith.subf %add3A_291, %mul3A_294 : vector<16xf32>
      %add3A_296 = arith.addf %sub3A_295, %gather3A_253 : vector<16xf32>
      %mul3A_297 = arith.constant 0.166666672 : f32
      %mul3A_298 = vector.broadcast %mul3A_297 : f32 to vector<16xf32>
      %mul3A_299 = arith.mulf %add3A_296, %mul3A_298 : vector<16xf32>
      %swap3A_300 = arith.index_cast %add3A_257 : i32 to index
      %swap3A_301 = tpu.vector_load %arg21[%swap3A_300] {strides = array<i32>} : memref<576xf32, #tpu.memory_space<vmem>>, vector<16xf32>,
      tpu.vector_store %arg21[%swap3A_300], %mul3A_299 {strides = array<i32>} : memref<576xf32, #tpu.memory_space<vmem>>, vector<16xf32>,
      %add3A_302 = arith.constant 32 : i32
      %add3A_303 = vector.broadcast %add3A_302 : i32 to vector<16xi32>
      %add3A_304 = arith.addi %iota3A, %add3A_303 : vector<16xi32>
      %sub3A_305 = arith.constant 2 : i32
      %sub3A_306 = vector.broadcast %sub3A_305 : i32 to vector<16xi32>
      %sub3A_307 = arith.subi %add3A_304, %sub3A_306 : vector<16xi32>
      %sub3A_308 = arith.constant 1 : i32
      %sub3A_309 = vector.broadcast %sub3A_308 : i32 to vector<16xi32>
      %sub3A_310 = arith.subi %sub3A_307, %sub3A_309 : vector<16xi32>
      %min3A_311 = arith.constant 31 : i32
      %min3A_312 = vector.broadcast %min3A_311 : i32 to vector<16xi32>
      %min3A_313 = arith.minsi %sub3A_310, %min3A_312 : vector<16xi32>
      %max3A_314 = arith.constant 0 : i32
      %max3A_315 = vector.broadcast %max3A_314 : i32 to vector<16xi32>
      %max3A_316 = arith.maxsi %min3A_313, %max3A_315 : vector<16xi32>
      %min3A_317 = arith.constant 31 : i32
      %min3A_318 = vector.broadcast %min3A_317 : i32 to vector<16xi32>
      %min3A_319 = arith.minsi %sub3A_307, %min3A_318 : vector<16xi32>
      %max3A_320 = arith.constant 0 : i32
      %max3A_321 = vector.broadcast %max3A_320 : i32 to vector<16xi32>
      %max3A_322 = arith.maxsi %min3A_319, %max3A_321 : vector<16xi32>
      %add3A_323 = arith.constant 1 : i32
      %add3A_324 = vector.broadcast %add3A_323 : i32 to vector<16xi32>
      %add3A_325 = arith.addi %sub3A_307, %add3A_324 : vector<16xi32>
      %min3A_326 = arith.constant 31 : i32
      %min3A_327 = vector.broadcast %min3A_326 : i32 to vector<16xi32>
      %min3A_328 = arith.minsi %add3A_325, %min3A_327 : vector<16xi32>
      %max3A_329 = arith.constant 0 : i32
      %max3A_330 = vector.broadcast %max3A_329 : i32 to vector<16xi32>
      %max3A_331 = arith.maxsi %min3A_328, %max3A_330 : vector<16xi32>
      %add3A_332 = arith.constant 2 : i32
      %add3A_333 = vector.broadcast %add3A_332 : i32 to vector<16xi32>
      %add3A_334 = arith.addi %sub3A_307, %add3A_333 : vector<16xi32>
      %min3A_335 = arith.constant 31 : i32
      %min3A_336 = vector.broadcast %min3A_335 : i32 to vector<16xi32>
      %min3A_337 = arith.minsi %add3A_334, %min3A_336 : vector<16xi32>
      %max3A_338 = arith.constant 0 : i32
      %max3A_339 = vector.broadcast %max3A_338 : i32 to vector<16xi32>
      %max3A_340 = arith.maxsi %min3A_337, %max3A_339 : vector<16xi32>
      %gather3A_341 = tpu.vector_load_idx %arg13[%broadcast_in_dim3A, %max3A_316] : memref<192x32xf32, #tpu.memory_space<vmem>>[vector<16xi32>, vector<16xi32>], vector<16xf32>,
      %gather3A_342 = tpu.vector_load_idx %arg13[%broadcast_in_dim3A, %max3A_322] : memref<192x32xf32, #tpu.memory_space<vmem>>[vector<16xi32>, vector<16xi32>], vector<16xf32>,
      %gather3A_343 = tpu.vector_load_idx %arg13[%broadcast_in_dim3A, %max3A_331] : memref<192x32xf32, #tpu.memory_space<vmem>>[vector<16xi32>, vector<16xi32>], vector<16xf32>,
      %gather3A_344 = tpu.vector_load_idx %arg13[%broadcast_in_dim3A, %max3A_340] : memref<192x32xf32, #tpu.memory_space<vmem>>[vector<16xi32>, vector<16xi32>], vector<16xf32>,
      %mul3A_345 = arith.constant 48 : i32
      %mul3A_346 = arith.muli %add3A_118, %mul3A_345 : i32
      %add3A_347 = arith.constant 32 : i32
      %add3A_348 = arith.addi %mul3A_346, %add3A_347 : i32
      %mul3A_349 = arith.constant 4.000000e+00 : f32
      %mul3A_350 = vector.broadcast %mul3A_349 : f32 to vector<16xf32>
      %mul3A_351 = arith.mulf %mul3A_350, %gather3A_342 : vector<16xf32>
      %add3A_352 = arith.addf %gather3A_341, %mul3A_351 : vector<16xf32>
      %add3A_353 = arith.addf %add3A_352, %gather3A_343 : vector<16xf32>
      %mul3A_354 = arith.constant 0.166666672 : f32
      %mul3A_355 = vector.broadcast %mul3A_354 : f32 to vector<16xf32>
      %mul3A_356 = arith.mulf %add3A_353, %mul3A_355 : vector<16xf32>
      %add3A_357 = arith.addf %mul3A_356, %gather3A : vector<16xf32>
      %swap3A_358 = arith.index_cast %add3A_348 : i32 to index
      %swap3A_359 = tpu.vector_load %arg18[%swap3A_358] {strides = array<i32>} : memref<576xf32, #tpu.memory_space<vmem>>, vector<16xf32>,
      tpu.vector_store %arg18[%swap3A_358], %add3A_357 {strides = array<i32>} : memref<576xf32, #tpu.memory_space<vmem>>, vector<16xf32>,
      %sub3A_360 = arith.subf %gather3A_343, %gather3A_341 : vector<16xf32>
      %mul3A_361 = arith.constant 5.000000e-01 : f32
      %mul3A_362 = vector.broadcast %mul3A_361 : f32 to vector<16xf32>
      %mul3A_363 = arith.mulf %sub3A_360, %mul3A_362 : vector<16xf32>
      %swap3A_364 = arith.index_cast %add3A_348 : i32 to index
      %swap3A_365 = tpu.vector_load %arg19[%swap3A_364] {strides = array<i32>} : memref<576xf32, #tpu.memory_space<vmem>>, vector<16xf32>,
      tpu.vector_store %arg19[%swap3A_364], %mul3A_363 {strides = array<i32>} : memref<576xf32, #tpu.memory_space<vmem>>, vector<16xf32>,
      %mul3A_366 = arith.constant 2.000000e+00 : f32
      %mul3A_367 = vector.broadcast %mul3A_366 : f32 to vector<16xf32>
      %mul3A_368 = arith.mulf %mul3A_367, %gather3A_342 : vector<16xf32>
      %sub3A_369 = arith.subf %gather3A_341, %mul3A_368 : vector<16xf32>
      %add3A_370 = arith.addf %sub3A_369, %gather3A_343 : vector<16xf32>
      %mul3A_371 = arith.constant 5.000000e-01 : f32
      %mul3A_372 = vector.broadcast %mul3A_371 : f32 to vector<16xf32>
      %mul3A_373 = arith.mulf %add3A_370, %mul3A_372 : vector<16xf32>
      %swap3A_374 = arith.index_cast %add3A_348 : i32 to index
      %swap3A_375 = tpu.vector_load %arg20[%swap3A_374] {strides = array<i32>} : memref<576xf32, #tpu.memory_space<vmem>>, vector<16xf32>,
      tpu.vector_store %arg20[%swap3A_374], %mul3A_373 {strides = array<i32>} : memref<576xf32, #tpu.memory_space<vmem>>, vector<16xf32>,
      %neg3A_376 = arith.constant 0.000000e+00 : f32
      %neg3A_377 = vector.broadcast %neg3A_376 : f32 to vector<16xf32>
      %neg3A_378 = arith.subf %neg3A_377, %gather3A_341 : vector<16xf32>
      %mul3A_379 = arith.constant 3.000000e+00 : f32
      %mul3A_380 = vector.broadcast %mul3A_379 : f32 to vector<16xf32>
      %mul3A_381 = arith.mulf %mul3A_380, %gather3A_342 : vector<16xf32>
      %add3A_382 = arith.addf %neg3A_378, %mul3A_381 : vector<16xf32>
      %mul3A_383 = arith.constant 3.000000e+00 : f32
      %mul3A_384 = vector.broadcast %mul3A_383 : f32 to vector<16xf32>
      %mul3A_385 = arith.mulf %mul3A_384, %gather3A_343 : vector<16xf32>
      %sub3A_386 = arith.subf %add3A_382, %mul3A_385 : vector<16xf32>
      %add3A_387 = arith.addf %sub3A_386, %gather3A_344 : vector<16xf32>
      %mul3A_388 = arith.constant 0.166666672 : f32
      %mul3A_389 = vector.broadcast %mul3A_388 : f32 to vector<16xf32>
      %mul3A_390 = arith.mulf %add3A_387, %mul3A_389 : vector<16xf32>
      %swap3A_391 = arith.index_cast %add3A_348 : i32 to index
      %swap3A_392 = tpu.vector_load %arg21[%swap3A_391] {strides = array<i32>} : memref<576xf32, #tpu.memory_space<vmem>>, vector<16xf32>,
      tpu.vector_store %arg21[%swap3A_391], %mul3A_390 {strides = array<i32>} : memref<576xf32, #tpu.memory_space<vmem>>, vector<16xf32>,
    }
    %scan3A_4 = arith.constant 12 : i32
    %rem3A = arith.constant 0 : i32
    %rem3A_5 = arith.constant 4 : i32
    %rem3A_6 = arith.remsi %rem3A, %rem3A_5 : i32
    %mul3A_7 = arith.constant 56 : i32
    %mul3A_8 = arith.muli %rem3A_6, %mul3A_7 : i32
    %mul3A_9 = arith.constant 12 : i32
    %mul3A_10 = arith.muli %mul3A_9, %add3A : i32
    %add3A_11 = arith.constant 0 : i32
    %add3A_12 = arith.addi %mul3A_10, %add3A_11 : i32
    %jit3A = arith.constant 192 : i32
    %div3A = arith.divsi %add3A_12, %jit3A : i32
    %sign3A = arith.constant 0 : i32
    %sign3A_13 = arith.cmpi sgt, %add3A_12, %sign3A : i32
    %sign3A_14 = arith.extui %sign3A_13 : i1 to i32
    %sign3A_15 = arith.constant 0 : i32
    %sign3A_16 = arith.cmpi slt, %add3A_12, %sign3A_15 : i32
    %sign3A_17 = arith.extui %sign3A_16 : i1 to i32
    %sign3A_18 = arith.subi %sign3A_14, %sign3A_17 : i32
    %sign3A_19 = arith.constant 0 : i32
    %sign3A_20 = arith.cmpi sgt, %jit3A, %sign3A_19 : i32
    %sign3A_21 = arith.extui %sign3A_20 : i1 to i32
    %sign3A_22 = arith.constant 0 : i32
    %sign3A_23 = arith.cmpi slt, %jit3A, %sign3A_22 : i32
    %sign3A_24 = arith.extui %sign3A_23 : i1 to i32
    %sign3A_25 = arith.subi %sign3A_21, %sign3A_24 : i32
    %ne3A = arith.cmpi ne, %sign3A_18, %sign3A_25 : i32
    %rem3A_26 = arith.remsi %add3A_12, %jit3A : i32
    %ne3A_27 = arith.constant 0 : i32
    %ne3A_28 = arith.cmpi ne, %rem3A_26, %ne3A_27 : i32
    %and3A = arith.andi %ne3A, %ne3A_28 : i1
    %sub3A = arith.constant 1 : i32
    %sub3A_29 = arith.subi %div3A, %sub3A : i32
    %select_n3A = arith.select %and3A, %sub3A_29, %div3A : i32
    %rem3A_30 = arith.constant 192 : i32
    %rem3A_31 = arith.remsi %add3A_12, %rem3A_30 : i32
    %dma_start3A = arith.constant 0 : i32
    %dma_start3A_32 = arith.constant 0 : i32
    %dma_start3A_33 = tpu.memref_slice %arg2[%select_n3A, %rem3A_31, %mul3A_8, %dma_start3A_32] : memref<2x192x224x224xf32, #tpu.memory_space<hbm>> -> memref<1x1x56x224xf32, #tpu.memory_space<hbm>>
    %dma_start3A_34 = tpu.memref_squeeze %dma_start3A_33 : memref<1x1x56x224xf32, #tpu.memory_space<hbm>> -> memref<56x224xf32, #tpu.memory_space<hbm>>
    %dma_start3A_35 = tpu.memref_slice %arg22[%dma_start3A] : memref<2x!tpu.dma_semaphore, #tpu.memory_space<semaphore_mem>> -> memref<1x!tpu.dma_semaphore, #tpu.memory_space<semaphore_mem>>
    %dma_start3A_36 = tpu.memref_squeeze %dma_start3A_35 : memref<1x!tpu.dma_semaphore, #tpu.memory_space<semaphore_mem>> -> memref<!tpu.dma_semaphore, #tpu.memory_space<semaphore_mem>>
    %dma_start3A_37 = arith.constant 0 : i32
    %dma_start3A_38 = tpu.memref_slice %arg2[%select_n3A, %rem3A_31, %mul3A_8, %dma_start3A_37] : memref<2x192x224x224xf32, #tpu.memory_space<hbm>> -> memref<1x1x56x224xf32, #tpu.memory_space<hbm>>
    %dma_start3A_39 = tpu.memref_squeeze %dma_start3A_38 : memref<1x1x56x224xf32, #tpu.memory_space<hbm>> -> memref<56x224xf32, #tpu.memory_space<hbm>>
    tpu.enqueue_dma source(%dma_start3A_39 : memref<56x224xf32, #tpu.memory_space<hbm>>) target(%arg9 : memref<56x224xf32, #tpu.memory_space<vmem>>) target_semaphore(%dma_start3A_36 : memref<!tpu.dma_semaphore, #tpu.memory_space<semaphore_mem>>)
    %rem3A_40 = arith.constant 1 : i32
    %rem3A_41 = arith.constant 4 : i32
    %rem3A_42 = arith.remsi %rem3A_40, %rem3A_41 : i32
    %mul3A_43 = arith.constant 56 : i32
    %mul3A_44 = arith.muli %rem3A_42, %mul3A_43 : i32
    %mul3A_45 = arith.constant 12 : i32
    %mul3A_46 = arith.muli %mul3A_45, %add3A : i32
    %add3A_47 = arith.constant 0 : i32
    %add3A_48 = arith.addi %mul3A_46, %add3A_47 : i32
    %jit3A_49 = arith.constant 192 : i32
    %div3A_50 = arith.divsi %add3A_48, %jit3A_49 : i32
    %sign3A_51 = arith.constant 0 : i32
    %sign3A_52 = arith.cmpi sgt, %add3A_48, %sign3A_51 : i32
    %sign3A_53 = arith.extui %sign3A_52 : i1 to i32
    %sign3A_54 = arith.constant 0 : i32
    %sign3A_55 = arith.cmpi slt, %add3A_48, %sign3A_54 : i32
    %sign3A_56 = arith.extui %sign3A_55 : i1 to i32
    %sign3A_57 = arith.subi %sign3A_53, %sign3A_56 : i32
    %sign3A_58 = arith.constant 0 : i32
    %sign3A_59 = arith.cmpi sgt, %jit3A_49, %sign3A_58 : i32
    %sign3A_60 = arith.extui %sign3A_59 : i1 to i32
    %sign3A_61 = arith.constant 0 : i32
    %sign3A_62 = arith.cmpi slt, %jit3A_49, %sign3A_61 : i32
    %sign3A_63 = arith.extui %sign3A_62 : i1 to i32
    %sign3A_64 = arith.subi %sign3A_60, %sign3A_63 : i32
    %ne3A_65 = arith.cmpi ne, %sign3A_57, %sign3A_64 : i32
    %rem3A_66 = arith.remsi %add3A_48, %jit3A_49 : i32
    %ne3A_67 = arith.constant 0 : i32
    %ne3A_68 = arith.cmpi ne, %rem3A_66, %ne3A_67 : i32
    %and3A_69 = arith.andi %ne3A_65, %ne3A_68 : i1
    %sub3A_70 = arith.constant 1 : i32
    %sub3A_71 = arith.subi %div3A_50, %sub3A_70 : i32
    %select_n3A_72 = arith.select %and3A_69, %sub3A_71, %div3A_50 : i32
    %rem3A_73 = arith.constant 192 : i32
    %rem3A_74 = arith.remsi %add3A_48, %rem3A_73 : i32
    %dma_start3A_75 = arith.constant 1 : i32
    %dma_start3A_76 = arith.constant 0 : i32
    %dma_start3A_77 = tpu.memref_slice %arg2[%select_n3A_72, %rem3A_74, %mul3A_44, %dma_start3A_76] : memref<2x192x224x224xf32, #tpu.memory_space<hbm>> -> memref<1x1x56x224xf32, #tpu.memory_space<hbm>>
    %dma_start3A_78 = tpu.memref_squeeze %dma_start3A_77 : memref<1x1x56x224xf32, #tpu.memory_space<hbm>> -> memref<56x224xf32, #tpu.memory_space<hbm>>
    %dma_start3A_79 = tpu.memref_slice %arg22[%dma_start3A_75] : memref<2x!tpu.dma_semaphore, #tpu.memory_space<semaphore_mem>> -> memref<1x!tpu.dma_semaphore, #tpu.memory_space<semaphore_mem>>
    %dma_start3A_80 = tpu.memref_squeeze %dma_start3A_79 : memref<1x!tpu.dma_semaphore, #tpu.memory_space<semaphore_mem>> -> memref<!tpu.dma_semaphore, #tpu.memory_space<semaphore_mem>>
    %dma_start3A_81 = arith.constant 0 : i32
    %dma_start3A_82 = tpu.memref_slice %arg2[%select_n3A_72, %rem3A_74, %mul3A_44, %dma_start3A_81] : memref<2x192x224x224xf32, #tpu.memory_space<hbm>> -> memref<1x1x56x224xf32, #tpu.memory_space<hbm>>
    %dma_start3A_83 = tpu.memref_squeeze %dma_start3A_82 : memref<1x1x56x224xf32, #tpu.memory_space<hbm>> -> memref<56x224xf32, #tpu.memory_space<hbm>>
    tpu.enqueue_dma source(%dma_start3A_83 : memref<56x224xf32, #tpu.memory_space<hbm>>) target(%arg10 : memref<56x224xf32, #tpu.memory_space<vmem>>) target_semaphore(%dma_start3A_80 : memref<!tpu.dma_semaphore, #tpu.memory_space<semaphore_mem>>)
    %scan3A_84 = arith.constant 0 : i32
    %scan3A_85 = arith.constant 48 : i32
    %scan3A_86 = arith.addi %scan3A_84, %scan3A_85 : i32
    %scan3A_87 = arith.constant 1 : i32
    scf.for %scan3A_114 = %scan3A_84 to %scan3A_86 step %scan3A_87  : i32 {
      %mul3A_115 = arith.constant 1 : i32
      %mul3A_116 = arith.muli %scan3A_114, %mul3A_115 : i32
      %add3A_117 = arith.constant 0 : i32
      %add3A_118 = arith.addi %add3A_117, %mul3A_116 : i32
      %jit3A_119 = arith.constant 4 : i32
      %div3A_120 = arith.divsi %add3A_118, %jit3A_119 : i32
      %sign3A_121 = arith.constant 0 : i32
      %sign3A_122 = arith.cmpi sgt, %add3A_118, %sign3A_121 : i32
      %sign3A_123 = arith.extui %sign3A_122 : i1 to i32
      %sign3A_124 = arith.constant 0 : i32
      %sign3A_125 = arith.cmpi slt, %add3A_118, %sign3A_124 : i32
      %sign3A_126 = arith.extui %sign3A_125 : i1 to i32
      %sign3A_127 = arith.subi %sign3A_123, %sign3A_126 : i32
      %sign3A_128 = arith.constant 0 : i32
      %sign3A_129 = arith.cmpi sgt, %jit3A_119, %sign3A_128 : i32
      %sign3A_130 = arith.extui %sign3A_129 : i1 to i32
      %sign3A_131 = arith.constant 0 : i32
      %sign3A_132 = arith.cmpi slt, %jit3A_119, %sign3A_131 : i32
      %sign3A_133 = arith.extui %sign3A_132 : i1 to i32
      %sign3A_134 = arith.subi %sign3A_130, %sign3A_133 : i32
      %ne3A_135 = arith.cmpi ne, %sign3A_127, %sign3A_134 : i32
      %rem3A_136 = arith.remsi %add3A_118, %jit3A_119 : i32
      %ne3A_137 = arith.constant 0 : i32
      %ne3A_138 = arith.cmpi ne, %rem3A_136, %ne3A_137 : i32
      %and3A_139 = arith.andi %ne3A_135, %ne3A_138 : i1
      %sub3A_140 = arith.constant 1 : i32
      %sub3A_141 = arith.subi %div3A_120, %sub3A_140 : i32
      %select_n3A_142 = arith.select %and3A_139, %sub3A_141, %div3A_120 : i32
      %mul3A_143 = arith.constant 12 : i32
      %mul3A_144 = arith.muli %mul3A_143, %add3A : i32
      %add3A_145 = arith.addi %mul3A_144, %select_n3A_142 : i32
      %rem3A_146 = arith.constant 192 : i32
      %rem3A_147 = arith.remsi %add3A_145, %rem3A_146 : i32
      %broadcast_in_dim3A = vector.broadcast %rem3A_147 : i32 to vector<16xi32>
      %gather3A = tpu.vector_load_idx %arg14[%broadcast_in_dim3A] : memref<192xf32, #tpu.memory_space<vmem>>[vector<16xi32>], vector<16xf32>,
      %mul3A_148 = arith.constant 1.550000e+01 : f32
      %mul3A_149 = vector.broadcast %mul3A_148 : f32 to vector<16xf32>
      %mul3A_150 = arith.mulf %gather3A, %mul3A_149 : vector<16xf32>
      %gather3A_151 = tpu.vector_load_idx %arg15[%broadcast_in_dim3A] : memref<192xf32, #tpu.memory_space<vmem>>[vector<16xi32>], vector<16xf32>,
      %mul3A_152 = arith.constant 1.550000e+01 : f32
      %mul3A_153 = vector.broadcast %mul3A_152 : f32 to vector<16xf32>
      %mul3A_154 = arith.mulf %gather3A_151, %mul3A_153 : vector<16xf32>
      %add3A_155 = arith.constant 1.750000e+01 : f32
      %add3A_156 = vector.broadcast %add3A_155 : f32 to vector<16xf32>
      %add3A_157 = arith.addf %mul3A_154, %add3A_156 : vector<16xf32>
      %gather3A_158 = tpu.vector_load_idx %arg16[%broadcast_in_dim3A] : memref<192xf32, #tpu.memory_space<vmem>>[vector<16xi32>], vector<16xf32>,
      %mul3A_159 = arith.constant 48 : i32
      %mul3A_160 = arith.muli %select_n3A_142, %mul3A_159 : i32
      %jit3A_161 = arith.constant 4 : i32
      %div3A_162 = arith.divsi %add3A_118, %jit3A_161 : i32
      %sign3A_163 = arith.constant 0 : i32
      %sign3A_164 = arith.cmpi sgt, %add3A_118, %sign3A_163 : i32
      %sign3A_165 = arith.extui %sign3A_164 : i1 to i32
      %sign3A_166 = arith.constant 0 : i32
      %sign3A_167 = arith.cmpi slt, %add3A_118, %sign3A_166 : i32
      %sign3A_168 = arith.extui %sign3A_167 : i1 to i32
      %sign3A_169 = arith.subi %sign3A_165, %sign3A_168 : i32
      %sign3A_170 = arith.constant 0 : i32
      %sign3A_171 = arith.cmpi sgt, %jit3A_161, %sign3A_170 : i32
      %sign3A_172 = arith.extui %sign3A_171 : i1 to i32
      %sign3A_173 = arith.constant 0 : i32
      %sign3A_174 = arith.cmpi slt, %jit3A_161, %sign3A_173 : i32
      %sign3A_175 = arith.extui %sign3A_174 : i1 to i32
      %sign3A_176 = arith.subi %sign3A_172, %sign3A_175 : i32
      %ne3A_177 = arith.cmpi ne, %sign3A_169, %sign3A_176 : i32
      %rem3A_178 = arith.remsi %add3A_118, %jit3A_161 : i32
      %ne3A_179 = arith.constant 0 : i32
      %ne3A_180 = arith.cmpi ne, %rem3A_178, %ne3A_179 : i32
      %and3A_181 = arith.andi %ne3A_177, %ne3A_180 : i1
      %sub3A_182 = arith.constant 1 : i32
      %sub3A_183 = arith.subi %div3A_162, %sub3A_182 : i32
      %select_n3A_184 = arith.select %and3A_181, %sub3A_183, %div3A_162 : i32
      %rem3A_185 = arith.constant 4 : i32
      %rem3A_186 = arith.remsi %add3A_118, %rem3A_185 : i32
      %mul3A_187 = arith.constant 56 : i32
      %mul3A_188 = arith.muli %rem3A_186, %mul3A_187 : i32
      %mul3A_189 = arith.constant 12 : i32
      %mul3A_190 = arith.muli %mul3A_189, %add3A : i32
      %add3A_191 = arith.addi %mul3A_190, %select_n3A_184 : i32
      %jit3A_192 = arith.constant 192 : i32
      %div3A_193 = arith.divsi %add3A_191, %jit3A_192 : i32
      %sign3A_194 = arith.constant 0 : i32
      %sign3A_195 = arith.cmpi sgt, %add3A_191, %sign3A_194 : i32
      %sign3A_196 = arith.extui %sign3A_195 : i1 to i32
      %sign3A_197 = arith.constant 0 : i32
      %sign3A_198 = arith.cmpi slt, %add3A_191, %sign3A_197 : i32
      %sign3A_199 = arith.extui %sign3A_198 : i1 to i32
      %sign3A_200 = arith.subi %sign3A_196, %sign3A_199 : i32
      %sign3A_201 = arith.constant 0 : i32
      %sign3A_202 = arith.cmpi sgt, %jit3A_192, %sign3A_201 : i32
      %sign3A_203 = arith.extui %sign3A_202 : i1 to i32
      %sign3A_204 = arith.constant 0 : i32
      %sign3A_205 = arith.cmpi slt, %jit3A_192, %sign3A_204 : i32
      %sign3A_206 = arith.extui %sign3A_205 : i1 to i32
      %sign3A_207 = arith.subi %sign3A_203, %sign3A_206 : i32
      %ne3A_208 = arith.cmpi ne, %sign3A_200, %sign3A_207 : i32
      %rem3A_209 = arith.remsi %add3A_191, %jit3A_192 : i32
      %ne3A_210 = arith.constant 0 : i32
      %ne3A_211 = arith.cmpi ne, %rem3A_209, %ne3A_210 : i32
      %and3A_212 = arith.andi %ne3A_208, %ne3A_211 : i1
      %sub3A_213 = arith.constant 1 : i32
      %sub3A_214 = arith.subi %div3A_193, %sub3A_213 : i32
      %select_n3A_215 = arith.select %and3A_212, %sub3A_214, %div3A_193 : i32
      %rem3A_216 = arith.constant 192 : i32
      %rem3A_217 = arith.remsi %add3A_191, %rem3A_216 : i32
      %rem3A_218 = arith.constant 2 : i32
      %rem3A_219 = arith.remsi %add3A_118, %rem3A_218 : i32
      %eq3A = arith.constant 0 : i32
      %eq3A_220 = arith.cmpi eq, %rem3A_219, %eq3A : i32
      %convert_element_type3A = arith.extui %eq3A_220 : i1 to i32
      %cond3A = arith.constant 0 : i32
      %cond3A_221 = arith.cmpi ne, %convert_element_type3A, %cond3A : i32
      scf.if %cond3A_221 {
        %dma_wait3A_229 = arith.constant 0 : i32
        %dma_wait3A_230 = arith.constant 0 : i32
        %dma_wait3A_231 = arith.constant 0 : i32
        %dma_wait3A_232 = arith.constant 0 : i32
        %dma_wait3A_233 = arith.constant 0 : i32
        %dma_wait3A_234 = tpu.memref_slice %arg2[%dma_wait3A_229, %dma_wait3A_230, %dma_wait3A_232, %dma_wait3A_233] : memref<2x192x224x224xf32, #tpu.memory_space<hbm>> -> memref<1x1x56x224xf32, #tpu.memory_space<hbm>>
        %dma_wait3A_235 = tpu.memref_squeeze %dma_wait3A_234 : memref<1x1x56x224xf32, #tpu.memory_space<hbm>> -> memref<56x224xf32, #tpu.memory_space<hbm>>
        %dma_wait3A_236 = tpu.memref_slice %arg22[%dma_wait3A_231] : memref<2x!tpu.dma_semaphore, #tpu.memory_space<semaphore_mem>> -> memref<1x!tpu.dma_semaphore, #tpu.memory_space<semaphore_mem>>
        %dma_wait3A_237 = tpu.memref_squeeze %dma_wait3A_236 : memref<1x!tpu.dma_semaphore, #tpu.memory_space<semaphore_mem>> -> memref<!tpu.dma_semaphore, #tpu.memory_space<semaphore_mem>>
        %dma_wait3A_238 = arith.constant 0 : i32
        %dma_wait3A_239 = arith.constant 0 : i32
        %dma_wait3A_240 = tpu.memref_slice %arg2[%dma_wait3A_229, %dma_wait3A_230, %dma_wait3A_238, %dma_wait3A_239] : memref<2x192x224x224xf32, #tpu.memory_space<hbm>> -> memref<1x1x56x224xf32, #tpu.memory_space<hbm>>
        %dma_wait3A_241 = tpu.memref_squeeze %dma_wait3A_240 : memref<1x1x56x224xf32, #tpu.memory_space<hbm>> -> memref<56x224xf32, #tpu.memory_space<hbm>>
        tpu.wait_dma2 semaphore(%dma_wait3A_237 : memref<!tpu.dma_semaphore, #tpu.memory_space<semaphore_mem>>) src(%dma_wait3A_241 : memref<56x224xf32, #tpu.memory_space<hbm>>) dst(%arg9 : memref<56x224xf32, #tpu.memory_space<vmem>>)
        %ge3A = arith.constant 2 : i32
        %ge3A_242 = arith.cmpi sge, %add3A_118, %ge3A : i32
        %convert_element_type3A_243 = arith.extui %ge3A_242 : i1 to i32
        %cond3A_244 = arith.constant 0 : i32
        %cond3A_245 = arith.cmpi ne, %convert_element_type3A_243, %cond3A_244 : i32
        scf.if %cond3A_245 {
          %dma_wait3A_263 = arith.constant 0 : i32
          %dma_wait3A_264 = arith.constant 0 : i32
          %dma_wait3A_265 = arith.constant 0 : i32
          %dma_wait3A_266 = arith.constant 0 : i32
          %dma_wait3A_267 = arith.constant 0 : i32
          %dma_wait3A_268 = tpu.memref_slice %arg8[%dma_wait3A_263, %dma_wait3A_264, %dma_wait3A_266, %dma_wait3A_267] : memref<2x192x224x224xf32, #tpu.memory_space<hbm>> -> memref<1x1x56x224xf32, #tpu.memory_space<hbm>>
          %dma_wait3A_269 = tpu.memref_squeeze %dma_wait3A_268 : memref<1x1x56x224xf32, #tpu.memory_space<hbm>> -> memref<56x224xf32, #tpu.memory_space<hbm>>
          %dma_wait3A_270 = tpu.memref_slice %arg23[%dma_wait3A_265] : memref<2x!tpu.dma_semaphore, #tpu.memory_space<semaphore_mem>> -> memref<1x!tpu.dma_semaphore, #tpu.memory_space<semaphore_mem>>
          %dma_wait3A_271 = tpu.memref_squeeze %dma_wait3A_270 : memref<1x!tpu.dma_semaphore, #tpu.memory_space<semaphore_mem>> -> memref<!tpu.dma_semaphore, #tpu.memory_space<semaphore_mem>>
          %dma_wait3A_272 = arith.constant 0 : i32
          %dma_wait3A_273 = arith.constant 0 : i32
          %dma_wait3A_274 = tpu.memref_slice %arg8[%dma_wait3A_263, %dma_wait3A_264, %dma_wait3A_272, %dma_wait3A_273] : memref<2x192x224x224xf32, #tpu.memory_space<hbm>> -> memref<1x1x56x224xf32, #tpu.memory_space<hbm>>
          %dma_wait3A_275 = tpu.memref_squeeze %dma_wait3A_274 : memref<1x1x56x224xf32, #tpu.memory_space<hbm>> -> memref<56x224xf32, #tpu.memory_space<hbm>>
          tpu.wait_dma2 semaphore(%dma_wait3A_271 : memref<!tpu.dma_semaphore, #tpu.memory_space<semaphore_mem>>) src(%arg11 : memref<56x224xf32, #tpu.memory_space<vmem>>) dst(%dma_wait3A_275 : memref<56x224xf32, #tpu.memory_space<hbm>>)
        } else {
        }
        %parallel_loop3A = arith.constant 0 : i32
        %parallel_loop3A_246 = arith.constant 112 : i32
        %parallel_loop3A_247 = arith.constant 1 : i32
        scf.for %parallel_loop3A_263 = %parallel_loop3A to %parallel_loop3A_246 step %parallel_loop3A_247  : i32 {
          %parallel_loop3A_264 = arith.constant 1 : i32
          %parallel_loop3A_265 = arith.shrsi %parallel_loop3A_263, %parallel_loop3A_264 : i32
          %parallel_loop3A_266 = arith.constant 1 : i32
          %parallel_loop3A_267 = arith.andi %parallel_loop3A_263, %parallel_loop3A_266 : i32
          %parallel_loop3A_268 = arith.constant 7 : i32
          %parallel_loop3A_269 = arith.muli %parallel_loop3A_267, %parallel_loop3A_268 : i32
          %parallel_loop3A_270 = arith.constant 0 : i32
          %parallel_loop3A_271 = arith.addi %parallel_loop3A_269, %parallel_loop3A_270 : i32
          %parallel_loop3A_272 = arith.constant 16 : i32
          %parallel_loop3A_273 = arith.muli %parallel_loop3A_272, %parallel_loop3A_271 : i32
          %parallel_loop3A_274 = arith.index_cast %parallel_loop3A_265 : i32 to index
          %parallel_loop3A_275 = arith.index_cast %parallel_loop3A_273 : i32 to index
          %parallel_loop3A_276 = tpu.vector_load %arg9[%parallel_loop3A_274, %parallel_loop3A_275] {strides = array<i32>} : memref<56x224xf32, #tpu.memory_space<vmem>>, vector<16xf32>,
          %parallel_loop3A_277 = arith.mulf %parallel_loop3A_276, %mul3A_150 : vector<16xf32>
          %parallel_loop3A_278 = arith.addf %parallel_loop3A_277, %add3A_157 : vector<16xf32>
          %parallel_loop3A_279 = arith.constant 0.000000e+00 : f32
          %parallel_loop3A_280 = vector.broadcast %parallel_loop3A_279 : f32 to vector<16xf32>
          %parallel_loop3A_281 = arith.maximumf %parallel_loop3A_278, %parallel_loop3A_280 : vector<16xf32>
          %parallel_loop3A_282 = arith.constant 3.500000e+01 : f32
          %parallel_loop3A_283 = vector.broadcast %parallel_loop3A_282 : f32 to vector<16xf32>
          %parallel_loop3A_284 = arith.minimumf %parallel_loop3A_281, %parallel_loop3A_283 : vector<16xf32>
          %parallel_loop3A_285 = arith.fptosi %parallel_loop3A_284 : vector<16xf32> to vector<16xi32>
          %parallel_loop3A_286 = arith.sitofp %parallel_loop3A_285 : vector<16xi32> to vector<16xf32>
          %parallel_loop3A_287 = arith.subf %parallel_loop3A_284, %parallel_loop3A_286 : vector<16xf32>
          %parallel_loop3A_288 = tpu.memref_slice %arg21[%mul3A_160] : memref<576xf32, #tpu.memory_space<vmem>> -> memref<48xf32, #tpu.memory_space<vmem>>
          %parallel_loop3A_289 = tpu.vector_load_idx %parallel_loop3A_288[%parallel_loop3A_285] : memref<48xf32, #tpu.memory_space<vmem>>[vector<16xi32>], vector<16xf32>,
          %parallel_loop3A_290 = tpu.memref_slice %arg20[%mul3A_160] : memref<576xf32, #tpu.memory_space<vmem>> -> memref<48xf32, #tpu.memory_space<vmem>>
          %parallel_loop3A_291 = tpu.vector_load_idx %parallel_loop3A_290[%parallel_loop3A_285] : memref<48xf32, #tpu.memory_space<vmem>>[vector<16xi32>], vector<16xf32>,
          %parallel_loop3A_292 = tpu.memref_slice %arg19[%mul3A_160] : memref<576xf32, #tpu.memory_space<vmem>> -> memref<48xf32, #tpu.memory_space<vmem>>
          %parallel_loop3A_293 = tpu.vector_load_idx %parallel_loop3A_292[%parallel_loop3A_285] : memref<48xf32, #tpu.memory_space<vmem>>[vector<16xi32>], vector<16xf32>,
          %parallel_loop3A_294 = tpu.memref_slice %arg18[%mul3A_160] : memref<576xf32, #tpu.memory_space<vmem>> -> memref<48xf32, #tpu.memory_space<vmem>>
          %parallel_loop3A_295 = tpu.vector_load_idx %parallel_loop3A_294[%parallel_loop3A_285] : memref<48xf32, #tpu.memory_space<vmem>>[vector<16xi32>], vector<16xf32>,
          %parallel_loop3A_296 = arith.mulf %parallel_loop3A_289, %parallel_loop3A_287 : vector<16xf32>
          %parallel_loop3A_297 = arith.addf %parallel_loop3A_296, %parallel_loop3A_291 : vector<16xf32>
          %parallel_loop3A_298 = arith.mulf %parallel_loop3A_297, %parallel_loop3A_287 : vector<16xf32>
          %parallel_loop3A_299 = arith.addf %parallel_loop3A_298, %parallel_loop3A_293 : vector<16xf32>
          %parallel_loop3A_300 = arith.mulf %parallel_loop3A_299, %parallel_loop3A_287 : vector<16xf32>
          %parallel_loop3A_301 = arith.addf %parallel_loop3A_300, %parallel_loop3A_295 : vector<16xf32>
          %parallel_loop3A_302 = arith.mulf %parallel_loop3A_276, %gather3A_158 : vector<16xf32>
          %parallel_loop3A_303 = arith.addf %parallel_loop3A_302, %parallel_loop3A_301 : vector<16xf32>
          %parallel_loop3A_304 = arith.constant 16 : i32
          %parallel_loop3A_305 = arith.muli %parallel_loop3A_304, %parallel_loop3A_271 : i32
          %parallel_loop3A_306 = arith.index_cast %parallel_loop3A_265 : i32 to index
          %parallel_loop3A_307 = arith.index_cast %parallel_loop3A_305 : i32 to index
          %parallel_loop3A_308 = tpu.vector_load %arg11[%parallel_loop3A_306, %parallel_loop3A_307] {strides = array<i32>} : memref<56x224xf32, #tpu.memory_space<vmem>>, vector<16xf32>,
          tpu.vector_store %arg11[%parallel_loop3A_306, %parallel_loop3A_307], %parallel_loop3A_303 {strides = array<i32>} : memref<56x224xf32, #tpu.memory_space<vmem>>, vector<16xf32>,
          %parallel_loop3A_309 = arith.constant 1 : i32
          %parallel_loop3A_310 = arith.addi %parallel_loop3A_269, %parallel_loop3A_309 : i32
          %parallel_loop3A_311 = arith.constant 16 : i32
          %parallel_loop3A_312 = arith.muli %parallel_loop3A_311, %parallel_loop3A_310 : i32
          %parallel_loop3A_313 = arith.index_cast %parallel_loop3A_265 : i32 to index
          %parallel_loop3A_314 = arith.index_cast %parallel_loop3A_312 : i32 to index
          %parallel_loop3A_315 = tpu.vector_load %arg9[%parallel_loop3A_313, %parallel_loop3A_314] {strides = array<i32>} : memref<56x224xf32, #tpu.memory_space<vmem>>, vector<16xf32>,
          %parallel_loop3A_316 = arith.mulf %parallel_loop3A_315, %mul3A_150 : vector<16xf32>
          %parallel_loop3A_317 = arith.addf %parallel_loop3A_316, %add3A_157 : vector<16xf32>
          %parallel_loop3A_318 = arith.constant 0.000000e+00 : f32
          %parallel_loop3A_319 = vector.broadcast %parallel_loop3A_318 : f32 to vector<16xf32>
          %parallel_loop3A_320 = arith.maximumf %parallel_loop3A_317, %parallel_loop3A_319 : vector<16xf32>
          %parallel_loop3A_321 = arith.constant 3.500000e+01 : f32
          %parallel_loop3A_322 = vector.broadcast %parallel_loop3A_321 : f32 to vector<16xf32>
          %parallel_loop3A_323 = arith.minimumf %parallel_loop3A_320, %parallel_loop3A_322 : vector<16xf32>
          %parallel_loop3A_324 = arith.fptosi %parallel_loop3A_323 : vector<16xf32> to vector<16xi32>
          %parallel_loop3A_325 = arith.sitofp %parallel_loop3A_324 : vector<16xi32> to vector<16xf32>
          %parallel_loop3A_326 = arith.subf %parallel_loop3A_323, %parallel_loop3A_325 : vector<16xf32>
          %parallel_loop3A_327 = tpu.memref_slice %arg21[%mul3A_160] : memref<576xf32, #tpu.memory_space<vmem>> -> memref<48xf32, #tpu.memory_space<vmem>>
          %parallel_loop3A_328 = tpu.vector_load_idx %parallel_loop3A_327[%parallel_loop3A_324] : memref<48xf32, #tpu.memory_space<vmem>>[vector<16xi32>], vector<16xf32>,
          %parallel_loop3A_329 = tpu.memref_slice %arg20[%mul3A_160] : memref<576xf32, #tpu.memory_space<vmem>> -> memref<48xf32, #tpu.memory_space<vmem>>
          %parallel_loop3A_330 = tpu.vector_load_idx %parallel_loop3A_329[%parallel_loop3A_324] : memref<48xf32, #tpu.memory_space<vmem>>[vector<16xi32>], vector<16xf32>,
          %parallel_loop3A_331 = tpu.memref_slice %arg19[%mul3A_160] : memref<576xf32, #tpu.memory_space<vmem>> -> memref<48xf32, #tpu.memory_space<vmem>>
          %parallel_loop3A_332 = tpu.vector_load_idx %parallel_loop3A_331[%parallel_loop3A_324] : memref<48xf32, #tpu.memory_space<vmem>>[vector<16xi32>], vector<16xf32>,
          %parallel_loop3A_333 = tpu.memref_slice %arg18[%mul3A_160] : memref<576xf32, #tpu.memory_space<vmem>> -> memref<48xf32, #tpu.memory_space<vmem>>
          %parallel_loop3A_334 = tpu.vector_load_idx %parallel_loop3A_333[%parallel_loop3A_324] : memref<48xf32, #tpu.memory_space<vmem>>[vector<16xi32>], vector<16xf32>,
          %parallel_loop3A_335 = arith.mulf %parallel_loop3A_328, %parallel_loop3A_326 : vector<16xf32>
          %parallel_loop3A_336 = arith.addf %parallel_loop3A_335, %parallel_loop3A_330 : vector<16xf32>
          %parallel_loop3A_337 = arith.mulf %parallel_loop3A_336, %parallel_loop3A_326 : vector<16xf32>
          %parallel_loop3A_338 = arith.addf %parallel_loop3A_337, %parallel_loop3A_332 : vector<16xf32>
          %parallel_loop3A_339 = arith.mulf %parallel_loop3A_338, %parallel_loop3A_326 : vector<16xf32>
          %parallel_loop3A_340 = arith.addf %parallel_loop3A_339, %parallel_loop3A_334 : vector<16xf32>
          %parallel_loop3A_341 = arith.mulf %parallel_loop3A_315, %gather3A_158 : vector<16xf32>
          %parallel_loop3A_342 = arith.addf %parallel_loop3A_341, %parallel_loop3A_340 : vector<16xf32>
          %parallel_loop3A_343 = arith.constant 16 : i32
          %parallel_loop3A_344 = arith.muli %parallel_loop3A_343, %parallel_loop3A_310 : i32
          %parallel_loop3A_345 = arith.index_cast %parallel_loop3A_265 : i32 to index
          %parallel_loop3A_346 = arith.index_cast %parallel_loop3A_344 : i32 to index
          %parallel_loop3A_347 = tpu.vector_load %arg11[%parallel_loop3A_345, %parallel_loop3A_346] {strides = array<i32>} : memref<56x224xf32, #tpu.memory_space<vmem>>, vector<16xf32>,
          tpu.vector_store %arg11[%parallel_loop3A_345, %parallel_loop3A_346], %parallel_loop3A_342 {strides = array<i32>} : memref<56x224xf32, #tpu.memory_space<vmem>>, vector<16xf32>,
          %parallel_loop3A_348 = arith.constant 2 : i32
          %parallel_loop3A_349 = arith.addi %parallel_loop3A_269, %parallel_loop3A_348 : i32
          %parallel_loop3A_350 = arith.constant 16 : i32
          %parallel_loop3A_351 = arith.muli %parallel_loop3A_350, %parallel_loop3A_349 : i32
          %parallel_loop3A_352 = arith.index_cast %parallel_loop3A_265 : i32 to index
          %parallel_loop3A_353 = arith.index_cast %parallel_loop3A_351 : i32 to index
          %parallel_loop3A_354 = tpu.vector_load %arg9[%parallel_loop3A_352, %parallel_loop3A_353] {strides = array<i32>} : memref<56x224xf32, #tpu.memory_space<vmem>>, vector<16xf32>,
          %parallel_loop3A_355 = arith.mulf %parallel_loop3A_354, %mul3A_150 : vector<16xf32>
          %parallel_loop3A_356 = arith.addf %parallel_loop3A_355, %add3A_157 : vector<16xf32>
          %parallel_loop3A_357 = arith.constant 0.000000e+00 : f32
          %parallel_loop3A_358 = vector.broadcast %parallel_loop3A_357 : f32 to vector<16xf32>
          %parallel_loop3A_359 = arith.maximumf %parallel_loop3A_356, %parallel_loop3A_358 : vector<16xf32>
          %parallel_loop3A_360 = arith.constant 3.500000e+01 : f32
          %parallel_loop3A_361 = vector.broadcast %parallel_loop3A_360 : f32 to vector<16xf32>
          %parallel_loop3A_362 = arith.minimumf %parallel_loop3A_359, %parallel_loop3A_361 : vector<16xf32>
          %parallel_loop3A_363 = arith.fptosi %parallel_loop3A_362 : vector<16xf32> to vector<16xi32>
          %parallel_loop3A_364 = arith.sitofp %parallel_loop3A_363 : vector<16xi32> to vector<16xf32>
          %parallel_loop3A_365 = arith.subf %parallel_loop3A_362, %parallel_loop3A_364 : vector<16xf32>
          %parallel_loop3A_366 = tpu.memref_slice %arg21[%mul3A_160] : memref<576xf32, #tpu.memory_space<vmem>> -> memref<48xf32, #tpu.memory_space<vmem>>
          %parallel_loop3A_367 = tpu.vector_load_idx %parallel_loop3A_366[%parallel_loop3A_363] : memref<48xf32, #tpu.memory_space<vmem>>[vector<16xi32>], vector<16xf32>,
          %parallel_loop3A_368 = tpu.memref_slice %arg20[%mul3A_160] : memref<576xf32, #tpu.memory_space<vmem>> -> memref<48xf32, #tpu.memory_space<vmem>>
          %parallel_loop3A_369 = tpu.vector_load_idx %parallel_loop3A_368[%parallel_loop3A_363] : memref<48xf32, #tpu.memory_space<vmem>>[vector<16xi32>], vector<16xf32>,
          %parallel_loop3A_370 = tpu.memref_slice %arg19[%mul3A_160] : memref<576xf32, #tpu.memory_space<vmem>> -> memref<48xf32, #tpu.memory_space<vmem>>
          %parallel_loop3A_371 = tpu.vector_load_idx %parallel_loop3A_370[%parallel_loop3A_363] : memref<48xf32, #tpu.memory_space<vmem>>[vector<16xi32>], vector<16xf32>,
          %parallel_loop3A_372 = tpu.memref_slice %arg18[%mul3A_160] : memref<576xf32, #tpu.memory_space<vmem>> -> memref<48xf32, #tpu.memory_space<vmem>>
          %parallel_loop3A_373 = tpu.vector_load_idx %parallel_loop3A_372[%parallel_loop3A_363] : memref<48xf32, #tpu.memory_space<vmem>>[vector<16xi32>], vector<16xf32>,
          %parallel_loop3A_374 = arith.mulf %parallel_loop3A_367, %parallel_loop3A_365 : vector<16xf32>
          %parallel_loop3A_375 = arith.addf %parallel_loop3A_374, %parallel_loop3A_369 : vector<16xf32>
          %parallel_loop3A_376 = arith.mulf %parallel_loop3A_375, %parallel_loop3A_365 : vector<16xf32>
          %parallel_loop3A_377 = arith.addf %parallel_loop3A_376, %parallel_loop3A_371 : vector<16xf32>
          %parallel_loop3A_378 = arith.mulf %parallel_loop3A_377, %parallel_loop3A_365 : vector<16xf32>
          %parallel_loop3A_379 = arith.addf %parallel_loop3A_378, %parallel_loop3A_373 : vector<16xf32>
          %parallel_loop3A_380 = arith.mulf %parallel_loop3A_354, %gather3A_158 : vector<16xf32>
          %parallel_loop3A_381 = arith.addf %parallel_loop3A_380, %parallel_loop3A_379 : vector<16xf32>
          %parallel_loop3A_382 = arith.constant 16 : i32
          %parallel_loop3A_383 = arith.muli %parallel_loop3A_382, %parallel_loop3A_349 : i32
          %parallel_loop3A_384 = arith.index_cast %parallel_loop3A_265 : i32 to index
          %parallel_loop3A_385 = arith.index_cast %parallel_loop3A_383 : i32 to index
          %parallel_loop3A_386 = tpu.vector_load %arg11[%parallel_loop3A_384, %parallel_loop3A_385] {strides = array<i32>} : memref<56x224xf32, #tpu.memory_space<vmem>>, vector<16xf32>,
          tpu.vector_store %arg11[%parallel_loop3A_384, %parallel_loop3A_385], %parallel_loop3A_381 {strides = array<i32>} : memref<56x224xf32, #tpu.memory_space<vmem>>, vector<16xf32>,
          %parallel_loop3A_387 = arith.constant 3 : i32
          %parallel_loop3A_388 = arith.addi %parallel_loop3A_269, %parallel_loop3A_387 : i32
          %parallel_loop3A_389 = arith.constant 16 : i32
          %parallel_loop3A_390 = arith.muli %parallel_loop3A_389, %parallel_loop3A_388 : i32
          %parallel_loop3A_391 = arith.index_cast %parallel_loop3A_265 : i32 to index
          %parallel_loop3A_392 = arith.index_cast %parallel_loop3A_390 : i32 to index
          %parallel_loop3A_393 = tpu.vector_load %arg9[%parallel_loop3A_391, %parallel_loop3A_392] {strides = array<i32>} : memref<56x224xf32, #tpu.memory_space<vmem>>, vector<16xf32>,
          %parallel_loop3A_394 = arith.mulf %parallel_loop3A_393, %mul3A_150 : vector<16xf32>
          %parallel_loop3A_395 = arith.addf %parallel_loop3A_394, %add3A_157 : vector<16xf32>
          %parallel_loop3A_396 = arith.constant 0.000000e+00 : f32
          %parallel_loop3A_397 = vector.broadcast %parallel_loop3A_396 : f32 to vector<16xf32>
          %parallel_loop3A_398 = arith.maximumf %parallel_loop3A_395, %parallel_loop3A_397 : vector<16xf32>
          %parallel_loop3A_399 = arith.constant 3.500000e+01 : f32
          %parallel_loop3A_400 = vector.broadcast %parallel_loop3A_399 : f32 to vector<16xf32>
          %parallel_loop3A_401 = arith.minimumf %parallel_loop3A_398, %parallel_loop3A_400 : vector<16xf32>
          %parallel_loop3A_402 = arith.fptosi %parallel_loop3A_401 : vector<16xf32> to vector<16xi32>
          %parallel_loop3A_403 = arith.sitofp %parallel_loop3A_402 : vector<16xi32> to vector<16xf32>
          %parallel_loop3A_404 = arith.subf %parallel_loop3A_401, %parallel_loop3A_403 : vector<16xf32>
          %parallel_loop3A_405 = tpu.memref_slice %arg21[%mul3A_160] : memref<576xf32, #tpu.memory_space<vmem>> -> memref<48xf32, #tpu.memory_space<vmem>>
          %parallel_loop3A_406 = tpu.vector_load_idx %parallel_loop3A_405[%parallel_loop3A_402] : memref<48xf32, #tpu.memory_space<vmem>>[vector<16xi32>], vector<16xf32>,
          %parallel_loop3A_407 = tpu.memref_slice %arg20[%mul3A_160] : memref<576xf32, #tpu.memory_space<vmem>> -> memref<48xf32, #tpu.memory_space<vmem>>
          %parallel_loop3A_408 = tpu.vector_load_idx %parallel_loop3A_407[%parallel_loop3A_402] : memref<48xf32, #tpu.memory_space<vmem>>[vector<16xi32>], vector<16xf32>,
          %parallel_loop3A_409 = tpu.memref_slice %arg19[%mul3A_160] : memref<576xf32, #tpu.memory_space<vmem>> -> memref<48xf32, #tpu.memory_space<vmem>>
          %parallel_loop3A_410 = tpu.vector_load_idx %parallel_loop3A_409[%parallel_loop3A_402] : memref<48xf32, #tpu.memory_space<vmem>>[vector<16xi32>], vector<16xf32>,
          %parallel_loop3A_411 = tpu.memref_slice %arg18[%mul3A_160] : memref<576xf32, #tpu.memory_space<vmem>> -> memref<48xf32, #tpu.memory_space<vmem>>
          %parallel_loop3A_412 = tpu.vector_load_idx %parallel_loop3A_411[%parallel_loop3A_402] : memref<48xf32, #tpu.memory_space<vmem>>[vector<16xi32>], vector<16xf32>,
          %parallel_loop3A_413 = arith.mulf %parallel_loop3A_406, %parallel_loop3A_404 : vector<16xf32>
          %parallel_loop3A_414 = arith.addf %parallel_loop3A_413, %parallel_loop3A_408 : vector<16xf32>
          %parallel_loop3A_415 = arith.mulf %parallel_loop3A_414, %parallel_loop3A_404 : vector<16xf32>
          %parallel_loop3A_416 = arith.addf %parallel_loop3A_415, %parallel_loop3A_410 : vector<16xf32>
          %parallel_loop3A_417 = arith.mulf %parallel_loop3A_416, %parallel_loop3A_404 : vector<16xf32>
          %parallel_loop3A_418 = arith.addf %parallel_loop3A_417, %parallel_loop3A_412 : vector<16xf32>
          %parallel_loop3A_419 = arith.mulf %parallel_loop3A_393, %gather3A_158 : vector<16xf32>
          %parallel_loop3A_420 = arith.addf %parallel_loop3A_419, %parallel_loop3A_418 : vector<16xf32>
          %parallel_loop3A_421 = arith.constant 16 : i32
          %parallel_loop3A_422 = arith.muli %parallel_loop3A_421, %parallel_loop3A_388 : i32
          %parallel_loop3A_423 = arith.index_cast %parallel_loop3A_265 : i32 to index
          %parallel_loop3A_424 = arith.index_cast %parallel_loop3A_422 : i32 to index
          %parallel_loop3A_425 = tpu.vector_load %arg11[%parallel_loop3A_423, %parallel_loop3A_424] {strides = array<i32>} : memref<56x224xf32, #tpu.memory_space<vmem>>, vector<16xf32>,
          tpu.vector_store %arg11[%parallel_loop3A_423, %parallel_loop3A_424], %parallel_loop3A_420 {strides = array<i32>} : memref<56x224xf32, #tpu.memory_space<vmem>>, vector<16xf32>,
          %parallel_loop3A_426 = arith.constant 4 : i32
          %parallel_loop3A_427 = arith.addi %parallel_loop3A_269, %parallel_loop3A_426 : i32
          %parallel_loop3A_428 = arith.constant 16 : i32
          %parallel_loop3A_429 = arith.muli %parallel_loop3A_428, %parallel_loop3A_427 : i32
          %parallel_loop3A_430 = arith.index_cast %parallel_loop3A_265 : i32 to index
          %parallel_loop3A_431 = arith.index_cast %parallel_loop3A_429 : i32 to index
          %parallel_loop3A_432 = tpu.vector_load %arg9[%parallel_loop3A_430, %parallel_loop3A_431] {strides = array<i32>} : memref<56x224xf32, #tpu.memory_space<vmem>>, vector<16xf32>,
          %parallel_loop3A_433 = arith.mulf %parallel_loop3A_432, %mul3A_150 : vector<16xf32>
          %parallel_loop3A_434 = arith.addf %parallel_loop3A_433, %add3A_157 : vector<16xf32>
          %parallel_loop3A_435 = arith.constant 0.000000e+00 : f32
          %parallel_loop3A_436 = vector.broadcast %parallel_loop3A_435 : f32 to vector<16xf32>
          %parallel_loop3A_437 = arith.maximumf %parallel_loop3A_434, %parallel_loop3A_436 : vector<16xf32>
          %parallel_loop3A_438 = arith.constant 3.500000e+01 : f32
          %parallel_loop3A_439 = vector.broadcast %parallel_loop3A_438 : f32 to vector<16xf32>
          %parallel_loop3A_440 = arith.minimumf %parallel_loop3A_437, %parallel_loop3A_439 : vector<16xf32>
          %parallel_loop3A_441 = arith.fptosi %parallel_loop3A_440 : vector<16xf32> to vector<16xi32>
          %parallel_loop3A_442 = arith.sitofp %parallel_loop3A_441 : vector<16xi32> to vector<16xf32>
          %parallel_loop3A_443 = arith.subf %parallel_loop3A_440, %parallel_loop3A_442 : vector<16xf32>
          %parallel_loop3A_444 = tpu.memref_slice %arg21[%mul3A_160] : memref<576xf32, #tpu.memory_space<vmem>> -> memref<48xf32, #tpu.memory_space<vmem>>
          %parallel_loop3A_445 = tpu.vector_load_idx %parallel_loop3A_444[%parallel_loop3A_441] : memref<48xf32, #tpu.memory_space<vmem>>[vector<16xi32>], vector<16xf32>,
          %parallel_loop3A_446 = tpu.memref_slice %arg20[%mul3A_160] : memref<576xf32, #tpu.memory_space<vmem>> -> memref<48xf32, #tpu.memory_space<vmem>>
          %parallel_loop3A_447 = tpu.vector_load_idx %parallel_loop3A_446[%parallel_loop3A_441] : memref<48xf32, #tpu.memory_space<vmem>>[vector<16xi32>], vector<16xf32>,
          %parallel_loop3A_448 = tpu.memref_slice %arg19[%mul3A_160] : memref<576xf32, #tpu.memory_space<vmem>> -> memref<48xf32, #tpu.memory_space<vmem>>
          %parallel_loop3A_449 = tpu.vector_load_idx %parallel_loop3A_448[%parallel_loop3A_441] : memref<48xf32, #tpu.memory_space<vmem>>[vector<16xi32>], vector<16xf32>,
          %parallel_loop3A_450 = tpu.memref_slice %arg18[%mul3A_160] : memref<576xf32, #tpu.memory_space<vmem>> -> memref<48xf32, #tpu.memory_space<vmem>>
          %parallel_loop3A_451 = tpu.vector_load_idx %parallel_loop3A_450[%parallel_loop3A_441] : memref<48xf32, #tpu.memory_space<vmem>>[vector<16xi32>], vector<16xf32>,
          %parallel_loop3A_452 = arith.mulf %parallel_loop3A_445, %parallel_loop3A_443 : vector<16xf32>
          %parallel_loop3A_453 = arith.addf %parallel_loop3A_452, %parallel_loop3A_447 : vector<16xf32>
          %parallel_loop3A_454 = arith.mulf %parallel_loop3A_453, %parallel_loop3A_443 : vector<16xf32>
          %parallel_loop3A_455 = arith.addf %parallel_loop3A_454, %parallel_loop3A_449 : vector<16xf32>
          %parallel_loop3A_456 = arith.mulf %parallel_loop3A_455, %parallel_loop3A_443 : vector<16xf32>
          %parallel_loop3A_457 = arith.addf %parallel_loop3A_456, %parallel_loop3A_451 : vector<16xf32>
          %parallel_loop3A_458 = arith.mulf %parallel_loop3A_432, %gather3A_158 : vector<16xf32>
          %parallel_loop3A_459 = arith.addf %parallel_loop3A_458, %parallel_loop3A_457 : vector<16xf32>
          %parallel_loop3A_460 = arith.constant 16 : i32
          %parallel_loop3A_461 = arith.muli %parallel_loop3A_460, %parallel_loop3A_427 : i32
          %parallel_loop3A_462 = arith.index_cast %parallel_loop3A_265 : i32 to index
          %parallel_loop3A_463 = arith.index_cast %parallel_loop3A_461 : i32 to index
          %parallel_loop3A_464 = tpu.vector_load %arg11[%parallel_loop3A_462, %parallel_loop3A_463] {strides = array<i32>} : memref<56x224xf32, #tpu.memory_space<vmem>>, vector<16xf32>,
          tpu.vector_store %arg11[%parallel_loop3A_462, %parallel_loop3A_463], %parallel_loop3A_459 {strides = array<i32>} : memref<56x224xf32, #tpu.memory_space<vmem>>, vector<16xf32>,
          %parallel_loop3A_465 = arith.constant 5 : i32
          %parallel_loop3A_466 = arith.addi %parallel_loop3A_269, %parallel_loop3A_465 : i32
          %parallel_loop3A_467 = arith.constant 16 : i32
          %parallel_loop3A_468 = arith.muli %parallel_loop3A_467, %parallel_loop3A_466 : i32
          %parallel_loop3A_469 = arith.index_cast %parallel_loop3A_265 : i32 to index
          %parallel_loop3A_470 = arith.index_cast %parallel_loop3A_468 : i32 to index
          %parallel_loop3A_471 = tpu.vector_load %arg9[%parallel_loop3A_469, %parallel_loop3A_470] {strides = array<i32>} : memref<56x224xf32, #tpu.memory_space<vmem>>, vector<16xf32>,
          %parallel_loop3A_472 = arith.mulf %parallel_loop3A_471, %mul3A_150 : vector<16xf32>
          %parallel_loop3A_473 = arith.addf %parallel_loop3A_472, %add3A_157 : vector<16xf32>
          %parallel_loop3A_474 = arith.constant 0.000000e+00 : f32
          %parallel_loop3A_475 = vector.broadcast %parallel_loop3A_474 : f32 to vector<16xf32>
          %parallel_loop3A_476 = arith.maximumf %parallel_loop3A_473, %parallel_loop3A_475 : vector<16xf32>
          %parallel_loop3A_477 = arith.constant 3.500000e+01 : f32
          %parallel_loop3A_478 = vector.broadcast %parallel_loop3A_477 : f32 to vector<16xf32>
          %parallel_loop3A_479 = arith.minimumf %parallel_loop3A_476, %parallel_loop3A_478 : vector<16xf32>
          %parallel_loop3A_480 = arith.fptosi %parallel_loop3A_479 : vector<16xf32> to vector<16xi32>
          %parallel_loop3A_481 = arith.sitofp %parallel_loop3A_480 : vector<16xi32> to vector<16xf32>
          %parallel_loop3A_482 = arith.subf %parallel_loop3A_479, %parallel_loop3A_481 : vector<16xf32>
          %parallel_loop3A_483 = tpu.memref_slice %arg21[%mul3A_160] : memref<576xf32, #tpu.memory_space<vmem>> -> memref<48xf32, #tpu.memory_space<vmem>>
          %parallel_loop3A_484 = tpu.vector_load_idx %parallel_loop3A_483[%parallel_loop3A_480] : memref<48xf32, #tpu.memory_space<vmem>>[vector<16xi32>], vector<16xf32>,
          %parallel_loop3A_485 = tpu.memref_slice %arg20[%mul3A_160] : memref<576xf32, #tpu.memory_space<vmem>> -> memref<48xf32, #tpu.memory_space<vmem>>
          %parallel_loop3A_486 = tpu.vector_load_idx %parallel_loop3A_485[%parallel_loop3A_480] : memref<48xf32, #tpu.memory_space<vmem>>[vector<16xi32>], vector<16xf32>,
          %parallel_loop3A_487 = tpu.memref_slice %arg19[%mul3A_160] : memref<576xf32, #tpu.memory_space<vmem>> -> memref<48xf32, #tpu.memory_space<vmem>>
          %parallel_loop3A_488 = tpu.vector_load_idx %parallel_loop3A_487[%parallel_loop3A_480] : memref<48xf32, #tpu.memory_space<vmem>>[vector<16xi32>], vector<16xf32>,
          %parallel_loop3A_489 = tpu.memref_slice %arg18[%mul3A_160] : memref<576xf32, #tpu.memory_space<vmem>> -> memref<48xf32, #tpu.memory_space<vmem>>
          %parallel_loop3A_490 = tpu.vector_load_idx %parallel_loop3A_489[%parallel_loop3A_480] : memref<48xf32, #tpu.memory_space<vmem>>[vector<16xi32>], vector<16xf32>,
          %parallel_loop3A_491 = arith.mulf %parallel_loop3A_484, %parallel_loop3A_482 : vector<16xf32>
          %parallel_loop3A_492 = arith.addf %parallel_loop3A_491, %parallel_loop3A_486 : vector<16xf32>
          %parallel_loop3A_493 = arith.mulf %parallel_loop3A_492, %parallel_loop3A_482 : vector<16xf32>
          %parallel_loop3A_494 = arith.addf %parallel_loop3A_493, %parallel_loop3A_488 : vector<16xf32>
          %parallel_loop3A_495 = arith.mulf %parallel_loop3A_494, %parallel_loop3A_482 : vector<16xf32>
          %parallel_loop3A_496 = arith.addf %parallel_loop3A_495, %parallel_loop3A_490 : vector<16xf32>
          %parallel_loop3A_497 = arith.mulf %parallel_loop3A_471, %gather3A_158 : vector<16xf32>
          %parallel_loop3A_498 = arith.addf %parallel_loop3A_497, %parallel_loop3A_496 : vector<16xf32>
          %parallel_loop3A_499 = arith.constant 16 : i32
          %parallel_loop3A_500 = arith.muli %parallel_loop3A_499, %parallel_loop3A_466 : i32
          %parallel_loop3A_501 = arith.index_cast %parallel_loop3A_265 : i32 to index
          %parallel_loop3A_502 = arith.index_cast %parallel_loop3A_500 : i32 to index
          %parallel_loop3A_503 = tpu.vector_load %arg11[%parallel_loop3A_501, %parallel_loop3A_502] {strides = array<i32>} : memref<56x224xf32, #tpu.memory_space<vmem>>, vector<16xf32>,
          tpu.vector_store %arg11[%parallel_loop3A_501, %parallel_loop3A_502], %parallel_loop3A_498 {strides = array<i32>} : memref<56x224xf32, #tpu.memory_space<vmem>>, vector<16xf32>,
          %parallel_loop3A_504 = arith.constant 6 : i32
          %parallel_loop3A_505 = arith.addi %parallel_loop3A_269, %parallel_loop3A_504 : i32
          %parallel_loop3A_506 = arith.constant 16 : i32
          %parallel_loop3A_507 = arith.muli %parallel_loop3A_506, %parallel_loop3A_505 : i32
          %parallel_loop3A_508 = arith.index_cast %parallel_loop3A_265 : i32 to index
          %parallel_loop3A_509 = arith.index_cast %parallel_loop3A_507 : i32 to index
          %parallel_loop3A_510 = tpu.vector_load %arg9[%parallel_loop3A_508, %parallel_loop3A_509] {strides = array<i32>} : memref<56x224xf32, #tpu.memory_space<vmem>>, vector<16xf32>,
          %parallel_loop3A_511 = arith.mulf %parallel_loop3A_510, %mul3A_150 : vector<16xf32>
          %parallel_loop3A_512 = arith.addf %parallel_loop3A_511, %add3A_157 : vector<16xf32>
          %parallel_loop3A_513 = arith.constant 0.000000e+00 : f32
          %parallel_loop3A_514 = vector.broadcast %parallel_loop3A_513 : f32 to vector<16xf32>
          %parallel_loop3A_515 = arith.maximumf %parallel_loop3A_512, %parallel_loop3A_514 : vector<16xf32>
          %parallel_loop3A_516 = arith.constant 3.500000e+01 : f32
          %parallel_loop3A_517 = vector.broadcast %parallel_loop3A_516 : f32 to vector<16xf32>
          %parallel_loop3A_518 = arith.minimumf %parallel_loop3A_515, %parallel_loop3A_517 : vector<16xf32>
          %parallel_loop3A_519 = arith.fptosi %parallel_loop3A_518 : vector<16xf32> to vector<16xi32>
          %parallel_loop3A_520 = arith.sitofp %parallel_loop3A_519 : vector<16xi32> to vector<16xf32>
          %parallel_loop3A_521 = arith.subf %parallel_loop3A_518, %parallel_loop3A_520 : vector<16xf32>
          %parallel_loop3A_522 = tpu.memref_slice %arg21[%mul3A_160] : memref<576xf32, #tpu.memory_space<vmem>> -> memref<48xf32, #tpu.memory_space<vmem>>
          %parallel_loop3A_523 = tpu.vector_load_idx %parallel_loop3A_522[%parallel_loop3A_519] : memref<48xf32, #tpu.memory_space<vmem>>[vector<16xi32>], vector<16xf32>,
          %parallel_loop3A_524 = tpu.memref_slice %arg20[%mul3A_160] : memref<576xf32, #tpu.memory_space<vmem>> -> memref<48xf32, #tpu.memory_space<vmem>>
          %parallel_loop3A_525 = tpu.vector_load_idx %parallel_loop3A_524[%parallel_loop3A_519] : memref<48xf32, #tpu.memory_space<vmem>>[vector<16xi32>], vector<16xf32>,
          %parallel_loop3A_526 = tpu.memref_slice %arg19[%mul3A_160] : memref<576xf32, #tpu.memory_space<vmem>> -> memref<48xf32, #tpu.memory_space<vmem>>
          %parallel_loop3A_527 = tpu.vector_load_idx %parallel_loop3A_526[%parallel_loop3A_519] : memref<48xf32, #tpu.memory_space<vmem>>[vector<16xi32>], vector<16xf32>,
          %parallel_loop3A_528 = tpu.memref_slice %arg18[%mul3A_160] : memref<576xf32, #tpu.memory_space<vmem>> -> memref<48xf32, #tpu.memory_space<vmem>>
          %parallel_loop3A_529 = tpu.vector_load_idx %parallel_loop3A_528[%parallel_loop3A_519] : memref<48xf32, #tpu.memory_space<vmem>>[vector<16xi32>], vector<16xf32>,
          %parallel_loop3A_530 = arith.mulf %parallel_loop3A_523, %parallel_loop3A_521 : vector<16xf32>
          %parallel_loop3A_531 = arith.addf %parallel_loop3A_530, %parallel_loop3A_525 : vector<16xf32>
          %parallel_loop3A_532 = arith.mulf %parallel_loop3A_531, %parallel_loop3A_521 : vector<16xf32>
          %parallel_loop3A_533 = arith.addf %parallel_loop3A_532, %parallel_loop3A_527 : vector<16xf32>
          %parallel_loop3A_534 = arith.mulf %parallel_loop3A_533, %parallel_loop3A_521 : vector<16xf32>
          %parallel_loop3A_535 = arith.addf %parallel_loop3A_534, %parallel_loop3A_529 : vector<16xf32>
          %parallel_loop3A_536 = arith.mulf %parallel_loop3A_510, %gather3A_158 : vector<16xf32>
          %parallel_loop3A_537 = arith.addf %parallel_loop3A_536, %parallel_loop3A_535 : vector<16xf32>
          %parallel_loop3A_538 = arith.constant 16 : i32
          %parallel_loop3A_539 = arith.muli %parallel_loop3A_538, %parallel_loop3A_505 : i32
          %parallel_loop3A_540 = arith.index_cast %parallel_loop3A_265 : i32 to index
          %parallel_loop3A_541 = arith.index_cast %parallel_loop3A_539 : i32 to index
          %parallel_loop3A_542 = tpu.vector_load %arg11[%parallel_loop3A_540, %parallel_loop3A_541] {strides = array<i32>} : memref<56x224xf32, #tpu.memory_space<vmem>>, vector<16xf32>,
          tpu.vector_store %arg11[%parallel_loop3A_540, %parallel_loop3A_541], %parallel_loop3A_537 {strides = array<i32>} : memref<56x224xf32, #tpu.memory_space<vmem>>, vector<16xf32>,
        } {sc.loop_unroll_factor = 2 : i64, sc.parallel_access}
        %dma_start3A_248 = arith.constant 0 : i32
        %dma_start3A_249 = arith.constant 0 : i32
        %dma_start3A_250 = tpu.memref_slice %arg8[%select_n3A_215, %rem3A_217, %mul3A_188, %dma_start3A_249] : memref<2x192x224x224xf32, #tpu.memory_space<hbm>> -> memref<1x1x56x224xf32, #tpu.memory_space<hbm>>
        %dma_start3A_251 = tpu.memref_squeeze %dma_start3A_250 : memref<1x1x56x224xf32, #tpu.memory_space<hbm>> -> memref<56x224xf32, #tpu.memory_space<hbm>>
        %dma_start3A_252 = tpu.memref_slice %arg23[%dma_start3A_248] : memref<2x!tpu.dma_semaphore, #tpu.memory_space<semaphore_mem>> -> memref<1x!tpu.dma_semaphore, #tpu.memory_space<semaphore_mem>>
        %dma_start3A_253 = tpu.memref_squeeze %dma_start3A_252 : memref<1x!tpu.dma_semaphore, #tpu.memory_space<semaphore_mem>> -> memref<!tpu.dma_semaphore, #tpu.memory_space<semaphore_mem>>
        %dma_start3A_254 = arith.constant 0 : i32
        %dma_start3A_255 = tpu.memref_slice %arg8[%select_n3A_215, %rem3A_217, %mul3A_188, %dma_start3A_254] : memref<2x192x224x224xf32, #tpu.memory_space<hbm>> -> memref<1x1x56x224xf32, #tpu.memory_space<hbm>>
        %dma_start3A_256 = tpu.memref_squeeze %dma_start3A_255 : memref<1x1x56x224xf32, #tpu.memory_space<hbm>> -> memref<56x224xf32, #tpu.memory_space<hbm>>
        tpu.enqueue_dma source(%arg11 : memref<56x224xf32, #tpu.memory_space<vmem>>) target(%dma_start3A_256 : memref<56x224xf32, #tpu.memory_space<hbm>>) target_semaphore(%dma_start3A_253 : memref<!tpu.dma_semaphore, #tpu.memory_space<semaphore_mem>>)
        %add3A_257 = arith.constant 2 : i32
        %add3A_258 = arith.addi %add3A_118, %add3A_257 : i32
        %lt3A = arith.constant 48 : i32
        %lt3A_259 = arith.cmpi slt, %add3A_258, %lt3A : i32
        %convert_element_type3A_260 = arith.extui %lt3A_259 : i1 to i32
        %cond3A_261 = arith.constant 0 : i32
        %cond3A_262 = arith.cmpi ne, %convert_element_type3A_260, %cond3A_261 : i32
        scf.if %cond3A_262 {
          %add3A_263 = arith.constant 2 : i32
          %add3A_264 = arith.addi %add3A_118, %add3A_263 : i32
          %jit3A_265 = arith.constant 4 : i32
          %div3A_266 = arith.divsi %add3A_264, %jit3A_265 : i32
          %sign3A_267 = arith.constant 0 : i32
          %sign3A_268 = arith.cmpi sgt, %add3A_264, %sign3A_267 : i32
          %sign3A_269 = arith.extui %sign3A_268 : i1 to i32
          %sign3A_270 = arith.constant 0 : i32
          %sign3A_271 = arith.cmpi slt, %add3A_264, %sign3A_270 : i32
          %sign3A_272 = arith.extui %sign3A_271 : i1 to i32
          %sign3A_273 = arith.subi %sign3A_269, %sign3A_272 : i32
          %sign3A_274 = arith.constant 0 : i32
          %sign3A_275 = arith.cmpi sgt, %jit3A_265, %sign3A_274 : i32
          %sign3A_276 = arith.extui %sign3A_275 : i1 to i32
          %sign3A_277 = arith.constant 0 : i32
          %sign3A_278 = arith.cmpi slt, %jit3A_265, %sign3A_277 : i32
          %sign3A_279 = arith.extui %sign3A_278 : i1 to i32
          %sign3A_280 = arith.subi %sign3A_276, %sign3A_279 : i32
          %ne3A_281 = arith.cmpi ne, %sign3A_273, %sign3A_280 : i32
          %rem3A_282 = arith.remsi %add3A_264, %jit3A_265 : i32
          %ne3A_283 = arith.constant 0 : i32
          %ne3A_284 = arith.cmpi ne, %rem3A_282, %ne3A_283 : i32
          %and3A_285 = arith.andi %ne3A_281, %ne3A_284 : i1
          %sub3A_286 = arith.constant 1 : i32
          %sub3A_287 = arith.subi %div3A_266, %sub3A_286 : i32
          %select_n3A_288 = arith.select %and3A_285, %sub3A_287, %div3A_266 : i32
          %rem3A_289 = arith.constant 4 : i32
          %rem3A_290 = arith.remsi %add3A_264, %rem3A_289 : i32
          %mul3A_291 = arith.constant 56 : i32
          %mul3A_292 = arith.muli %rem3A_290, %mul3A_291 : i32
          %mul3A_293 = arith.constant 12 : i32
          %mul3A_294 = arith.muli %mul3A_293, %add3A : i32
          %add3A_295 = arith.addi %mul3A_294, %select_n3A_288 : i32
          %jit3A_296 = arith.constant 192 : i32
          %div3A_297 = arith.divsi %add3A_295, %jit3A_296 : i32
          %sign3A_298 = arith.constant 0 : i32
          %sign3A_299 = arith.cmpi sgt, %add3A_295, %sign3A_298 : i32
          %sign3A_300 = arith.extui %sign3A_299 : i1 to i32
          %sign3A_301 = arith.constant 0 : i32
          %sign3A_302 = arith.cmpi slt, %add3A_295, %sign3A_301 : i32
          %sign3A_303 = arith.extui %sign3A_302 : i1 to i32
          %sign3A_304 = arith.subi %sign3A_300, %sign3A_303 : i32
          %sign3A_305 = arith.constant 0 : i32
          %sign3A_306 = arith.cmpi sgt, %jit3A_296, %sign3A_305 : i32
          %sign3A_307 = arith.extui %sign3A_306 : i1 to i32
          %sign3A_308 = arith.constant 0 : i32
          %sign3A_309 = arith.cmpi slt, %jit3A_296, %sign3A_308 : i32
          %sign3A_310 = arith.extui %sign3A_309 : i1 to i32
          %sign3A_311 = arith.subi %sign3A_307, %sign3A_310 : i32
          %ne3A_312 = arith.cmpi ne, %sign3A_304, %sign3A_311 : i32
          %rem3A_313 = arith.remsi %add3A_295, %jit3A_296 : i32
          %ne3A_314 = arith.constant 0 : i32
          %ne3A_315 = arith.cmpi ne, %rem3A_313, %ne3A_314 : i32
          %and3A_316 = arith.andi %ne3A_312, %ne3A_315 : i1
          %sub3A_317 = arith.constant 1 : i32
          %sub3A_318 = arith.subi %div3A_297, %sub3A_317 : i32
          %select_n3A_319 = arith.select %and3A_316, %sub3A_318, %div3A_297 : i32
          %rem3A_320 = arith.constant 192 : i32
          %rem3A_321 = arith.remsi %add3A_295, %rem3A_320 : i32
          %dma_start3A_322 = arith.constant 0 : i32
          %dma_start3A_323 = arith.constant 0 : i32
          %dma_start3A_324 = tpu.memref_slice %arg2[%select_n3A_319, %rem3A_321, %mul3A_292, %dma_start3A_323] : memref<2x192x224x224xf32, #tpu.memory_space<hbm>> -> memref<1x1x56x224xf32, #tpu.memory_space<hbm>>
          %dma_start3A_325 = tpu.memref_squeeze %dma_start3A_324 : memref<1x1x56x224xf32, #tpu.memory_space<hbm>> -> memref<56x224xf32, #tpu.memory_space<hbm>>
          %dma_start3A_326 = tpu.memref_slice %arg22[%dma_start3A_322] : memref<2x!tpu.dma_semaphore, #tpu.memory_space<semaphore_mem>> -> memref<1x!tpu.dma_semaphore, #tpu.memory_space<semaphore_mem>>
          %dma_start3A_327 = tpu.memref_squeeze %dma_start3A_326 : memref<1x!tpu.dma_semaphore, #tpu.memory_space<semaphore_mem>> -> memref<!tpu.dma_semaphore, #tpu.memory_space<semaphore_mem>>
          %dma_start3A_328 = arith.constant 0 : i32
          %dma_start3A_329 = tpu.memref_slice %arg2[%select_n3A_319, %rem3A_321, %mul3A_292, %dma_start3A_328] : memref<2x192x224x224xf32, #tpu.memory_space<hbm>> -> memref<1x1x56x224xf32, #tpu.memory_space<hbm>>
          %dma_start3A_330 = tpu.memref_squeeze %dma_start3A_329 : memref<1x1x56x224xf32, #tpu.memory_space<hbm>> -> memref<56x224xf32, #tpu.memory_space<hbm>>
          tpu.enqueue_dma source(%dma_start3A_330 : memref<56x224xf32, #tpu.memory_space<hbm>>) target(%arg9 : memref<56x224xf32, #tpu.memory_space<vmem>>) target_semaphore(%dma_start3A_327 : memref<!tpu.dma_semaphore, #tpu.memory_space<semaphore_mem>>)
        } else {
        }
      } else {
      }
      %rem3A_222 = arith.constant 2 : i32
      %rem3A_223 = arith.remsi %add3A_118, %rem3A_222 : i32
      %ne3A_224 = arith.constant 0 : i32
      %ne3A_225 = arith.cmpi ne, %rem3A_223, %ne3A_224 : i32
      %convert_element_type3A_226 = arith.extui %ne3A_225 : i1 to i32
      %cond3A_227 = arith.constant 0 : i32
      %cond3A_228 = arith.cmpi ne, %convert_element_type3A_226, %cond3A_227 : i32
      scf.if %cond3A_228 {
        %dma_wait3A_229 = arith.constant 0 : i32
        %dma_wait3A_230 = arith.constant 0 : i32
        %dma_wait3A_231 = arith.constant 1 : i32
        %dma_wait3A_232 = arith.constant 0 : i32
        %dma_wait3A_233 = arith.constant 0 : i32
        %dma_wait3A_234 = tpu.memref_slice %arg2[%dma_wait3A_229, %dma_wait3A_230, %dma_wait3A_232, %dma_wait3A_233] : memref<2x192x224x224xf32, #tpu.memory_space<hbm>> -> memref<1x1x56x224xf32, #tpu.memory_space<hbm>>
        %dma_wait3A_235 = tpu.memref_squeeze %dma_wait3A_234 : memref<1x1x56x224xf32, #tpu.memory_space<hbm>> -> memref<56x224xf32, #tpu.memory_space<hbm>>
        %dma_wait3A_236 = tpu.memref_slice %arg22[%dma_wait3A_231] : memref<2x!tpu.dma_semaphore, #tpu.memory_space<semaphore_mem>> -> memref<1x!tpu.dma_semaphore, #tpu.memory_space<semaphore_mem>>
        %dma_wait3A_237 = tpu.memref_squeeze %dma_wait3A_236 : memref<1x!tpu.dma_semaphore, #tpu.memory_space<semaphore_mem>> -> memref<!tpu.dma_semaphore, #tpu.memory_space<semaphore_mem>>
        %dma_wait3A_238 = arith.constant 0 : i32
        %dma_wait3A_239 = arith.constant 0 : i32
        %dma_wait3A_240 = tpu.memref_slice %arg2[%dma_wait3A_229, %dma_wait3A_230, %dma_wait3A_238, %dma_wait3A_239] : memref<2x192x224x224xf32, #tpu.memory_space<hbm>> -> memref<1x1x56x224xf32, #tpu.memory_space<hbm>>
        %dma_wait3A_241 = tpu.memref_squeeze %dma_wait3A_240 : memref<1x1x56x224xf32, #tpu.memory_space<hbm>> -> memref<56x224xf32, #tpu.memory_space<hbm>>
        tpu.wait_dma2 semaphore(%dma_wait3A_237 : memref<!tpu.dma_semaphore, #tpu.memory_space<semaphore_mem>>) src(%dma_wait3A_241 : memref<56x224xf32, #tpu.memory_space<hbm>>) dst(%arg10 : memref<56x224xf32, #tpu.memory_space<vmem>>)
        %ge3A = arith.constant 2 : i32
        %ge3A_242 = arith.cmpi sge, %add3A_118, %ge3A : i32
        %convert_element_type3A_243 = arith.extui %ge3A_242 : i1 to i32
        %cond3A_244 = arith.constant 0 : i32
        %cond3A_245 = arith.cmpi ne, %convert_element_type3A_243, %cond3A_244 : i32
        scf.if %cond3A_245 {
          %dma_wait3A_263 = arith.constant 0 : i32
          %dma_wait3A_264 = arith.constant 0 : i32
          %dma_wait3A_265 = arith.constant 1 : i32
          %dma_wait3A_266 = arith.constant 0 : i32
          %dma_wait3A_267 = arith.constant 0 : i32
          %dma_wait3A_268 = tpu.memref_slice %arg8[%dma_wait3A_263, %dma_wait3A_264, %dma_wait3A_266, %dma_wait3A_267] : memref<2x192x224x224xf32, #tpu.memory_space<hbm>> -> memref<1x1x56x224xf32, #tpu.memory_space<hbm>>
          %dma_wait3A_269 = tpu.memref_squeeze %dma_wait3A_268 : memref<1x1x56x224xf32, #tpu.memory_space<hbm>> -> memref<56x224xf32, #tpu.memory_space<hbm>>
          %dma_wait3A_270 = tpu.memref_slice %arg23[%dma_wait3A_265] : memref<2x!tpu.dma_semaphore, #tpu.memory_space<semaphore_mem>> -> memref<1x!tpu.dma_semaphore, #tpu.memory_space<semaphore_mem>>
          %dma_wait3A_271 = tpu.memref_squeeze %dma_wait3A_270 : memref<1x!tpu.dma_semaphore, #tpu.memory_space<semaphore_mem>> -> memref<!tpu.dma_semaphore, #tpu.memory_space<semaphore_mem>>
          %dma_wait3A_272 = arith.constant 0 : i32
          %dma_wait3A_273 = arith.constant 0 : i32
          %dma_wait3A_274 = tpu.memref_slice %arg8[%dma_wait3A_263, %dma_wait3A_264, %dma_wait3A_272, %dma_wait3A_273] : memref<2x192x224x224xf32, #tpu.memory_space<hbm>> -> memref<1x1x56x224xf32, #tpu.memory_space<hbm>>
          %dma_wait3A_275 = tpu.memref_squeeze %dma_wait3A_274 : memref<1x1x56x224xf32, #tpu.memory_space<hbm>> -> memref<56x224xf32, #tpu.memory_space<hbm>>
          tpu.wait_dma2 semaphore(%dma_wait3A_271 : memref<!tpu.dma_semaphore, #tpu.memory_space<semaphore_mem>>) src(%arg12 : memref<56x224xf32, #tpu.memory_space<vmem>>) dst(%dma_wait3A_275 : memref<56x224xf32, #tpu.memory_space<hbm>>)
        } else {
        }
        %parallel_loop3A = arith.constant 0 : i32
        %parallel_loop3A_246 = arith.constant 112 : i32
        %parallel_loop3A_247 = arith.constant 1 : i32
        scf.for %parallel_loop3A_263 = %parallel_loop3A to %parallel_loop3A_246 step %parallel_loop3A_247  : i32 {
          %parallel_loop3A_264 = arith.constant 1 : i32
          %parallel_loop3A_265 = arith.shrsi %parallel_loop3A_263, %parallel_loop3A_264 : i32
          %parallel_loop3A_266 = arith.constant 1 : i32
          %parallel_loop3A_267 = arith.andi %parallel_loop3A_263, %parallel_loop3A_266 : i32
          %parallel_loop3A_268 = arith.constant 7 : i32
          %parallel_loop3A_269 = arith.muli %parallel_loop3A_267, %parallel_loop3A_268 : i32
          %parallel_loop3A_270 = arith.constant 0 : i32
          %parallel_loop3A_271 = arith.addi %parallel_loop3A_269, %parallel_loop3A_270 : i32
          %parallel_loop3A_272 = arith.constant 16 : i32
          %parallel_loop3A_273 = arith.muli %parallel_loop3A_272, %parallel_loop3A_271 : i32
          %parallel_loop3A_274 = arith.index_cast %parallel_loop3A_265 : i32 to index
          %parallel_loop3A_275 = arith.index_cast %parallel_loop3A_273 : i32 to index
          %parallel_loop3A_276 = tpu.vector_load %arg10[%parallel_loop3A_274, %parallel_loop3A_275] {strides = array<i32>} : memref<56x224xf32, #tpu.memory_space<vmem>>, vector<16xf32>,
          %parallel_loop3A_277 = arith.mulf %parallel_loop3A_276, %mul3A_150 : vector<16xf32>
          %parallel_loop3A_278 = arith.addf %parallel_loop3A_277, %add3A_157 : vector<16xf32>
          %parallel_loop3A_279 = arith.constant 0.000000e+00 : f32
          %parallel_loop3A_280 = vector.broadcast %parallel_loop3A_279 : f32 to vector<16xf32>
          %parallel_loop3A_281 = arith.maximumf %parallel_loop3A_278, %parallel_loop3A_280 : vector<16xf32>
          %parallel_loop3A_282 = arith.constant 3.500000e+01 : f32
          %parallel_loop3A_283 = vector.broadcast %parallel_loop3A_282 : f32 to vector<16xf32>
          %parallel_loop3A_284 = arith.minimumf %parallel_loop3A_281, %parallel_loop3A_283 : vector<16xf32>
          %parallel_loop3A_285 = arith.fptosi %parallel_loop3A_284 : vector<16xf32> to vector<16xi32>
          %parallel_loop3A_286 = arith.sitofp %parallel_loop3A_285 : vector<16xi32> to vector<16xf32>
          %parallel_loop3A_287 = arith.subf %parallel_loop3A_284, %parallel_loop3A_286 : vector<16xf32>
          %parallel_loop3A_288 = tpu.memref_slice %arg21[%mul3A_160] : memref<576xf32, #tpu.memory_space<vmem>> -> memref<48xf32, #tpu.memory_space<vmem>>
          %parallel_loop3A_289 = tpu.vector_load_idx %parallel_loop3A_288[%parallel_loop3A_285] : memref<48xf32, #tpu.memory_space<vmem>>[vector<16xi32>], vector<16xf32>,
          %parallel_loop3A_290 = tpu.memref_slice %arg20[%mul3A_160] : memref<576xf32, #tpu.memory_space<vmem>> -> memref<48xf32, #tpu.memory_space<vmem>>
          %parallel_loop3A_291 = tpu.vector_load_idx %parallel_loop3A_290[%parallel_loop3A_285] : memref<48xf32, #tpu.memory_space<vmem>>[vector<16xi32>], vector<16xf32>,
          %parallel_loop3A_292 = tpu.memref_slice %arg19[%mul3A_160] : memref<576xf32, #tpu.memory_space<vmem>> -> memref<48xf32, #tpu.memory_space<vmem>>
          %parallel_loop3A_293 = tpu.vector_load_idx %parallel_loop3A_292[%parallel_loop3A_285] : memref<48xf32, #tpu.memory_space<vmem>>[vector<16xi32>], vector<16xf32>,
          %parallel_loop3A_294 = tpu.memref_slice %arg18[%mul3A_160] : memref<576xf32, #tpu.memory_space<vmem>> -> memref<48xf32, #tpu.memory_space<vmem>>
          %parallel_loop3A_295 = tpu.vector_load_idx %parallel_loop3A_294[%parallel_loop3A_285] : memref<48xf32, #tpu.memory_space<vmem>>[vector<16xi32>], vector<16xf32>,
          %parallel_loop3A_296 = arith.mulf %parallel_loop3A_289, %parallel_loop3A_287 : vector<16xf32>
          %parallel_loop3A_297 = arith.addf %parallel_loop3A_296, %parallel_loop3A_291 : vector<16xf32>
          %parallel_loop3A_298 = arith.mulf %parallel_loop3A_297, %parallel_loop3A_287 : vector<16xf32>
          %parallel_loop3A_299 = arith.addf %parallel_loop3A_298, %parallel_loop3A_293 : vector<16xf32>
          %parallel_loop3A_300 = arith.mulf %parallel_loop3A_299, %parallel_loop3A_287 : vector<16xf32>
          %parallel_loop3A_301 = arith.addf %parallel_loop3A_300, %parallel_loop3A_295 : vector<16xf32>
          %parallel_loop3A_302 = arith.mulf %parallel_loop3A_276, %gather3A_158 : vector<16xf32>
          %parallel_loop3A_303 = arith.addf %parallel_loop3A_302, %parallel_loop3A_301 : vector<16xf32>
          %parallel_loop3A_304 = arith.constant 16 : i32
          %parallel_loop3A_305 = arith.muli %parallel_loop3A_304, %parallel_loop3A_271 : i32
          %parallel_loop3A_306 = arith.index_cast %parallel_loop3A_265 : i32 to index
          %parallel_loop3A_307 = arith.index_cast %parallel_loop3A_305 : i32 to index
          %parallel_loop3A_308 = tpu.vector_load %arg12[%parallel_loop3A_306, %parallel_loop3A_307] {strides = array<i32>} : memref<56x224xf32, #tpu.memory_space<vmem>>, vector<16xf32>,
          tpu.vector_store %arg12[%parallel_loop3A_306, %parallel_loop3A_307], %parallel_loop3A_303 {strides = array<i32>} : memref<56x224xf32, #tpu.memory_space<vmem>>, vector<16xf32>,
          %parallel_loop3A_309 = arith.constant 1 : i32
          %parallel_loop3A_310 = arith.addi %parallel_loop3A_269, %parallel_loop3A_309 : i32
          %parallel_loop3A_311 = arith.constant 16 : i32
          %parallel_loop3A_312 = arith.muli %parallel_loop3A_311, %parallel_loop3A_310 : i32
          %parallel_loop3A_313 = arith.index_cast %parallel_loop3A_265 : i32 to index
          %parallel_loop3A_314 = arith.index_cast %parallel_loop3A_312 : i32 to index
          %parallel_loop3A_315 = tpu.vector_load %arg10[%parallel_loop3A_313, %parallel_loop3A_314] {strides = array<i32>} : memref<56x224xf32, #tpu.memory_space<vmem>>, vector<16xf32>,
          %parallel_loop3A_316 = arith.mulf %parallel_loop3A_315, %mul3A_150 : vector<16xf32>
          %parallel_loop3A_317 = arith.addf %parallel_loop3A_316, %add3A_157 : vector<16xf32>
          %parallel_loop3A_318 = arith.constant 0.000000e+00 : f32
          %parallel_loop3A_319 = vector.broadcast %parallel_loop3A_318 : f32 to vector<16xf32>
          %parallel_loop3A_320 = arith.maximumf %parallel_loop3A_317, %parallel_loop3A_319 : vector<16xf32>
          %parallel_loop3A_321 = arith.constant 3.500000e+01 : f32
          %parallel_loop3A_322 = vector.broadcast %parallel_loop3A_321 : f32 to vector<16xf32>
          %parallel_loop3A_323 = arith.minimumf %parallel_loop3A_320, %parallel_loop3A_322 : vector<16xf32>
          %parallel_loop3A_324 = arith.fptosi %parallel_loop3A_323 : vector<16xf32> to vector<16xi32>
          %parallel_loop3A_325 = arith.sitofp %parallel_loop3A_324 : vector<16xi32> to vector<16xf32>
          %parallel_loop3A_326 = arith.subf %parallel_loop3A_323, %parallel_loop3A_325 : vector<16xf32>
          %parallel_loop3A_327 = tpu.memref_slice %arg21[%mul3A_160] : memref<576xf32, #tpu.memory_space<vmem>> -> memref<48xf32, #tpu.memory_space<vmem>>
          %parallel_loop3A_328 = tpu.vector_load_idx %parallel_loop3A_327[%parallel_loop3A_324] : memref<48xf32, #tpu.memory_space<vmem>>[vector<16xi32>], vector<16xf32>,
          %parallel_loop3A_329 = tpu.memref_slice %arg20[%mul3A_160] : memref<576xf32, #tpu.memory_space<vmem>> -> memref<48xf32, #tpu.memory_space<vmem>>
          %parallel_loop3A_330 = tpu.vector_load_idx %parallel_loop3A_329[%parallel_loop3A_324] : memref<48xf32, #tpu.memory_space<vmem>>[vector<16xi32>], vector<16xf32>,
          %parallel_loop3A_331 = tpu.memref_slice %arg19[%mul3A_160] : memref<576xf32, #tpu.memory_space<vmem>> -> memref<48xf32, #tpu.memory_space<vmem>>
          %parallel_loop3A_332 = tpu.vector_load_idx %parallel_loop3A_331[%parallel_loop3A_324] : memref<48xf32, #tpu.memory_space<vmem>>[vector<16xi32>], vector<16xf32>,
          %parallel_loop3A_333 = tpu.memref_slice %arg18[%mul3A_160] : memref<576xf32, #tpu.memory_space<vmem>> -> memref<48xf32, #tpu.memory_space<vmem>>
          %parallel_loop3A_334 = tpu.vector_load_idx %parallel_loop3A_333[%parallel_loop3A_324] : memref<48xf32, #tpu.memory_space<vmem>>[vector<16xi32>], vector<16xf32>,
          %parallel_loop3A_335 = arith.mulf %parallel_loop3A_328, %parallel_loop3A_326 : vector<16xf32>
          %parallel_loop3A_336 = arith.addf %parallel_loop3A_335, %parallel_loop3A_330 : vector<16xf32>
          %parallel_loop3A_337 = arith.mulf %parallel_loop3A_336, %parallel_loop3A_326 : vector<16xf32>
          %parallel_loop3A_338 = arith.addf %parallel_loop3A_337, %parallel_loop3A_332 : vector<16xf32>
          %parallel_loop3A_339 = arith.mulf %parallel_loop3A_338, %parallel_loop3A_326 : vector<16xf32>
          %parallel_loop3A_340 = arith.addf %parallel_loop3A_339, %parallel_loop3A_334 : vector<16xf32>
          %parallel_loop3A_341 = arith.mulf %parallel_loop3A_315, %gather3A_158 : vector<16xf32>
          %parallel_loop3A_342 = arith.addf %parallel_loop3A_341, %parallel_loop3A_340 : vector<16xf32>
          %parallel_loop3A_343 = arith.constant 16 : i32
          %parallel_loop3A_344 = arith.muli %parallel_loop3A_343, %parallel_loop3A_310 : i32
          %parallel_loop3A_345 = arith.index_cast %parallel_loop3A_265 : i32 to index
          %parallel_loop3A_346 = arith.index_cast %parallel_loop3A_344 : i32 to index
          %parallel_loop3A_347 = tpu.vector_load %arg12[%parallel_loop3A_345, %parallel_loop3A_346] {strides = array<i32>} : memref<56x224xf32, #tpu.memory_space<vmem>>, vector<16xf32>,
          tpu.vector_store %arg12[%parallel_loop3A_345, %parallel_loop3A_346], %parallel_loop3A_342 {strides = array<i32>} : memref<56x224xf32, #tpu.memory_space<vmem>>, vector<16xf32>,
          %parallel_loop3A_348 = arith.constant 2 : i32
          %parallel_loop3A_349 = arith.addi %parallel_loop3A_269, %parallel_loop3A_348 : i32
          %parallel_loop3A_350 = arith.constant 16 : i32
          %parallel_loop3A_351 = arith.muli %parallel_loop3A_350, %parallel_loop3A_349 : i32
          %parallel_loop3A_352 = arith.index_cast %parallel_loop3A_265 : i32 to index
          %parallel_loop3A_353 = arith.index_cast %parallel_loop3A_351 : i32 to index
          %parallel_loop3A_354 = tpu.vector_load %arg10[%parallel_loop3A_352, %parallel_loop3A_353] {strides = array<i32>} : memref<56x224xf32, #tpu.memory_space<vmem>>, vector<16xf32>,
          %parallel_loop3A_355 = arith.mulf %parallel_loop3A_354, %mul3A_150 : vector<16xf32>
          %parallel_loop3A_356 = arith.addf %parallel_loop3A_355, %add3A_157 : vector<16xf32>
          %parallel_loop3A_357 = arith.constant 0.000000e+00 : f32
          %parallel_loop3A_358 = vector.broadcast %parallel_loop3A_357 : f32 to vector<16xf32>
          %parallel_loop3A_359 = arith.maximumf %parallel_loop3A_356, %parallel_loop3A_358 : vector<16xf32>
          %parallel_loop3A_360 = arith.constant 3.500000e+01 : f32
          %parallel_loop3A_361 = vector.broadcast %parallel_loop3A_360 : f32 to vector<16xf32>
          %parallel_loop3A_362 = arith.minimumf %parallel_loop3A_359, %parallel_loop3A_361 : vector<16xf32>
          %parallel_loop3A_363 = arith.fptosi %parallel_loop3A_362 : vector<16xf32> to vector<16xi32>
          %parallel_loop3A_364 = arith.sitofp %parallel_loop3A_363 : vector<16xi32> to vector<16xf32>
          %parallel_loop3A_365 = arith.subf %parallel_loop3A_362, %parallel_loop3A_364 : vector<16xf32>
          %parallel_loop3A_366 = tpu.memref_slice %arg21[%mul3A_160] : memref<576xf32, #tpu.memory_space<vmem>> -> memref<48xf32, #tpu.memory_space<vmem>>
          %parallel_loop3A_367 = tpu.vector_load_idx %parallel_loop3A_366[%parallel_loop3A_363] : memref<48xf32, #tpu.memory_space<vmem>>[vector<16xi32>], vector<16xf32>,
          %parallel_loop3A_368 = tpu.memref_slice %arg20[%mul3A_160] : memref<576xf32, #tpu.memory_space<vmem>> -> memref<48xf32, #tpu.memory_space<vmem>>
          %parallel_loop3A_369 = tpu.vector_load_idx %parallel_loop3A_368[%parallel_loop3A_363] : memref<48xf32, #tpu.memory_space<vmem>>[vector<16xi32>], vector<16xf32>,
          %parallel_loop3A_370 = tpu.memref_slice %arg19[%mul3A_160] : memref<576xf32, #tpu.memory_space<vmem>> -> memref<48xf32, #tpu.memory_space<vmem>>
          %parallel_loop3A_371 = tpu.vector_load_idx %parallel_loop3A_370[%parallel_loop3A_363] : memref<48xf32, #tpu.memory_space<vmem>>[vector<16xi32>], vector<16xf32>,
          %parallel_loop3A_372 = tpu.memref_slice %arg18[%mul3A_160] : memref<576xf32, #tpu.memory_space<vmem>> -> memref<48xf32, #tpu.memory_space<vmem>>
          %parallel_loop3A_373 = tpu.vector_load_idx %parallel_loop3A_372[%parallel_loop3A_363] : memref<48xf32, #tpu.memory_space<vmem>>[vector<16xi32>], vector<16xf32>,
          %parallel_loop3A_374 = arith.mulf %parallel_loop3A_367, %parallel_loop3A_365 : vector<16xf32>
          %parallel_loop3A_375 = arith.addf %parallel_loop3A_374, %parallel_loop3A_369 : vector<16xf32>
          %parallel_loop3A_376 = arith.mulf %parallel_loop3A_375, %parallel_loop3A_365 : vector<16xf32>
          %parallel_loop3A_377 = arith.addf %parallel_loop3A_376, %parallel_loop3A_371 : vector<16xf32>
          %parallel_loop3A_378 = arith.mulf %parallel_loop3A_377, %parallel_loop3A_365 : vector<16xf32>
          %parallel_loop3A_379 = arith.addf %parallel_loop3A_378, %parallel_loop3A_373 : vector<16xf32>
          %parallel_loop3A_380 = arith.mulf %parallel_loop3A_354, %gather3A_158 : vector<16xf32>
          %parallel_loop3A_381 = arith.addf %parallel_loop3A_380, %parallel_loop3A_379 : vector<16xf32>
          %parallel_loop3A_382 = arith.constant 16 : i32
          %parallel_loop3A_383 = arith.muli %parallel_loop3A_382, %parallel_loop3A_349 : i32
          %parallel_loop3A_384 = arith.index_cast %parallel_loop3A_265 : i32 to index
          %parallel_loop3A_385 = arith.index_cast %parallel_loop3A_383 : i32 to index
          %parallel_loop3A_386 = tpu.vector_load %arg12[%parallel_loop3A_384, %parallel_loop3A_385] {strides = array<i32>} : memref<56x224xf32, #tpu.memory_space<vmem>>, vector<16xf32>,
          tpu.vector_store %arg12[%parallel_loop3A_384, %parallel_loop3A_385], %parallel_loop3A_381 {strides = array<i32>} : memref<56x224xf32, #tpu.memory_space<vmem>>, vector<16xf32>,
          %parallel_loop3A_387 = arith.constant 3 : i32
          %parallel_loop3A_388 = arith.addi %parallel_loop3A_269, %parallel_loop3A_387 : i32
          %parallel_loop3A_389 = arith.constant 16 : i32
          %parallel_loop3A_390 = arith.muli %parallel_loop3A_389, %parallel_loop3A_388 : i32
          %parallel_loop3A_391 = arith.index_cast %parallel_loop3A_265 : i32 to index
          %parallel_loop3A_392 = arith.index_cast %parallel_loop3A_390 : i32 to index
          %parallel_loop3A_393 = tpu.vector_load %arg10[%parallel_loop3A_391, %parallel_loop3A_392] {strides = array<i32>} : memref<56x224xf32, #tpu.memory_space<vmem>>, vector<16xf32>,
          %parallel_loop3A_394 = arith.mulf %parallel_loop3A_393, %mul3A_150 : vector<16xf32>
          %parallel_loop3A_395 = arith.addf %parallel_loop3A_394, %add3A_157 : vector<16xf32>
          %parallel_loop3A_396 = arith.constant 0.000000e+00 : f32
          %parallel_loop3A_397 = vector.broadcast %parallel_loop3A_396 : f32 to vector<16xf32>
          %parallel_loop3A_398 = arith.maximumf %parallel_loop3A_395, %parallel_loop3A_397 : vector<16xf32>
          %parallel_loop3A_399 = arith.constant 3.500000e+01 : f32
          %parallel_loop3A_400 = vector.broadcast %parallel_loop3A_399 : f32 to vector<16xf32>
          %parallel_loop3A_401 = arith.minimumf %parallel_loop3A_398, %parallel_loop3A_400 : vector<16xf32>
          %parallel_loop3A_402 = arith.fptosi %parallel_loop3A_401 : vector<16xf32> to vector<16xi32>
          %parallel_loop3A_403 = arith.sitofp %parallel_loop3A_402 : vector<16xi32> to vector<16xf32>
          %parallel_loop3A_404 = arith.subf %parallel_loop3A_401, %parallel_loop3A_403 : vector<16xf32>
          %parallel_loop3A_405 = tpu.memref_slice %arg21[%mul3A_160] : memref<576xf32, #tpu.memory_space<vmem>> -> memref<48xf32, #tpu.memory_space<vmem>>
          %parallel_loop3A_406 = tpu.vector_load_idx %parallel_loop3A_405[%parallel_loop3A_402] : memref<48xf32, #tpu.memory_space<vmem>>[vector<16xi32>], vector<16xf32>,
          %parallel_loop3A_407 = tpu.memref_slice %arg20[%mul3A_160] : memref<576xf32, #tpu.memory_space<vmem>> -> memref<48xf32, #tpu.memory_space<vmem>>
          %parallel_loop3A_408 = tpu.vector_load_idx %parallel_loop3A_407[%parallel_loop3A_402] : memref<48xf32, #tpu.memory_space<vmem>>[vector<16xi32>], vector<16xf32>,
          %parallel_loop3A_409 = tpu.memref_slice %arg19[%mul3A_160] : memref<576xf32, #tpu.memory_space<vmem>> -> memref<48xf32, #tpu.memory_space<vmem>>
          %parallel_loop3A_410 = tpu.vector_load_idx %parallel_loop3A_409[%parallel_loop3A_402] : memref<48xf32, #tpu.memory_space<vmem>>[vector<16xi32>], vector<16xf32>,
          %parallel_loop3A_411 = tpu.memref_slice %arg18[%mul3A_160] : memref<576xf32, #tpu.memory_space<vmem>> -> memref<48xf32, #tpu.memory_space<vmem>>
          %parallel_loop3A_412 = tpu.vector_load_idx %parallel_loop3A_411[%parallel_loop3A_402] : memref<48xf32, #tpu.memory_space<vmem>>[vector<16xi32>], vector<16xf32>,
          %parallel_loop3A_413 = arith.mulf %parallel_loop3A_406, %parallel_loop3A_404 : vector<16xf32>
          %parallel_loop3A_414 = arith.addf %parallel_loop3A_413, %parallel_loop3A_408 : vector<16xf32>
          %parallel_loop3A_415 = arith.mulf %parallel_loop3A_414, %parallel_loop3A_404 : vector<16xf32>
          %parallel_loop3A_416 = arith.addf %parallel_loop3A_415, %parallel_loop3A_410 : vector<16xf32>
          %parallel_loop3A_417 = arith.mulf %parallel_loop3A_416, %parallel_loop3A_404 : vector<16xf32>
          %parallel_loop3A_418 = arith.addf %parallel_loop3A_417, %parallel_loop3A_412 : vector<16xf32>
          %parallel_loop3A_419 = arith.mulf %parallel_loop3A_393, %gather3A_158 : vector<16xf32>
          %parallel_loop3A_420 = arith.addf %parallel_loop3A_419, %parallel_loop3A_418 : vector<16xf32>
          %parallel_loop3A_421 = arith.constant 16 : i32
          %parallel_loop3A_422 = arith.muli %parallel_loop3A_421, %parallel_loop3A_388 : i32
          %parallel_loop3A_423 = arith.index_cast %parallel_loop3A_265 : i32 to index
          %parallel_loop3A_424 = arith.index_cast %parallel_loop3A_422 : i32 to index
          %parallel_loop3A_425 = tpu.vector_load %arg12[%parallel_loop3A_423, %parallel_loop3A_424] {strides = array<i32>} : memref<56x224xf32, #tpu.memory_space<vmem>>, vector<16xf32>,
          tpu.vector_store %arg12[%parallel_loop3A_423, %parallel_loop3A_424], %parallel_loop3A_420 {strides = array<i32>} : memref<56x224xf32, #tpu.memory_space<vmem>>, vector<16xf32>,
          %parallel_loop3A_426 = arith.constant 4 : i32
          %parallel_loop3A_427 = arith.addi %parallel_loop3A_269, %parallel_loop3A_426 : i32
          %parallel_loop3A_428 = arith.constant 16 : i32
          %parallel_loop3A_429 = arith.muli %parallel_loop3A_428, %parallel_loop3A_427 : i32
          %parallel_loop3A_430 = arith.index_cast %parallel_loop3A_265 : i32 to index
          %parallel_loop3A_431 = arith.index_cast %parallel_loop3A_429 : i32 to index
          %parallel_loop3A_432 = tpu.vector_load %arg10[%parallel_loop3A_430, %parallel_loop3A_431] {strides = array<i32>} : memref<56x224xf32, #tpu.memory_space<vmem>>, vector<16xf32>,
          %parallel_loop3A_433 = arith.mulf %parallel_loop3A_432, %mul3A_150 : vector<16xf32>
          %parallel_loop3A_434 = arith.addf %parallel_loop3A_433, %add3A_157 : vector<16xf32>
          %parallel_loop3A_435 = arith.constant 0.000000e+00 : f32
          %parallel_loop3A_436 = vector.broadcast %parallel_loop3A_435 : f32 to vector<16xf32>
          %parallel_loop3A_437 = arith.maximumf %parallel_loop3A_434, %parallel_loop3A_436 : vector<16xf32>
          %parallel_loop3A_438 = arith.constant 3.500000e+01 : f32
          %parallel_loop3A_439 = vector.broadcast %parallel_loop3A_438 : f32 to vector<16xf32>
          %parallel_loop3A_440 = arith.minimumf %parallel_loop3A_437, %parallel_loop3A_439 : vector<16xf32>
          %parallel_loop3A_441 = arith.fptosi %parallel_loop3A_440 : vector<16xf32> to vector<16xi32>
          %parallel_loop3A_442 = arith.sitofp %parallel_loop3A_441 : vector<16xi32> to vector<16xf32>
          %parallel_loop3A_443 = arith.subf %parallel_loop3A_440, %parallel_loop3A_442 : vector<16xf32>
          %parallel_loop3A_444 = tpu.memref_slice %arg21[%mul3A_160] : memref<576xf32, #tpu.memory_space<vmem>> -> memref<48xf32, #tpu.memory_space<vmem>>
          %parallel_loop3A_445 = tpu.vector_load_idx %parallel_loop3A_444[%parallel_loop3A_441] : memref<48xf32, #tpu.memory_space<vmem>>[vector<16xi32>], vector<16xf32>,
          %parallel_loop3A_446 = tpu.memref_slice %arg20[%mul3A_160] : memref<576xf32, #tpu.memory_space<vmem>> -> memref<48xf32, #tpu.memory_space<vmem>>
          %parallel_loop3A_447 = tpu.vector_load_idx %parallel_loop3A_446[%parallel_loop3A_441] : memref<48xf32, #tpu.memory_space<vmem>>[vector<16xi32>], vector<16xf32>,
          %parallel_loop3A_448 = tpu.memref_slice %arg19[%mul3A_160] : memref<576xf32, #tpu.memory_space<vmem>> -> memref<48xf32, #tpu.memory_space<vmem>>
          %parallel_loop3A_449 = tpu.vector_load_idx %parallel_loop3A_448[%parallel_loop3A_441] : memref<48xf32, #tpu.memory_space<vmem>>[vector<16xi32>], vector<16xf32>,
          %parallel_loop3A_450 = tpu.memref_slice %arg18[%mul3A_160] : memref<576xf32, #tpu.memory_space<vmem>> -> memref<48xf32, #tpu.memory_space<vmem>>
          %parallel_loop3A_451 = tpu.vector_load_idx %parallel_loop3A_450[%parallel_loop3A_441] : memref<48xf32, #tpu.memory_space<vmem>>[vector<16xi32>], vector<16xf32>,
          %parallel_loop3A_452 = arith.mulf %parallel_loop3A_445, %parallel_loop3A_443 : vector<16xf32>
          %parallel_loop3A_453 = arith.addf %parallel_loop3A_452, %parallel_loop3A_447 : vector<16xf32>
          %parallel_loop3A_454 = arith.mulf %parallel_loop3A_453, %parallel_loop3A_443 : vector<16xf32>
          %parallel_loop3A_455 = arith.addf %parallel_loop3A_454, %parallel_loop3A_449 : vector<16xf32>
          %parallel_loop3A_456 = arith.mulf %parallel_loop3A_455, %parallel_loop3A_443 : vector<16xf32>
          %parallel_loop3A_457 = arith.addf %parallel_loop3A_456, %parallel_loop3A_451 : vector<16xf32>
          %parallel_loop3A_458 = arith.mulf %parallel_loop3A_432, %gather3A_158 : vector<16xf32>
          %parallel_loop3A_459 = arith.addf %parallel_loop3A_458, %parallel_loop3A_457 : vector<16xf32>
          %parallel_loop3A_460 = arith.constant 16 : i32
          %parallel_loop3A_461 = arith.muli %parallel_loop3A_460, %parallel_loop3A_427 : i32
          %parallel_loop3A_462 = arith.index_cast %parallel_loop3A_265 : i32 to index
          %parallel_loop3A_463 = arith.index_cast %parallel_loop3A_461 : i32 to index
          %parallel_loop3A_464 = tpu.vector_load %arg12[%parallel_loop3A_462, %parallel_loop3A_463] {strides = array<i32>} : memref<56x224xf32, #tpu.memory_space<vmem>>, vector<16xf32>,
          tpu.vector_store %arg12[%parallel_loop3A_462, %parallel_loop3A_463], %parallel_loop3A_459 {strides = array<i32>} : memref<56x224xf32, #tpu.memory_space<vmem>>, vector<16xf32>,
          %parallel_loop3A_465 = arith.constant 5 : i32
          %parallel_loop3A_466 = arith.addi %parallel_loop3A_269, %parallel_loop3A_465 : i32
          %parallel_loop3A_467 = arith.constant 16 : i32
          %parallel_loop3A_468 = arith.muli %parallel_loop3A_467, %parallel_loop3A_466 : i32
          %parallel_loop3A_469 = arith.index_cast %parallel_loop3A_265 : i32 to index
          %parallel_loop3A_470 = arith.index_cast %parallel_loop3A_468 : i32 to index
          %parallel_loop3A_471 = tpu.vector_load %arg10[%parallel_loop3A_469, %parallel_loop3A_470] {strides = array<i32>} : memref<56x224xf32, #tpu.memory_space<vmem>>, vector<16xf32>,
          %parallel_loop3A_472 = arith.mulf %parallel_loop3A_471, %mul3A_150 : vector<16xf32>
          %parallel_loop3A_473 = arith.addf %parallel_loop3A_472, %add3A_157 : vector<16xf32>
          %parallel_loop3A_474 = arith.constant 0.000000e+00 : f32
          %parallel_loop3A_475 = vector.broadcast %parallel_loop3A_474 : f32 to vector<16xf32>
          %parallel_loop3A_476 = arith.maximumf %parallel_loop3A_473, %parallel_loop3A_475 : vector<16xf32>
          %parallel_loop3A_477 = arith.constant 3.500000e+01 : f32
          %parallel_loop3A_478 = vector.broadcast %parallel_loop3A_477 : f32 to vector<16xf32>
          %parallel_loop3A_479 = arith.minimumf %parallel_loop3A_476, %parallel_loop3A_478 : vector<16xf32>
          %parallel_loop3A_480 = arith.fptosi %parallel_loop3A_479 : vector<16xf32> to vector<16xi32>
          %parallel_loop3A_481 = arith.sitofp %parallel_loop3A_480 : vector<16xi32> to vector<16xf32>
          %parallel_loop3A_482 = arith.subf %parallel_loop3A_479, %parallel_loop3A_481 : vector<16xf32>
          %parallel_loop3A_483 = tpu.memref_slice %arg21[%mul3A_160] : memref<576xf32, #tpu.memory_space<vmem>> -> memref<48xf32, #tpu.memory_space<vmem>>
          %parallel_loop3A_484 = tpu.vector_load_idx %parallel_loop3A_483[%parallel_loop3A_480] : memref<48xf32, #tpu.memory_space<vmem>>[vector<16xi32>], vector<16xf32>,
          %parallel_loop3A_485 = tpu.memref_slice %arg20[%mul3A_160] : memref<576xf32, #tpu.memory_space<vmem>> -> memref<48xf32, #tpu.memory_space<vmem>>
          %parallel_loop3A_486 = tpu.vector_load_idx %parallel_loop3A_485[%parallel_loop3A_480] : memref<48xf32, #tpu.memory_space<vmem>>[vector<16xi32>], vector<16xf32>,
          %parallel_loop3A_487 = tpu.memref_slice %arg19[%mul3A_160] : memref<576xf32, #tpu.memory_space<vmem>> -> memref<48xf32, #tpu.memory_space<vmem>>
          %parallel_loop3A_488 = tpu.vector_load_idx %parallel_loop3A_487[%parallel_loop3A_480] : memref<48xf32, #tpu.memory_space<vmem>>[vector<16xi32>], vector<16xf32>,
          %parallel_loop3A_489 = tpu.memref_slice %arg18[%mul3A_160] : memref<576xf32, #tpu.memory_space<vmem>> -> memref<48xf32, #tpu.memory_space<vmem>>
          %parallel_loop3A_490 = tpu.vector_load_idx %parallel_loop3A_489[%parallel_loop3A_480] : memref<48xf32, #tpu.memory_space<vmem>>[vector<16xi32>], vector<16xf32>,
          %parallel_loop3A_491 = arith.mulf %parallel_loop3A_484, %parallel_loop3A_482 : vector<16xf32>
          %parallel_loop3A_492 = arith.addf %parallel_loop3A_491, %parallel_loop3A_486 : vector<16xf32>
          %parallel_loop3A_493 = arith.mulf %parallel_loop3A_492, %parallel_loop3A_482 : vector<16xf32>
          %parallel_loop3A_494 = arith.addf %parallel_loop3A_493, %parallel_loop3A_488 : vector<16xf32>
          %parallel_loop3A_495 = arith.mulf %parallel_loop3A_494, %parallel_loop3A_482 : vector<16xf32>
          %parallel_loop3A_496 = arith.addf %parallel_loop3A_495, %parallel_loop3A_490 : vector<16xf32>
          %parallel_loop3A_497 = arith.mulf %parallel_loop3A_471, %gather3A_158 : vector<16xf32>
          %parallel_loop3A_498 = arith.addf %parallel_loop3A_497, %parallel_loop3A_496 : vector<16xf32>
          %parallel_loop3A_499 = arith.constant 16 : i32
          %parallel_loop3A_500 = arith.muli %parallel_loop3A_499, %parallel_loop3A_466 : i32
          %parallel_loop3A_501 = arith.index_cast %parallel_loop3A_265 : i32 to index
          %parallel_loop3A_502 = arith.index_cast %parallel_loop3A_500 : i32 to index
          %parallel_loop3A_503 = tpu.vector_load %arg12[%parallel_loop3A_501, %parallel_loop3A_502] {strides = array<i32>} : memref<56x224xf32, #tpu.memory_space<vmem>>, vector<16xf32>,
          tpu.vector_store %arg12[%parallel_loop3A_501, %parallel_loop3A_502], %parallel_loop3A_498 {strides = array<i32>} : memref<56x224xf32, #tpu.memory_space<vmem>>, vector<16xf32>,
          %parallel_loop3A_504 = arith.constant 6 : i32
          %parallel_loop3A_505 = arith.addi %parallel_loop3A_269, %parallel_loop3A_504 : i32
          %parallel_loop3A_506 = arith.constant 16 : i32
          %parallel_loop3A_507 = arith.muli %parallel_loop3A_506, %parallel_loop3A_505 : i32
          %parallel_loop3A_508 = arith.index_cast %parallel_loop3A_265 : i32 to index
          %parallel_loop3A_509 = arith.index_cast %parallel_loop3A_507 : i32 to index
          %parallel_loop3A_510 = tpu.vector_load %arg10[%parallel_loop3A_508, %parallel_loop3A_509] {strides = array<i32>} : memref<56x224xf32, #tpu.memory_space<vmem>>, vector<16xf32>,
          %parallel_loop3A_511 = arith.mulf %parallel_loop3A_510, %mul3A_150 : vector<16xf32>
          %parallel_loop3A_512 = arith.addf %parallel_loop3A_511, %add3A_157 : vector<16xf32>
          %parallel_loop3A_513 = arith.constant 0.000000e+00 : f32
          %parallel_loop3A_514 = vector.broadcast %parallel_loop3A_513 : f32 to vector<16xf32>
          %parallel_loop3A_515 = arith.maximumf %parallel_loop3A_512, %parallel_loop3A_514 : vector<16xf32>
          %parallel_loop3A_516 = arith.constant 3.500000e+01 : f32
          %parallel_loop3A_517 = vector.broadcast %parallel_loop3A_516 : f32 to vector<16xf32>
          %parallel_loop3A_518 = arith.minimumf %parallel_loop3A_515, %parallel_loop3A_517 : vector<16xf32>
          %parallel_loop3A_519 = arith.fptosi %parallel_loop3A_518 : vector<16xf32> to vector<16xi32>
          %parallel_loop3A_520 = arith.sitofp %parallel_loop3A_519 : vector<16xi32> to vector<16xf32>
          %parallel_loop3A_521 = arith.subf %parallel_loop3A_518, %parallel_loop3A_520 : vector<16xf32>
          %parallel_loop3A_522 = tpu.memref_slice %arg21[%mul3A_160] : memref<576xf32, #tpu.memory_space<vmem>> -> memref<48xf32, #tpu.memory_space<vmem>>
          %parallel_loop3A_523 = tpu.vector_load_idx %parallel_loop3A_522[%parallel_loop3A_519] : memref<48xf32, #tpu.memory_space<vmem>>[vector<16xi32>], vector<16xf32>,
          %parallel_loop3A_524 = tpu.memref_slice %arg20[%mul3A_160] : memref<576xf32, #tpu.memory_space<vmem>> -> memref<48xf32, #tpu.memory_space<vmem>>
          %parallel_loop3A_525 = tpu.vector_load_idx %parallel_loop3A_524[%parallel_loop3A_519] : memref<48xf32, #tpu.memory_space<vmem>>[vector<16xi32>], vector<16xf32>,
          %parallel_loop3A_526 = tpu.memref_slice %arg19[%mul3A_160] : memref<576xf32, #tpu.memory_space<vmem>> -> memref<48xf32, #tpu.memory_space<vmem>>
          %parallel_loop3A_527 = tpu.vector_load_idx %parallel_loop3A_526[%parallel_loop3A_519] : memref<48xf32, #tpu.memory_space<vmem>>[vector<16xi32>], vector<16xf32>,
          %parallel_loop3A_528 = tpu.memref_slice %arg18[%mul3A_160] : memref<576xf32, #tpu.memory_space<vmem>> -> memref<48xf32, #tpu.memory_space<vmem>>
          %parallel_loop3A_529 = tpu.vector_load_idx %parallel_loop3A_528[%parallel_loop3A_519] : memref<48xf32, #tpu.memory_space<vmem>>[vector<16xi32>], vector<16xf32>,
          %parallel_loop3A_530 = arith.mulf %parallel_loop3A_523, %parallel_loop3A_521 : vector<16xf32>
          %parallel_loop3A_531 = arith.addf %parallel_loop3A_530, %parallel_loop3A_525 : vector<16xf32>
          %parallel_loop3A_532 = arith.mulf %parallel_loop3A_531, %parallel_loop3A_521 : vector<16xf32>
          %parallel_loop3A_533 = arith.addf %parallel_loop3A_532, %parallel_loop3A_527 : vector<16xf32>
          %parallel_loop3A_534 = arith.mulf %parallel_loop3A_533, %parallel_loop3A_521 : vector<16xf32>
          %parallel_loop3A_535 = arith.addf %parallel_loop3A_534, %parallel_loop3A_529 : vector<16xf32>
          %parallel_loop3A_536 = arith.mulf %parallel_loop3A_510, %gather3A_158 : vector<16xf32>
          %parallel_loop3A_537 = arith.addf %parallel_loop3A_536, %parallel_loop3A_535 : vector<16xf32>
          %parallel_loop3A_538 = arith.constant 16 : i32
          %parallel_loop3A_539 = arith.muli %parallel_loop3A_538, %parallel_loop3A_505 : i32
          %parallel_loop3A_540 = arith.index_cast %parallel_loop3A_265 : i32 to index
          %parallel_loop3A_541 = arith.index_cast %parallel_loop3A_539 : i32 to index
          %parallel_loop3A_542 = tpu.vector_load %arg12[%parallel_loop3A_540, %parallel_loop3A_541] {strides = array<i32>} : memref<56x224xf32, #tpu.memory_space<vmem>>, vector<16xf32>,
          tpu.vector_store %arg12[%parallel_loop3A_540, %parallel_loop3A_541], %parallel_loop3A_537 {strides = array<i32>} : memref<56x224xf32, #tpu.memory_space<vmem>>, vector<16xf32>,
        } {sc.loop_unroll_factor = 2 : i64, sc.parallel_access}
        %dma_start3A_248 = arith.constant 1 : i32
        %dma_start3A_249 = arith.constant 0 : i32
        %dma_start3A_250 = tpu.memref_slice %arg8[%select_n3A_215, %rem3A_217, %mul3A_188, %dma_start3A_249] : memref<2x192x224x224xf32, #tpu.memory_space<hbm>> -> memref<1x1x56x224xf32, #tpu.memory_space<hbm>>
        %dma_start3A_251 = tpu.memref_squeeze %dma_start3A_250 : memref<1x1x56x224xf32, #tpu.memory_space<hbm>> -> memref<56x224xf32, #tpu.memory_space<hbm>>
        %dma_start3A_252 = tpu.memref_slice %arg23[%dma_start3A_248] : memref<2x!tpu.dma_semaphore, #tpu.memory_space<semaphore_mem>> -> memref<1x!tpu.dma_semaphore, #tpu.memory_space<semaphore_mem>>
        %dma_start3A_253 = tpu.memref_squeeze %dma_start3A_252 : memref<1x!tpu.dma_semaphore, #tpu.memory_space<semaphore_mem>> -> memref<!tpu.dma_semaphore, #tpu.memory_space<semaphore_mem>>
        %dma_start3A_254 = arith.constant 0 : i32
        %dma_start3A_255 = tpu.memref_slice %arg8[%select_n3A_215, %rem3A_217, %mul3A_188, %dma_start3A_254] : memref<2x192x224x224xf32, #tpu.memory_space<hbm>> -> memref<1x1x56x224xf32, #tpu.memory_space<hbm>>
        %dma_start3A_256 = tpu.memref_squeeze %dma_start3A_255 : memref<1x1x56x224xf32, #tpu.memory_space<hbm>> -> memref<56x224xf32, #tpu.memory_space<hbm>>
        tpu.enqueue_dma source(%arg12 : memref<56x224xf32, #tpu.memory_space<vmem>>) target(%dma_start3A_256 : memref<56x224xf32, #tpu.memory_space<hbm>>) target_semaphore(%dma_start3A_253 : memref<!tpu.dma_semaphore, #tpu.memory_space<semaphore_mem>>)
        %add3A_257 = arith.constant 2 : i32
        %add3A_258 = arith.addi %add3A_118, %add3A_257 : i32
        %lt3A = arith.constant 48 : i32
        %lt3A_259 = arith.cmpi slt, %add3A_258, %lt3A : i32
        %convert_element_type3A_260 = arith.extui %lt3A_259 : i1 to i32
        %cond3A_261 = arith.constant 0 : i32
        %cond3A_262 = arith.cmpi ne, %convert_element_type3A_260, %cond3A_261 : i32
        scf.if %cond3A_262 {
          %add3A_263 = arith.constant 2 : i32
          %add3A_264 = arith.addi %add3A_118, %add3A_263 : i32
          %jit3A_265 = arith.constant 4 : i32
          %div3A_266 = arith.divsi %add3A_264, %jit3A_265 : i32
          %sign3A_267 = arith.constant 0 : i32
          %sign3A_268 = arith.cmpi sgt, %add3A_264, %sign3A_267 : i32
          %sign3A_269 = arith.extui %sign3A_268 : i1 to i32
          %sign3A_270 = arith.constant 0 : i32
          %sign3A_271 = arith.cmpi slt, %add3A_264, %sign3A_270 : i32
          %sign3A_272 = arith.extui %sign3A_271 : i1 to i32
          %sign3A_273 = arith.subi %sign3A_269, %sign3A_272 : i32
          %sign3A_274 = arith.constant 0 : i32
          %sign3A_275 = arith.cmpi sgt, %jit3A_265, %sign3A_274 : i32
          %sign3A_276 = arith.extui %sign3A_275 : i1 to i32
          %sign3A_277 = arith.constant 0 : i32
          %sign3A_278 = arith.cmpi slt, %jit3A_265, %sign3A_277 : i32
          %sign3A_279 = arith.extui %sign3A_278 : i1 to i32
          %sign3A_280 = arith.subi %sign3A_276, %sign3A_279 : i32
          %ne3A_281 = arith.cmpi ne, %sign3A_273, %sign3A_280 : i32
          %rem3A_282 = arith.remsi %add3A_264, %jit3A_265 : i32
          %ne3A_283 = arith.constant 0 : i32
          %ne3A_284 = arith.cmpi ne, %rem3A_282, %ne3A_283 : i32
          %and3A_285 = arith.andi %ne3A_281, %ne3A_284 : i1
          %sub3A_286 = arith.constant 1 : i32
          %sub3A_287 = arith.subi %div3A_266, %sub3A_286 : i32
          %select_n3A_288 = arith.select %and3A_285, %sub3A_287, %div3A_266 : i32
          %rem3A_289 = arith.constant 4 : i32
          %rem3A_290 = arith.remsi %add3A_264, %rem3A_289 : i32
          %mul3A_291 = arith.constant 56 : i32
          %mul3A_292 = arith.muli %rem3A_290, %mul3A_291 : i32
          %mul3A_293 = arith.constant 12 : i32
          %mul3A_294 = arith.muli %mul3A_293, %add3A : i32
          %add3A_295 = arith.addi %mul3A_294, %select_n3A_288 : i32
          %jit3A_296 = arith.constant 192 : i32
          %div3A_297 = arith.divsi %add3A_295, %jit3A_296 : i32
          %sign3A_298 = arith.constant 0 : i32
          %sign3A_299 = arith.cmpi sgt, %add3A_295, %sign3A_298 : i32
          %sign3A_300 = arith.extui %sign3A_299 : i1 to i32
          %sign3A_301 = arith.constant 0 : i32
          %sign3A_302 = arith.cmpi slt, %add3A_295, %sign3A_301 : i32
          %sign3A_303 = arith.extui %sign3A_302 : i1 to i32
          %sign3A_304 = arith.subi %sign3A_300, %sign3A_303 : i32
          %sign3A_305 = arith.constant 0 : i32
          %sign3A_306 = arith.cmpi sgt, %jit3A_296, %sign3A_305 : i32
          %sign3A_307 = arith.extui %sign3A_306 : i1 to i32
          %sign3A_308 = arith.constant 0 : i32
          %sign3A_309 = arith.cmpi slt, %jit3A_296, %sign3A_308 : i32
          %sign3A_310 = arith.extui %sign3A_309 : i1 to i32
          %sign3A_311 = arith.subi %sign3A_307, %sign3A_310 : i32
          %ne3A_312 = arith.cmpi ne, %sign3A_304, %sign3A_311 : i32
          %rem3A_313 = arith.remsi %add3A_295, %jit3A_296 : i32
          %ne3A_314 = arith.constant 0 : i32
          %ne3A_315 = arith.cmpi ne, %rem3A_313, %ne3A_314 : i32
          %and3A_316 = arith.andi %ne3A_312, %ne3A_315 : i1
          %sub3A_317 = arith.constant 1 : i32
          %sub3A_318 = arith.subi %div3A_297, %sub3A_317 : i32
          %select_n3A_319 = arith.select %and3A_316, %sub3A_318, %div3A_297 : i32
          %rem3A_320 = arith.constant 192 : i32
          %rem3A_321 = arith.remsi %add3A_295, %rem3A_320 : i32
          %dma_start3A_322 = arith.constant 1 : i32
          %dma_start3A_323 = arith.constant 0 : i32
          %dma_start3A_324 = tpu.memref_slice %arg2[%select_n3A_319, %rem3A_321, %mul3A_292, %dma_start3A_323] : memref<2x192x224x224xf32, #tpu.memory_space<hbm>> -> memref<1x1x56x224xf32, #tpu.memory_space<hbm>>
          %dma_start3A_325 = tpu.memref_squeeze %dma_start3A_324 : memref<1x1x56x224xf32, #tpu.memory_space<hbm>> -> memref<56x224xf32, #tpu.memory_space<hbm>>
          %dma_start3A_326 = tpu.memref_slice %arg22[%dma_start3A_322] : memref<2x!tpu.dma_semaphore, #tpu.memory_space<semaphore_mem>> -> memref<1x!tpu.dma_semaphore, #tpu.memory_space<semaphore_mem>>
          %dma_start3A_327 = tpu.memref_squeeze %dma_start3A_326 : memref<1x!tpu.dma_semaphore, #tpu.memory_space<semaphore_mem>> -> memref<!tpu.dma_semaphore, #tpu.memory_space<semaphore_mem>>
          %dma_start3A_328 = arith.constant 0 : i32
          %dma_start3A_329 = tpu.memref_slice %arg2[%select_n3A_319, %rem3A_321, %mul3A_292, %dma_start3A_328] : memref<2x192x224x224xf32, #tpu.memory_space<hbm>> -> memref<1x1x56x224xf32, #tpu.memory_space<hbm>>
          %dma_start3A_330 = tpu.memref_squeeze %dma_start3A_329 : memref<1x1x56x224xf32, #tpu.memory_space<hbm>> -> memref<56x224xf32, #tpu.memory_space<hbm>>
          tpu.enqueue_dma source(%dma_start3A_330 : memref<56x224xf32, #tpu.memory_space<hbm>>) target(%arg10 : memref<56x224xf32, #tpu.memory_space<vmem>>) target_semaphore(%dma_start3A_327 : memref<!tpu.dma_semaphore, #tpu.memory_space<semaphore_mem>>)
        } else {
        }
      } else {
      }
    }
    %scan3A_88 = arith.constant 48 : i32
    %dma_wait3A = arith.constant 0 : i32
    %dma_wait3A_89 = arith.constant 0 : i32
    %dma_wait3A_90 = arith.constant 0 : i32
    %dma_wait3A_91 = arith.constant 0 : i32
    %dma_wait3A_92 = arith.constant 0 : i32
    %dma_wait3A_93 = tpu.memref_slice %arg8[%dma_wait3A, %dma_wait3A_89, %dma_wait3A_91, %dma_wait3A_92] : memref<2x192x224x224xf32, #tpu.memory_space<hbm>> -> memref<1x1x56x224xf32, #tpu.memory_space<hbm>>
    %dma_wait3A_94 = tpu.memref_squeeze %dma_wait3A_93 : memref<1x1x56x224xf32, #tpu.memory_space<hbm>> -> memref<56x224xf32, #tpu.memory_space<hbm>>
    %dma_wait3A_95 = tpu.memref_slice %arg23[%dma_wait3A_90] : memref<2x!tpu.dma_semaphore, #tpu.memory_space<semaphore_mem>> -> memref<1x!tpu.dma_semaphore, #tpu.memory_space<semaphore_mem>>
    %dma_wait3A_96 = tpu.memref_squeeze %dma_wait3A_95 : memref<1x!tpu.dma_semaphore, #tpu.memory_space<semaphore_mem>> -> memref<!tpu.dma_semaphore, #tpu.memory_space<semaphore_mem>>
    %dma_wait3A_97 = arith.constant 0 : i32
    %dma_wait3A_98 = arith.constant 0 : i32
    %dma_wait3A_99 = tpu.memref_slice %arg8[%dma_wait3A, %dma_wait3A_89, %dma_wait3A_97, %dma_wait3A_98] : memref<2x192x224x224xf32, #tpu.memory_space<hbm>> -> memref<1x1x56x224xf32, #tpu.memory_space<hbm>>
    %dma_wait3A_100 = tpu.memref_squeeze %dma_wait3A_99 : memref<1x1x56x224xf32, #tpu.memory_space<hbm>> -> memref<56x224xf32, #tpu.memory_space<hbm>>
    tpu.wait_dma2 semaphore(%dma_wait3A_96 : memref<!tpu.dma_semaphore, #tpu.memory_space<semaphore_mem>>) src(%arg11 : memref<56x224xf32, #tpu.memory_space<vmem>>) dst(%dma_wait3A_100 : memref<56x224xf32, #tpu.memory_space<hbm>>)
    %dma_wait3A_101 = arith.constant 0 : i32
    %dma_wait3A_102 = arith.constant 0 : i32
    %dma_wait3A_103 = arith.constant 1 : i32
    %dma_wait3A_104 = arith.constant 0 : i32
    %dma_wait3A_105 = arith.constant 0 : i32
    %dma_wait3A_106 = tpu.memref_slice %arg8[%dma_wait3A_101, %dma_wait3A_102, %dma_wait3A_104, %dma_wait3A_105] : memref<2x192x224x224xf32, #tpu.memory_space<hbm>> -> memref<1x1x56x224xf32, #tpu.memory_space<hbm>>
    %dma_wait3A_107 = tpu.memref_squeeze %dma_wait3A_106 : memref<1x1x56x224xf32, #tpu.memory_space<hbm>> -> memref<56x224xf32, #tpu.memory_space<hbm>>
    %dma_wait3A_108 = tpu.memref_slice %arg23[%dma_wait3A_103] : memref<2x!tpu.dma_semaphore, #tpu.memory_space<semaphore_mem>> -> memref<1x!tpu.dma_semaphore, #tpu.memory_space<semaphore_mem>>
    %dma_wait3A_109 = tpu.memref_squeeze %dma_wait3A_108 : memref<1x!tpu.dma_semaphore, #tpu.memory_space<semaphore_mem>> -> memref<!tpu.dma_semaphore, #tpu.memory_space<semaphore_mem>>
    %dma_wait3A_110 = arith.constant 0 : i32
    %dma_wait3A_111 = arith.constant 0 : i32
    %dma_wait3A_112 = tpu.memref_slice %arg8[%dma_wait3A_101, %dma_wait3A_102, %dma_wait3A_110, %dma_wait3A_111] : memref<2x192x224x224xf32, #tpu.memory_space<hbm>> -> memref<1x1x56x224xf32, #tpu.memory_space<hbm>>
    %dma_wait3A_113 = tpu.memref_squeeze %dma_wait3A_112 : memref<1x1x56x224xf32, #tpu.memory_space<hbm>> -> memref<56x224xf32, #tpu.memory_space<hbm>>
    tpu.wait_dma2 semaphore(%dma_wait3A_109 : memref<!tpu.dma_semaphore, #tpu.memory_space<semaphore_mem>>) src(%arg12 : memref<56x224xf32, #tpu.memory_space<vmem>>) dst(%dma_wait3A_113 : memref<56x224xf32, #tpu.memory_space<hbm>>)
    return
  }
}

</mosaic_0001>

<sc_bundles>
// kernel: kernel.3.cloned.1.call-start
scs
__scs_entry_jumppad:
0x0: {  	(pc) =	sbr.rel $0x88, $3  }
0x1: {  	(tag) =	ssettag $0x0;
	lr =	simm.s32 $0x1  }
0x2: {  	[smem:$0x3F9B] =	sst lr;
	_ =	strace $0xD0000000  }
0x3: {  	_ = 	snop  }
0x4: {  	_ = 	snop  }
0x5: {  	_ = 	snop  }
0x6: {  	_ = 	snop  }
0x7: {  	_ = 	snop  }
__scs_overlays_trampoline_lowered:
0x8: {  	[smem:$0x3FAA] =	sst s0  }
0x9: {  	[smem:$0x3FAB] =	sst s1  }
0xa: {  	[smem:$0x3FAC] =	sst s2  }
0xb: {  	[smem:$0x3FAD] =	sst s3  }
0xc: {  	[smem:$0x3FAE] =	sst s4  }
0xd: {  	[smem:$0x3FAF] =	sst s5  }
0xe: {  	[smem:$0x3FB0] =	sst s6  }
0xf: {  	[smem:$0x3FB1] =	sst s7  }
0x10: {  	[smem:$0x3FB2] =	sst s8  }
0x11: {  	[smem:$0x3FB3] =	sst s9;
	s0 =	simm.s32 @!p0 $0x0  }
0x12: {  	s1 =	sld [smem:$0x3F99];
	s0 =	simm.s32 @p0 $0x1  }
0x13: {  	[smem:$0x3FB4] =	sst s0;
	s0 =	simm.s32 @!p1 $0x0  }
0x14: {  	s2 =	sld [smem:$0x3F98];
	s0 =	simm.s32 @p1 $0x1  }
0x15: {  	[smem:$0x3FB5] =	sst s0;
	s0 =	simm.s32 @!p2 $0x0  }
0x16: {  	s3 =	sld [smem:$0x3FDB];
	s0 =	simm.s32 @p2 $0x1  }
0x17: {  	s4 =	simm.s32 $0x1BF5;
	[smem:$0x3FB7] =	sst s0  }
0x18: {  	s0 =	sld [smem:$0x3F9A];
	_ =	swait.ge [sflag:s4], $0x0  }
0x19: {  	s7 =	sld [smem:$0x3F9B]  }
0x1a: {  	s8 =	sadd.s32 $0xFFFFE003, lr  }
0x1b: {  	s9 =	sadd.s32 $0xFFFFFEF7, lr;
	s5 =	simm.s32 $0xFFFFFFFF;
	p2 =	slt.u32 s8, $0xFFFFF086  }
0x1c: {  	p1 =	slt.u32 s9, $0xF7A;
	s5 =	simm.s32 @!p2 $0x0  }
0x1d: {  	s5 =	simm.s32 @p1 $0x1;
	p0 =	seq.s32 s7, s2  }
0x1e: {  	s7 =	smul.u32 @!p0 $0xF7A, s2;
	p2 =	seq.s32 @!p0 s5, $0x0  }
0x1f: {  	s9 =	smul.u32 $0xF7A, s1;
	s8 =	simm.s32 @!p0 $0x1BF5;
	p2 =	por !p2, p0  }
0x20: {  	[sflag:s8] =	ssyncset.s32 @!p0 $0xFFFFF086;
	s6 =	sadd.s32 @!p0 s3, s7;
	s7 =	simm.s32 @!p0 $0x108  }
0x21: {  	s3 =	sadd.s32 s3, s9;
	s6 =	sadd.s32 @!p0 $0x88, s6;
	s7 =	simm.s32 @p2 $0x1082  }
0x22: {  	[simem:s7], [sflag:s8] =	dma.local @!p0 [hbm:s6], $0xF7A  }
0x23: {  	s9 =	sor.u32 $0xD0000000, s2;
	s6 =	simm.s32 $0x108;
	_ =	swait.ge @!p0 [sflag:s8], $0x0  }
0x24: {  	s3 =	sadd.s32 $0x88, s3;
	s6 =	simm.s32 @!p1 $0x1082;
	[sflag:s4] =	ssyncset.s32 $0xFFFFF086  }
0x25: {  	[simem:s6], [sflag:s4] =	dma.local [hbm:s3], $0xF7A  }
0x26: {  	[smem:$0x3F9B] =	sst s1;
	(tag) =	ssettag s2;
	_ =	strace s9  }
0x27: {  	s1 =	sld [smem:$0x3FAB]  }
0x28: {  	s2 =	sld [smem:$0x3FAC]  }
0x29: {  	s4 =	sld [smem:$0x3FAE]  }
0x2a: {  	p0 =	seq.s32 s5, $0x0;
	s5 =	sld [smem:$0x3FAF]  }
0x2b: {  	s6 =	sld [smem:$0x3FB0]  }
0x2c: {  	s7 =	sld [smem:$0x3FB1]  }
0x2d: {  	s3 =	simm.s32 $0x108;
	s8 =	sld [smem:$0x3FB2]  }
0x2e: {  	s3 =	simm.s32 @!p0 $0x1082;
	s9 =	sld [smem:$0x3FB3]  }
0x2f: {  	lr =	sadd.s32 s0, s3;
	s0 =	sld [smem:$0x3FAA]  }
0x30: {  	s3 =	sld [smem:$0x3FAD]  }
0x31: {  	[smem:$0x3FB6] =	sst s10  }
0x32: {  	s10 =	sld [smem:$0x3FB4];
	_ =	sdelay $0x3  }
0x33: {  	p0 =	seq.s32 s10, $0x1;
	s10 =	sld [smem:$0x3FB6];
	_ =	sdelay $0x3  }
0x34: {  	[smem:$0x3FB6] =	sst s10  }
0x35: {  	s10 =	sld [smem:$0x3FB5];
	_ =	sdelay $0x3  }
0x36: {  	p1 =	seq.s32 s10, $0x1;
	s10 =	sld [smem:$0x3FB6];
	_ =	sdelay $0x3  }
0x37: {  	[smem:$0x3FB6] =	sst s10  }
0x38: {  	s10 =	sld [smem:$0x3FB7]  }
0x39: {  	_ = 	snop;
	(pc) =	sbr.ind lr, $3  }
0x3a: {  	_ = 	snop  }
0x3b: {  	_ = 	snop  }
0x3c: {  	p2 =	seq.s32 s10, $0x1;
	s10 =	sld [smem:$0x3FB6]  }
0x3d: {  	_ =	shalt  }
0x3e: {  	_ =	shalt  }
0x3f: {  	_ =	shalt  }
0x40: {  	_ =	shalt  }
0x41: {  	_ =	shalt  }
0x42: {  	_ =	shalt  }
0x43: {  	_ =	shalt  }
0x44: {  	_ =	shalt  }
0x45: {  	_ =	shalt  }
0x46: {  	_ =	shalt  }
0x47: {  	_ =	shalt  }
0x48: {  	_ =	shalt  }
0x49: {  	_ =	shalt  }
0x4a: {  	_ =	shalt  }
0x4b: {  	_ =	shalt  }
0x4c: {  	_ =	shalt  }
0x4d: {  	_ =	shalt  }
0x4e: {  	_ =	shalt  }
0x4f: {  	_ =	shalt  }
0x50: {  	_ =	shalt  }
0x51: {  	_ =	shalt  }
0x52: {  	_ =	shalt  }
0x53: {  	_ =	shalt  }
0x54: {  	_ =	shalt  }
0x55: {  	_ =	shalt  }
0x56: {  	_ =	shalt  }
0x57: {  	_ =	shalt  }
0x58: {  	_ =	shalt  }
0x59: {  	_ =	shalt  }
0x5a: {  	_ =	shalt  }
0x5b: {  	_ =	shalt  }
0x5c: {  	_ =	shalt  }
0x5d: {  	_ =	shalt  }
0x5e: {  	_ =	shalt  }
0x5f: {  	_ =	shalt  }
0x60: {  	_ =	shalt  }
0x61: {  	_ =	shalt  }
0x62: {  	_ =	shalt  }
0x63: {  	_ =	shalt  }
0x64: {  	_ =	shalt  }
0x65: {  	_ =	shalt  }
0x66: {  	_ =	shalt  }
0x67: {  	_ =	shalt  }
0x68: {  	_ =	shalt  }
0x69: {  	_ =	shalt  }
0x6a: {  	_ =	shalt  }
0x6b: {  	_ =	shalt  }
0x6c: {  	_ =	shalt  }
0x6d: {  	_ =	shalt  }
0x6e: {  	_ =	shalt  }
0x6f: {  	_ =	shalt  }
0x70: {  	_ =	shalt  }
0x71: {  	_ =	shalt  }
0x72: {  	_ =	shalt  }
0x73: {  	_ =	shalt  }
0x74: {  	_ =	shalt  }
0x75: {  	_ =	shalt  }
0x76: {  	_ =	shalt  }
0x77: {  	_ =	shalt  }
0x78: {  	_ =	shalt  }
0x79: {  	_ =	shalt  }
0x7a: {  	_ =	shalt  }
0x7b: {  	_ =	shalt  }
0x7c: {  	_ =	shalt  }
0x7d: {  	_ =	shalt  }
0x7e: {  	_ =	shalt  }
0x7f: {  	_ =	shalt  }
0x80: {  	_ =	shalt  }
0x81: {  	_ =	shalt  }
0x82: {  	_ =	shalt  }
0x83: {  	_ =	shalt  }
0x84: {  	_ =	shalt  }
0x85: {  	_ =	shalt  }
0x86: {  	_ =	shalt  }
0x87: {  	_ =	shalt  }
.Lfunc_end0:
.L_simem_size_0:
called_computation_lowered:
.L_overlay_start_0:
0x88: {  	s2 =	sld [smem:$0x3FD9]  }
0x89: {  	s3 =	sld [smem:$0x3FFE];
	_ =	sdelay $0x1  }
0x8a: {  	s1 =	srdreg.scid  }
0x8b: {  	s0 =	sand.u32 $0x1, s1  }
0x8c: {  	s17 =	sshll.u32 s0, $0xA;
	s2 =	sadd.s32 s3, s2  }
0x8d: {  	s2 =	sadd.s32 s2, s17  }
0x8e: {  	[smem:$0x3FC2] =	sst s2  }
0x8f: {  	_ = 	snop  }
0x90: {  	s2 =	sld [smem:$0x3FC9]  }
0x91: {  	s18 =	sld [smem:$0x3FC8]  }
0x92: {  	s4 =	sld [smem:$0x3FC7]  }
0x93: {  	s5 =	sld [smem:$0x3FC5]  }
0x94: {  	s6 =	sld [smem:$0x3FC4]  }
0x95: {  	s7 =	sld [smem:$0x3FD0];
	(tm) =	ssettm $0x1  }
0x96: {  	s8 =	sld [smem:$0x3FFB];
	_ =	sdelay $0x3  }
0x97: {  	_ =	strace s8  }
0x98: {  	s8 =	sld [smem:$0x3FFC];
	_ =	sdelay $0x3  }
0x99: {  	_ =	strace s8  }
0x9a: {  	s8 =	sld [smem:$0x3FFD];
	_ =	sdelay $0x3  }
0x9b: {  	_ =	strace s8  }
0x9c: {  	_ =	strace $0x8FFFFFFF  }
0x9d: {  	s19 =	sld [smem:$0x3FDB];
	_ =	sdelay $0x1  }
0x9e: {  	s9 =	simm.s32 $_scs_section_size  }
0x9f: {  	s10 =	simm.s32 $_size__tile_overlayer_lowered;
	s11 =	simm.s32 $_tile_overlayer_lowered  }
0xa0: {  	s22 =	simm.s32 $0x1BFF;
	s21 =	sshll.u32 s11, $0x1;
	s8 =	sadd.s32 s9, s19  }
0xa1: {  	s12 =	simm.s32 $0x0;
	s20 =	sshll.u32 s10, $0x1;
	s10 =	sadd.s32 s21, s8  }
0xa2: {  	[timem:s12], [sflag:s22] =	dma.local [hbm:s10], s20  }
0xa3: {  	_ =	swait.ge [sflag:s22], s20  }
0xa4: {  	s9 =	ssub.s32 $0x0, s20;
	[sflag:s22] =	ssyncset.done $0x0  }
0xa5: {  	[sflag:s22] =	ssyncadd.s32 s9;
	_ =	sdelay $0x1  }
0xa6: {  	s23 =	simm.s32 $0x1B8B  }
0xa7: {  	_ =	swait.ge [sflag:s23], $0x1  }
0xa8: {  	[sflag:s23] =	ssyncset.done $0x0  }
0xa9: {  	s25 =	simm.s32 $0x1B8E;
	s24 =	sld [smem:$0x3FFE];
	[sflag:s23] =	ssyncadd.s32 $0xFFFFFFFF  }
0xaa: {  	s26 =	simm.s32 $execute0_lowered;
	[smem:$0x3FD2] =	sst s25  }
0xab: {  	s10 =	sshll.u32 s26, $0x1;
	_ =	strace $0x80000046;
	[dreg:$0x1] =	wrdreg $0xFFFFFFFF  }
0xac: {  	s28 =	simm.s32 $_size_execute0_lowered;
	s8 =	sadd.s32 s8, s10;
	[dreg:$0x0] =	wrdreg $0x0  }
0xad: {  	s10 =	sshll.u32 s28, $0x1;
	[dreg:$0x2] =	wrdreg s8  }
0xae: {  	[dreg:$0x3] =	wrdreg s10  }
0xaf: {  	[dreg:$0x4] =	wrdreg $0xC0  }
0xb0: {  	_ =	task [dreg:s12], $0x5FFFF  }
0xb1: {  	[dreg:$0x1] =	wrdreg $0xFFFFFFFF  }
0xb2: {  	[dreg:$0x0] =	wrdreg $0x60  }
0xb3: {  	[dreg:$0x2] =	wrdreg s2  }
0xb4: {  	[dreg:$0x3] =	wrdreg s18  }
0xb5: {  	[dreg:$0x4] =	wrdreg s4  }
0xb6: {  	[dreg:$0x5] =	wrdreg s24  }
0xb7: {  	[dreg:$0x6] =	wrdreg s5  }
0xb8: {  	[dreg:$0x7] =	wrdreg s6  }
0xb9: {  	[dreg:$0x8] =	wrdreg s7  }
0xba: {  	[dreg:$0x9] =	wrdreg $0x9  }
0xbb: {  	_ =	task.clear_ibuf [dreg:s12], $0xAFFFF;
	_ =	strace $0x90000046  }
0xbc: {  	s29 =	simm.s32 $0x9;
	_ =	strace $0x80000048  }
0xbd: {  	_ =	swait.ge [sflag:s29], $0x1  }
0xbe: {  	[sflag:s29] =	ssyncadd.s32 $0xFFFFFFFF  }
0xbf: {  	_ =	strace $0x90000048  }
0xc0: {  	_ =	sfence  }
0xc1: {  	s30 =	sld [smem:$0x0];
	_ =	sdelay $0x2  }
0xc2: {  	s31 =	sshll.u32 s1, $0xD;
	s1 =	sshrl.u32 s1, $0x2  }
0xc3: {  	s3 =	sand.u32 $0x4000, s31;
	s1 =	sadd.s32 s1, s30  }
0xc4: {  	s0 =	sor.u32 s3, s0;
	s1 =	sshll.u32 s1, $0x11  }
0xc5: {  	s0 =	sor.u32 s1, s0  }
0xc6: {  	s0 =	sadd.s32 $0x8F2B, s0  }
0xc7: {  	[sflag:s0] =	ssyncadd.remote.s32 $0x1  }
0xc8: {  	_ =	sfence.sel $0xFFFF  }
0xc9: {  	[dreg:$0x0] =	wrdreg $0xFFFFFFFF;
	(pc) =	sbr.abs _section_cstart, $3  }
0xca: {  	[dreg:$0x1] =	wrdreg $0xFFFFFFFF  }
0xcb: {  	_ =	task.clear_ibuf [dreg:s12], $0x2FFFF;
	_ =	strace $0x9FFFFFFF  }
0xcc: {  	(tm) =	ssettm $0x7FFFFFFF  }
0xcd: {  	_ =	shalt  }
tec
execute0_lowered:
.L_overlay_start_1:
0x0: {  	(tag) =	ssettag $0x1  }
0x1: {  	v0 =	vimm.s32 $0xCBA98765;
	v1 =	vimm.s32 $0x43210000;
	v2 =	vimm.s32 $0xDCBA9876  }
0x2: {  	s1 =	rddreg [dreg:$0x0];
	v3 =	vimm.s32 $0x54321000;
	v4 =	vimm.s32 $0xEDCBA987;
	v5 =	vimm.s32 $0x65432100  }
0x3: {  	s0 =	srdreg.scid;
	s3 =	rddreg [dreg:$0x3];
	vm15 =	vcmask $0x300;
	v9 =	vimm.s32 $0x1F;
	v0 =	vunpack.c.l.s4.s8 v0  }
0x4: {  	s7 =	stileid.u32;
	s8 =	rddreg [dreg:$0x6];
	s9 =	simm.s32 $0x0;
	v1 =	vunpack.c.l.s4.s8 v1;
	v2 =	vunpack.c.l.s4.s8 v2;
	v3 =	vunpack.c.l.s4.s8 v3  }
0x5: {  	s15 =	simm.s32 $0xE000;
	s0 =	sand.u32 $0x1, s0;
	s2 =	sshll.u32 s7, $0x1;
	v4 =	vunpack.c.l.s4.s8 v4;
	v5 =	vunpack.c.l.s4.s8 v5;
	v0 =	vunpack.c.0.s8.s32 v0  }
0x6: {  	s17 =	simm.s32 $0x14000;
	s18 =	simm.s32 $0x14100;
	v9 =	vsel vm15, $0x1E, v9;
	s2 =	sor.u32 s0, s2;
	v1 =	vunpack.c.0.s8.s32 v1;
	v2 =	vunpack.c.0.s8.s32 v2  }
0x7: {  	s19 =	simm.s32 $0x14200;
	[smem:$0x7FF] =	sst s9;
	s4 =	smul.u32 $0xC, s2;
	v3 =	vunpack.c.0.s8.s32 v3;
	v4 =	vunpack.c.0.s8.s32 v4;
	v0 =	vand.u32 $0xF, v0  }
0x8: {  	s29 =	sshrl.u32 s7, $0x3;
	s7 =	smul.u32 $0x18, s7;
	_ =	strace $0x80000047;
	v0 =	vcombine.low v1, v0;
	v1 =	vand.u32 $0xF, v2;
	v2 =	vunpack.c.0.s8.s32 v5  }
0x9: {  	s6 =	ssub.s32 $0x2, s0;
	s0 =	smul.u32 $0xC, s0;
	[tilespmem:$0x1FFF0] =	vst v9;
	s5 =	sadd.s32 $0xFFFFFF40, s4;
	v1 =	vcombine.low v3, v1;
	v3 =	vand.u32 $0xF, v4  }
0xa: {  	s20 =	simm.s32 $0x14300;
	s2 =	smul.u32 $0xA80000, s29;
	s5 =	smin.u32 s4, s5;
	v2 =	vcombine.low v2, v3;
	[tilespmem:$0x1FF70] =	vst v0  }
0xb: {  	s22 =	simm.s32 $0x1;
	s3 =	sadd.s32 $0x400, s3;
	s5 =	smul.u32 $0xE000, s5;
	v4 =	vimm.s32 $0x1F1F1E1D;
	v3 =	vlaneseq.u32;
	[tilespmem:$0x1FF80] =	vst v1  }
0xc: {  	[dreg:$0x9] =	wrdreg s3;
	s30 =	sshrl.u32 s6, $0x1;
	s0 =	sadd.s32 s0, s7;
	v6 =	vunpack.c.0.s8.s32 v4;
	v4 =	vadd.s32 $0xD, v3;
	[tilespmem:$0x1FF90] =	vst v2  }
.Ltmp0:
0xd: {  	s2 =	sadd.s32 s2, s5;
	s5 =	ssub.s32 s6, s30;
	v5 =	vadd.s32 $0xE, v3;
	[tilespmem:$0x1FFA0] =	vst v4;
	(pc) =	sbr.rel .LBB2_1-.Ltmp0, $4  }
0xe: {  	[dreg:$0xc] =	wrdreg s0;
	v7 =	vadd.s32 $0xF, v3;
	s2 =	sshrl.u32 s2, $0x3;
	s31 =	smax.u32 s5, $0x1;
	[tilespmem:$0x1FFB0] =	vst v5  }
0xf: {  	vm0 =	vcmask $0xF00;
	s23 =	simm.s32 $0x7000;
	v8 =	vor.u32 $0x10, v3;
	[tilespmem:$0x1FFD0] =	vst v7;
	s2 =	sadd.s32 s1, s2;
	[dreg:$0xb] =	wrdreg s31  }
0x10: {  	s26 =	simm.s32 $0x2;
	v6 =	vnsel vm0, $0x1F, v6;
	[tilespmem:$0x1FFE0] =	vst v8;
	[dreg:$0x8] =	wrdreg s2;
	s2 =	sadd.s32 $0x700, s2  }
0x11: {  	s28 =	simm.s32 $0xA800;
	s3 =	simm.s32 $0x0;
	[tilespmem:$0x1FFC0] =	vst v6;
	[dreg:$0xa] =	wrdreg s2  }
.LBB2_12:
0x12: {  	s0 =	simm.s32 $0x3  }
0x13: {  	_ =	swait.ge [sflag:s0], $0x3800  }
0x14: {  	[sflag:s0] =	ssyncset.done $0x0  }
0x15: {  	s2 =	simm.s32 $0x4;
	[sflag:s0] =	ssyncadd.s32 $0xFFFFC800  }
0x16: {  	_ =	swait.ge [sflag:s2], $0x3800  }
0x17: {  	s3 =	rddreg [dreg:$0xd]  }
0x18: {  	s31 =	rddreg [dreg:$0xb];
	s3 =	sadd.s32 $0x1, s3  }
0x19: {  	p0 =	sne.s32 s3, s31  }
.Ltmp1:
0x1a: {  	_ = 	snop;
	(pc) =	sbr.rel @!p0 .LBB2_13-.Ltmp1, $3  }
0x1b: {  	_ =	sdelay $0x1  }
0x1c: {  	[sflag:s2] =	ssyncset.done $0x0  }
0x1d: {  	[sflag:s2] =	ssyncadd.s32 $0xFFFFC800  }
.LBB2_1:
0x1e: {  	[dreg:$0xd] =	wrdreg s3  }
0x1f: {  	s0 =	rddreg [dreg:$0x9];
	s14 =	simm.s32 $0x5  }
0x20: {  	[tilespmem:s15], [sflag:$0x5] =	stream.linear.gather [hbm4b:s0+s9], $0x6000, $0x38;
	[tilespmem:$0x14E00] =	vst v63  }
0x21: {  	_ =	swait.ge [sflag:s14], $0x6000  }
0x22: {  	[sflag:s14] =	ssyncset.done $0x0  }
0x23: {  	[sflag:s14] =	ssyncadd.s32 $0xFFFFA000  }
0x24: {  	s16 =	rddreg [dreg:$0x1]  }
0x25: {  	[tilespmem:s17], [sflag:$0x5] =	stream.linear.gather [hbm4b:s16+s9], $0x100, $0x38;
	[tilespmem:$0x14E00] =	vst v63  }
0x26: {  	_ =	swait.ge [sflag:s14], $0x100  }
0x27: {  	[sflag:s14] =	ssyncset.done $0x0  }
0x28: {  	s5 =	rddreg [dreg:$0xc];
	[sflag:s14] =	ssyncadd.s32 $0xFFFFFF00  }
0x29: {  	s21 =	rddreg [dreg:$0x2]  }
0x2a: {  	[tilespmem:s18], [sflag:$0x5] =	stream.linear.gather [hbm4b:s21+s9], $0x100, $0x38;
	[tilespmem:$0x14E00] =	vst v63  }
0x2b: {  	s24 =	smulhi.u32 $0xAAAAAAAB, s5;
	_ =	swait.ge [sflag:s14], $0x100  }
0x2c: {  	[sflag:s14] =	ssyncset.done $0x0  }
0x2d: {  	s0 =	sshrl.u32 s24, $0x7;
	[sflag:s14] =	ssyncadd.s32 $0xFFFFFF00  }
0x2e: {  	s0 =	smul.u32 $0xC0, s0;
	s2 =	rddreg [dreg:$0x4]  }
0x2f: {  	[tilespmem:s19], [sflag:$0x5] =	stream.linear.gather [hbm4b:s2+s9], $0x100, $0x38;
	[tilespmem:$0x14E00] =	vst v63  }
0x30: {  	s0 =	ssub.s32 s5, s0;
	_ =	swait.ge [sflag:s14], $0x100  }
0x31: {  	v10 =	vmov s0;
	[sflag:s14] =	ssyncset.done $0x0  }
0x32: {  	v13 =	vshll.u32 v10, $0x7;
	[sflag:s14] =	ssyncadd.s32 $0xFFFFFF00  }
0x33: {  	v11 =	vor.u32 v1, v13;
	s25 =	rddreg [dreg:$0x5]  }
0x34: {  	v12 =	vor.u32 v0, v13;
	[tilespmem:s20], [sflag:$0x5] =	stream.linear.gather [hbm4b:s25+s9], $0x100, $0x38;
	[tilespmem:$0x14E00] =	vst v63  }
0x35: {  	_ =	swait.ge [sflag:s14], $0x100  }
0x36: {  	v14 =	vor.u32 v2, v13;
	[sflag:s14] =	ssyncset.done $0x0  }
0x37: {  	[sflag:s14] =	ssyncadd.s32 $0xFFFFFF00  }
0x38: {  	v11 =	vld.idx.msk [tilespmem:v11+s15+$0x0], $0xffff  }
0x39: {  	v12 =	vld.idx.msk [tilespmem:v12+s15+$0x0], $0xffff  }
0x3a: {  	v15 =	vor.u32 v3, v13  }
0x3b: {  	v14 =	vld.idx.msk [tilespmem:v14+s15+$0x0], $0xffff;
	_ =	sdelay $0x1  }
0x3c: {  	v16 =	vmul.f32 $4.000000000e+00, v11  }
0x3d: {  	v17 =	vsub.f32 $0.0e+00, v12;
	v18 =	vmul.f32 $3.000000000e+00, v11;
	v19 =	vadd.f32 v11, v11  }
0x3e: {  	v15 =	vld.idx.msk [tilespmem:v15+s15+$0x0], $0xffff;
	v16 =	vadd.f32 v16, v12  }
0x3f: {  	v11 =	vld.idx.msk [tilespmem:v10+s20+$0x0], $0xffff;
	v10 =	vadd.f32 v18, v17;
	v17 =	vmul.f32 $3.000000000e+00, v14;
	v18 =	vsub.f32 v12, v19  }
0x40: {  	v12 =	vsub.f32 v14, v12;
	v16 =	vadd.f32 v16, v14  }
0x41: {  	v10 =	vsub.f32 v10, v17;
	v14 =	vadd.f32 v18, v14  }
0x42: {  	v12 =	vmul.f32 $5.000000000e-01, v12;
	v16 =	vmul.f32 $1.666666720e-01, v16  }
0x43: {  	s3 =	simm.s32 $0x0;
	v10 =	vadd.f32 v10, v15;
	v14 =	vmul.f32 $5.000000000e-01, v14;
	v15 =	vor.u32 v5, v13  }
0x44: {  	[tilespmem:s3+$0x14680] =	vst v12;
	v16 =	vadd.f32 v16, v11  }
0x45: {  	v17 =	vor.u32 v4, v13;
	v10 =	vmul.f32 $1.666666720e-01, v10;
	[tilespmem:s3+$0x14900] =	vst v14  }
0x46: {  	[tilespmem:s3+$0x14400] =	vst v16  }
0x47: {  	v12 =	vor.u32 v7, v13;
	[tilespmem:s3+$0x14B80] =	vst v10  }
0x48: {  	v10 =	vld.idx.msk [tilespmem:v15+s15+$0x0], $0xffff;
	_ =	sdelay $0x1  }
0x49: {  	v14 =	vld.idx.msk [tilespmem:v17+s15+$0x0], $0xffff;
	_ =	sdelay $0x1  }
0x4a: {  	v15 =	vor.u32 v8, v13;
	v12 =	vld.idx.msk [tilespmem:v12+s15+$0x0], $0xffff  }
0x4b: {  	v16 =	vmul.f32 $4.000000000e+00, v10;
	_ =	sdelay $0x1  }
0x4c: {  	v16 =	vadd.f32 v16, v14  }
0x4d: {  	s29 =	sadd.s32 $0x1, s5;
	v17 =	vsub.f32 $0.0e+00, v14;
	v18 =	vadd.f32 v10, v10;
	v10 =	vmul.f32 $3.000000000e+00, v10  }
0x4e: {  	s30 =	smulhi.u32 $0xAAAAAAAB, s29;
	v15 =	vld.idx.msk [tilespmem:v15+s15+$0x0], $0xffff;
	v16 =	vadd.f32 v16, v12  }
0x4f: {  	s5 =	sadd.s32 $0x1, s29;
	v10 =	vadd.f32 v10, v17;
	v17 =	vmul.f32 $3.000000000e+00, v12  }
0x50: {  	s6 =	smulhi.u32 $0xAAAAAAAB, s5;
	s2 =	sshrl.u32 s30, $0x7;
	v18 =	vsub.f32 v14, v18;
	v16 =	vmul.f32 $1.666666720e-01, v16  }
0x51: {  	s2 =	smul.u32 $0xC0, s2;
	v14 =	vsub.f32 v12, v14;
	v10 =	vsub.f32 v10, v17  }
0x52: {  	v17 =	vadd.f32 v18, v12;
	v19 =	vadd.f32 v16, v11  }
0x53: {  	s31 =	sshrl.u32 s6, $0x7;
	s0 =	ssub.s32 s29, s2;
	v14 =	vmul.f32 $5.000000000e-01, v14;
	v18 =	vor.u32 v9, v13;
	v15 =	vadd.f32 v10, v15  }
0x54: {  	v12 =	vmov s0;
	s0 =	smul.u32 $0xC0, s31;
	v17 =	vmul.f32 $5.000000000e-01, v17;
	[tilespmem:s3+$0x14410] =	vst v19;
	v19 =	vor.u32 v6, v13  }
0x55: {  	v10 =	vshll.u32 v12, $0x7;
	[tilespmem:s3+$0x14690] =	vst v14;
	v21 =	vmul.f32 $1.666666720e-01, v15  }
0x56: {  	v20 =	vor.u32 $0x1F, v13;
	s7 =	ssub.s32 s5, s0;
	v14 =	vor.u32 v0, v10;
	[tilespmem:s3+$0x14910] =	vst v17  }
0x57: {  	s6 =	simm.s32 $0x240;
	s2 =	simm.s32 $0xC0;
	s0 =	simm.s32 $0x180;
	v16 =	vor.u32 v1, v10;
	v15 =	vor.u32 v2, v10;
	v13 =	vmov s7;
	[tilespmem:s3+$0x14B90] =	vst v21  }
.LBB2_2:
0x58: {  	p0 =	sne.s32 s6, $0x840;
	v17 =	vshll.u32 v13, $0x7;
	v18 =	vld.idx.msk [tilespmem:v18+s15+$0x0], $0xffff;
	s7 =	smov.u32 s6;
	s6 =	sadd.s32 $0xC0, s6  }
0x59: {  	v21 =	vor.u32 v0, v17;
	v22 =	vor.u32 v1, v17;
	v19 =	vld.idx.msk [tilespmem:v19+s15+$0x0], $0xffff;
	_ =	sdelay $0x1  }
0x5a: {  	v20 =	vld.idx.msk [tilespmem:v20+s15+$0x0], $0xffff;
	_ =	sdelay $0x1  }
0x5b: {  	v23 =	vor.u32 v2, v17  }
0x5c: {  	v24 =	vmul.f32 $4.000000000e+00, v18;
	v25 =	vadd.f32 v18, v18;
	v18 =	vmul.f32 $3.000000000e+00, v18  }
0x5d: {  	v26 =	vsub.f32 $0.0e+00, v19  }
0x5e: {  	v24 =	vadd.f32 v24, v19;
	v25 =	vsub.f32 v19, v25  }
0x5f: {  	v19 =	vsub.f32 v20, v19;
	v18 =	vadd.f32 v18, v26;
	v26 =	vmul.f32 $3.000000000e+00, v20  }
0x60: {  	v24 =	vadd.f32 v24, v20;
	v25 =	vadd.f32 v25, v20  }
0x61: {  	v19 =	vmul.f32 $5.000000000e-01, v19;
	v18 =	vsub.f32 v18, v26  }
0x62: {  	v24 =	vmul.f32 $1.666666720e-01, v24;
	v25 =	vmul.f32 $5.000000000e-01, v25  }
0x63: {  	v18 =	vadd.f32 v18, v20;
	[tilespmem:s3+$0x146A0] =	vst v19  }
0x64: {  	v11 =	vadd.f32 v24, v11;
	[tilespmem:s3+$0x14920] =	vst v25  }
0x65: {  	v18 =	vmul.f32 $1.666666720e-01, v18  }
0x66: {  	[tilespmem:s3+$0x14420] =	vst v11  }
0x67: {  	[tilespmem:s3+$0x14BA0] =	vst v18  }
0x68: {  	v18 =	vld.idx.msk [tilespmem:v14+s15+$0x0], $0xffff;
	v14 =	vmov v21  }
0x69: {  	v11 =	vld.idx.msk [tilespmem:v16+s15+$0x0], $0xffff;
	v16 =	vmov v22  }
0x6a: {  	v19 =	vor.u32 v3, v10  }
0x6b: {  	v20 =	vld.idx.msk [tilespmem:v15+s15+$0x0], $0xffff;
	v15 =	vmov v23;
	_ =	sdelay $0x3  }
0x6c: {  	v22 =	vsub.f32 $0.0e+00, v18;
	v21 =	vmul.f32 $4.000000000e+00, v11;
	v23 =	vmul.f32 $3.000000000e+00, v11;
	v19 =	vld.idx.msk [tilespmem:v19+s15+$0x0], $0xffff  }
0x6d: {  	v24 =	vadd.f32 v11, v11  }
0x6e: {  	v21 =	vadd.f32 v21, v18;
	v22 =	vadd.f32 v23, v22;
	v23 =	vmul.f32 $3.000000000e+00, v20;
	v11 =	vld.idx.msk [tilespmem:v12+s20+$0x0], $0xffff;
	v12 =	vmovc v13  }
0x6f: {  	v13 =	vsub.f32 v20, v18;
	v18 =	vsub.f32 v18, v24  }
0x70: {  	v21 =	vadd.f32 v21, v20;
	v22 =	vsub.f32 v22, v23  }
0x71: {  	v13 =	vmul.f32 $5.000000000e-01, v13;
	v18 =	vadd.f32 v18, v20  }
0x72: {  	v20 =	vmul.f32 $1.666666720e-01, v21;
	v19 =	vadd.f32 v22, v19  }
0x73: {  	s3 =	sshra.s32 s2, $0x2;
	s2 =	smov.u32 s0;
	s0 =	smov.u32 s7;
	v21 =	vor.u32 v4, v10;
	v18 =	vmul.f32 $5.000000000e-01, v18  }
0x74: {  	v20 =	vadd.f32 v20, v11;
	[tilespmem:s3+$0x14680] =	vst v13;
	v13 =	vmul.f32 $1.666666720e-01, v19;
	v19 =	vor.u32 v5, v10  }
0x75: {  	[tilespmem:s3+$0x14900] =	vst v18  }
0x76: {  	v18 =	vor.u32 v7, v10;
	[tilespmem:s3+$0x14400] =	vst v20  }
0x77: {  	[tilespmem:s3+$0x14B80] =	vst v13  }
0x78: {  	v13 =	vld.idx.msk [tilespmem:v21+s15+$0x0], $0xffff  }
0x79: {  	v19 =	vld.idx.msk [tilespmem:v19+s15+$0x0], $0xffff  }
0x7a: {  	v20 =	vor.u32 v8, v10  }
0x7b: {  	v18 =	vld.idx.msk [tilespmem:v18+s15+$0x0], $0xffff;
	_ =	sdelay $0x2  }
0x7c: {  	v21 =	vsub.f32 $0.0e+00, v13  }
0x7d: {  	v22 =	vmul.f32 $4.000000000e+00, v19;
	v23 =	vadd.f32 v19, v19;
	v19 =	vmul.f32 $3.000000000e+00, v19;
	v20 =	vld.idx.msk [tilespmem:v20+s15+$0x0], $0xffff;
	_ =	sdelay $0x1  }
0x7e: {  	v22 =	vadd.f32 v22, v13;
	v19 =	vadd.f32 v19, v21;
	v21 =	vmul.f32 $3.000000000e+00, v18  }
0x7f: {  	v24 =	vsub.f32 v18, v13;
	v13 =	vsub.f32 v13, v23  }
0x80: {  	s5 =	sadd.s32 $0x1, s5;
	v22 =	vadd.f32 v22, v18;
	v19 =	vsub.f32 v19, v21  }
0x81: {  	s7 =	smulhi.u32 $0xAAAAAAAB, s5;
	v21 =	vmul.f32 $5.000000000e-01, v24;
	v13 =	vadd.f32 v13, v18  }
0x82: {  	v22 =	vmul.f32 $1.666666720e-01, v22;
	v19 =	vadd.f32 v19, v20  }
.Ltmp2:
0x83: {  	s7 =	sshrl.u32 s7, $0x7;
	v18 =	vor.u32 v9, v10;
	v13 =	vmul.f32 $5.000000000e-01, v13;
	[tilespmem:s3+$0x14690] =	vst v21;
	(pc) =	sbr.rel @p0 .LBB2_2-.Ltmp2, $4  }
0x84: {  	s7 =	smul.u32 $0xC0, s7;
	v20 =	vadd.f32 v22, v11;
	v21 =	vmul.f32 $1.666666720e-01, v19;
	v19 =	vor.u32 v6, v10  }
0x85: {  	[tilespmem:s3+$0x14910] =	vst v13  }
0x86: {  	s7 =	ssub.s32 s5, s7;
	[tilespmem:s3+$0x14410] =	vst v20;
	v20 =	vor.u32 $0x1F, v10;
	v10 =	vmov v17  }
0x87: {  	v13 =	vmov s7;
	[tilespmem:s3+$0x14B90] =	vst v21  }
0x88: {  	_ =	sdelay $0x3  }
0x89: {  	v17 =	vld.idx.msk [tilespmem:v18+s15+$0x0], $0xffff  }
0x8a: {  	v58 =	vld.idx.msk [tilespmem:v19+s15+$0x0], $0xffff;
	_ =	sdelay $0x1  }
0x8b: {  	v59 =	vld.idx.msk [tilespmem:v20+s15+$0x0], $0xffff;
	_ =	sdelay $0x1  }
0x8c: {  	v60 =	vmul.f32 $4.000000000e+00, v17  }
0x8d: {  	v21 =	vadd.f32 v17, v17;
	v17 =	vmul.f32 $3.000000000e+00, v17;
	v22 =	vsub.f32 $0.0e+00, v58  }
0x8e: {  	v20 =	vadd.f32 v60, v58  }
0x8f: {  	v61 =	vmul.f32 $3.000000000e+00, v59;
	v21 =	vsub.f32 v58, v21;
	v17 =	vadd.f32 v17, v22  }
0x90: {  	v18 =	vsub.f32 v59, v58;
	v20 =	vadd.f32 v20, v59  }
0x91: {  	v21 =	vadd.f32 v21, v59;
	v17 =	vsub.f32 v17, v61  }
0x92: {  	v18 =	vmul.f32 $5.000000000e-01, v18;
	v20 =	vmul.f32 $1.666666720e-01, v20  }
0x93: {  	v21 =	vmul.f32 $5.000000000e-01, v21;
	v17 =	vadd.f32 v17, v59  }
0x94: {  	[tilespmem:s3+$0x146A0] =	vst v18;
	v11 =	vadd.f32 v20, v11  }
0x95: {  	[tilespmem:s3+$0x14920] =	vst v21;
	v17 =	vmul.f32 $1.666666720e-01, v17  }
0x96: {  	[tilespmem:s3+$0x14420] =	vst v11  }
0x97: {  	[tilespmem:s3+$0x14BA0] =	vst v17  }
0x98: {  	v11 =	vld.idx.msk [tilespmem:v16+s15+$0x0], $0xffff  }
0x99: {  	v14 =	vld.idx.msk [tilespmem:v14+s15+$0x0], $0xffff  }
0x9a: {  	v62 =	vor.u32 v3, v10  }
0x9b: {  	v15 =	vld.idx.msk [tilespmem:v15+s15+$0x0], $0xffff;
	_ =	sdelay $0x1  }
0x9c: {  	v63 =	vmul.f32 $4.000000000e+00, v11  }
0x9d: {  	v21 =	vsub.f32 $0.0e+00, v14;
	v22 =	vmul.f32 $3.000000000e+00, v11;
	v11 =	vadd.f32 v11, v11  }
0x9e: {  	v16 =	vld.idx.msk [tilespmem:v62+s15+$0x0], $0xffff;
	v17 =	vadd.f32 v63, v14  }
0x9f: {  	v12 =	vld.idx.msk [tilespmem:v12+s20+$0x0], $0xffff;
	v23 =	vmul.f32 $3.000000000e+00, v15;
	v18 =	vadd.f32 v22, v21;
	v11 =	vsub.f32 v14, v11  }
0xa0: {  	v14 =	vsub.f32 v15, v14;
	v17 =	vadd.f32 v17, v15  }
0xa1: {  	v18 =	vsub.f32 v18, v23;
	v11 =	vadd.f32 v11, v15  }
0xa2: {  	v14 =	vmul.f32 $5.000000000e-01, v14;
	v24 =	vmul.f32 $1.666666720e-01, v17  }
0xa3: {  	s2 =	sshra.s32 s2, $0x2;
	v25 =	vor.u32 v5, v10;
	v16 =	vadd.f32 v18, v16;
	v11 =	vmul.f32 $5.000000000e-01, v11  }
0xa4: {  	v26 =	vor.u32 v4, v10;
	[tilespmem:s2+$0x14680] =	vst v14;
	v15 =	vadd.f32 v24, v12  }
0xa5: {  	v27 =	vmul.f32 $1.666666720e-01, v16;
	[tilespmem:s2+$0x14900] =	vst v11  }
0xa6: {  	v28 =	vor.u32 v7, v10;
	[tilespmem:s2+$0x14400] =	vst v15  }
0xa7: {  	[tilespmem:s2+$0x14B80] =	vst v27  }
0xa8: {  	v14 =	vld.idx.msk [tilespmem:v25+s15+$0x0], $0xffff  }
0xa9: {  	v15 =	vld.idx.msk [tilespmem:v26+s15+$0x0], $0xffff  }
0xaa: {  	v29 =	vor.u32 v8, v10  }
0xab: {  	v11 =	vld.idx.msk [tilespmem:v28+s15+$0x0], $0xffff;
	_ =	sdelay $0x1  }
0xac: {  	v17 =	vmul.f32 $4.000000000e+00, v14  }
0xad: {  	v18 =	vsub.f32 $0.0e+00, v15;
	v30 =	vadd.f32 v14, v14;
	v14 =	vmul.f32 $3.000000000e+00, v14  }
0xae: {  	v16 =	vld.idx.msk [tilespmem:v29+s15+$0x0], $0xffff;
	v17 =	vadd.f32 v17, v15  }
0xaf: {  	v31 =	vmul.f32 $3.000000000e+00, v11;
	v14 =	vadd.f32 v14, v18;
	v19 =	vsub.f32 v15, v30  }
0xb0: {  	v15 =	vsub.f32 v11, v15;
	v17 =	vadd.f32 v17, v11  }
0xb1: {  	v14 =	vsub.f32 v14, v31;
	v11 =	vadd.f32 v19, v11  }
0xb2: {  	v15 =	vmul.f32 $5.000000000e-01, v15;
	v17 =	vmul.f32 $1.666666720e-01, v17  }
0xb3: {  	v32 =	vor.u32 v9, v10;
	v14 =	vadd.f32 v14, v16;
	v11 =	vmul.f32 $5.000000000e-01, v11  }
0xb4: {  	v34 =	vor.u32 v6, v10;
	[tilespmem:s2+$0x14690] =	vst v15;
	v33 =	vadd.f32 v17, v12  }
0xb5: {  	v14 =	vmul.f32 $1.666666720e-01, v14;
	[tilespmem:s2+$0x14910] =	vst v11  }
0xb6: {  	v35 =	vor.u32 $0x1F, v10;
	[tilespmem:s2+$0x14410] =	vst v33  }
0xb7: {  	[tilespmem:s2+$0x14B90] =	vst v14  }
0xb8: {  	v11 =	vld.idx.msk [tilespmem:v32+s15+$0x0], $0xffff  }
0xb9: {  	v14 =	vld.idx.msk [tilespmem:v34+s15+$0x0], $0xffff;
	_ =	sdelay $0x1  }
0xba: {  	v10 =	vld.idx.msk [tilespmem:v35+s15+$0x0], $0xffff;
	_ =	sdelay $0x1  }
0xbb: {  	v36 =	vmul.f32 $4.000000000e+00, v11  }
0xbc: {  	v16 =	vadd.f32 v11, v11;
	v11 =	vmul.f32 $3.000000000e+00, v11;
	v17 =	vsub.f32 $0.0e+00, v14  }
0xbd: {  	v15 =	vadd.f32 v36, v14  }
0xbe: {  	v37 =	vmul.f32 $3.000000000e+00, v10;
	v16 =	vsub.f32 v14, v16;
	v11 =	vadd.f32 v11, v17  }
0xbf: {  	v14 =	vsub.f32 v10, v14;
	v15 =	vadd.f32 v15, v10  }
0xc0: {  	v16 =	vadd.f32 v16, v10;
	v11 =	vsub.f32 v11, v37  }
0xc1: {  	v38 =	vshll.u32 v13, $0x7;
	v14 =	vmul.f32 $5.000000000e-01, v14;
	v15 =	vmul.f32 $1.666666720e-01, v15  }
0xc2: {  	v39 =	vor.u32 v1, v38;
	v16 =	vmul.f32 $5.000000000e-01, v16;
	v10 =	vadd.f32 v11, v10  }
0xc3: {  	v40 =	vor.u32 v0, v38;
	[tilespmem:s2+$0x146A0] =	vst v14;
	v12 =	vadd.f32 v15, v12  }
0xc4: {  	[tilespmem:s2+$0x14920] =	vst v16;
	v10 =	vmul.f32 $1.666666720e-01, v10  }
0xc5: {  	v41 =	vor.u32 v2, v38;
	[tilespmem:s2+$0x14420] =	vst v12  }
0xc6: {  	[tilespmem:s2+$0x14BA0] =	vst v10  }
0xc7: {  	v10 =	vld.idx.msk [tilespmem:v39+s15+$0x0], $0xffff  }
0xc8: {  	v11 =	vld.idx.msk [tilespmem:v40+s15+$0x0], $0xffff  }
0xc9: {  	v42 =	vor.u32 v3, v38  }
0xca: {  	v14 =	vld.idx.msk [tilespmem:v41+s15+$0x0], $0xffff;
	_ =	sdelay $0x1  }
0xcb: {  	v43 =	vmul.f32 $4.000000000e+00, v10  }
0xcc: {  	v44 =	vsub.f32 $0.0e+00, v11;
	v18 =	vmul.f32 $3.000000000e+00, v10;
	v10 =	vadd.f32 v10, v10  }
0xcd: {  	v12 =	vld.idx.msk [tilespmem:v42+s15+$0x0], $0xffff;
	v15 =	vadd.f32 v43, v11  }
0xce: {  	v45 =	vld.idx.msk [tilespmem:v13+s20+$0x0], $0xffff;
	v46 =	vmul.f32 $3.000000000e+00, v14;
	v16 =	vadd.f32 v18, v44;
	v10 =	vsub.f32 v11, v10  }
0xcf: {  	v11 =	vsub.f32 v14, v11;
	v15 =	vadd.f32 v15, v14  }
0xd0: {  	v16 =	vsub.f32 v16, v46;
	v10 =	vadd.f32 v10, v14  }
0xd1: {  	v11 =	vmul.f32 $5.000000000e-01, v11;
	v47 =	vmul.f32 $1.666666720e-01, v15  }
0xd2: {  	s0 =	sshra.s32 s0, $0x2;
	v48 =	vor.u32 v5, v38;
	v12 =	vadd.f32 v16, v12;
	v10 =	vmul.f32 $5.000000000e-01, v10  }
0xd3: {  	v49 =	vor.u32 v4, v38;
	[tilespmem:s0+$0x14680] =	vst v11;
	v14 =	vadd.f32 v47, v45  }
0xd4: {  	v50 =	vmul.f32 $1.666666720e-01, v12;
	[tilespmem:s0+$0x14900] =	vst v10  }
0xd5: {  	v51 =	vor.u32 v7, v38;
	[tilespmem:s0+$0x14400] =	vst v14  }
0xd6: {  	[tilespmem:s0+$0x14B80] =	vst v50  }
0xd7: {  	v11 =	vld.idx.msk [tilespmem:v48+s15+$0x0], $0xffff  }
0xd8: {  	v52 =	vld.idx.msk [tilespmem:v49+s15+$0x0], $0xffff  }
0xd9: {  	v53 =	vor.u32 v8, v38  }
0xda: {  	v10 =	vld.idx.msk [tilespmem:v51+s15+$0x0], $0xffff;
	_ =	sdelay $0x1  }
0xdb: {  	v15 =	vmul.f32 $4.000000000e+00, v11  }
0xdc: {  	v16 =	vsub.f32 $0.0e+00, v52;
	v54 =	vadd.f32 v11, v11;
	v11 =	vmul.f32 $3.000000000e+00, v11  }
0xdd: {  	v14 =	vld.idx.msk [tilespmem:v53+s15+$0x0], $0xffff;
	v15 =	vadd.f32 v15, v52  }
0xde: {  	v55 =	vmul.f32 $3.000000000e+00, v10;
	v11 =	vadd.f32 v11, v16;
	v18 =	vsub.f32 v52, v54  }
0xdf: {  	v12 =	vsub.f32 v10, v52;
	v15 =	vadd.f32 v15, v10  }
0xe0: {  	v11 =	vsub.f32 v11, v55;
	v10 =	vadd.f32 v18, v10  }
0xe1: {  	v12 =	vmul.f32 $5.000000000e-01, v12;
	v15 =	vmul.f32 $1.666666720e-01, v15  }
0xe2: {  	v56 =	vor.u32 v9, v38;
	v11 =	vadd.f32 v11, v14;
	v10 =	vmul.f32 $5.000000000e-01, v10  }
0xe3: {  	v58 =	vor.u32 v6, v38;
	[tilespmem:s0+$0x14690] =	vst v12;
	v57 =	vadd.f32 v15, v45  }
0xe4: {  	v11 =	vmul.f32 $1.666666720e-01, v11;
	[tilespmem:s0+$0x14910] =	vst v10  }
0xe5: {  	v59 =	vor.u32 $0x1F, v38;
	[tilespmem:s0+$0x14410] =	vst v57  }
0xe6: {  	[tilespmem:s0+$0x14B90] =	vst v11  }
0xe7: {  	v11 =	vld.idx.msk [tilespmem:v56+s15+$0x0], $0xffff  }
0xe8: {  	v12 =	vld.idx.msk [tilespmem:v58+s15+$0x0], $0xffff;
	_ =	sdelay $0x1  }
0xe9: {  	v10 =	vld.idx.msk [tilespmem:v59+s15+$0x0], $0xffff;
	_ =	sdelay $0x1  }
0xea: {  	v14 =	vmul.f32 $4.000000000e+00, v11  }
0xeb: {  	v60 =	vadd.f32 v11, v11;
	v11 =	vmul.f32 $3.000000000e+00, v11;
	v61 =	vsub.f32 $0.0e+00, v12  }
0xec: {  	v14 =	vadd.f32 v14, v12  }
0xed: {  	v62 =	vmul.f32 $3.000000000e+00, v10;
	v15 =	vsub.f32 v12, v60;
	v11 =	vadd.f32 v11, v61  }
0xee: {  	v12 =	vsub.f32 v10, v12;
	v14 =	vadd.f32 v14, v10  }
0xef: {  	v15 =	vadd.f32 v15, v10;
	v11 =	vsub.f32 v11, v62  }
0xf0: {  	v12 =	vmul.f32 $5.000000000e-01, v12;
	v14 =	vmul.f32 $1.666666720e-01, v14  }
0xf1: {  	v15 =	vmul.f32 $5.000000000e-01, v15;
	v10 =	vadd.f32 v11, v10  }
0xf2: {  	[tilespmem:s0+$0x146A0] =	vst v12;
	v63 =	vadd.f32 v14, v45  }
0xf3: {  	[tilespmem:s0+$0x14920] =	vst v15;
	v10 =	vmul.f32 $1.666666720e-01, v10  }
.Ltmp3:
0xf4: {  	[tilespmem:s0+$0x14420] =	vst v63;
	(pc) =	sbr.rel .LBB2_4-.Ltmp3, $4  }
0xf5: {  	s30 =	simm.s32 $0x0;
	s25 =	rddreg [dreg:$0x8];
	[tilespmem:s0+$0x14BA0] =	vst v10  }
0xf6: {  	[tilespmem:s30], [sflag:$0x1] =	stream.linear.gather [hbm4b:s25+s30], $0x3800, $0x38;
	[tilespmem:$0x14E00] =	vst v63  }
0xf7: {  	s29 =	rddreg [dreg:$0xa];
	s31 =	simm.s32 $0x3800  }
0xf8: {  	[tilespmem:s31], [sflag:$0x2] =	stream.linear.gather [hbm4b:s29+s30], $0x3800, $0x38;
	[tilespmem:$0x14E00] =	vst v63  }
.LBB2_10:
0xf9: {  	_ =	sdelay $0x3  }
0xfa: {  	v0 =	vld.idx.msk [tilespmem:v39+s6+$0x0], $0xffff;
	_ =	sdelay $0x2  }
0xfb: {  	v1 =	vmul.f32 v37, v61  }
0xfc: {  	v2 =	vld.idx.msk [tilespmem:v39+s5+$0x0], $0xffff;
	v3 =	vmul.f32 v62, v58;
	v9 =	vtrunc.f32 v59  }
0xfd: {  	v0 =	vadd.f32 v1, v0;
	v1 =	vcvt.f32.s32 v9  }
0xfe: {  	v4 =	vmul.f32 v49, v10;
	v3 =	vadd.f32 v3, v60  }
0xff: {  	v0 =	vmul.f32 v0, v37  }
0x100: {  	v5 =	vld.idx.msk [tilespmem:v39+s3+$0x0], $0xffff;
	v3 =	vadd.f32 v3, v4  }
0x101: {  	v0 =	vadd.f32 v0, v2  }
0x102: {  	[tilespmem:s10+$0xAC10] =	vst v3  }
0x103: {  	v0 =	vmul.f32 v0, v37;
	v13 =	vld.idx.msk [tilespmem:v1+s21+$0x0], $0xffff  }
0x104: {  	v22 =	vld [tilespmem:s10+$0x3C30];
	v15 =	vcvt.s32.f32 v1  }
0x105: {  	v21 =	vld.idx.msk [tilespmem:v1+s6+$0x0], $0xffff;
	v0 =	vadd.f32 v0, v5  }
0x106: {  	v3 =	vsub.f32 v59, v15  }
0x107: {  	v0 =	vadd.f32 v0, v45  }
0x108: {  	v2 =	vmul.f32 v3, v13  }
0x109: {  	v6 =	vld.idx.msk [tilespmem:v1+s5+$0x0], $0xffff;
	[tilespmem:s10+$0xA820] =	vst v0  }
0x10a: {  	v37 =	vmul.f32 v22, v12;
	v0 =	vld.idx.msk [tilespmem:v31+s21+$0x0], $0xffff;
	v2 =	vadd.f32 v2, v21;
	_ =	sdelay $0x1  }
0x10b: {  	v4 =	vadd.f32 v37, v11;
	v7 =	vld.idx.msk [tilespmem:v31+s6+$0x0], $0xffff;
	v2 =	vmul.f32 v2, v3  }
0x10c: {  	v1 =	vld.idx.msk [tilespmem:v1+s3+$0x0], $0xffff  }
0x10d: {  	v4 =	vmax.f32 v4, $0.0e+00;
	v2 =	vadd.f32 v2, v6  }
0x10e: {  	v4 =	vmin.f32 v4, $3.500000000e+01;
	v0 =	vmul.f32 v34, v0  }
0x10f: {  	v45 =	vtrunc.f32 v4;
	v39 =	vld.idx.msk [tilespmem:v31+s5+$0x0], $0xffff;
	v2 =	vmul.f32 v2, v3  }
0x110: {  	v3 =	vcvt.f32.s32 v45;
	v0 =	vadd.f32 v0, v7  }
0x111: {  	v49 =	vmul.f32 v50, v10;
	v1 =	vadd.f32 v2, v1  }
0x112: {  	v0 =	vmul.f32 v0, v34  }
0x113: {  	v50 =	vld.idx.msk [tilespmem:v31+s3+$0x0], $0xffff;
	v1 =	vadd.f32 v1, v49  }
0x114: {  	v0 =	vadd.f32 v0, v39  }
0x115: {  	[tilespmem:s10+$0xAC20] =	vst v1  }
0x116: {  	v0 =	vmul.f32 v0, v34;
	v1 =	vld.idx.msk [tilespmem:v3+s21+$0x0], $0xffff  }
0x117: {  	v58 =	vld [tilespmem:s10+$0x3C40];
	v59 =	vcvt.s32.f32 v3  }
0x118: {  	v60 =	vld.idx.msk [tilespmem:v3+s6+$0x0], $0xffff;
	v0 =	vadd.f32 v0, v50  }
0x119: {  	v4 =	vsub.f32 v4, v59  }
0x11a: {  	v0 =	vadd.f32 v0, v42  }
0x11b: {  	v1 =	vmul.f32 v4, v1  }
0x11c: {  	v61 =	vld.idx.msk [tilespmem:v3+s5+$0x0], $0xffff;
	[tilespmem:s10+$0xA830] =	vst v0  }
0x11d: {  	v62 =	vmul.f32 v58, v12;
	v0 =	vld.idx.msk [tilespmem:v33+s21+$0x0], $0xffff;
	v1 =	vadd.f32 v1, v60;
	_ =	sdelay $0x1  }
0x11e: {  	v7 =	vadd.f32 v62, v11;
	v8 =	vld.idx.msk [tilespmem:v33+s6+$0x0], $0xffff;
	v1 =	vmul.f32 v1, v4  }
0x11f: {  	v3 =	vld.idx.msk [tilespmem:v3+s3+$0x0], $0xffff  }
0x120: {  	v63 =	vmax.f32 v7, $0.0e+00;
	v1 =	vadd.f32 v1, v61  }
0x121: {  	v6 =	vmin.f32 v63, $3.500000000e+01;
	v0 =	vmul.f32 v35, v0  }
0x122: {  	v13 =	vtrunc.f32 v6;
	v9 =	vld.idx.msk [tilespmem:v33+s5+$0x0], $0xffff;
	v1 =	vmul.f32 v1, v4  }
0x123: {  	v4 =	vcvt.f32.s32 v13;
	v0 =	vadd.f32 v0, v8  }
0x124: {  	v15 =	vmul.f32 v22, v10;
	v1 =	vadd.f32 v1, v3  }
0x125: {  	v0 =	vmul.f32 v0, v35  }
0x126: {  	v21 =	vld.idx.msk [tilespmem:v33+s3+$0x0], $0xffff;
	v1 =	vadd.f32 v1, v15  }
0x127: {  	v22 =	vadd.f32 v57, v36;
	v0 =	vadd.f32 v0, v9  }
0x128: {  	[tilespmem:s10+$0xAC30] =	vst v1  }
0x129: {  	[tilespmem:s13+$0xA840] =	vst v22;
	v0 =	vmul.f32 v0, v35;
	v1 =	vld.idx.msk [tilespmem:v4+s21+$0x0], $0xffff  }
0x12a: {  	v34 =	vld.idx.msk [tilespmem:v20+s21+$0x0], $0xffff;
	v31 =	vcvt.s32.f32 v4  }
0x12b: {  	v33 =	vld.idx.msk [tilespmem:v4+s6+$0x0], $0xffff;
	v0 =	vadd.f32 v0, v21  }
0x12c: {  	v6 =	vsub.f32 v6, v31  }
0x12d: {  	v9 =	vld.idx.msk [tilespmem:v20+s6+$0x0], $0xffff;
	v0 =	vadd.f32 v0, v51  }
0x12e: {  	v3 =	vld [tilespmem:s10+$0x3C50];
	v1 =	vmul.f32 v6, v1  }
0x12f: {  	v35 =	vld.idx.msk [tilespmem:v4+s5+$0x0], $0xffff;
	[tilespmem:s10+$0xA840] =	vst v0  }
0x130: {  	v7 =	vmul.f32 v24, v34;
	v0 =	vld.idx.msk [tilespmem:v44+s21+$0x0], $0xffff;
	v1 =	vadd.f32 v1, v33  }
0x131: {  	v13 =	vld.idx.msk [tilespmem:v20+s5+$0x0], $0xffff  }
0x132: {  	v7 =	vadd.f32 v7, v9;
	v37 =	vld.idx.msk [tilespmem:v44+s6+$0x0], $0xffff;
	v1 =	vmul.f32 v1, v6  }
0x133: {  	v4 =	vld.idx.msk [tilespmem:v4+s3+$0x0], $0xffff  }
0x134: {  	v36 =	vmul.f32 v3, v12;
	v7 =	vmul.f32 v7, v24;
	v1 =	vadd.f32 v1, v35  }
0x135: {  	v45 =	vld.idx.msk [tilespmem:v20+s3+$0x0], $0xffff;
	v0 =	vmul.f32 v30, v0  }
0x136: {  	v5 =	vadd.f32 v36, v11;
	v39 =	vld.idx.msk [tilespmem:v44+s5+$0x0], $0xffff;
	v49 =	vadd.f32 v7, v13;
	v1 =	vmul.f32 v1, v6  }
0x137: {  	v2 =	vmul.f32 v58, v10;
	v0 =	vadd.f32 v0, v37  }
0x138: {  	v5 =	vmax.f32 v5, $0.0e+00;
	v51 =	vmul.f32 v49, v24;
	v1 =	vadd.f32 v1, v4  }
0x139: {  	v5 =	vmin.f32 v5, $3.500000000e+01;
	v0 =	vmul.f32 v0, v30  }
0x13a: {  	v42 =	vtrunc.f32 v5;
	v50 =	vld.idx.msk [tilespmem:v44+s3+$0x0], $0xffff;
	v57 =	vadd.f32 v51, v45;
	v1 =	vadd.f32 v1, v2  }
0x13b: {  	v6 =	vcvt.f32.s32 v42;
	v0 =	vadd.f32 v0, v39  }
0x13c: {  	[tilespmem:s10+$0xAC40] =	vst v1;
	v1 =	vadd.f32 v57, v29  }
0x13d: {  	[tilespmem:s12+$0xA850] =	vst v56;
	v53 =	vld.idx.msk [tilespmem:v53+s3+$0x0], $0xffff;
	v0 =	vmul.f32 v0, v30  }
0x13e: {  	v56 =	vld.idx.msk [tilespmem:v16+s21+$0x0], $0xffff;
	[tilespmem:s13+$0xA850] =	vst v1  }
0x13f: {  	v0 =	vadd.f32 v0, v50;
	v30 =	vld [tilespmem:$0x1FF10]  }
0x140: {  	v59 =	vld.idx.msk [tilespmem:v16+s6+$0x0], $0xffff  }
0x141: {  	v58 =	vld.idx.msk [tilespmem:v6+s21+$0x0], $0xffff;
	v0 =	vadd.f32 v0, v23  }
0x142: {  	v62 =	vld.idx.msk [tilespmem:v6+s6+$0x0], $0xffff  }
0x143: {  	v63 =	vld.idx.msk [tilespmem:v6+s5+$0x0], $0xffff;
	[tilespmem:s10+$0xA850] =	vst v0  }
0x144: {  	v60 =	vcvt.s32.f32 v6;
	v34 =	vld.idx.msk [tilespmem:v25+s21+$0x0], $0xffff  }
0x145: {  	v61 =	vadd.f32 v55, v52;
	v35 =	vmul.f32 v14, v40;
	v22 =	vld [tilespmem:$0x1FF00]  }
0x146: {  	v5 =	vsub.f32 v5, v60;
	v39 =	vld [tilespmem:$0x1FF20]  }
0x147: {  	v21 =	vmovc v14;
	v33 =	vcvt.s32.f32 v25;
	v14 =	vadd.f32 v35, v47;
	v29 =	vmul.f32 v61, v48;
	v31 =	vld.idx.msk [tilespmem:v30+s21+$0x0], $0xffff  }
0x148: {  	v2 =	vmul.f32 v5, v58;
	v36 =	vld.idx.msk [tilespmem:v25+s6+$0x0], $0xffff  }
0x149: {  	v44 =	vmul.f32 v14, v21;
	v1 =	vadd.f32 v29, v41;
	v0 =	vsub.f32 v54, v33;
	v15 =	vld.idx.msk [tilespmem:v30+s6+$0x0], $0xffff  }
0x14a: {  	v17 =	vmul.f32 v32, v17;
	v37 =	vld.idx.msk [tilespmem:v16+s5+$0x0], $0xffff;
	v2 =	vadd.f32 v2, v62;
	v8 =	vmul.f32 v22, v56  }
0x14b: {  	v49 =	vadd.f32 v44, v38;
	v6 =	vld.idx.msk [tilespmem:v6+s3+$0x0], $0xffff;
	v1 =	vmul.f32 v1, v48;
	v42 =	vmul.f32 v0, v34  }
0x14c: {  	v47 =	vld.idx.msk [tilespmem:v25+s5+$0x0], $0xffff;
	v2 =	vmul.f32 v2, v5;
	v40 =	vadd.f32 v8, v59;
	v11 =	vmul.f32 v39, v31  }
0x14d: {  	v48 =	vmul.f32 v43, v10;
	v1 =	vadd.f32 v1, v53;
	v41 =	vld.idx.msk [tilespmem:v30+s5+$0x0], $0xffff;
	v8 =	vadd.f32 v42, v36  }
0x14e: {  	v50 =	vld.idx.msk [tilespmem:v16+s3+$0x0], $0xffff;
	v2 =	vadd.f32 v2, v63;
	v4 =	vmul.f32 v40, v22;
	v45 =	vadd.f32 v11, v15  }
0x14f: {  	v12 =	vmul.f32 v49, v21;
	v1 =	vadd.f32 v1, v48;
	v53 =	vld.idx.msk [tilespmem:v25+s3+$0x0], $0xffff;
	v8 =	vmul.f32 v8, v0  }
0x150: {  	v55 =	vld [tilespmem:$0x1FEF0];
	v2 =	vmul.f32 v2, v5;
	v4 =	vadd.f32 v4, v37;
	v51 =	vmul.f32 v45, v39  }
0x151: {  	v3 =	vmul.f32 v3, v10;
	v52 =	vld.idx.msk [tilespmem:v30+s3+$0x0], $0xffff;
	v56 =	vadd.f32 v12, v46;
	v54 =	vadd.f32 v8, v47  }
0x152: {  	v2 =	vadd.f32 v2, v6;
	v4 =	vmul.f32 v4, v22;
	v5 =	vadd.f32 v51, v41  }
0x153: {  	p0 =	sgt.u32 s30, $0x2D;
	v17 =	vadd.f32 v17, v28;
	v59 =	vadd.f32 v56, v18;
	v0 =	vmul.f32 v54, v0  }
0x154: {  	s0 =	smul.u32 $0xE000, s0;
	[tilespmem:s13+$0xAC50] =	vst v1;
	s3 =	sadd.s32 @!p0 $0x2, s30;
	v57 =	vadd.f32 v2, v3;
	v58 =	vadd.f32 v4, v50;
	v5 =	vmul.f32 v5, v39  }
0x155: {  	s29 =	smul.u32 $0x3800, s7;
	v61 =	vmul.f32 v26, v10;
	s5 =	sshrl.u32 @!p0 s3, $0x2;
	[tilespmem:s11+$0xA860] =	vst v59;
	v8 =	vadd.f32 v17, v55;
	v0 =	vadd.f32 v0, v53  }
0x156: {  	s31 =	smul.u32 $0xA80000, s31;
	s5 =	sadd.s32 @!p0 s4, s5;
	[tilespmem:s10+$0xAC50] =	vst v57;
	v62 =	vadd.f32 v58, v19;
	v60 =	vadd.f32 v5, v52  }
0x157: {  	s0 =	sadd.s32 s29, s0;
	[tilespmem:s2+$0xA860] =	vst v8;
	s2 =	smulhi.u32 @!p0 $0xAAAAAAAB, s5;
	v0 =	vadd.f32 v0, v61  }
0x158: {  	s0 =	sadd.s32 s31, s0;
	[tilespmem:s12+$0xA860] =	vst v62;
	v63 =	vadd.f32 v60, v27  }
0x159: {  	s0 =	sshrl.u32 s0, $0x3;
	s2 =	sshrl.u32 @!p0 s2, $0x7;
	[tilespmem:s10+$0xA860] =	vst v0  }
0x15a: {  	s0 =	sadd.s32 s8, s0;
	s3 =	sand.u32 @!p0 $0x3, s3;
	s6 =	smul.u32 @!p0 $0xC0, s2;
	[tilespmem:s13+$0xA860] =	vst v63  }
0x15b: {  	[hbm4b:s0+s9] =	stream.linear.scatter [tilespmem:s28], [sflag:$0x4], $0x3800, $0x38;
	[tilespmem:$0x14E00] =	vst v63  }
0x15c: {  	s3 =	smul.u32 @!p0 $0x3800, s3;
	s0 =	ssub.s32 @!p0 s5, s6  }
0x15d: {  	s0 =	smul.u32 @!p0 $0xE000, s0  }
0x15e: {  	s2 =	smul.u32 @!p0 $0xA80000, s2  }
0x15f: {  	s0 =	sadd.s32 @!p0 s3, s0  }
0x160: {  	s0 =	sadd.s32 @!p0 s2, s0  }
0x161: {  	s0 =	sshrl.u32 @!p0 s0, $0x3  }
0x162: {  	s3 =	simm.s32 @!p0 $0x3800;
	s2 =	simm.s32 @!p0 $0x0;
	s0 =	sadd.s32 @!p0 s1, s0  }
0x163: {  	[tilespmem:s3], [sflag:$0x2] =	stream.linear.gather @!p0 [hbm4b:s0+s2], $0x3800, $0x38;
	[tilespmem:$0x14E00] =	vst v63  }
.LBB2_11:
0x164: {  	v0 =	vld [tilespmem:$0x1FF70]  }
0x165: {  	v1 =	vld [tilespmem:$0x1FF80]  }
0x166: {  	s30 =	sadd.s32 $0x1, s30;
	v2 =	vld [tilespmem:$0x1FF90]  }
0x167: {  	v4 =	vld [tilespmem:$0x1FFA0];
	p0 =	sne.s32 s30, $0x30  }
.Ltmp4:
0x168: {  	v5 =	vld [tilespmem:$0x1FFB0];
	(pc) =	sbr.rel @!p0 .LBB2_12-.Ltmp4, $4  }
0x169: {  	v6 =	vld [tilespmem:$0x1FFC0]  }
0x16a: {  	v7 =	vld [tilespmem:$0x1FFD0]  }
0x16b: {  	v8 =	vld [tilespmem:$0x1FFE0]  }
0x16c: {  	v3 =	vlaneseq.u32;
	v9 =	vld [tilespmem:$0x1FFF0]  }
.LBB2_4:
0x16d: {  	s2 =	sshrl.u32 s30, $0x2  }
0x16e: {  	s0 =	sadd.s32 s4, s2  }
0x16f: {  	s3 =	smulhi.u32 $0xAAAAAAAB, s0;
	_ =	sdelay $0x1  }
0x170: {  	s31 =	sshrl.u32 s3, $0x7  }
0x171: {  	s3 =	smul.u32 $0xC0, s31;
	_ =	sdelay $0x1  }
0x172: {  	s0 =	ssub.s32 s0, s3  }
0x173: {  	v10 =	vmov s0;
	_ =	sdelay $0x4  }
0x174: {  	v11 =	vld.idx.msk [tilespmem:v10+s18+$0x0], $0xffff  }
0x175: {  	s29 =	sand.u32 $0x1, s30  }
0x176: {  	p1 =	seq.s32 s29, $0x1;
	v12 =	vld.idx.msk [tilespmem:v10+s17+$0x0], $0xffff  }
.Ltmp5:
0x177: {  	_ = 	snop;
	(pc) =	sbr.rel @p1 .LBB2_8-.Ltmp5, $4  }
0x178: {  	_ = 	snop  }
0x179: {  	v11 =	vmul.f32 $1.550000000e+01, v11  }
0x17a: {  	v10 =	vld.idx.msk [tilespmem:v10+s19+$0x0], $0xffff  }
0x17b: {  	s7 =	sand.u32 $0x3, s30;
	p0 =	slt.u32 s30, $0x2;
	s3 =	smul.u32 $0x30, s2;
	v12 =	vmul.f32 $1.550000000e+01, v12;
	v11 =	vadd.f32 $1.750000000e+01, v11  }
0x17c: {  	_ =	swait.ge [sflag:s22], $0x3800  }
0x17d: {  	[sflag:s22] =	ssyncset.done $0x0  }
0x17e: {  	s2 =	simm.s32 @!p0 $0x3;
	[sflag:s22] =	ssyncadd.s32 $0xFFFFC800  }
0x17f: {  	s5 =	simm.s32 $0x0;
	_ =	swait.ge @!p0 [sflag:s2], $0x3800  }
0x180: {  	s6 =	sand.u32 $0x3800, s5;
	s5 =	sand.u32 $0x380, s5;
	[sflag:s2] =	ssyncset.done @!p0 $0x0  }
0x181: {  	[sflag:s2] =	ssyncadd.s32 @!p0 $0xFFFFC800;
	s2 =	sor.u32 s5, s6  }
0x182: {  	v13 =	vld [tilespmem:s2+$0x70];
	_ =	sdelay $0x4  }
0x183: {  	v14 =	vmul.f32 v13, v12;
	_ =	sdelay $0x1  }
0x184: {  	v14 =	vadd.f32 v14, v11;
	_ =	sdelay $0x1  }
0x185: {  	v14 =	vmax.f32 v14, $0.0e+00  }
0x186: {  	v14 =	vmin.f32 v14, $3.500000000e+01  }
0x187: {  	v15 =	vtrunc.f32 v14  }
0x188: {  	v15 =	vcvt.f32.s32 v15;
	_ =	sdelay $0x4  }
0x189: {  	s21 =	sadd.s32 $0x14B80, s3;
	v16 =	vld [tilespmem:s2+$0x0]  }
0x18a: {  	v17 =	vld.idx.msk [tilespmem:v15+s21+$0x0], $0xffff  }
0x18b: {  	s6 =	sadd.s32 $0x14900, s3;
	v20 =	vld [tilespmem:s2+$0x400];
	v18 =	vcvt.s32.f32 v15  }
0x18c: {  	v19 =	vld.idx.msk [tilespmem:v15+s6+$0x0], $0xffff  }
0x18d: {  	v14 =	vsub.f32 v14, v18;
	_ =	sdelay $0x1  }
0x18e: {  	s5 =	sadd.s32 $0x14680, s3;
	v18 =	vmul.f32 v16, v12;
	v17 =	vmul.f32 v14, v17  }
0x18f: {  	v21 =	vld.idx.msk [tilespmem:v15+s5+$0x0], $0xffff  }
0x190: {  	v18 =	vadd.f32 v18, v11;
	v17 =	vadd.f32 v17, v19;
	v19 =	vmul.f32 v20, v12;
	_ =	sdelay $0x1  }
0x191: {  	s3 =	sadd.s32 $0x14400, s3;
	v18 =	vmax.f32 v18, $0.0e+00;
	v17 =	vmul.f32 v17, v14;
	v19 =	vadd.f32 v19, v11  }
0x192: {  	v15 =	vld.idx.msk [tilespmem:v15+s3+$0x0], $0xffff;
	v18 =	vmin.f32 v18, $3.500000000e+01  }
0x193: {  	v22 =	vtrunc.f32 v18;
	v17 =	vadd.f32 v17, v21;
	v19 =	vmax.f32 v19, $0.0e+00  }
0x194: {  	v21 =	vcvt.f32.s32 v22;
	v19 =	vmin.f32 v19, $3.500000000e+01  }
0x195: {  	v14 =	vmul.f32 v17, v14;
	v17 =	vtrunc.f32 v19  }
0x196: {  	v17 =	vcvt.f32.s32 v17  }
0x197: {  	v13 =	vmul.f32 v13, v10;
	v14 =	vadd.f32 v14, v15;
	_ =	sdelay $0x1  }
0x198: {  	v15 =	vld [tilespmem:s2+$0x10];
	v13 =	vadd.f32 v14, v13  }
0x199: {  	v14 =	vld.idx.msk [tilespmem:v21+s21+$0x0], $0xffff  }
0x19a: {  	v22 =	vcvt.s32.f32 v21;
	v23 =	vld.idx.msk [tilespmem:v21+s6+$0x0], $0xffff;
	[tilespmem:s2+$0x7070] =	vst v13  }
0x19b: {  	v13 =	vld.idx.msk [tilespmem:v17+s21+$0x0], $0xffff  }
0x19c: {  	v28 =	vld [tilespmem:s2+$0x410];
	v18 =	vsub.f32 v18, v22;
	v22 =	vcvt.s32.f32 v17  }
0x19d: {  	v24 =	vld.idx.msk [tilespmem:v17+s6+$0x0], $0xffff;
	v25 =	vmul.f32 v15, v12  }
0x19e: {  	v19 =	vsub.f32 v19, v22;
	v14 =	vmul.f32 v18, v14  }
0x19f: {  	v22 =	vadd.f32 v25, v11;
	v25 =	vld.idx.msk [tilespmem:v21+s5+$0x0], $0xffff  }
0x1a0: {  	v14 =	vadd.f32 v14, v23;
	v13 =	vmul.f32 v19, v13  }
0x1a1: {  	v22 =	vmax.f32 v22, $0.0e+00;
	v23 =	vld.idx.msk [tilespmem:v17+s5+$0x0], $0xffff  }
0x1a2: {  	v14 =	vmul.f32 v14, v18;
	v13 =	vadd.f32 v13, v24;
	v24 =	vmul.f32 v28, v12  }
0x1a3: {  	v21 =	vld.idx.msk [tilespmem:v21+s3+$0x0], $0xffff;
	v22 =	vmin.f32 v22, $3.500000000e+01  }
0x1a4: {  	v14 =	vadd.f32 v14, v25;
	v13 =	vmul.f32 v13, v19;
	v24 =	vadd.f32 v24, v11  }
0x1a5: {  	v17 =	vld.idx.msk [tilespmem:v17+s3+$0x0], $0xffff;
	v25 =	vtrunc.f32 v22  }
0x1a6: {  	v14 =	vmul.f32 v14, v18;
	v13 =	vadd.f32 v13, v23;
	v18 =	vmax.f32 v24, $0.0e+00  }
0x1a7: {  	v16 =	vmul.f32 v16, v10;
	v23 =	vld [tilespmem:s2+$0x20];
	v24 =	vcvt.f32.s32 v25;
	v18 =	vmin.f32 v18, $3.500000000e+01  }
0x1a8: {  	s10 =	simm.s32 $0x80;
	s11 =	simm.s32 $0x100;
	v14 =	vadd.f32 v14, v21;
	v13 =	vmul.f32 v13, v19;
	v19 =	vtrunc.f32 v18  }
0x1a9: {  	s11 =	sand.u32 $0x3800, s11;
	s10 =	sand.u32 $0x380, s10;
	v31 =	vld [tilespmem:s2+$0x60];
	v21 =	vcvt.f32.s32 v19  }
0x1aa: {  	s11 =	sor.u32 s10, s11;
	v32 =	vld [tilespmem:s2+$0x420];
	v14 =	vadd.f32 v14, v16;
	v16 =	vmul.f32 v20, v10;
	v13 =	vadd.f32 v13, v17  }
0x1ab: {  	v42 =	vld [tilespmem:s11+$0x10]  }
0x1ac: {  	v43 =	vld [tilespmem:s11+$0x20];
	v17 =	vmul.f32 v23, v12;
	v13 =	vadd.f32 v13, v16  }
0x1ad: {  	v25 =	vld [tilespmem:s2+$0x30];
	[tilespmem:s2+$0x7000] =	vst v14  }
0x1ae: {  	v14 =	vld.idx.msk [tilespmem:v24+s21+$0x0], $0xffff;
	v16 =	vadd.f32 v17, v11;
	[tilespmem:s2+$0x7400] =	vst v13  }
0x1af: {  	v35 =	vmul.f32 v32, v12;
	v13 =	vcvt.s32.f32 v24;
	v19 =	vld.idx.msk [tilespmem:v21+s21+$0x0], $0xffff  }
0x1b0: {  	v0 =	vmul.f32 v31, v10;
	v20 =	vcvt.s32.f32 v21;
	v17 =	vld.idx.msk [tilespmem:v24+s6+$0x0], $0xffff;
	v16 =	vmax.f32 v16, $0.0e+00  }
0x1b1: {  	v58 =	vmul.f32 v42, v12;
	v26 =	vld.idx.msk [tilespmem:v21+s6+$0x0], $0xffff;
	v16 =	vmin.f32 v16, $3.500000000e+01;
	v13 =	vsub.f32 v22, v13  }
0x1b2: {  	v59 =	vmul.f32 v43, v12;
	v18 =	vsub.f32 v18, v20;
	v22 =	vtrunc.f32 v16  }
0x1b3: {  	v29 =	vld [tilespmem:s2+$0x40];
	v34 =	vcvt.f32.s32 v22;
	v14 =	vmul.f32 v13, v14  }
0x1b4: {  	v20 =	vmul.f32 v25, v12;
	v22 =	vld.idx.msk [tilespmem:v24+s5+$0x0], $0xffff;
	v19 =	vmul.f32 v18, v19  }
0x1b5: {  	v32 =	vmul.f32 v32, v10;
	v27 =	vcvt.s32.f32 v34;
	v14 =	vadd.f32 v14, v17;
	v17 =	vld.idx.msk [tilespmem:v21+s5+$0x0], $0xffff  }
0x1b6: {  	v15 =	vmul.f32 v15, v10;
	v20 =	vadd.f32 v20, v11;
	v33 =	vadd.f32 v19, v26  }
0x1b7: {  	v30 =	vld [tilespmem:s2+$0x50];
	v19 =	vmul.f32 v23, v10;
	v26 =	vsub.f32 v16, v27;
	v14 =	vmul.f32 v14, v13  }
0x1b8: {  	v16 =	vmax.f32 v20, $0.0e+00;
	v20 =	vld.idx.msk [tilespmem:v24+s3+$0x0], $0xffff;
	v24 =	vadd.f32 v35, v11;
	v23 =	vmul.f32 v33, v18  }
0x1b9: {  	v27 =	vmul.f32 v29, v12;
	v16 =	vmin.f32 v16, $3.500000000e+01;
	v14 =	vadd.f32 v14, v22  }
0x1ba: {  	v21 =	vld.idx.msk [tilespmem:v21+s3+$0x0], $0xffff;
	v22 =	vtrunc.f32 v16;
	v17 =	vadd.f32 v23, v17;
	v23 =	vmax.f32 v24, $0.0e+00  }
0x1bb: {  	v24 =	vcvt.f32.s32 v22;
	v13 =	vmul.f32 v14, v13;
	v22 =	vadd.f32 v27, v11  }
0x1bc: {  	v27 =	vld [tilespmem:s11+$0x70];
	v14 =	vmin.f32 v23, $3.500000000e+01;
	v23 =	vmul.f32 v30, v12;
	v17 =	vmul.f32 v17, v18  }
0x1bd: {  	v18 =	vtrunc.f32 v14;
	v13 =	vadd.f32 v13, v20;
	v20 =	vmul.f32 v28, v10  }
0x1be: {  	v28 =	vcvt.s32.f32 v24;
	v52 =	vcvt.f32.s32 v18  }
0x1bf: {  	v18 =	vmax.f32 v22, $0.0e+00;
	v22 =	vadd.f32 v23, v11;
	v17 =	vadd.f32 v17, v21  }
0x1c0: {  	v13 =	vadd.f32 v13, v15;
	v21 =	vmul.f32 v25, v10;
	v23 =	vmin.f32 v18, $3.500000000e+01  }
0x1c1: {  	v15 =	vtrunc.f32 v23;
	v36 =	vmul.f32 v27, v12;
	v17 =	vadd.f32 v17, v20  }
0x1c2: {  	v25 =	vsub.f32 v16, v28;
	v28 =	vld [tilespmem:s2+$0x430];
	v16 =	vcvt.s32.f32 v52;
	v20 =	vmul.f32 v31, v12  }
0x1c3: {  	v18 =	vmax.f32 v22, $0.0e+00;
	v27 =	vmul.f32 v27, v10;
	v22 =	vcvt.f32.s32 v15;
	[tilespmem:s2+$0x7410] =	vst v17  }
0x1c4: {  	v15 =	vmul.f32 v29, v10;
	v29 =	vmin.f32 v18, $3.500000000e+01;
	v18 =	vadd.f32 v20, v11;
	v53 =	vld.idx.msk [tilespmem:v52+s21+$0x0], $0xffff  }
0x1c5: {  	v14 =	vsub.f32 v14, v16;
	v17 =	vtrunc.f32 v29;
	v38 =	vcvt.s32.f32 v22  }
0x1c6: {  	[tilespmem:s2+$0x7010] =	vst v13;
	v20 =	vcvt.f32.s32 v17;
	v37 =	vld.idx.msk [tilespmem:v52+s6+$0x0], $0xffff;
	v17 =	vmax.f32 v18, $0.0e+00;
	v18 =	vadd.f32 v36, v11  }
0x1c7: {  	v13 =	vld.idx.msk [tilespmem:v34+s21+$0x0], $0xffff;
	v57 =	vmul.f32 v28, v12;
	v28 =	vmul.f32 v28, v10;
	v39 =	vmin.f32 v17, $3.500000000e+01  }
0x1c8: {  	v40 =	vld.idx.msk [tilespmem:v34+s6+$0x0], $0xffff;
	v23 =	vsub.f32 v23, v38;
	v16 =	vtrunc.f32 v39;
	v41 =	vmax.f32 v18, $0.0e+00  }
0x1c9: {  	v55 =	vld.idx.msk [tilespmem:v52+s5+$0x0], $0xffff;
	v18 =	vcvt.f32.s32 v16;
	v41 =	vmin.f32 v41, $3.500000000e+01;
	v16 =	vmul.f32 v14, v53  }
0x1ca: {  	v36 =	vadd.f32 v58, v11;
	v17 =	vmul.f32 v30, v10;
	v30 =	vld [tilespmem:s11+$0x0];
	[tilespmem:$0x1FF30] =	vst v0;
	v56 =	vtrunc.f32 v41  }
0x1cb: {  	v54 =	vcvt.s32.f32 v20;
	v63 =	vld.idx.msk [tilespmem:v34+s5+$0x0], $0xffff;
	v38 =	vcvt.f32.s32 v56;
	v16 =	vadd.f32 v16, v37  }
0x1cc: {  	v13 =	vmul.f32 v26, v13;
	v36 =	vmax.f32 v36, $0.0e+00;
	v4 =	vld.idx.msk [tilespmem:v34+s3+$0x0], $0xffff;
	v34 =	vmul.f32 v42, v10  }
0x1cd: {  	v36 =	vmin.f32 v36, $3.500000000e+01;
	v37 =	vadd.f32 v57, v11;
	v45 =	vmul.f32 v16, v14  }
0x1ce: {  	v33 =	vld.idx.msk [tilespmem:v52+s3+$0x0], $0xffff;
	v40 =	vadd.f32 v13, v40;
	v5 =	vtrunc.f32 v36;
	v44 =	vcvt.s32.f32 v18  }
0x1cf: {  	v31 =	vmul.f32 v30, v12;
	v37 =	vmax.f32 v37, $0.0e+00;
	v35 =	vadd.f32 v45, v55  }
0x1d0: {  	v16 =	vsub.f32 v29, v54;
	v29 =	vmul.f32 v40, v26;
	v45 =	vmin.f32 v37, $3.500000000e+01  }
0x1d1: {  	v31 =	vadd.f32 v31, v11;
	v60 =	vld.idx.msk [tilespmem:v38+s21+$0x0], $0xffff;
	v61 =	vtrunc.f32 v45;
	v14 =	vmul.f32 v35, v14  }
0x1d2: {  	v62 =	vcvt.s32.f32 v38;
	v46 =	vcvt.f32.s32 v61  }
0x1d3: {  	v31 =	vmax.f32 v31, $0.0e+00;
	v29 =	vadd.f32 v29, v63;
	v47 =	vld.idx.msk [tilespmem:v38+s6+$0x0], $0xffff;
	v14 =	vadd.f32 v14, v33  }
0x1d4: {  	v40 =	vadd.f32 v59, v11;
	v31 =	vmin.f32 v31, $3.500000000e+01;
	v35 =	vsub.f32 v41, v62;
	v33 =	vld [tilespmem:s11+$0x400]  }
0x1d5: {  	v37 =	vld [tilespmem:s2+$0x440];
	v48 =	vtrunc.f32 v31;
	v26 =	vmul.f32 v29, v26;
	v49 =	vadd.f32 v14, v32  }
0x1d6: {  	v0 =	vsub.f32 v39, v44;
	v48 =	vcvt.f32.s32 v48;
	v6 =	vmul.f32 v35, v60  }
0x1d7: {  	v44 =	vmul.f32 v30, v10;
	v30 =	vmax.f32 v40, $0.0e+00;
	v7 =	vld.idx.msk [tilespmem:v38+s5+$0x0], $0xffff;
	v57 =	vcvt.s32.f32 v46;
	[tilespmem:s2+$0x7420] =	vst v49  }
0x1d8: {  	v30 =	vmin.f32 v30, $3.500000000e+01;
	v26 =	vadd.f32 v26, v4;
	v47 =	vadd.f32 v6, v47;
	v50 =	vld.idx.msk [tilespmem:v46+s21+$0x0], $0xffff  }
0x1d9: {  	v56 =	vcvt.s32.f32 v48;
	v42 =	vsub.f32 v45, v57;
	v45 =	vld [tilespmem:s11+$0x30];
	v51 =	vmul.f32 v33, v12  }
0x1da: {  	v2 =	vmul.f32 v37, v12;
	v19 =	vadd.f32 v26, v19;
	v58 =	vld.idx.msk [tilespmem:v46+s6+$0x0], $0xffff;
	v47 =	vmul.f32 v47, v35  }
0x1db: {  	v52 =	vld.idx.msk [tilespmem:v38+s3+$0x0], $0xffff;
	v32 =	vcvt.f32.s32 v5;
	v31 =	vsub.f32 v31, v56;
	v51 =	vadd.f32 v51, v11  }
0x1dc: {  	v3 =	vtrunc.f32 v30;
	v4 =	vadd.f32 v2, v11;
	[tilespmem:s2+$0x7020] =	vst v19;
	v61 =	vld.idx.msk [tilespmem:v48+s21+$0x0], $0xffff;
	v29 =	vadd.f32 v47, v7  }
0x1dd: {  	v59 =	vcvt.s32.f32 v32;
	v57 =	vld.idx.msk [tilespmem:v24+s21+$0x0], $0xffff;
	v60 =	vmax.f32 v51, $0.0e+00;
	v62 =	vmul.f32 v42, v50  }
0x1de: {  	v63 =	vld.idx.msk [tilespmem:v46+s5+$0x0], $0xffff;
	v33 =	vmul.f32 v33, v10;
	v47 =	vmin.f32 v60, $3.500000000e+01;
	v29 =	vmul.f32 v29, v35  }
0x1df: {  	v53 =	vld.idx.msk [tilespmem:v48+s6+$0x0], $0xffff;
	v5 =	vmul.f32 v45, v12;
	v1 =	vtrunc.f32 v47;
	v40 =	vadd.f32 v62, v58  }
0x1e0: {  	v49 =	vld [tilespmem:s11+$0x40];
	v38 =	vsub.f32 v36, v59;
	v50 =	vcvt.f32.s32 v1;
	v52 =	vadd.f32 v29, v52  }
0x1e1: {  	v46 =	vld.idx.msk [tilespmem:v46+s3+$0x0], $0xffff;
	v56 =	vadd.f32 v5, v11;
	v29 =	vcvt.f32.s32 v3;
	v26 =	vmul.f32 v40, v42  }
0x1e2: {  	v36 =	vmul.f32 v31, v61;
	v41 =	vmul.f32 v25, v57;
	v1 =	vld.idx.msk [tilespmem:v24+s6+$0x0], $0xffff;
	v27 =	vadd.f32 v52, v27  }
0x1e3: {  	v6 =	vld.idx.msk [tilespmem:v48+s5+$0x0], $0xffff;
	v60 =	vmax.f32 v56, $0.0e+00;
	v7 =	vcvt.s32.f32 v29;
	v19 =	vadd.f32 v26, v63  }
0x1e4: {  	v39 =	vld [tilespmem:s2+$0x450];
	v61 =	vcvt.s32.f32 v50;
	v26 =	vmax.f32 v4, $0.0e+00;
	[tilespmem:s11+$0x7070] =	vst v27;
	v27 =	vadd.f32 v36, v53  }
0x1e5: {  	v40 =	vld [tilespmem:s11+$0x410];
	v63 =	vmul.f32 v49, v12;
	v26 =	vmin.f32 v26, $3.500000000e+01;
	v19 =	vmul.f32 v19, v42  }
0x1e6: {  	v47 =	vsub.f32 v47, v61;
	v58 =	vld.idx.msk [tilespmem:v50+s21+$0x0], $0xffff;
	v59 =	vtrunc.f32 v26;
	v55 =	vmul.f32 v27, v31  }
0x1e7: {  	v62 =	vld.idx.msk [tilespmem:v48+s3+$0x0], $0xffff;
	v30 =	vsub.f32 v30, v7;
	v41 =	vadd.f32 v41, v1;
	v42 =	vcvt.f32.s32 v59  }
0x1e8: {  	v54 =	vld.idx.msk [tilespmem:v50+s6+$0x0], $0xffff;
	v27 =	vmul.f32 v43, v10;
	v19 =	vadd.f32 v19, v46;
	v51 =	vadd.f32 v55, v6  }
0x1e9: {  	v3 =	vadd.f32 v63, v11;
	v41 =	vmul.f32 v41, v25;
	v59 =	vmul.f32 v39, v12  }
0x1ea: {  	v35 =	vld [tilespmem:s11+$0x50];
	v39 =	vmul.f32 v39, v10;
	v2 =	vadd.f32 v19, v28;
	v31 =	vmul.f32 v51, v31  }
0x1eb: {  	v43 =	vmin.f32 v60, $3.500000000e+01;
	v4 =	vld.idx.msk [tilespmem:v50+s5+$0x0], $0xffff;
	v6 =	vmul.f32 v40, v12;
	v36 =	vmul.f32 v47, v58  }
0x1ec: {  	v50 =	vld.idx.msk [tilespmem:v50+s3+$0x0], $0xffff;
	v7 =	vmax.f32 v3, $0.0e+00;
	v40 =	vmul.f32 v40, v10;
	[tilespmem:s2+$0x7430] =	vst v2;
	v31 =	vadd.f32 v31, v62  }
0x1ed: {  	v60 =	vcvt.s32.f32 v42;
	v48 =	vmin.f32 v7, $3.500000000e+01;
	v5 =	vld.idx.msk [tilespmem:v42+s21+$0x0], $0xffff;
	v36 =	vadd.f32 v36, v54  }
0x1ee: {  	v28 =	vtrunc.f32 v43;
	v62 =	vadd.f32 v6, v11;
	v54 =	vld.idx.msk [tilespmem:v24+s5+$0x0], $0xffff;
	v44 =	vadd.f32 v31, v44  }
0x1ef: {  	v28 =	vcvt.f32.s32 v28;
	v56 =	vsub.f32 v26, v60;
	v61 =	vld.idx.msk [tilespmem:v42+s6+$0x0], $0xffff;
	v36 =	vmul.f32 v36, v47  }
0x1f0: {  	v58 =	vmul.f32 v35, v12;
	v24 =	vld.idx.msk [tilespmem:v24+s3+$0x0], $0xffff;
	v1 =	vmax.f32 v62, $0.0e+00;
	v62 =	vadd.f32 v59, v11;
	[tilespmem:s11+$0x7000] =	vst v44  }
0x1f1: {  	v63 =	vcvt.s32.f32 v28;
	v31 =	vmul.f32 v45, v10;
	v26 =	vadd.f32 v36, v4;
	v3 =	vld.idx.msk [tilespmem:v32+s21+$0x0], $0xffff  }
0x1f2: {  	v6 =	vld.idx.msk [tilespmem:v42+s5+$0x0], $0xffff;
	v44 =	vmin.f32 v1, $3.500000000e+01;
	v1 =	vmax.f32 v62, $0.0e+00;
	v2 =	vmul.f32 v56, v5  }
0x1f3: {  	v4 =	vtrunc.f32 v44;
	v7 =	vld.idx.msk [tilespmem:v32+s6+$0x0], $0xffff;
	v41 =	vadd.f32 v41, v54;
	v26 =	vmul.f32 v26, v47  }
0x1f4: {  	v36 =	vsub.f32 v43, v63;
	v47 =	vcvt.f32.s32 v4;
	v45 =	vadd.f32 v2, v61  }
0x1f5: {  	v19 =	vld [tilespmem:s11+$0x60];
	v5 =	vtrunc.f32 v48;
	v25 =	vmul.f32 v41, v25;
	v57 =	vadd.f32 v26, v50  }
0x1f6: {  	v42 =	vld.idx.msk [tilespmem:v42+s3+$0x0], $0xffff;
	v63 =	vadd.f32 v58, v11;
	v45 =	vmul.f32 v45, v56;
	v61 =	vmul.f32 v38, v3  }
0x1f7: {  	v60 =	vld.idx.msk [tilespmem:v32+s5+$0x0], $0xffff;
	v26 =	vmul.f32 v49, v10;
	v24 =	vadd.f32 v25, v24;
	v46 =	vadd.f32 v57, v33  }
0x1f8: {  	v41 =	vld [tilespmem:s11+$0x420];
	v50 =	vmin.f32 v1, $3.500000000e+01;
	v45 =	vadd.f32 v45, v6;
	v25 =	vadd.f32 v61, v7  }
0x1f9: {  	v4 =	vld.idx.msk [tilespmem:v32+s3+$0x0], $0xffff;
	v2 =	vcvt.s32.f32 v47;
	v21 =	vadd.f32 v24, v21;
	v24 =	vtrunc.f32 v50;
	[tilespmem:s11+$0x7400] =	vst v46  }
0x1fa: {  	s24 =	simm.s32 $0x100;
	s12 =	simm.s32 $0x200;
	v46 =	vld.idx.msk [tilespmem:v47+s21+$0x0], $0xffff;
	v45 =	vmul.f32 v45, v56;
	v25 =	vmul.f32 v25, v38  }
0x1fb: {  	s12 =	sand.u32 $0x3800, s12;
	s10 =	sand.u32 $0x380, s24;
	v43 =	vmax.f32 v63, $0.0e+00;
	v33 =	vcvt.f32.s32 v5;
	v24 =	vcvt.f32.s32 v24;
	v3 =	vld.idx.msk [tilespmem:v47+s6+$0x0], $0xffff;
	[tilespmem:s2+$0x7030] =	vst v21  }
0x1fc: {  	s12 =	sor.u32 s10, s12;
	v5 =	vmul.f32 v37, v10;
	v7 =	vld.idx.msk [tilespmem:v22+s21+$0x0], $0xffff;
	v21 =	vadd.f32 v45, v42;
	v25 =	vadd.f32 v25, v60  }
0x1fd: {  	v44 =	vsub.f32 v44, v2;
	v37 =	vld [tilespmem:s12+$0x70];
	v6 =	vcvt.s32.f32 v33;
	v61 =	vmul.f32 v41, v12  }
0x1fe: {  	v42 =	vmin.f32 v43, $3.500000000e+01;
	v60 =	vld.idx.msk [tilespmem:v22+s6+$0x0], $0xffff;
	v58 =	vadd.f32 v21, v5;
	v25 =	vmul.f32 v25, v38  }
0x1ff: {  	v59 =	vld.idx.msk [tilespmem:v47+s5+$0x0], $0xffff;
	v32 =	vsub.f32 v48, v6;
	v57 =	vtrunc.f32 v42;
	v56 =	vmul.f32 v44, v46  }
0x200: {  	v62 =	vld.idx.msk [tilespmem:v22+s5+$0x0], $0xffff;
	v2 =	vadd.f32 v61, v11;
	v21 =	vcvt.f32.s32 v57;
	[tilespmem:s2+$0x7440] =	vst v58;
	v25 =	vadd.f32 v25, v4  }
0x201: {  	v5 =	vcvt.s32.f32 v24;
	v43 =	vmul.f32 v23, v7;
	v45 =	vadd.f32 v56, v3;
	v63 =	vld.idx.msk [tilespmem:v24+s21+$0x0], $0xffff  }
0x202: {  	v49 =	vcvt.s32.f32 v21;
	v4 =	vld.idx.msk [tilespmem:v47+s3+$0x0], $0xffff;
	v3 =	vmul.f32 v19, v12;
	v25 =	vadd.f32 v25, v34  }
0x203: {  	v7 =	vld.idx.msk [tilespmem:v22+s3+$0x0], $0xffff;
	v43 =	vadd.f32 v43, v60;
	v1 =	vmul.f32 v45, v44;
	v45 =	vmax.f32 v2, $0.0e+00  }
0x204: {  	v6 =	vld.idx.msk [tilespmem:v24+s6+$0x0], $0xffff;
	v51 =	vadd.f32 v3, v11;
	v45 =	vmin.f32 v45, $3.500000000e+01;
	[tilespmem:s11+$0x7010] =	vst v25;
	v25 =	vsub.f32 v50, v5  }
0x205: {  	v43 =	vmul.f32 v43, v23;
	v38 =	vadd.f32 v1, v59;
	v56 =	vtrunc.f32 v45;
	v59 =	vld.idx.msk [tilespmem:v24+s5+$0x0], $0xffff  }
0x206: {  	v57 =	vmax.f32 v51, $0.0e+00;
	v1 =	vld.idx.msk [tilespmem:v24+s3+$0x0], $0xffff;
	v24 =	vsub.f32 v42, v49;
	v60 =	vmul.f32 v25, v63  }
0x207: {  	v58 =	vld.idx.msk [tilespmem:v29+s21+$0x0], $0xffff;
	v61 =	vadd.f32 v43, v62;
	v63 =	vmul.f32 v37, v12;
	v22 =	vmul.f32 v38, v44  }
0x208: {  	v42 =	vld [tilespmem:s12+$0x10];
	v37 =	vmul.f32 v37, v10;
	v38 =	vcvt.f32.s32 v56;
	v44 =	vmin.f32 v57, $3.500000000e+01  }
0x209: {  	v54 =	vld [tilespmem:s12+$0x20];
	v46 =	vadd.f32 v60, v6;
	v2 =	vtrunc.f32 v44;
	v34 =	vadd.f32 v22, v4  }
0x20a: {  	v3 =	vld [tilespmem:s12+$0x0];
	v48 =	vadd.f32 v63, v11;
	v22 =	vmul.f32 v35, v10;
	v35 =	vmul.f32 v61, v23  }
0x20b: {  	v62 =	vld.idx.msk [tilespmem:v29+s6+$0x0], $0xffff;
	v23 =	vcvt.f32.s32 v2;
	v4 =	vmul.f32 v46, v25;
	v34 =	vadd.f32 v34, v40  }
0x20c: {  	v6 =	vmul.f32 v30, v58;
	v57 =	vmax.f32 v48, $0.0e+00;
	v58 =	vcvt.s32.f32 v38  }
0x20d: {  	v63 =	vmul.f32 v42, v12;
	v50 =	vmin.f32 v57, $3.500000000e+01;
	v40 =	vadd.f32 v4, v59;
	[tilespmem:s11+$0x7410] =	vst v34  }
0x20e: {  	v5 =	vadd.f32 v35, v7;
	v60 =	vcvt.s32.f32 v23;
	v61 =	vtrunc.f32 v50;
	v7 =	vld.idx.msk [tilespmem:v38+s21+$0x0], $0xffff  }
0x20f: {  	v35 =	vld [tilespmem:s11+$0x430];
	v25 =	vmul.f32 v40, v25;
	v40 =	vsub.f32 v45, v58;
	v45 =	vcvt.f32.s32 v61  }
0x210: {  	v43 =	vadd.f32 v6, v62;
	v62 =	vmul.f32 v3, v12;
	v4 =	vmul.f32 v54, v12;
	v59 =	vld.idx.msk [tilespmem:v38+s6+$0x0], $0xffff  }
0x211: {  	v48 =	vadd.f32 v5, v15;
	v14 =	vsub.f32 v44, v60;
	v34 =	vmul.f32 v3, v10  }
0x212: {  	v3 =	vadd.f32 v63, v11;
	v43 =	vmul.f32 v43, v30;
	v44 =	vadd.f32 v62, v11  }
0x213: {  	v47 =	vld [tilespmem:s12+$0x400];
	v52 =	vadd.f32 v4, v11;
	v25 =	vadd.f32 v25, v1;
	v46 =	vmul.f32 v40, v7  }
0x214: {  	v1 =	vld.idx.msk [tilespmem:v38+s5+$0x0], $0xffff;
	v2 =	vmul.f32 v35, v12;
	v44 =	vmax.f32 v44, $0.0e+00;
	v53 =	vcvt.s32.f32 v45  }
0x215: {  	v52 =	vmax.f32 v52, $0.0e+00;
	v44 =	vmin.f32 v44, $3.500000000e+01;
	v6 =	vld.idx.msk [tilespmem:v45+s21+$0x0], $0xffff;
	v46 =	vadd.f32 v46, v59  }
0x216: {  	v38 =	vld.idx.msk [tilespmem:v38+s3+$0x0], $0xffff;
	v52 =	vmin.f32 v52, $3.500000000e+01;
	v13 =	vadd.f32 v25, v39;
	v5 =	vadd.f32 v2, v11  }
0x217: {  	v39 =	vmax.f32 v3, $0.0e+00;
	v60 =	vtrunc.f32 v44;
	v7 =	vld.idx.msk [tilespmem:v45+s6+$0x0], $0xffff;
	v46 =	vmul.f32 v46, v40  }
0x218: {  	v50 =	vsub.f32 v50, v53;
	v53 =	vld.idx.msk [tilespmem:v29+s5+$0x0], $0xffff;
	v2 =	vmul.f32 v41, v10;
	v56 =	vcvt.f32.s32 v60  }
0x219: {  	v3 =	vmul.f32 v47, v12;
	v47 =	vmul.f32 v47, v10;
	v46 =	vadd.f32 v46, v1  }
0x21a: {  	v61 =	vmax.f32 v5, $0.0e+00;
	v4 =	vcvt.s32.f32 v56;
	v63 =	vmul.f32 v50, v6  }
0x21b: {  	v39 =	vmin.f32 v39, $3.500000000e+01;
	v58 =	vld.idx.msk [tilespmem:v45+s5+$0x0], $0xffff;
	v51 =	vmin.f32 v61, $3.500000000e+01;
	v40 =	vmul.f32 v46, v40  }
0x21c: {  	v62 =	vtrunc.f32 v51;
	v49 =	vsub.f32 v44, v4;
	v46 =	vadd.f32 v63, v7  }
0x21d: {  	v29 =	vld.idx.msk [tilespmem:v29+s3+$0x0], $0xffff;
	v57 =	vcvt.f32.s32 v62;
	v43 =	vadd.f32 v43, v53;
	v38 =	vadd.f32 v40, v38  }
0x21e: {  	v45 =	vld.idx.msk [tilespmem:v45+s3+$0x0], $0xffff;
	v1 =	vtrunc.f32 v39;
	v6 =	vadd.f32 v3, v11;
	v5 =	vmul.f32 v46, v50  }
0x21f: {  	v59 =	vld [tilespmem:s12+$0x30];
	v3 =	vcvt.s32.f32 v57;
	v30 =	vmul.f32 v43, v30;
	v40 =	vadd.f32 v38, v2  }
0x220: {  	v60 =	vld [tilespmem:s12+$0x40];
	v38 =	vmul.f32 v42, v10;
	v42 =	vadd.f32 v5, v58;
	v2 =	vmax.f32 v6, $0.0e+00  }
0x221: {  	v44 =	vld [tilespmem:s11+$0x440];
	v41 =	vcvt.f32.s32 v1;
	v1 =	vtrunc.f32 v52;
	v62 =	vmin.f32 v2, $3.500000000e+01  }
0x222: {  	v58 =	vld.idx.msk [tilespmem:v56+s21+$0x0], $0xffff;
	[tilespmem:s11+$0x7420] =	vst v40;
	v42 =	vmul.f32 v42, v50;
	v4 =	vtrunc.f32 v62  }
0x223: {  	v7 =	vcvt.s32.f32 v41;
	v61 =	vld.idx.msk [tilespmem:v57+s21+$0x0], $0xffff;
	v50 =	vcvt.f32.s32 v4  }
0x224: {  	v63 =	vmul.f32 v59, v12;
	v51 =	vsub.f32 v51, v3;
	v3 =	vld.idx.msk [tilespmem:v56+s6+$0x0], $0xffff;
	v42 =	vadd.f32 v42, v45  }
0x225: {  	v29 =	vadd.f32 v30, v29;
	v46 =	vsub.f32 v39, v7;
	v39 =	vmul.f32 v54, v10;
	v53 =	vld.idx.msk [tilespmem:v57+s6+$0x0], $0xffff  }
0x226: {  	v55 =	vld.idx.msk [tilespmem:v56+s5+$0x0], $0xffff;
	v7 =	vadd.f32 v63, v11;
	v63 =	vmul.f32 v44, v12;
	v37 =	vadd.f32 v42, v37  }
0x227: {  	v27 =	vadd.f32 v29, v27;
	v56 =	vld.idx.msk [tilespmem:v56+s3+$0x0], $0xffff;
	v40 =	vcvt.f32.s32 v1;
	v30 =	vmul.f32 v49, v58  }
0x228: {  	v43 =	vadd.f32 v63, v11;
	v6 =	vmul.f32 v51, v61;
	v61 =	vld.idx.msk [tilespmem:v57+s5+$0x0], $0xffff;
	[tilespmem:s12+$0x7070] =	vst v37  }
0x229: {  	v44 =	vmul.f32 v44, v10;
	v5 =	vcvt.s32.f32 v40;
	v3 =	vadd.f32 v30, v3;
	v30 =	vld.idx.msk [tilespmem:v50+s21+$0x0], $0xffff  }
0x22a: {  	[tilespmem:s11+$0x7020] =	vst v27;
	v27 =	vld [tilespmem:s12+$0x50];
	v43 =	vmax.f32 v43, $0.0e+00;
	v45 =	vadd.f32 v6, v53;
	v6 =	vcvt.s32.f32 v50  }
0x22b: {  	v58 =	vmax.f32 v7, $0.0e+00;
	v42 =	vsub.f32 v52, v5;
	v54 =	vld.idx.msk [tilespmem:v50+s6+$0x0], $0xffff;
	v3 =	vmul.f32 v3, v49  }
0x22c: {  	v37 =	vmin.f32 v58, $3.500000000e+01;
	v29 =	vmul.f32 v45, v51;
	v45 =	vld [tilespmem:s12+$0x410];
	v52 =	vsub.f32 v62, v6  }
0x22d: {  	v7 =	vmul.f32 v60, v12;
	v58 =	vtrunc.f32 v37;
	v53 =	vld.idx.msk [tilespmem:v57+s3+$0x0], $0xffff;
	v3 =	vadd.f32 v3, v55  }
0x22e: {  	v55 =	vmin.f32 v43, $3.500000000e+01;
	v29 =	vadd.f32 v29, v61;
	v61 =	vld.idx.msk [tilespmem:v28+s21+$0x0], $0xffff;
	v30 =	vmul.f32 v52, v30  }
0x22f: {  	[tilespmem:s2+$0x7040] =	vst v48;
	v43 =	vadd.f32 v7, v11;
	v63 =	vtrunc.f32 v55;
	v3 =	vmul.f32 v3, v49;
	v49 =	vld.idx.msk [tilespmem:v50+s5+$0x0], $0xffff  }
0x230: {  	v6 =	vmul.f32 v35, v10;
	v29 =	vmul.f32 v29, v51;
	v51 =	vld.idx.msk [tilespmem:v28+s6+$0x0], $0xffff;
	v30 =	vadd.f32 v30, v54  }
0x231: {  	v62 =	vld.idx.msk [tilespmem:v20+s6+$0x0], $0xffff;
	v48 =	vcvt.f32.s32 v63;
	v3 =	vadd.f32 v3, v56;
	v7 =	vmul.f32 v45, v12  }
0x232: {  	v35 =	vcvt.f32.s32 v58;
	v50 =	vld.idx.msk [tilespmem:v50+s3+$0x0], $0xffff;
	v29 =	vadd.f32 v29, v53;
	v30 =	vmul.f32 v30, v52  }
0x233: {  	v3 =	vadd.f32 v3, v34;
	v53 =	vld.idx.msk [tilespmem:v20+s21+$0x0], $0xffff;
	v58 =	vmul.f32 v36, v61;
	v54 =	vadd.f32 v7, v11  }
0x234: {  	v56 =	vld.idx.msk [tilespmem:v28+s5+$0x0], $0xffff;
	v34 =	vmul.f32 v59, v10;
	v57 =	vadd.f32 v29, v6;
	v30 =	vadd.f32 v30, v49  }
0x235: {  	v7 =	vcvt.s32.f32 v35;
	v29 =	vld [tilespmem:s12+$0x60];
	v51 =	vadd.f32 v58, v51;
	v58 =	vmax.f32 v54, $0.0e+00  }
0x236: {  	v6 =	vmax.f32 v43, $0.0e+00;
	v43 =	vld [tilespmem:s11+$0x450];
	[tilespmem:s11+$0x7430] =	vst v57;
	v49 =	vmin.f32 v58, $3.500000000e+01;
	v30 =	vmul.f32 v30, v52  }
0x237: {  	v58 =	vmin.f32 v6, $3.500000000e+01;
	v6 =	vcvt.s32.f32 v48;
	v51 =	vmul.f32 v51, v36;
	v54 =	vld.idx.msk [tilespmem:v48+s21+$0x0], $0xffff  }
0x238: {  	v37 =	vsub.f32 v37, v7;
	v57 =	vld.idx.msk [tilespmem:v28+s3+$0x0], $0xffff;
	v63 =	vtrunc.f32 v49;
	v53 =	vmul.f32 v16, v53  }
0x239: {  	[tilespmem:s12+$0x7000] =	vst v3;
	v7 =	vld.idx.msk [tilespmem:v48+s6+$0x0], $0xffff;
	v52 =	vcvt.f32.s32 v63;
	v50 =	vadd.f32 v30, v50;
	v28 =	vadd.f32 v51, v56  }
0x23a: {  	v59 =	vld.idx.msk [tilespmem:v41+s21+$0x0], $0xffff;
	v30 =	vtrunc.f32 v58;
	v63 =	vmul.f32 v27, v12;
	v3 =	vsub.f32 v55, v6  }
0x23b: {  	v55 =	vld.idx.msk [tilespmem:v41+s6+$0x0], $0xffff;
	v30 =	vcvt.f32.s32 v30;
	v36 =	vmul.f32 v28, v36  }
0x23c: {  	v56 =	vld.idx.msk [tilespmem:v48+s5+$0x0], $0xffff;
	v6 =	vmul.f32 v43, v12;
	v47 =	vadd.f32 v50, v47;
	v54 =	vmul.f32 v3, v54  }
0x23d: {  	v48 =	vld.idx.msk [tilespmem:v48+s3+$0x0], $0xffff;
	v5 =	vadd.f32 v63, v11;
	v4 =	vcvt.s32.f32 v52;
	v36 =	vadd.f32 v36, v57  }
0x23e: {  	v63 =	vmul.f32 v45, v10;
	v28 =	vmul.f32 v60, v10;
	[tilespmem:s12+$0x7400] =	vst v47;
	v47 =	vld [tilespmem:s12+$0x420];
	v7 =	vadd.f32 v54, v7  }
0x23f: {  	v1 =	vadd.f32 v6, v11;
	v2 =	vld.idx.msk [tilespmem:v52+s21+$0x0], $0xffff;
	v36 =	vadd.f32 v36, v31;
	v31 =	vmul.f32 v46, v59  }
0x240: {  	v60 =	vcvt.s32.f32 v30;
	v50 =	vmax.f32 v5, $0.0e+00;
	v57 =	vld.idx.msk [tilespmem:v41+s5+$0x0], $0xffff;
	v5 =	vmul.f32 v7, v3  }
0x241: {  	v6 =	vmul.f32 v29, v12;
	v51 =	vmax.f32 v1, $0.0e+00;
	v61 =	vld.idx.msk [tilespmem:v52+s6+$0x0], $0xffff;
	v55 =	vadd.f32 v31, v55  }
0x242: {  	v49 =	vsub.f32 v49, v4;
	v41 =	vld.idx.msk [tilespmem:v41+s3+$0x0], $0xffff;
	v51 =	vmin.f32 v51, $3.500000000e+01;
	v56 =	vadd.f32 v5, v56  }
0x243: {  	v59 =	vld.idx.msk [tilespmem:v20+s5+$0x0], $0xffff;
	v31 =	vtrunc.f32 v51;
	v55 =	vmul.f32 v55, v46  }
0x244: {  	v53 =	vadd.f32 v53, v62;
	v20 =	vld.idx.msk [tilespmem:v20+s3+$0x0], $0xffff;
	v54 =	vmul.f32 v49, v2;
	v3 =	vmul.f32 v56, v3  }
0x245: {  	v58 =	vsub.f32 v58, v60;
	v7 =	vld.idx.msk [tilespmem:v52+s5+$0x0], $0xffff;
	[tilespmem:s11+$0x7030] =	vst v36;
	v31 =	vcvt.f32.s32 v31;
	v55 =	vadd.f32 v55, v57  }
0x246: {  	v60 =	vmin.f32 v50, $3.500000000e+01;
	v50 =	vld.idx.msk [tilespmem:v33+s21+$0x0], $0xffff;
	v54 =	vadd.f32 v54, v61;
	v3 =	vadd.f32 v3, v48  }
0x247: {  	v53 =	vmul.f32 v53, v16;
	v61 =	vmul.f32 v47, v12;
	v57 =	vadd.f32 v6, v11;
	v6 =	vld.idx.msk [tilespmem:v52+s3+$0x0], $0xffff  }
0x248: {  	v48 =	vld.idx.msk [tilespmem:v33+s6+$0x0], $0xffff;
	v46 =	vmul.f32 v55, v46;
	v54 =	vmul.f32 v54, v49;
	v3 =	vadd.f32 v3, v44  }
0x249: {  	v56 =	vtrunc.f32 v60;
	v53 =	vadd.f32 v53, v59;
	v52 =	vld.idx.msk [tilespmem:v33+s5+$0x0], $0xffff;
	v62 =	vadd.f32 v61, v11  }
0x24a: {  	s25 =	simm.s32 $0x180;
	s13 =	simm.s32 $0x300;
	v4 =	vcvt.s32.f32 v31;
	v33 =	vld.idx.msk [tilespmem:v33+s3+$0x0], $0xffff;
	v41 =	vadd.f32 v46, v41;
	v36 =	vadd.f32 v54, v7;
	[tilespmem:s11+$0x7440] =	vst v3  }
0x24b: {  	s13 =	sand.u32 $0x3800, s13;
	s10 =	sand.u32 $0x380, s25;
	v16 =	vmul.f32 v53, v16;
	v50 =	vmul.f32 v32, v50;
	v7 =	vmax.f32 v62, $0.0e+00;
	v61 =	vld.idx.msk [tilespmem:v31+s21+$0x0], $0xffff  }
0x24c: {  	s13 =	sor.u32 s10, s13;
	v3 =	vmin.f32 v7, $3.500000000e+01;
	v38 =	vadd.f32 v41, v38;
	v36 =	vmul.f32 v36, v49;
	v5 =	vld.idx.msk [tilespmem:v31+s6+$0x0], $0xffff  }
0x24d: {  	v1 =	vmax.f32 v57, $0.0e+00;
	v2 =	vtrunc.f32 v3;
	v48 =	vadd.f32 v50, v48;
	v50 =	vld [tilespmem:s13+$0x70]  }
0x24e: {  	v53 =	vld.idx.msk [tilespmem:v31+s5+$0x0], $0xffff;
	v41 =	vcvt.f32.s32 v2;
	[tilespmem:s12+$0x7010] =	vst v38;
	v62 =	vadd.f32 v36, v6;
	v36 =	vcvt.f32.s32 v56  }
0x24f: {  	v55 =	vmin.f32 v1, $3.500000000e+01;
	v49 =	vsub.f32 v51, v4;
	v48 =	vmul.f32 v48, v32;
	v2 =	vld.idx.msk [tilespmem:v40+s21+$0x0], $0xffff  }
0x250: {  	v20 =	vadd.f32 v16, v20;
	v56 =	vld [tilespmem:s13+$0x10];
	v38 =	vadd.f32 v62, v63;
	v6 =	vcvt.s32.f32 v36  }
0x251: {  	v62 =	vtrunc.f32 v55;
	v48 =	vadd.f32 v48, v52;
	v7 =	vmul.f32 v49, v61;
	v61 =	vld.idx.msk [tilespmem:v40+s6+$0x0], $0xffff  }
0x252: {  	v44 =	vadd.f32 v20, v17;
	v52 =	vld [tilespmem:s13+$0x20];
	v16 =	vcvt.f32.s32 v62;
	v4 =	vmul.f32 v50, v12  }
0x253: {  	[tilespmem:s12+$0x7410] =	vst v38;
	v38 =	vsub.f32 v60, v6;
	v32 =	vmul.f32 v48, v32;
	v48 =	vld [tilespmem:s13+$0x0];
	v45 =	vadd.f32 v7, v5  }
0x254: {  	v63 =	vld.idx.msk [tilespmem:v41+s21+$0x0], $0xffff;
	v5 =	vcvt.s32.f32 v41;
	v54 =	vadd.f32 v4, v11;
	v6 =	vmul.f32 v42, v2  }
0x255: {  	v20 =	vld.idx.msk [tilespmem:v41+s6+$0x0], $0xffff;
	v7 =	vcvt.s32.f32 v16;
	v4 =	vmul.f32 v56, v12;
	v32 =	vadd.f32 v32, v33  }
0x256: {  	v17 =	vmul.f32 v45, v49;
	v45 =	vld [tilespmem:s12+$0x430];
	v3 =	vsub.f32 v3, v5;
	v33 =	vadd.f32 v6, v61  }
0x257: {  	v59 =	vmax.f32 v54, $0.0e+00;
	v26 =	vadd.f32 v32, v26;
	v32 =	vadd.f32 v4, v11  }
0x258: {  	v17 =	vadd.f32 v17, v53;
	v1 =	vmul.f32 v48, v12;
	v46 =	vmul.f32 v48, v10  }
0x259: {  	v31 =	vld.idx.msk [tilespmem:v31+s3+$0x0], $0xffff;
	v53 =	vmin.f32 v59, $3.500000000e+01;
	v48 =	vmul.f32 v52, v12;
	v60 =	vmul.f32 v3, v63  }
0x25a: {  	v62 =	vld.idx.msk [tilespmem:v41+s5+$0x0], $0xffff;
	v61 =	vmul.f32 v17, v49;
	v17 =	vtrunc.f32 v53;
	v5 =	vadd.f32 v1, v11  }
0x25b: {  	v54 =	vcvt.f32.s32 v17;
	v20 =	vadd.f32 v60, v20;
	v2 =	vmul.f32 v45, v12  }
0x25c: {  	v63 =	vsub.f32 v55, v7;
	v55 =	vmul.f32 v43, v10;
	v32 =	vmax.f32 v32, $0.0e+00  }
0x25d: {  	v43 =	vmax.f32 v5, $0.0e+00;
	v20 =	vmul.f32 v20, v3;
	v51 =	vadd.f32 v2, v11  }
0x25e: {  	v32 =	vmin.f32 v32, $3.500000000e+01;
	[tilespmem:$0x1FF40] =	vst v63;
	v31 =	vadd.f32 v61, v31;
	v57 =	vmin.f32 v43, $3.500000000e+01  }
0x25f: {  	v41 =	vld.idx.msk [tilespmem:v41+s3+$0x0], $0xffff;
	v7 =	vcvt.s32.f32 v54;
	v20 =	vadd.f32 v20, v62;
	v6 =	vmax.f32 v51, $0.0e+00  }
0x260: {  	v2 =	vtrunc.f32 v32;
	v60 =	vtrunc.f32 v57;
	v62 =	vld.idx.msk [tilespmem:v40+s5+$0x0], $0xffff;
	v51 =	vmin.f32 v6, $3.500000000e+01  }
0x261: {  	v53 =	vsub.f32 v53, v7;
	v49 =	vld.idx.msk [tilespmem:v54+s21+$0x0], $0xffff;
	v3 =	vmul.f32 v20, v3;
	v20 =	vtrunc.f32 v51  }
0x262: {  	v7 =	vadd.f32 v48, v11;
	v60 =	vcvt.f32.s32 v60;
	v61 =	vcvt.f32.s32 v20;
	v20 =	vld [tilespmem:s13+$0x400]  }
0x263: {  	v33 =	vmul.f32 v33, v42;
	v63 =	vld.idx.msk [tilespmem:v40+s3+$0x0], $0xffff;
	v48 =	vcvt.f32.s32 v2  }
0x264: {  	v6 =	vmul.f32 v47, v10;
	v59 =	vld.idx.msk [tilespmem:v54+s6+$0x0], $0xffff;
	v5 =	vmax.f32 v7, $0.0e+00;
	v47 =	vcvt.s32.f32 v60  }
0x265: {  	v43 =	vld [tilespmem:s13+$0x30];
	v1 =	vmin.f32 v5, $3.500000000e+01;
	v3 =	vadd.f32 v3, v41;
	v41 =	vadd.f32 v31, v55  }
0x266: {  	v25 =	vld [tilespmem:s13+$0x50];
	v31 =	vcvt.s32.f32 v48;
	v7 =	vtrunc.f32 v1;
	v62 =	vadd.f32 v33, v62  }
0x267: {  	v3 =	vadd.f32 v3, v6;
	v4 =	vmul.f32 v53, v49;
	v49 =	vld [tilespmem:s12+$0x440];
	v6 =	vmul.f32 v20, v12  }
0x268: {  	v17 =	vmovc v0;
	v0 =	vld.idx.msk [tilespmem:v54+s5+$0x0], $0xffff;
	v47 =	vsub.f32 v57, v47;
	v33 =	vcvt.f32.s32 v7;
	v57 =	vmul.f32 v62, v42  }
0x269: {  	v40 =	vld [tilespmem:s13+$0x40];
	[tilespmem:s12+$0x7420] =	vst v3;
	v3 =	vadd.f32 v4, v59;
	v59 =	vadd.f32 v6, v11;
	v6 =	vcvt.s32.f32 v61  }
0x26a: {  	v42 =	vmul.f32 v43, v12;
	v20 =	vmul.f32 v20, v10;
	v2 =	vld.idx.msk [tilespmem:v61+s21+$0x0], $0xffff;
	v57 =	vadd.f32 v57, v63  }
0x26b: {  	v54 =	vld.idx.msk [tilespmem:v54+s3+$0x0], $0xffff;
	v3 =	vmul.f32 v3, v53;
	v7 =	vmax.f32 v59, $0.0e+00;
	v55 =	vsub.f32 v51, v6  }
0x26c: {  	v62 =	vld.idx.msk [tilespmem:v61+s6+$0x0], $0xffff;
	v51 =	vsub.f32 v32, v31;
	v32 =	vadd.f32 v57, v39;
	v5 =	vmul.f32 v49, v12  }
0x26d: {  	v59 =	vld.idx.msk [tilespmem:v60+s21+$0x0], $0xffff;
	v49 =	vmul.f32 v49, v10;
	v0 =	vadd.f32 v3, v0;
	v4 =	vmin.f32 v7, $3.500000000e+01  }
0x26e: {  	v31 =	vld.idx.msk [tilespmem:v60+s6+$0x0], $0xffff;
	v7 =	vmul.f32 v50, v10;
	v6 =	vtrunc.f32 v4  }
0x26f: {  	v57 =	vld.idx.msk [tilespmem:v61+s5+$0x0], $0xffff;
	v2 =	vmul.f32 v55, v2;
	[tilespmem:s12+$0x7020] =	vst v32;
	v0 =	vmul.f32 v0, v53  }
0x270: {  	v42 =	vadd.f32 v42, v11;
	v53 =	vcvt.f32.s32 v6;
	v6 =	vcvt.s32.f32 v33;
	v63 =	vld.idx.msk [tilespmem:v35+s21+$0x0], $0xffff  }
0x271: {  	v50 =	vld.idx.msk [tilespmem:v60+s5+$0x0], $0xffff;
	v32 =	vmul.f32 v52, v10;
	v2 =	vadd.f32 v2, v62;
	v0 =	vadd.f32 v0, v54  }
0x272: {  	[tilespmem:s11+$0x7040] =	vst v26;
	v60 =	vld.idx.msk [tilespmem:v60+s3+$0x0], $0xffff;
	v59 =	vmul.f32 v47, v59;
	v39 =	vsub.f32 v1, v6;
	v6 =	vcvt.s32.f32 v53  }
0x273: {  	v3 =	vld.idx.msk [tilespmem:v21+s6+$0x0], $0xffff;
	v2 =	vmul.f32 v2, v55;
	v0 =	vadd.f32 v0, v7;
	v7 =	vadd.f32 v5, v11  }
0x274: {  	v62 =	vld.idx.msk [tilespmem:v35+s6+$0x0], $0xffff;
	v5 =	vmax.f32 v42, $0.0e+00;
	v31 =	vadd.f32 v59, v31;
	v4 =	vsub.f32 v4, v6  }
0x275: {  	v42 =	vld.idx.msk [tilespmem:v61+s3+$0x0], $0xffff;
	v2 =	vadd.f32 v2, v57;
	v1 =	vmin.f32 v5, $3.500000000e+01;
	v6 =	vmul.f32 v37, v63  }
0x276: {  	v59 =	vld.idx.msk [tilespmem:v21+s21+$0x0], $0xffff;
	[tilespmem:s13+$0x7070] =	vst v0;
	v0 =	vmul.f32 v40, v12;
	v52 =	vmax.f32 v7, $0.0e+00;
	v31 =	vmul.f32 v31, v47  }
0x277: {  	v26 =	vtrunc.f32 v1;
	v54 =	vld.idx.msk [tilespmem:v53+s21+$0x0], $0xffff;
	v57 =	vmin.f32 v52, $3.500000000e+01;
	v2 =	vmul.f32 v2, v55  }
0x278: {  	v52 =	vld [tilespmem:s13+$0x410];
	v26 =	vcvt.f32.s32 v26;
	v7 =	vtrunc.f32 v57  }
0x279: {  	v61 =	vld.idx.msk [tilespmem:v53+s6+$0x0], $0xffff;
	v31 =	vadd.f32 v31, v50;
	v0 =	vadd.f32 v0, v11;
	v55 =	vcvt.f32.s32 v7  }
0x27a: {  	v50 =	vmul.f32 v45, v10;
	v45 =	vld [tilespmem:s13+$0x60];
	v2 =	vadd.f32 v2, v42;
	v63 =	vcvt.s32.f32 v26  }
0x27b: {  	v42 =	vld.idx.msk [tilespmem:v53+s5+$0x0], $0xffff;
	v59 =	vmul.f32 v24, v59;
	v31 =	vmul.f32 v31, v47;
	v0 =	vmax.f32 v0, $0.0e+00  }
0x27c: {  	v47 =	vadd.f32 v6, v62;
	v2 =	vadd.f32 v2, v50;
	v50 =	vld.idx.msk [tilespmem:v35+s5+$0x0], $0xffff;
	v5 =	vmul.f32 v4, v54  }
0x27d: {  	v53 =	vld.idx.msk [tilespmem:v53+s3+$0x0], $0xffff;
	v3 =	vadd.f32 v59, v3;
	v7 =	vmul.f32 v52, v12;
	v31 =	vadd.f32 v31, v60  }
0x27e: {  	v0 =	vmin.f32 v0, $3.500000000e+01;
	v6 =	vmul.f32 v47, v37;
	[tilespmem:s12+$0x7430] =	vst v2;
	v54 =	vadd.f32 v5, v61;
	v61 =	vld.idx.msk [tilespmem:v35+s3+$0x0], $0xffff  }
0x27f: {  	v47 =	vtrunc.f32 v0;
	v60 =	vmul.f32 v25, v12;
	v31 =	vadd.f32 v31, v46;
	v2 =	vld.idx.msk [tilespmem:v55+s21+$0x0], $0xffff  }
0x280: {  	v5 =	vadd.f32 v7, v11;
	v7 =	vcvt.s32.f32 v55;
	v62 =	vld.idx.msk [tilespmem:v55+s6+$0x0], $0xffff;
	v54 =	vmul.f32 v54, v4  }
0x281: {  	v3 =	vmul.f32 v3, v24;
	v46 =	vadd.f32 v6, v50;
	v50 =	vld [tilespmem:s12+$0x450];
	[tilespmem:s13+$0x7000] =	vst v31;
	v31 =	vadd.f32 v60, v11  }
0x282: {  	v5 =	vmax.f32 v5, $0.0e+00;
	v57 =	vsub.f32 v57, v7;
	v7 =	vld.idx.msk [tilespmem:v55+s5+$0x0], $0xffff;
	v42 =	vadd.f32 v54, v42  }
0x283: {  	v55 =	vld.idx.msk [tilespmem:v55+s3+$0x0], $0xffff;
	v54 =	vmin.f32 v5, $3.500000000e+01;
	v37 =	vmul.f32 v46, v37;
	v31 =	vmax.f32 v31, $0.0e+00  }
0x284: {  	v35 =	vld.idx.msk [tilespmem:v48+s21+$0x0], $0xffff;
	v46 =	vcvt.f32.s32 v47;
	v6 =	vtrunc.f32 v54;
	v31 =	vmin.f32 v31, $3.500000000e+01  }
0x285: {  	v47 =	vld.idx.msk [tilespmem:v48+s6+$0x0], $0xffff;
	v4 =	vmul.f32 v42, v4;
	v60 =	vcvt.f32.s32 v6;
	v37 =	vadd.f32 v37, v61  }
0x286: {  	v42 =	vld.idx.msk [tilespmem:v21+s5+$0x0], $0xffff;
	v2 =	vmul.f32 v57, v2;
	v6 =	vtrunc.f32 v31  }
0x287: {  	v61 =	vld.idx.msk [tilespmem:v48+s5+$0x0], $0xffff;
	v5 =	vmul.f32 v50, v12;
	v53 =	vadd.f32 v4, v53;
	v34 =	vadd.f32 v37, v34  }
0x288: {  	v21 =	vld.idx.msk [tilespmem:v21+s3+$0x0], $0xffff;
	v4 =	vmul.f32 v43, v10;
	v2 =	vadd.f32 v2, v62;
	v43 =	vcvt.s32.f32 v60  }
0x289: {  	v35 =	vmul.f32 v51, v35;
	v37 =	vadd.f32 v5, v11;
	v20 =	vadd.f32 v53, v20;
	[tilespmem:s12+$0x7030] =	vst v34;
	v34 =	vld [tilespmem:s13+$0x420]  }
0x28a: {  	v2 =	vmul.f32 v2, v57;
	v54 =	vsub.f32 v54, v43;
	v43 =	vsub.f32 v1, v63;
	v1 =	vld.idx.msk [tilespmem:v48+s3+$0x0], $0xffff  }
0x28b: {  	v53 =	vcvt.s32.f32 v46;
	[tilespmem:s13+$0x7400] =	vst v20;
	v20 =	vcvt.f32.s32 v6;
	v6 =	vld.idx.msk [tilespmem:v30+s21+$0x0], $0xffff  }
0x28c: {  	v35 =	vadd.f32 v35, v47;
	v37 =	vmax.f32 v37, $0.0e+00;
	v2 =	vadd.f32 v2, v7;
	v62 =	vld.idx.msk [tilespmem:v60+s21+$0x0], $0xffff  }
0x28d: {  	v47 =	vmul.f32 v45, v12;
	v63 =	vld.idx.msk [tilespmem:v30+s6+$0x0], $0xffff;
	v3 =	vadd.f32 v3, v42;
	v37 =	vmin.f32 v37, $3.500000000e+01  }
0x28e: {  	v35 =	vmul.f32 v35, v51;
	v48 =	vsub.f32 v0, v53;
	v5 =	vld.idx.msk [tilespmem:v60+s6+$0x0], $0xffff;
	v2 =	vmul.f32 v2, v57  }
0x28f: {  	v47 =	vadd.f32 v47, v11;
	v7 =	vtrunc.f32 v37;
	v3 =	vmul.f32 v3, v24  }
0x290: {  	[tilespmem:s2+$0x7050] =	vst v44;
	v59 =	vld.idx.msk [tilespmem:v30+s3+$0x0], $0xffff;
	v44 =	vcvt.f32.s32 v7;
	v53 =	vcvt.s32.f32 v20;
	v2 =	vadd.f32 v2, v55  }
0x291: {  	v35 =	vadd.f32 v35, v61;
	v55 =	vld.idx.msk [tilespmem:v60+s5+$0x0], $0xffff;
	v6 =	vmul.f32 v58, v6;
	v57 =	vmul.f32 v54, v62  }
0x292: {  	v61 =	vmul.f32 v34, v12;
	v3 =	vadd.f32 v3, v21;
	v2 =	vadd.f32 v2, v49;
	v49 =	vld.idx.msk [tilespmem:v30+s5+$0x0], $0xffff  }
0x293: {  	v35 =	vmul.f32 v35, v51;
	v51 =	vld.idx.msk [tilespmem:v18+s6+$0x0], $0xffff;
	v0 =	vadd.f32 v6, v63;
	v5 =	vadd.f32 v57, v5  }
0x294: {  	s29 =	simm.s32 $0x200;
	s14 =	simm.s32 $0x400;
	v56 =	vmul.f32 v56, v10;
	v24 =	vsub.f32 v31, v53;
	v62 =	vadd.f32 v61, v11;
	v63 =	vld.idx.msk [tilespmem:v60+s3+$0x0], $0xffff  }
0x295: {  	s14 =	sand.u32 $0x3800, s14;
	s10 =	sand.u32 $0x380, s29;
	v57 =	vld.idx.msk [tilespmem:v18+s21+$0x0], $0xffff;
	[tilespmem:s12+$0x7440] =	vst v2;
	v0 =	vmul.f32 v0, v58;
	v5 =	vmul.f32 v5, v54  }
0x296: {  	s10 =	sor.u32 s10, s14;
	v1 =	vadd.f32 v35, v1;
	v61 =	vcvt.s32.f32 v44;
	v60 =	vmax.f32 v62, $0.0e+00;
	v6 =	vld.idx.msk [tilespmem:v44+s21+$0x0], $0xffff  }
0x297: {  	v2 =	vld [tilespmem:s10+$0x0];
	v35 =	vmin.f32 v60, $3.500000000e+01;
	v0 =	vadd.f32 v0, v49;
	v5 =	vadd.f32 v5, v55  }
0x298: {  	v1 =	vadd.f32 v1, v56;
	v42 =	vsub.f32 v37, v61;
	v56 =	vld.idx.msk [tilespmem:v44+s6+$0x0], $0xffff;
	v62 =	vtrunc.f32 v35  }
0x299: {  	v30 =	vld [tilespmem:s10+$0x70];
	v60 =	vmax.f32 v47, $0.0e+00;
	v0 =	vmul.f32 v0, v58;
	v5 =	vmul.f32 v5, v54  }
0x29a: {  	v47 =	vadd.f32 v3, v22;
	[tilespmem:s13+$0x7010] =	vst v1;
	v22 =	vmul.f32 v17, v57;
	v54 =	vcvt.f32.s32 v62  }
0x29b: {  	v61 =	vld.idx.msk [tilespmem:v33+s21+$0x0], $0xffff;
	v55 =	vmul.f32 v52, v10;
	v6 =	vmul.f32 v42, v6;
	v63 =	vadd.f32 v5, v63  }
0x29c: {  	v34 =	vmul.f32 v34, v10;
	v49 =	vld.idx.msk [tilespmem:v44+s5+$0x0], $0xffff;
	v0 =	vadd.f32 v0, v59;
	v22 =	vadd.f32 v22, v51  }
0x29d: {  	v59 =	vmul.f32 v2, v12;
	v6 =	vadd.f32 v6, v56;
	v1 =	vadd.f32 v63, v55  }
0x29e: {  	v2 =	vmul.f32 v2, v10;
	v5 =	vmin.f32 v60, $3.500000000e+01;
	v60 =	vmul.f32 v30, v12  }
0x29f: {  	v62 =	vtrunc.f32 v5;
	v0 =	vadd.f32 v0, v28;
	v63 =	vld.idx.msk [tilespmem:v33+s6+$0x0], $0xffff;
	v56 =	vmul.f32 v6, v42;
	[tilespmem:s13+$0x7410] =	vst v1  }
0x2a0: {  	v28 =	vcvt.s32.f32 v54;
	v7 =	vcvt.f32.s32 v62;
	v6 =	vadd.f32 v60, v11;
	v58 =	vld.idx.msk [tilespmem:v54+s21+$0x0], $0xffff  }
0x2a1: {  	v37 =	vld [tilespmem:s13+$0x430];
	v61 =	vmul.f32 v39, v61;
	v30 =	vmul.f32 v30, v10;
	v1 =	vadd.f32 v56, v49  }
0x2a2: {  	v28 =	vsub.f32 v35, v28;
	v62 =	vcvt.s32.f32 v7;
	v6 =	vmax.f32 v6, $0.0e+00;
	v31 =	vld.idx.msk [tilespmem:v54+s6+$0x0], $0xffff;
	[tilespmem:$0x1FF50] =	vst v7  }
0x2a3: {  	v6 =	vmin.f32 v6, $3.500000000e+01;
	v51 =	vld [tilespmem:s10+$0x10];
	v1 =	vmul.f32 v1, v42;
	v42 =	vmul.f32 v22, v17  }
0x2a4: {  	v22 =	vadd.f32 v59, v11;
	v60 =	vld.idx.msk [tilespmem:v54+s5+$0x0], $0xffff;
	v63 =	vadd.f32 v61, v63;
	v61 =	vtrunc.f32 v6  }
0x2a5: {  	v52 =	vld [tilespmem:s10+$0x20];
	v56 =	vcvt.f32.s32 v61;
	v3 =	vmul.f32 v28, v58  }
0x2a6: {  	v55 =	vmul.f32 v50, v10;
	v44 =	vld.idx.msk [tilespmem:v44+s3+$0x0], $0xffff;
	v5 =	vsub.f32 v5, v62;
	v22 =	vmax.f32 v22, $0.0e+00  }
0x2a7: {  	v57 =	vmin.f32 v22, $3.500000000e+01;
	v3 =	vadd.f32 v3, v31;
	v31 =	vmul.f32 v37, v12  }
0x2a8: {  	v35 =	vmul.f32 v63, v39;
	v63 =	vtrunc.f32 v57  }
0x2a9: {  	[tilespmem:$0x1FF60] =	vst v5;
	v62 =	vmul.f32 v51, v12;
	v3 =	vmul.f32 v3, v28;
	v31 =	vadd.f32 v31, v11  }
0x2aa: {  	v50 =	vld.idx.msk [tilespmem:v54+s3+$0x0], $0xffff;
	v49 =	vcvt.f32.s32 v63;
	v53 =	vmul.f32 v52, v12  }
0x2ab: {  	v1 =	vadd.f32 v1, v44;
	v44 =	vld.idx.msk [tilespmem:v56+s21+$0x0], $0xffff;
	v3 =	vadd.f32 v3, v60;
	v31 =	vmax.f32 v31, $0.0e+00  }
0x2ac: {  	v58 =	vld.idx.msk [tilespmem:v33+s5+$0x0], $0xffff;
	v5 =	vadd.f32 v62, v11;
	v60 =	vcvt.s32.f32 v56;
	v31 =	vmin.f32 v31, $3.500000000e+01  }
0x2ad: {  	v61 =	vld.idx.msk [tilespmem:v56+s6+$0x0], $0xffff;
	v3 =	vmul.f32 v3, v28;
	v28 =	vtrunc.f32 v31  }
0x2ae: {  	v54 =	vld [tilespmem:s10+$0x30];
	v5 =	vmax.f32 v5, $0.0e+00;
	v6 =	vsub.f32 v6, v60;
	v59 =	vcvt.f32.s32 v28  }
0x2af: {  	v33 =	vld.idx.msk [tilespmem:v33+s3+$0x0], $0xffff;
	v53 =	vadd.f32 v53, v11;
	v5 =	vmin.f32 v5, $3.500000000e+01;
	v3 =	vadd.f32 v3, v50  }
0x2b0: {  	v55 =	vadd.f32 v1, v55;
	v7 =	vtrunc.f32 v5;
	v28 =	vld [tilespmem:s10+$0x400];
	v44 =	vmul.f32 v6, v44  }
0x2b1: {  	v60 =	vld.idx.msk [tilespmem:v49+s21+$0x0], $0xffff;
	v50 =	vcvt.f32.s32 v7;
	v7 =	vcvt.s32.f32 v49;
	v3 =	vadd.f32 v3, v34  }
0x2b2: {  	v51 =	vmul.f32 v51, v10;
	v62 =	vld.idx.msk [tilespmem:v56+s5+$0x0], $0xffff;
	v34 =	vadd.f32 v35, v58;
	v44 =	vadd.f32 v44, v61  }
0x2b3: {  	v35 =	vld.idx.msk [tilespmem:v49+s6+$0x0], $0xffff;
	v1 =	vsub.f32 v57, v7;
	v61 =	vcvt.s32.f32 v59;
	v7 =	vmul.f32 v54, v12;
	[tilespmem:s13+$0x7420] =	vst v3  }
0x2b4: {  	v53 =	vmax.f32 v53, $0.0e+00;
	v3 =	vcvt.s32.f32 v50;
	v34 =	vmul.f32 v34, v39;
	v39 =	vld.idx.msk [tilespmem:v59+s21+$0x0], $0xffff  }
0x2b5: {  	v56 =	vld.idx.msk [tilespmem:v56+s3+$0x0], $0xffff;
	v58 =	vmin.f32 v53, $3.500000000e+01;
	v57 =	vmul.f32 v28, v12;
	v44 =	vmul.f32 v44, v6  }
0x2b6: {  	v60 =	vmul.f32 v1, v60;
	v63 =	vadd.f32 v7, v11;
	v33 =	vadd.f32 v34, v33;
	v34 =	vld.idx.msk [tilespmem:v59+s6+$0x0], $0xffff  }
0x2b7: {  	v53 =	vld [tilespmem:s13+$0x440];
	v61 =	vsub.f32 v31, v61;
	v31 =	vtrunc.f32 v58;
	v57 =	vadd.f32 v57, v11  }
0x2b8: {  	v44 =	vadd.f32 v44, v62;
	v62 =	vld.idx.msk [tilespmem:v49+s5+$0x0], $0xffff;
	v63 =	vmax.f32 v63, $0.0e+00;
	v3 =	vsub.f32 v5, v3  }
0x2b9: {  	v35 =	vadd.f32 v60, v35;
	v60 =	vld.idx.msk [tilespmem:v18+s5+$0x0], $0xffff;
	v57 =	vmax.f32 v57, $0.0e+00;
	v39 =	vmul.f32 v61, v39  }
0x2ba: {  	v6 =	vmul.f32 v44, v6;
	v32 =	vadd.f32 v33, v32;
	v33 =	vld.idx.msk [tilespmem:v59+s5+$0x0], $0xffff;
	v7 =	vmin.f32 v57, $3.500000000e+01  }
0x2bb: {  	v57 =	vld [tilespmem:s10+$0x40];
	v35 =	vmul.f32 v35, v1;
	v44 =	vtrunc.f32 v7;
	v34 =	vadd.f32 v39, v34  }
0x2bc: {  	v5 =	vld.idx.msk [tilespmem:v49+s3+$0x0], $0xffff;
	v6 =	vadd.f32 v6, v56;
	[tilespmem:s13+$0x7020] =	vst v32;
	v44 =	vcvt.f32.s32 v44;
	v39 =	vmul.f32 v53, v12  }
0x2bd: {  	v63 =	vmin.f32 v63, $3.500000000e+01;
	v32 =	vadd.f32 v35, v62;
	v35 =	vld.idx.msk [tilespmem:v26+s21+$0x0], $0xffff;
	v34 =	vmul.f32 v34, v61  }
0x2be: {  	[tilespmem:s12+$0x7040] =	vst v0;
	v59 =	vld.idx.msk [tilespmem:v59+s3+$0x0], $0xffff;
	v6 =	vadd.f32 v6, v30;
	v30 =	vtrunc.f32 v63;
	v62 =	vadd.f32 v39, v11  }
0x2bf: {  	v0 =	vld.idx.msk [tilespmem:v26+s6+$0x0], $0xffff;
	v1 =	vmul.f32 v32, v1;
	v32 =	vadd.f32 v42, v60;
	v33 =	vadd.f32 v34, v33  }
0x2c0: {  	v39 =	vcvt.f32.s32 v31;
	v8 =	vmul.f32 v57, v12;
	v34 =	vmax.f32 v62, $0.0e+00  }
0x2c1: {  	v56 =	vld [tilespmem:s10+$0x50];
	v31 =	vcvt.f32.s32 v30;
	[tilespmem:s10+$0x7070] =	vst v6;
	v30 =	vmin.f32 v34, $3.500000000e+01;
	v6 =	vmul.f32 v33, v61  }
0x2c2: {  	v1 =	vadd.f32 v1, v5;
	v49 =	vtrunc.f32 v30;
	v61 =	vmul.f32 v43, v35;
	v35 =	vld.idx.msk [tilespmem:v44+s21+$0x0], $0xffff  }
0x2c3: {  	v8 =	vadd.f32 v8, v11;
	v33 =	vld.idx.msk [tilespmem:v26+s5+$0x0], $0xffff;
	v42 =	vcvt.f32.s32 v49;
	v49 =	vcvt.s32.f32 v44  }
0x2c4: {  	v37 =	vmul.f32 v37, v10;
	v60 =	vld.idx.msk [tilespmem:v44+s6+$0x0], $0xffff;
	v6 =	vadd.f32 v6, v59;
	v0 =	vadd.f32 v61, v0  }
0x2c5: {  	v62 =	vld.idx.msk [tilespmem:v36+s21+$0x0], $0xffff;
	v1 =	vadd.f32 v1, v2;
	v59 =	vcvt.s32.f32 v39;
	v7 =	vsub.f32 v7, v49  }
0x2c6: {  	v61 =	vld.idx.msk [tilespmem:v26+s3+$0x0], $0xffff;
	v26 =	vcvt.s32.f32 v31;
	v6 =	vadd.f32 v6, v37;
	v0 =	vmul.f32 v0, v43  }
0x2c7: {  	v49 =	vld [tilespmem:s10+$0x410];
	v37 =	vsub.f32 v58, v59;
	v59 =	vmax.f32 v8, $0.0e+00;
	v35 =	vmul.f32 v7, v35  }
0x2c8: {  	v34 =	vsub.f32 v63, v26;
	v8 =	vld.idx.msk [tilespmem:v44+s5+$0x0], $0xffff;
	v63 =	vcvt.s32.f32 v42;
	[tilespmem:s13+$0x7430] =	vst v6;
	v0 =	vadd.f32 v0, v33  }
0x2c9: {  	v2 =	vmin.f32 v59, $3.500000000e+01;
	v59 =	vmul.f32 v56, v12;
	v5 =	vld.idx.msk [tilespmem:v42+s21+$0x0], $0xffff;
	v35 =	vadd.f32 v35, v60  }
0x2ca: {  	[tilespmem:s10+$0x7000] =	vst v1;
	v6 =	vtrunc.f32 v2;
	v0 =	vmul.f32 v0, v43;
	v43 =	vld.idx.msk [tilespmem:v42+s6+$0x0], $0xffff  }
0x2cb: {  	v33 =	vcvt.f32.s32 v6;
	v1 =	vadd.f32 v59, v11;
	v6 =	vmul.f32 v35, v7;
	v35 =	vld.idx.msk [tilespmem:v50+s21+$0x0], $0xffff  }
0x2cc: {  	v44 =	vld.idx.msk [tilespmem:v44+s3+$0x0], $0xffff;
	v30 =	vsub.f32 v30, v63;
	v63 =	vmul.f32 v38, v62;
	v58 =	vmul.f32 v49, v12  }
0x2cd: {  	[tilespmem:s11+$0x7050] =	vst v47;
	v60 =	vld.idx.msk [tilespmem:v50+s6+$0x0], $0xffff;
	v1 =	vmax.f32 v1, $0.0e+00;
	v0 =	vadd.f32 v0, v61;
	v6 =	vadd.f32 v6, v8  }
0x2ce: {  	v47 =	vld.idx.msk [tilespmem:v23+s6+$0x0], $0xffff;
	v59 =	vcvt.s32.f32 v33;
	v1 =	vmin.f32 v1, $3.500000000e+01;
	v5 =	vmul.f32 v30, v5  }
0x2cf: {  	v8 =	vadd.f32 v58, v11;
	v0 =	vadd.f32 v0, v4;
	v4 =	vld.idx.msk [tilespmem:v42+s5+$0x0], $0xffff;
	v6 =	vmul.f32 v6, v7  }
0x2d0: {  	v7 =	vtrunc.f32 v1;
	v5 =	vadd.f32 v5, v43;
	v43 =	vld [tilespmem:s13+$0x450];
	v35 =	vmul.f32 v3, v35  }
0x2d1: {  	v61 =	vld.idx.msk [tilespmem:v50+s5+$0x0], $0xffff;
	v8 =	vmax.f32 v8, $0.0e+00;
	v6 =	vadd.f32 v6, v44;
	v44 =	vcvt.f32.s32 v7  }
0x2d2: {  	v58 =	vld.idx.msk [tilespmem:v36+s6+$0x0], $0xffff;
	v8 =	vmin.f32 v8, $3.500000000e+01;
	v5 =	vmul.f32 v5, v30;
	v7 =	vadd.f32 v35, v60  }
0x2d3: {  	v42 =	vld.idx.msk [tilespmem:v42+s3+$0x0], $0xffff;
	[tilespmem:s13+$0x7030] =	vst v0;
	v60 =	vtrunc.f32 v8;
	v35 =	vsub.f32 v2, v59;
	v0 =	vcvt.s32.f32 v44  }
0x2d4: {  	v59 =	vld.idx.msk [tilespmem:v46+s21+$0x0], $0xffff;
	v4 =	vadd.f32 v5, v4;
	v5 =	vcvt.f32.s32 v60;
	v60 =	vmul.f32 v28, v10  }
0x2d5: {  	v28 =	vld.idx.msk [tilespmem:v18+s3+$0x0], $0xffff;
	v7 =	vmul.f32 v7, v3;
	v2 =	vmul.f32 v43, v12  }
0x2d6: {  	v6 =	vadd.f32 v6, v60;
	v4 =	vmul.f32 v4, v30;
	v30 =	vsub.f32 v1, v0;
	v0 =	vld.idx.msk [tilespmem:v36+s5+$0x0], $0xffff  }
0x2d7: {  	v18 =	vmul.f32 v19, v10;
	v19 =	vmul.f32 v29, v10;
	v1 =	vadd.f32 v63, v58;
	v60 =	vld.idx.msk [tilespmem:v36+s3+$0x0], $0xffff  }
0x2d8: {  	v7 =	vadd.f32 v7, v61;
	v58 =	vcvt.s32.f32 v5;
	v2 =	vadd.f32 v2, v11;
	[tilespmem:s10+$0x7400] =	vst v6;
	v6 =	vld.idx.msk [tilespmem:v46+s6+$0x0], $0xffff  }
0x2d9: {  	v61 =	vmul.f32 v27, v10;
	v27 =	vmul.f32 v53, v10;
	v4 =	vadd.f32 v4, v42;
	v42 =	vld.idx.msk [tilespmem:v50+s3+$0x0], $0xffff  }
0x2da: {  	v36 =	vmul.f32 v40, v10;
	v58 =	vsub.f32 v8, v58;
	v2 =	vmax.f32 v2, $0.0e+00;
	v8 =	vld.idx.msk [tilespmem:v5+s21+$0x0], $0xffff  }
0x2db: {  	v26 =	vld [tilespmem:s10+$0x60];
	v29 =	vmul.f32 v48, v59;
	v1 =	vmul.f32 v1, v38;
	v2 =	vmin.f32 v2, $3.500000000e+01  }
0x2dc: {  	v3 =	vmul.f32 v7, v3;
	v4 =	vadd.f32 v4, v27;
	v59 =	vld.idx.msk [tilespmem:v5+s6+$0x0], $0xffff;
	v27 =	vtrunc.f32 v2  }
0x2dd: {  	v62 =	vld.idx.msk [tilespmem:v46+s5+$0x0], $0xffff;
	v0 =	vadd.f32 v1, v0;
	v53 =	vcvt.f32.s32 v27;
	v27 =	vmul.f32 v45, v10  }
0x2de: {  	v50 =	vld [tilespmem:s10+$0x420];
	v45 =	vmul.f32 v52, v10;
	v6 =	vadd.f32 v29, v6;
	v29 =	vmul.f32 v25, v10  }
0x2df: {  	v40 =	vld.idx.msk [tilespmem:v23+s21+$0x0], $0xffff;
	v3 =	vadd.f32 v3, v42;
	v0 =	vmul.f32 v0, v38;
	v63 =	vmul.f32 v58, v8  }
0x2e0: {  	v38 =	vld.idx.msk [tilespmem:v23+s5+$0x0], $0xffff;
	v42 =	vmul.f32 v54, v10;
	v8 =	vmul.f32 v26, v12  }
0x2e1: {  	v6 =	vmul.f32 v6, v48;
	v3 =	vadd.f32 v3, v51;
	v1 =	vadd.f32 v63, v59;
	v59 =	vld.idx.msk [tilespmem:v5+s5+$0x0], $0xffff  }
0x2e2: {  	[tilespmem:s13+$0x7440] =	vst v4;
	v25 =	vcvt.s32.f32 v53;
	v0 =	vadd.f32 v0, v60;
	v63 =	vld.idx.msk [tilespmem:v46+s3+$0x0], $0xffff;
	v8 =	vadd.f32 v8, v11  }
0x2e3: {  	v51 =	vmul.f32 v57, v10;
	v6 =	vadd.f32 v6, v62;
	v62 =	vmul.f32 v50, v12;
	v9 =	vld.idx.msk [tilespmem:v53+s21+$0x0], $0xffff  }
0x2e4: {  	v46 =	vld.idx.msk [tilespmem:v23+s3+$0x0], $0xffff;
	v23 =	vmul.f32 v56, v10;
	v56 =	vadd.f32 v0, v61;
	v8 =	vmax.f32 v8, $0.0e+00  }
0x2e5: {  	[tilespmem:s2+$0x7450] =	vst v13;
	v60 =	vld.idx.msk [tilespmem:v5+s3+$0x0], $0xffff;
	v1 =	vmul.f32 v1, v58;
	v4 =	vadd.f32 v62, v11;
	v54 =	vmin.f32 v8, $3.500000000e+01  }
0x2e6: {  	[tilespmem:s10+$0x7010] =	vst v3;
	v52 =	vld.idx.msk [tilespmem:v53+s6+$0x0], $0xffff;
	v6 =	vmul.f32 v6, v48;
	v48 =	vsub.f32 v2, v25;
	v57 =	vtrunc.f32 v54  }
0x2e7: {  	[tilespmem:s11+$0x7450] =	vst v41;
	v61 =	vld.idx.msk [tilespmem:v39+s21+$0x0], $0xffff;
	v62 =	vadd.f32 v1, v59;
	v25 =	vcvt.f32.s32 v57;
	v59 =	vmax.f32 v4, $0.0e+00  }
0x2e8: {  	s24 =	simm.s32 $0x8;
	s25 =	simm.s32 $0x280;
	s14 =	simm.s32 $0x500;
	[tilespmem:s12+$0x7450] =	vst v55;
	v41 =	vld.idx.msk [tilespmem:v53+s5+$0x0], $0xffff;
	v57 =	vadd.f32 v6, v63;
	v59 =	vmin.f32 v59, $3.500000000e+01;
	v55 =	vmul.f32 v48, v9  }
.LBB2_6:
0x2e9: {  	v0 =	vld.idx.msk [tilespmem:v39+s6+$0x0], $0xffff  }
0x2ea: {  	v8 =	vmul.f32 v14, v40;
	v40 =	vld [tilespmem:$0x1FF40]  }
0x2eb: {  	s29 =	sand.u32 $0x3800, s14;
	s16 =	sand.u32 $0x380, s25;
	v2 =	vtrunc.f32 v59;
	v13 =	vld [tilespmem:$0x1FF60];
	v1 =	vmul.f32 v62, v58  }
0x2ec: {  	v7 =	vmul.f32 v49, v10;
	s29 =	sor.u32 s16, s29;
	v2 =	vcvt.f32.s32 v2;
	v4 =	vadd.f32 v57, v36;
	v57 =	vld.idx.msk [tilespmem:v53+s3+$0x0], $0xffff  }
0x2ed: {  	[tilespmem:s12+$0x7050] =	vst v56;
	v36 =	vmov v51;
	v51 =	vld [tilespmem:s29+$0x70];
	v1 =	vadd.f32 v1, v60;
	v5 =	vadd.f32 v55, v52  }
0x2ee: {  	v3 =	vld.idx.msk [tilespmem:v39+s5+$0x0], $0xffff;
	[tilespmem:s13+$0x7040] =	vst v4  }
0x2ef: {  	v32 =	vmul.f32 v32, v17;
	v9 =	vld [tilespmem:s29+$0x0];
	v1 =	vadd.f32 v1, v7;
	v5 =	vmul.f32 v5, v48  }
0x2f0: {  	v6 =	vcvt.s32.f32 v25;
	v58 =	vmul.f32 v37, v61;
	v61 =	vld [tilespmem:s29+$0x20]  }
0x2f1: {  	v53 =	vmul.f32 v43, v10;
	v8 =	vadd.f32 v8, v47;
	v7 =	vld [tilespmem:s29+$0x10];
	[tilespmem:s10+$0x7410] =	vst v1;
	v5 =	vadd.f32 v5, v41  }
0x2f2: {  	v47 =	vmul.f32 v26, v10;
	v0 =	vadd.f32 v58, v0;
	v26 =	vmul.f32 v51, v12;
	v1 =	vld.idx.msk [tilespmem:v2+s21+$0x0], $0xffff  }
0x2f3: {  	v6 =	vsub.f32 v54, v6;
	v5 =	vmul.f32 v5, v48;
	v48 =	vcvt.s32.f32 v2  }
0x2f4: {  	v41 =	vmov v13;
	v0 =	vmul.f32 v0, v37;
	v52 =	vld.idx.msk [tilespmem:v2+s6+$0x0], $0xffff;
	v54 =	vmul.f32 v9, v12  }
0x2f5: {  	v60 =	vld [tilespmem:s10+$0x430];
	v13 =	vmovc v6;
	v26 =	vadd.f32 v26, v11;
	v58 =	vmul.f32 v9, v10;
	v6 =	vsub.f32 v59, v48  }
0x2f6: {  	v62 =	vadd.f32 v32, v28;
	v49 =	vld [tilespmem:s29+$0x30];
	v22 =	vmovc v40;
	v40 =	vmul.f32 v61, v12;
	v55 =	vmul.f32 v7, v12  }
0x2f7: {  	v43 =	vld [tilespmem:s29+$0x40];
	v26 =	vmax.f32 v26, $0.0e+00;
	v4 =	vadd.f32 v5, v57;
	v1 =	vmul.f32 v6, v1  }
0x2f8: {  	v28 =	vmovc v46;
	v56 =	vadd.f32 v54, v11;
	v57 =	vadd.f32 v55, v11;
	v46 =	vmin.f32 v26, $3.500000000e+01;
	v48 =	vld.idx.msk [tilespmem:v2+s5+$0x0], $0xffff  }
0x2f9: {  	v9 =	vld.idx.msk [tilespmem:v39+s3+$0x0], $0xffff;
	v26 =	vtrunc.f32 v46;
	v4 =	vadd.f32 v4, v53;
	v1 =	vadd.f32 v1, v52  }
0x2fa: {  	[tilespmem:$0x1FF40] =	vst v41;
	v41 =	vld [tilespmem:s29+$0x50];
	v57 =	vmax.f32 v57, $0.0e+00;
	v63 =	vcvt.f32.s32 v26;
	v26 =	vmul.f32 v60, v12  }
0x2fb: {  	v55 =	vld.idx.msk [tilespmem:v20+s21+$0x0], $0xffff;
	v59 =	vmax.f32 v56, $0.0e+00;
	v5 =	vmin.f32 v57, $3.500000000e+01;
	[tilespmem:s13+$0x7450] =	vst v4;
	v1 =	vmul.f32 v1, v6  }
0x2fc: {  	v4 =	vmin.f32 v59, $3.500000000e+01;
	v59 =	vadd.f32 v40, v11;
	v40 =	vadd.f32 v26, v11;
	v2 =	vld.idx.msk [tilespmem:v2+s3+$0x0], $0xffff  }
0x2fd: {  	v53 =	vld.idx.msk [tilespmem:v20+s6+$0x0], $0xffff;
	v26 =	vtrunc.f32 v5;
	v54 =	vtrunc.f32 v4;
	v1 =	vadd.f32 v1, v48  }
0x2fe: {  	[tilespmem:$0x1FF60] =	vst v13;
	v57 =	vcvt.f32.s32 v26;
	v26 =	vld [tilespmem:s29+$0x60];
	v13 =	vcvt.f32.s32 v54  }
0x2ff: {  	v50 =	vmul.f32 v50, v10;
	v0 =	vadd.f32 v0, v3;
	v54 =	vld.idx.msk [tilespmem:v20+s5+$0x0], $0xffff;
	v1 =	vmul.f32 v1, v6  }
0x300: {  	v32 =	vmax.f32 v59, $0.0e+00;
	v56 =	vmax.f32 v40, $0.0e+00;
	v40 =	vld.idx.msk [tilespmem:v16+s21+$0x0], $0xffff;
	v59 =	vcvt.s32.f32 v13  }
0x301: {  	v52 =	vmul.f32 v7, v10;
	v7 =	vmin.f32 v56, $3.500000000e+01;
	v48 =	vld.idx.msk [tilespmem:v20+s3+$0x0], $0xffff;
	v1 =	vadd.f32 v1, v2  }
0x302: {  	v21 =	vmovc v14;
	v0 =	vmul.f32 v0, v37;
	v14 =	vld.idx.msk [tilespmem:v63+s21+$0x0], $0xffff;
	v56 =	vtrunc.f32 v7;
	v4 =	vsub.f32 v4, v59  }
0x303: {  	v59 =	vcvt.s32.f32 v57;
	v6 =	vcvt.f32.s32 v56;
	v1 =	vadd.f32 v1, v50;
	v50 =	vld [tilespmem:$0x1FF30]  }
0x304: {  	v8 =	vmul.f32 v8, v21;
	v17 =	vcvt.s32.f32 v63;
	v20 =	vmovc v44;
	v44 =	vmin.f32 v32, $3.500000000e+01;
	v15 =	vld.idx.msk [tilespmem:v63+s6+$0x0], $0xffff  }
0x305: {  	v0 =	vadd.f32 v0, v9;
	v39 =	vtrunc.f32 v44;
	v56 =	vsub.f32 v5, v59;
	v59 =	vld [tilespmem:s29+$0x400]  }
0x306: {  	v39 =	vcvt.f32.s32 v39;
	v3 =	vld.idx.msk [tilespmem:v13+s21+$0x0], $0xffff;
	v5 =	vsub.f32 v46, v17  }
0x307: {  	v0 =	vadd.f32 v0, v45;
	v32 =	vadd.f32 v8, v38;
	v38 =	vld.idx.msk [tilespmem:v63+s5+$0x0], $0xffff;
	v17 =	vmul.f32 v49, v12  }
0x308: {  	v2 =	vld.idx.msk [tilespmem:v13+s6+$0x0], $0xffff;
	v8 =	vcvt.s32.f32 v39;
	v14 =	vmul.f32 v5, v14;
	[tilespmem:s10+$0x7420] =	vst v1;
	v1 =	vadd.f32 v62, v50  }
0x309: {  	v55 =	vmul.f32 v24, v55;
	v46 =	vmul.f32 v61, v10;
	v17 =	vadd.f32 v17, v11;
	v9 =	vld.idx.msk [tilespmem:v6+s21+$0x0], $0xffff  }
0x30a: {  	v37 =	vsub.f32 v44, v8;
	v8 =	vadd.f32 v14, v15;
	v15 =	vcvt.s32.f32 v6;
	v50 =	vld [tilespmem:s10+$0x440];
	[tilespmem:s2+$0x7060] =	vst v1;
	s2 =	smov.u32 s11  }
0x30b: {  	v14 =	vmul.f32 v59, v12;
	v3 =	vmul.f32 v4, v3;
	s11 =	smov.u32 s12;
	s12 =	smov.u32 s13;
	v1 =	vmax.f32 v17, $0.0e+00;
	v17 =	vld.idx.msk [tilespmem:v6+s6+$0x0], $0xffff;
	s13 =	smov.u32 s10  }
0x30c: {  	v8 =	vmul.f32 v8, v5;
	v61 =	vld.idx.msk [tilespmem:v13+s5+$0x0], $0xffff;
	[tilespmem:s13+$0x7020] =	vst v0;
	v0 =	vsub.f32 v7, v15  }
0x30d: {  	v44 =	vld.idx.msk [tilespmem:v63+s3+$0x0], $0xffff;
	v62 =	vmov v18;
	v14 =	vadd.f32 v14, v11;
	v2 =	vadd.f32 v3, v2  }
0x30e: {  	[tilespmem:$0x1FF30] =	vst v62;
	v62 =	vmul.f32 v43, v12;
	v38 =	vadd.f32 v8, v38;
	v9 =	vmul.f32 v0, v9  }
0x30f: {  	v8 =	vmax.f32 v14, $0.0e+00;
	v14 =	vld.idx.msk [tilespmem:v6+s5+$0x0], $0xffff;
	v2 =	vmul.f32 v2, v4;
	v1 =	vmin.f32 v1, $3.500000000e+01  }
0x310: {  	v18 =	vmovc v19;
	v19 =	vmovc v27;
	v8 =	vmin.f32 v8, $3.500000000e+01;
	v9 =	vadd.f32 v9, v17;
	v17 =	vmul.f32 v50, v12  }
0x311: {  	v15 =	vadd.f32 v62, v11;
	v3 =	vmul.f32 v38, v5;
	v62 =	vmul.f32 v51, v10;
	v7 =	vld.idx.msk [tilespmem:v13+s3+$0x0], $0xffff  }
0x312: {  	v27 =	vmovc v47;
	v47 =	vtrunc.f32 v8;
	v38 =	vld.idx.msk [tilespmem:v31+s21+$0x0], $0xffff;
	v9 =	vmul.f32 v9, v0;
	v17 =	vadd.f32 v17, v11  }
0x313: {  	v6 =	vld.idx.msk [tilespmem:v6+s3+$0x0], $0xffff;
	v13 =	vtrunc.f32 v1;
	v5 =	vcvt.f32.s32 v47;
	v2 =	vadd.f32 v2, v61  }
0x314: {  	v45 =	vmovc v46;
	v46 =	vld.idx.msk [tilespmem:v31+s6+$0x0], $0xffff;
	v3 =	vadd.f32 v3, v44;
	v9 =	vadd.f32 v9, v14;
	v14 =	vmax.f32 v17, $0.0e+00  }
0x315: {  	v51 =	vld.idx.msk [tilespmem:v31+s5+$0x0], $0xffff;
	v13 =	vcvt.f32.s32 v13;
	v2 =	vmul.f32 v2, v4;
	v4 =	vmin.f32 v14, $3.500000000e+01  }
0x316: {  	v44 =	vld.idx.msk [tilespmem:v31+s3+$0x0], $0xffff;
	v3 =	vadd.f32 v3, v62;
	v0 =	vmul.f32 v9, v0;
	v9 =	vtrunc.f32 v4  }
0x317: {  	v63 =	vmul.f32 v34, v38;
	v2 =	vadd.f32 v2, v7;
	v7 =	vcvt.f32.s32 v9;
	v9 =	vld [tilespmem:$0x1FF50]  }
0x318: {  	v55 =	vadd.f32 v55, v53;
	s10 =	smov.u32 s29;
	v47 =	vld.idx.msk [tilespmem:v16+s6+$0x0], $0xffff  }
0x319: {  	v15 =	vmax.f32 v15, $0.0e+00;
	v61 =	vcvt.s32.f32 v13;
	[tilespmem:s10+$0x7070] =	vst v3;
	v38 =	vld.idx.msk [tilespmem:v16+s5+$0x0], $0xffff;
	v3 =	vadd.f32 v63, v46  }
0x31a: {  	v55 =	vmul.f32 v55, v24;
	v15 =	vmin.f32 v15, $3.500000000e+01;
	v31 =	vmov v13;
	v13 =	vld.idx.msk [tilespmem:v5+s21+$0x0], $0xffff  }
0x31b: {  	v1 =	vsub.f32 v1, v61;
	v61 =	vmul.f32 v60, v10;
	v46 =	vld.idx.msk [tilespmem:v16+s3+$0x0], $0xffff;
	v3 =	vmul.f32 v3, v34  }
0x31c: {  	v62 =	vtrunc.f32 v15;
	v14 =	vld.idx.msk [tilespmem:v5+s6+$0x0], $0xffff;
	v17 =	vmovc v25;
	v0 =	vadd.f32 v0, v6;
	v16 =	vmovc v9;
	v9 =	vcvt.s32.f32 v5  }
0x31d: {  	[tilespmem:$0x1FF50] =	vst v17;
	v2 =	vadd.f32 v2, v58;
	v17 =	vmul.f32 v49, v10;
	v49 =	vld [tilespmem:s10+$0x410];
	v3 =	vadd.f32 v3, v51  }
0x31e: {  	v63 =	vmul.f32 v41, v12;
	v0 =	vadd.f32 v0, v61;
	v8 =	vsub.f32 v8, v9  }
0x31f: {  	v51 =	vmul.f32 v43, v10;
	[tilespmem:s10+$0x7000] =	vst v2;
	v2 =	vcvt.f32.s32 v62  }
0x320: {  	v3 =	vmul.f32 v3, v34;
	v9 =	vld.idx.msk [tilespmem:v5+s5+$0x0], $0xffff;
	[tilespmem:s13+$0x7430] =	vst v0;
	v13 =	vmul.f32 v8, v13  }
0x321: {  	v58 =	vadd.f32 v63, v11;
	v61 =	vcvt.s32.f32 v7;
	v25 =	vcvt.s32.f32 v2;
	v6 =	vld.idx.msk [tilespmem:v7+s21+$0x0], $0xffff  }
0x322: {  	v43 =	vld [tilespmem:s13+$0x450];
	v60 =	vadd.f32 v3, v44;
	v13 =	vadd.f32 v13, v14;
	v14 =	vmul.f32 v49, v12  }
0x323: {  	v3 =	vsub.f32 v4, v61;
	v15 =	vsub.f32 v15, v25;
	v0 =	vmax.f32 v58, $0.0e+00;
	v62 =	vld.idx.msk [tilespmem:v7+s6+$0x0], $0xffff  }
0x324: {  	v25 =	vld.idx.msk [tilespmem:v57+s21+$0x0], $0xffff;
	v0 =	vmin.f32 v0, $3.500000000e+01;
	v13 =	vmul.f32 v13, v8;
	v14 =	vadd.f32 v14, v11  }
0x325: {  	v34 =	vmovc v1;
	v1 =	vadd.f32 v60, v42;
	v42 =	vmov v17;
	v5 =	vld.idx.msk [tilespmem:v5+s3+$0x0], $0xffff;
	v17 =	vtrunc.f32 v0  }
0x326: {  	v63 =	vld.idx.msk [tilespmem:v57+s6+$0x0], $0xffff;
	v6 =	vmul.f32 v3, v6;
	v9 =	vadd.f32 v13, v9;
	v13 =	vmax.f32 v14, $0.0e+00  }
0x327: {  	v61 =	vmul.f32 v43, v12;
	v60 =	vld.idx.msk [tilespmem:v7+s5+$0x0], $0xffff;
	[tilespmem:s13+$0x7030] =	vst v1;
	v44 =	vcvt.f32.s32 v17;
	v13 =	vmin.f32 v13, $3.500000000e+01  }
0x328: {  	v17 =	vld.idx.msk [tilespmem:v57+s3+$0x0], $0xffff;
	v6 =	vadd.f32 v6, v62;
	v8 =	vmul.f32 v9, v8;
	v9 =	vtrunc.f32 v13  }
0x329: {  	v25 =	vmul.f32 v56, v25;
	v14 =	vld.idx.msk [tilespmem:v57+s5+$0x0], $0xffff;
	v57 =	vadd.f32 v61, v11;
	v9 =	vcvt.f32.s32 v9  }
0x32a: {  	v7 =	vld.idx.msk [tilespmem:v7+s3+$0x0], $0xffff;
	v6 =	vmul.f32 v6, v3;
	v5 =	vadd.f32 v8, v5;
	v8 =	vmul.f32 v59, v10  }
0x32b: {  	v4 =	vadd.f32 v25, v63;
	v25 =	vld.idx.msk [tilespmem:v33+s5+$0x0], $0xffff;
	v62 =	vcvt.s32.f32 v44;
	v63 =	vmax.f32 v57, $0.0e+00  }
0x32c: {  	v57 =	vmul.f32 v26, v12;
	v59 =	vld.idx.msk [tilespmem:v33+s21+$0x0], $0xffff;
	v1 =	vadd.f32 v6, v60;
	v5 =	vadd.f32 v5, v8  }
0x32d: {  	v0 =	vsub.f32 v0, v62;
	v6 =	vmin.f32 v63, $3.500000000e+01;
	v62 =	vcvt.s32.f32 v9;
	v8 =	vld.idx.msk [tilespmem:v33+s6+$0x0], $0xffff  }
0x32e: {  	v61 =	vadd.f32 v57, v11;
	v58 =	vtrunc.f32 v6;
	v1 =	vmul.f32 v1, v3;
	[tilespmem:s10+$0x7400] =	vst v5;
	v5 =	vld.idx.msk [tilespmem:v33+s3+$0x0], $0xffff  }
0x32f: {  	v53 =	vcvt.f32.s32 v58;
	v58 =	vsub.f32 v13, v62;
	v33 =	vmovc v2;
	v2 =	vmul.f32 v4, v56;
	v60 =	vld.idx.msk [tilespmem:v9+s21+$0x0], $0xffff  }
0x330: {  	v63 =	vmul.f32 v50, v10;
	v50 =	vld [tilespmem:s10+$0x420];
	v62 =	vadd.f32 v55, v54;
	v1 =	vadd.f32 v1, v7  }
0x331: {  	v4 =	vmax.f32 v61, $0.0e+00;
	v57 =	vld.idx.msk [tilespmem:v9+s6+$0x0], $0xffff;
	v2 =	vadd.f32 v2, v14;
	v14 =	vmul.f32 v35, v59  }
0x332: {  	v54 =	vmin.f32 v4, $3.500000000e+01;
	v7 =	vmul.f32 v62, v24;
	v1 =	vadd.f32 v1, v63  }
0x333: {  	v4 =	vld.idx.msk [tilespmem:v9+s5+$0x0], $0xffff;
	v59 =	vcvt.s32.f32 v53;
	v2 =	vmul.f32 v2, v56;
	v61 =	vadd.f32 v14, v8  }
0x334: {  	v7 =	vadd.f32 v7, v48;
	v8 =	vmul.f32 v41, v10;
	[tilespmem:s13+$0x7440] =	vst v1;
	v13 =	vmul.f32 v58, v60  }
0x335: {  	s24 =	sadd.s32 $0x2, s24;
	v14 =	vtrunc.f32 v54;
	v3 =	vld.idx.msk [tilespmem:v53+s21+$0x0], $0xffff;
	v63 =	vadd.f32 v2, v17;
	v55 =	vmul.f32 v61, v35  }
0x336: {  	p0 =	slt.u32 s24, $0x6E;
	v41 =	vmul.f32 v50, v12;
	v48 =	vsub.f32 v6, v59;
	v13 =	vadd.f32 v13, v57  }
.Ltmp6:
0x337: {  	v24 =	vmov v30;
	v56 =	vadd.f32 v63, v52;
	v57 =	vadd.f32 v55, v25;
	(pc) =	sbr.rel @p0 .LBB2_6-.Ltmp6, $4  }
0x338: {  	v30 =	vmovc v0;
	v60 =	vld.idx.msk [tilespmem:v9+s3+$0x0], $0xffff;
	v17 =	vmov v21;
	v9 =	vmul.f32 v13, v58;
	v13 =	vadd.f32 v41, v11  }
0x339: {  	v52 =	vld.idx.msk [tilespmem:v53+s6+$0x0], $0xffff;
	v25 =	vcvt.f32.s32 v14;
	v14 =	vmovc v22;
	[tilespmem:s10+$0x7010] =	vst v56;
	v41 =	vmul.f32 v57, v35;
	v35 =	vmov v15  }
0x33a: {  	v56 =	vadd.f32 v7, v29;
	v29 =	vmovc v23;
	v55 =	vmul.f32 v48, v3;
	v61 =	vld.idx.msk [tilespmem:v39+s21+$0x0], $0xffff;
	v63 =	vmax.f32 v13, $0.0e+00  }
0x33b: {  	s25 =	sadd.s32 $0x80, s25;
	s14 =	sadd.s32 $0x100, s14;
	v23 =	vmovc v8;
	v62 =	vadd.f32 v9, v4;
	v57 =	vadd.f32 v41, v5;
	v41 =	vld.idx.msk [tilespmem:v53+s5+$0x0], $0xffff;
	v59 =	vmin.f32 v63, $3.500000000e+01  }
0x33c: {  	_ =	sdelay $0x3  }
0x33d: {  	v0 =	vld.idx.msk [tilespmem:v39+s6+$0x0], $0xffff;
	_ =	sdelay $0x2  }
0x33e: {  	v1 =	vmul.f32 v37, v61  }
0x33f: {  	v2 =	vld.idx.msk [tilespmem:v39+s5+$0x0], $0xffff;
	v9 =	vtrunc.f32 v59;
	v3 =	vmul.f32 v62, v58  }
0x340: {  	v0 =	vadd.f32 v1, v0;
	v1 =	vcvt.f32.s32 v9  }
0x341: {  	v4 =	vmul.f32 v49, v10;
	v3 =	vadd.f32 v3, v60  }
0x342: {  	v0 =	vmul.f32 v0, v37  }
0x343: {  	v5 =	vld.idx.msk [tilespmem:v39+s3+$0x0], $0xffff;
	v3 =	vadd.f32 v3, v4  }
0x344: {  	v0 =	vadd.f32 v0, v2  }
0x345: {  	[tilespmem:s10+$0x7410] =	vst v3  }
0x346: {  	v0 =	vmul.f32 v0, v37;
	v13 =	vld.idx.msk [tilespmem:v1+s21+$0x0], $0xffff  }
0x347: {  	v22 =	vld [tilespmem:s10+$0x430];
	v15 =	vcvt.s32.f32 v1  }
0x348: {  	v21 =	vld.idx.msk [tilespmem:v1+s6+$0x0], $0xffff;
	v0 =	vadd.f32 v0, v5  }
0x349: {  	v3 =	vsub.f32 v59, v15  }
0x34a: {  	v0 =	vadd.f32 v0, v45  }
0x34b: {  	v2 =	vmul.f32 v3, v13  }
0x34c: {  	v6 =	vld.idx.msk [tilespmem:v1+s5+$0x0], $0xffff;
	[tilespmem:s10+$0x7020] =	vst v0  }
0x34d: {  	v37 =	vmul.f32 v22, v12;
	v0 =	vld.idx.msk [tilespmem:v31+s21+$0x0], $0xffff;
	v2 =	vadd.f32 v2, v21;
	_ =	sdelay $0x1  }
0x34e: {  	v4 =	vadd.f32 v37, v11;
	v7 =	vld.idx.msk [tilespmem:v31+s6+$0x0], $0xffff;
	v2 =	vmul.f32 v2, v3  }
0x34f: {  	v1 =	vld.idx.msk [tilespmem:v1+s3+$0x0], $0xffff  }
0x350: {  	v4 =	vmax.f32 v4, $0.0e+00;
	v2 =	vadd.f32 v2, v6  }
0x351: {  	v4 =	vmin.f32 v4, $3.500000000e+01;
	v0 =	vmul.f32 v34, v0  }
0x352: {  	v45 =	vtrunc.f32 v4;
	v39 =	vld.idx.msk [tilespmem:v31+s5+$0x0], $0xffff;
	v2 =	vmul.f32 v2, v3  }
0x353: {  	v3 =	vcvt.f32.s32 v45;
	v0 =	vadd.f32 v0, v7  }
0x354: {  	v49 =	vmul.f32 v50, v10;
	v1 =	vadd.f32 v2, v1  }
0x355: {  	v0 =	vmul.f32 v0, v34  }
0x356: {  	v50 =	vld.idx.msk [tilespmem:v31+s3+$0x0], $0xffff;
	v1 =	vadd.f32 v1, v49  }
0x357: {  	v0 =	vadd.f32 v0, v39  }
0x358: {  	[tilespmem:s10+$0x7420] =	vst v1  }
0x359: {  	v0 =	vmul.f32 v0, v34;
	v1 =	vld.idx.msk [tilespmem:v3+s21+$0x0], $0xffff  }
0x35a: {  	v58 =	vld [tilespmem:s10+$0x440];
	v59 =	vcvt.s32.f32 v3  }
0x35b: {  	v60 =	vld.idx.msk [tilespmem:v3+s6+$0x0], $0xffff;
	v0 =	vadd.f32 v0, v50  }
0x35c: {  	v4 =	vsub.f32 v4, v59  }
0x35d: {  	v0 =	vadd.f32 v0, v42  }
0x35e: {  	v1 =	vmul.f32 v4, v1  }
0x35f: {  	v61 =	vld.idx.msk [tilespmem:v3+s5+$0x0], $0xffff;
	[tilespmem:s10+$0x7030] =	vst v0  }
0x360: {  	v62 =	vmul.f32 v58, v12;
	v0 =	vld.idx.msk [tilespmem:v33+s21+$0x0], $0xffff;
	v1 =	vadd.f32 v1, v60;
	_ =	sdelay $0x1  }
0x361: {  	v7 =	vadd.f32 v62, v11;
	v8 =	vld.idx.msk [tilespmem:v33+s6+$0x0], $0xffff;
	v1 =	vmul.f32 v1, v4  }
0x362: {  	v3 =	vld.idx.msk [tilespmem:v3+s3+$0x0], $0xffff  }
0x363: {  	v63 =	vmax.f32 v7, $0.0e+00;
	v1 =	vadd.f32 v1, v61  }
0x364: {  	v6 =	vmin.f32 v63, $3.500000000e+01;
	v0 =	vmul.f32 v35, v0  }
0x365: {  	v13 =	vtrunc.f32 v6;
	v9 =	vld.idx.msk [tilespmem:v33+s5+$0x0], $0xffff;
	v1 =	vmul.f32 v1, v4  }
0x366: {  	v4 =	vcvt.f32.s32 v13;
	v0 =	vadd.f32 v0, v8  }
0x367: {  	v15 =	vmul.f32 v22, v10;
	v1 =	vadd.f32 v1, v3  }
0x368: {  	v0 =	vmul.f32 v0, v35  }
0x369: {  	v21 =	vld.idx.msk [tilespmem:v33+s3+$0x0], $0xffff;
	v1 =	vadd.f32 v1, v15  }
0x36a: {  	v22 =	vadd.f32 v57, v36;
	v0 =	vadd.f32 v0, v9  }
0x36b: {  	[tilespmem:s10+$0x7430] =	vst v1  }
0x36c: {  	[tilespmem:s13+$0x7040] =	vst v22;
	v0 =	vmul.f32 v0, v35;
	v1 =	vld.idx.msk [tilespmem:v4+s21+$0x0], $0xffff  }
0x36d: {  	v34 =	vld.idx.msk [tilespmem:v20+s21+$0x0], $0xffff;
	v31 =	vcvt.s32.f32 v4  }
0x36e: {  	v33 =	vld.idx.msk [tilespmem:v4+s6+$0x0], $0xffff;
	v0 =	vadd.f32 v0, v21  }
0x36f: {  	v6 =	vsub.f32 v6, v31  }
0x370: {  	v9 =	vld.idx.msk [tilespmem:v20+s6+$0x0], $0xffff;
	v0 =	vadd.f32 v0, v51  }
0x371: {  	v3 =	vld [tilespmem:s10+$0x450];
	v1 =	vmul.f32 v6, v1  }
0x372: {  	v35 =	vld.idx.msk [tilespmem:v4+s5+$0x0], $0xffff;
	[tilespmem:s10+$0x7040] =	vst v0  }
0x373: {  	v7 =	vmul.f32 v24, v34;
	v0 =	vld.idx.msk [tilespmem:v44+s21+$0x0], $0xffff;
	v1 =	vadd.f32 v1, v33  }
0x374: {  	v13 =	vld.idx.msk [tilespmem:v20+s5+$0x0], $0xffff  }
0x375: {  	v7 =	vadd.f32 v7, v9;
	v37 =	vld.idx.msk [tilespmem:v44+s6+$0x0], $0xffff;
	v1 =	vmul.f32 v1, v6  }
0x376: {  	v4 =	vld.idx.msk [tilespmem:v4+s3+$0x0], $0xffff  }
0x377: {  	v36 =	vmul.f32 v3, v12;
	v7 =	vmul.f32 v7, v24;
	v1 =	vadd.f32 v1, v35  }
0x378: {  	v45 =	vld.idx.msk [tilespmem:v20+s3+$0x0], $0xffff;
	v0 =	vmul.f32 v30, v0  }
0x379: {  	v5 =	vadd.f32 v36, v11;
	v39 =	vld.idx.msk [tilespmem:v44+s5+$0x0], $0xffff;
	v49 =	vadd.f32 v7, v13;
	v1 =	vmul.f32 v1, v6  }
0x37a: {  	v2 =	vmul.f32 v58, v10;
	v0 =	vadd.f32 v0, v37  }
0x37b: {  	v5 =	vmax.f32 v5, $0.0e+00;
	v51 =	vmul.f32 v49, v24;
	v1 =	vadd.f32 v1, v4  }
0x37c: {  	v5 =	vmin.f32 v5, $3.500000000e+01;
	v0 =	vmul.f32 v0, v30  }
0x37d: {  	v42 =	vtrunc.f32 v5;
	v50 =	vld.idx.msk [tilespmem:v44+s3+$0x0], $0xffff;
	v57 =	vadd.f32 v51, v45;
	v1 =	vadd.f32 v1, v2  }
0x37e: {  	v6 =	vcvt.f32.s32 v42;
	v0 =	vadd.f32 v0, v39  }
0x37f: {  	[tilespmem:s10+$0x7440] =	vst v1;
	v1 =	vadd.f32 v57, v29  }
0x380: {  	[tilespmem:s12+$0x7050] =	vst v56;
	v53 =	vld.idx.msk [tilespmem:v53+s3+$0x0], $0xffff;
	v0 =	vmul.f32 v0, v30  }
0x381: {  	v56 =	vld.idx.msk [tilespmem:v16+s21+$0x0], $0xffff;
	[tilespmem:s13+$0x7050] =	vst v1  }
0x382: {  	v0 =	vadd.f32 v0, v50;
	v30 =	vld [tilespmem:$0x1FF50]  }
0x383: {  	v59 =	vld.idx.msk [tilespmem:v16+s6+$0x0], $0xffff  }
0x384: {  	v58 =	vld.idx.msk [tilespmem:v6+s21+$0x0], $0xffff;
	v0 =	vadd.f32 v0, v23  }
0x385: {  	v62 =	vld.idx.msk [tilespmem:v6+s6+$0x0], $0xffff  }
0x386: {  	v63 =	vld.idx.msk [tilespmem:v6+s5+$0x0], $0xffff;
	[tilespmem:s10+$0x7050] =	vst v0  }
0x387: {  	v60 =	vcvt.s32.f32 v6;
	v34 =	vld.idx.msk [tilespmem:v25+s21+$0x0], $0xffff  }
0x388: {  	v61 =	vadd.f32 v55, v52;
	v35 =	vmul.f32 v14, v40;
	v22 =	vld [tilespmem:$0x1FF40]  }
0x389: {  	v5 =	vsub.f32 v5, v60;
	v39 =	vld [tilespmem:$0x1FF60]  }
0x38a: {  	v21 =	vmovc v14;
	v33 =	vcvt.s32.f32 v25;
	v14 =	vadd.f32 v35, v47;
	v29 =	vmul.f32 v61, v48;
	v31 =	vld.idx.msk [tilespmem:v30+s21+$0x0], $0xffff  }
0x38b: {  	v2 =	vmul.f32 v5, v58;
	v36 =	vld.idx.msk [tilespmem:v25+s6+$0x0], $0xffff  }
0x38c: {  	v44 =	vmul.f32 v14, v21;
	v1 =	vadd.f32 v29, v41;
	v0 =	vsub.f32 v54, v33;
	v15 =	vld.idx.msk [tilespmem:v30+s6+$0x0], $0xffff  }
0x38d: {  	v17 =	vmul.f32 v32, v17;
	v37 =	vld.idx.msk [tilespmem:v16+s5+$0x0], $0xffff;
	v2 =	vadd.f32 v2, v62;
	v8 =	vmul.f32 v22, v56  }
0x38e: {  	v49 =	vadd.f32 v44, v38;
	v6 =	vld.idx.msk [tilespmem:v6+s3+$0x0], $0xffff;
	v1 =	vmul.f32 v1, v48;
	v42 =	vmul.f32 v0, v34  }
0x38f: {  	v47 =	vld.idx.msk [tilespmem:v25+s5+$0x0], $0xffff;
	v2 =	vmul.f32 v2, v5;
	v40 =	vadd.f32 v8, v59;
	v11 =	vmul.f32 v39, v31  }
0x390: {  	v48 =	vmul.f32 v43, v10;
	v1 =	vadd.f32 v1, v53;
	v41 =	vld.idx.msk [tilespmem:v30+s5+$0x0], $0xffff;
	v8 =	vadd.f32 v42, v36  }
0x391: {  	v50 =	vld.idx.msk [tilespmem:v16+s3+$0x0], $0xffff;
	v2 =	vadd.f32 v2, v63;
	v4 =	vmul.f32 v40, v22;
	v45 =	vadd.f32 v11, v15  }
0x392: {  	v12 =	vmul.f32 v49, v21;
	v1 =	vadd.f32 v1, v48;
	v53 =	vld.idx.msk [tilespmem:v25+s3+$0x0], $0xffff;
	v8 =	vmul.f32 v8, v0  }
0x393: {  	v55 =	vld [tilespmem:$0x1FF30];
	v2 =	vmul.f32 v2, v5;
	v4 =	vadd.f32 v4, v37;
	v51 =	vmul.f32 v45, v39  }
0x394: {  	v3 =	vmul.f32 v3, v10;
	v52 =	vld.idx.msk [tilespmem:v30+s3+$0x0], $0xffff;
	v56 =	vadd.f32 v12, v46;
	v54 =	vadd.f32 v8, v47  }
0x395: {  	v2 =	vadd.f32 v2, v6;
	v4 =	vmul.f32 v4, v22;
	v5 =	vadd.f32 v51, v41  }
0x396: {  	p0 =	sgt.u32 s30, $0x2D;
	v17 =	vadd.f32 v17, v28;
	v59 =	vadd.f32 v56, v18;
	v0 =	vmul.f32 v54, v0  }
0x397: {  	s0 =	smul.u32 $0xE000, s0;
	[tilespmem:s13+$0x7450] =	vst v1;
	s3 =	sadd.s32 @!p0 $0x2, s30;
	v57 =	vadd.f32 v2, v3;
	v58 =	vadd.f32 v4, v50;
	v5 =	vmul.f32 v5, v39  }
0x398: {  	s29 =	smul.u32 $0x3800, s7;
	v61 =	vmul.f32 v26, v10;
	s5 =	sshrl.u32 @!p0 s3, $0x2;
	[tilespmem:s11+$0x7060] =	vst v59;
	v8 =	vadd.f32 v17, v55;
	v0 =	vadd.f32 v0, v53  }
0x399: {  	s31 =	smul.u32 $0xA80000, s31;
	s5 =	sadd.s32 @!p0 s4, s5;
	[tilespmem:s10+$0x7450] =	vst v57;
	v62 =	vadd.f32 v58, v19;
	v60 =	vadd.f32 v5, v52  }
0x39a: {  	s0 =	sadd.s32 s29, s0;
	[tilespmem:s2+$0x7060] =	vst v8;
	s2 =	smulhi.u32 @!p0 $0xAAAAAAAB, s5;
	v0 =	vadd.f32 v0, v61  }
0x39b: {  	s0 =	sadd.s32 s31, s0;
	[tilespmem:s12+$0x7060] =	vst v62;
	v63 =	vadd.f32 v60, v27  }
0x39c: {  	s0 =	sshrl.u32 s0, $0x3;
	s2 =	sshrl.u32 @!p0 s2, $0x7;
	[tilespmem:s10+$0x7060] =	vst v0  }
0x39d: {  	s0 =	sadd.s32 s8, s0;
	s3 =	sand.u32 @!p0 $0x2, s3;
	s6 =	smul.u32 @!p0 $0xC0, s2;
	[tilespmem:s13+$0x7060] =	vst v63  }
0x39e: {  	[hbm4b:s0+s9] =	stream.linear.scatter [tilespmem:s23], [sflag:$0x3], $0x3800, $0x38;
	[tilespmem:$0x14E00] =	vst v63  }
0x39f: {  	s3 =	smul.u32 @!p0 $0x3800, s3;
	s0 =	ssub.s32 @!p0 s5, s6  }
0x3a0: {  	s0 =	smul.u32 @!p0 $0xE000, s0  }
0x3a1: {  	s2 =	smul.u32 @!p0 $0xA80000, s2  }
.Ltmp7:
0x3a2: {  	s0 =	sadd.s32 @!p0 s3, s0;
	(pc) =	sbr.rel .LBB2_11-.Ltmp7, $4  }
0x3a3: {  	s0 =	sadd.s32 @!p0 s2, s0  }
0x3a4: {  	s0 =	sshrl.u32 @!p0 s0, $0x3  }
0x3a5: {  	s2 =	simm.s32 @!p0 $0x0;
	s0 =	sadd.s32 @!p0 s1, s0  }
0x3a6: {  	[tilespmem:s2], [sflag:$0x1] =	stream.linear.gather @!p0 [hbm4b:s0+s2], $0x3800, $0x38;
	[tilespmem:$0x14E00] =	vst v63  }
.LBB2_8:
0x3a7: {  	_ =	swait.ge [sflag:s26], $0x3800  }
0x3a8: {  	[sflag:s26] =	ssyncset.done $0x0  }
0x3a9: {  	s2 =	simm.s32 @!p0 $0x4;
	[sflag:s26] =	ssyncadd.s32 $0xFFFFC800  }
0x3aa: {  	s5 =	simm.s32 $0x0;
	_ =	swait.ge @!p0 [sflag:s2], $0x3800  }
0x3ab: {  	s6 =	sand.u32 $0x3800, s5;
	s5 =	sand.u32 $0x380, s5;
	[sflag:s2] =	ssyncset.done @!p0 $0x0  }
0x3ac: {  	[sflag:s2] =	ssyncadd.s32 @!p0 $0xFFFFC800;
	s2 =	sor.u32 s5, s6  }
0x3ad: {  	v0 =	vld [tilespmem:s2+$0x3870];
	_ =	sdelay $0x4  }
0x3ae: {  	v1 =	vmul.f32 v0, v12;
	_ =	sdelay $0x1  }
0x3af: {  	v1 =	vadd.f32 v1, v11;
	_ =	sdelay $0x1  }
0x3b0: {  	v1 =	vmax.f32 v1, $0.0e+00  }
0x3b1: {  	v1 =	vmin.f32 v1, $3.500000000e+01  }
0x3b2: {  	v2 =	vtrunc.f32 v1  }
0x3b3: {  	v2 =	vcvt.f32.s32 v2;
	_ =	sdelay $0x4  }
0x3b4: {  	s21 =	sadd.s32 $0x14B80, s3;
	v3 =	vld [tilespmem:s2+$0x3800]  }
0x3b5: {  	v4 =	vld.idx.msk [tilespmem:v2+s21+$0x0], $0xffff  }
0x3b6: {  	s6 =	sadd.s32 $0x14900, s3;
	v7 =	vld [tilespmem:s2+$0x3C00];
	v5 =	vcvt.s32.f32 v2  }
0x3b7: {  	v6 =	vld.idx.msk [tilespmem:v2+s6+$0x0], $0xffff  }
0x3b8: {  	v1 =	vsub.f32 v1, v5;
	_ =	sdelay $0x1  }
0x3b9: {  	s5 =	sadd.s32 $0x14680, s3;
	v52 =	vmul.f32 v3, v12;
	v4 =	vmul.f32 v1, v4  }
0x3ba: {  	v8 =	vld.idx.msk [tilespmem:v2+s5+$0x0], $0xffff  }
0x3bb: {  	v53 =	vmul.f32 v7, v12;
	v5 =	vadd.f32 v52, v11;
	v4 =	vadd.f32 v4, v6;
	_ =	sdelay $0x1  }
0x3bc: {  	s3 =	sadd.s32 $0x14400, s3;
	v5 =	vmax.f32 v5, $0.0e+00;
	v6 =	vadd.f32 v53, v11;
	v4 =	vmul.f32 v4, v1  }
0x3bd: {  	v2 =	vld.idx.msk [tilespmem:v2+s3+$0x0], $0xffff;
	v5 =	vmin.f32 v5, $3.500000000e+01  }
0x3be: {  	v9 =	vtrunc.f32 v5;
	v6 =	vmax.f32 v6, $0.0e+00;
	v4 =	vadd.f32 v4, v8  }
0x3bf: {  	v6 =	vmin.f32 v6, $3.500000000e+01;
	v8 =	vcvt.f32.s32 v9  }
0x3c0: {  	v54 =	vtrunc.f32 v6;
	v1 =	vmul.f32 v4, v1  }
0x3c1: {  	v4 =	vcvt.f32.s32 v54  }
0x3c2: {  	v0 =	vmul.f32 v0, v10;
	v1 =	vadd.f32 v1, v2;
	_ =	sdelay $0x1  }
0x3c3: {  	v55 =	vld [tilespmem:s2+$0x3810];
	v0 =	vadd.f32 v1, v0  }
0x3c4: {  	v56 =	vld.idx.msk [tilespmem:v8+s21+$0x0], $0xffff  }
0x3c5: {  	v9 =	vcvt.s32.f32 v8;
	v13 =	vld.idx.msk [tilespmem:v8+s6+$0x0], $0xffff;
	[tilespmem:s2+$0xA870] =	vst v0  }
0x3c6: {  	v0 =	vld.idx.msk [tilespmem:v4+s21+$0x0], $0xffff  }
0x3c7: {  	v16 =	vld [tilespmem:s2+$0x3C10];
	v5 =	vsub.f32 v5, v9;
	v9 =	vcvt.s32.f32 v4  }
0x3c8: {  	v15 =	vmul.f32 v55, v12;
	v14 =	vld.idx.msk [tilespmem:v4+s6+$0x0], $0xffff  }
0x3c9: {  	v6 =	vsub.f32 v6, v9;
	v1 =	vmul.f32 v5, v56  }
0x3ca: {  	v9 =	vadd.f32 v15, v11;
	v15 =	vld.idx.msk [tilespmem:v8+s5+$0x0], $0xffff  }
0x3cb: {  	v1 =	vadd.f32 v1, v13;
	v0 =	vmul.f32 v6, v0  }
0x3cc: {  	v9 =	vmax.f32 v9, $0.0e+00;
	v13 =	vld.idx.msk [tilespmem:v4+s5+$0x0], $0xffff  }
0x3cd: {  	v1 =	vmul.f32 v1, v5;
	v0 =	vadd.f32 v0, v14;
	v14 =	vmul.f32 v16, v12  }
0x3ce: {  	v8 =	vld.idx.msk [tilespmem:v8+s3+$0x0], $0xffff;
	v9 =	vmin.f32 v9, $3.500000000e+01  }
0x3cf: {  	v1 =	vadd.f32 v1, v15;
	v0 =	vmul.f32 v0, v6;
	v14 =	vadd.f32 v14, v11  }
0x3d0: {  	v4 =	vld.idx.msk [tilespmem:v4+s3+$0x0], $0xffff;
	v15 =	vtrunc.f32 v9  }
0x3d1: {  	v1 =	vmul.f32 v1, v5;
	v0 =	vadd.f32 v0, v13;
	v57 =	vmax.f32 v14, $0.0e+00  }
0x3d2: {  	v3 =	vmul.f32 v3, v10;
	v13 =	vld [tilespmem:s2+$0x3820];
	v14 =	vcvt.f32.s32 v15;
	v5 =	vmin.f32 v57, $3.500000000e+01  }
0x3d3: {  	s10 =	simm.s32 $0x80;
	s11 =	simm.s32 $0x100;
	v1 =	vadd.f32 v1, v8;
	v0 =	vmul.f32 v0, v6;
	v58 =	vtrunc.f32 v5  }
0x3d4: {  	s11 =	sand.u32 $0x3800, s11;
	s10 =	sand.u32 $0x380, s10;
	v6 =	vcvt.f32.s32 v58  }
0x3d5: {  	s11 =	sor.u32 s10, s11;
	v60 =	vld [tilespmem:s2+$0x3860];
	v59 =	vmul.f32 v7, v10;
	v1 =	vadd.f32 v1, v3;
	v0 =	vadd.f32 v0, v4  }
0x3d6: {  	v46 =	vld [tilespmem:s11+$0x3810]  }
0x3d7: {  	v15 =	vld [tilespmem:s2+$0x3830];
	v61 =	vmul.f32 v13, v12;
	[tilespmem:s2+$0xA800] =	vst v1;
	v0 =	vadd.f32 v0, v59  }
0x3d8: {  	v1 =	vld.idx.msk [tilespmem:v14+s21+$0x0], $0xffff  }
0x3d9: {  	v32 =	vcvt.s32.f32 v14;
	v63 =	vld.idx.msk [tilespmem:v14+s6+$0x0], $0xffff;
	v62 =	vadd.f32 v61, v11;
	[tilespmem:s2+$0xAC00] =	vst v0  }
0x3da: {  	v37 =	vmul.f32 v16, v10;
	v19 =	vcvt.s32.f32 v6;
	v18 =	vld.idx.msk [tilespmem:v6+s21+$0x0], $0xffff  }
0x3db: {  	v51 =	vmul.f32 v46, v12;
	v0 =	vsub.f32 v9, v32;
	v32 =	vld [tilespmem:s11+$0x3800];
	v3 =	vmax.f32 v62, $0.0e+00  }
0x3dc: {  	v5 =	vsub.f32 v5, v19;
	v19 =	vmul.f32 v15, v12;
	v20 =	vld.idx.msk [tilespmem:v6+s6+$0x0], $0xffff;
	v3 =	vmin.f32 v3, $3.500000000e+01  }
0x3dd: {  	v9 =	vld [tilespmem:s2+$0x3C20];
	v21 =	vtrunc.f32 v3;
	v1 =	vmul.f32 v0, v1  }
0x3de: {  	v2 =	vmul.f32 v55, v10;
	v23 =	vadd.f32 v19, v11;
	v29 =	vcvt.f32.s32 v21;
	v21 =	vld.idx.msk [tilespmem:v14+s5+$0x0], $0xffff  }
0x3df: {  	v8 =	vld [tilespmem:s2+$0x3840];
	v4 =	vmul.f32 v60, v10;
	v1 =	vadd.f32 v1, v63;
	v18 =	vmul.f32 v5, v18  }
0x3e0: {  	v19 =	vmul.f32 v13, v10;
	v34 =	vmax.f32 v23, $0.0e+00;
	v22 =	vcvt.s32.f32 v29  }
0x3e1: {  	v17 =	vld [tilespmem:s2+$0x3850];
	v49 =	vmul.f32 v32, v12;
	v1 =	vmul.f32 v1, v0;
	v18 =	vadd.f32 v18, v20  }
0x3e2: {  	v33 =	vld.idx.msk [tilespmem:v6+s5+$0x0], $0xffff;
	v20 =	vmul.f32 v9, v12;
	v26 =	vsub.f32 v3, v22;
	v3 =	vmin.f32 v34, $3.500000000e+01  }
0x3e3: {  	v54 =	vmul.f32 v9, v10;
	v1 =	vadd.f32 v1, v21;
	v21 =	vtrunc.f32 v3  }
0x3e4: {  	v13 =	vld.idx.msk [tilespmem:v14+s3+$0x0], $0xffff;
	v14 =	vmul.f32 v18, v5;
	v18 =	vadd.f32 v20, v11;
	v20 =	vmul.f32 v8, v12  }
0x3e5: {  	v24 =	vcvt.f32.s32 v21;
	v21 =	vmul.f32 v15, v10  }
0x3e6: {  	v6 =	vld.idx.msk [tilespmem:v6+s3+$0x0], $0xffff;
	v15 =	vmul.f32 v8, v10;
	v0 =	vmul.f32 v1, v0  }
0x3e7: {  	v7 =	vadd.f32 v14, v33;
	v14 =	vmax.f32 v18, $0.0e+00;
	v18 =	vmul.f32 v17, v12  }
0x3e8: {  	v17 =	vmul.f32 v17, v10;
	v35 =	vmin.f32 v14, $3.500000000e+01;
	v14 =	vadd.f32 v20, v11  }
0x3e9: {  	v27 =	vld [tilespmem:s11+$0x3870];
	v0 =	vadd.f32 v0, v13;
	v5 =	vmul.f32 v7, v5;
	v36 =	vtrunc.f32 v35  }
0x3ea: {  	v16 =	vadd.f32 v18, v11;
	v7 =	vcvt.f32.s32 v36;
	v13 =	vmax.f32 v14, $0.0e+00  }
0x3eb: {  	v14 =	vcvt.s32.f32 v24;
	v0 =	vadd.f32 v0, v2;
	v5 =	vadd.f32 v5, v6  }
0x3ec: {  	v38 =	vmin.f32 v13, $3.500000000e+01;
	v13 =	vmax.f32 v16, $0.0e+00;
	v16 =	vmul.f32 v60, v12  }
0x3ed: {  	v28 =	vld [tilespmem:s2+$0x3C30];
	v39 =	vtrunc.f32 v38;
	v40 =	vmin.f32 v13, $3.500000000e+01;
	v43 =	vcvt.s32.f32 v7  }
0x3ee: {  	v36 =	vld [tilespmem:s11+$0x3820];
	[tilespmem:s2+$0xA810] =	vst v0;
	v5 =	vadd.f32 v5, v37;
	v8 =	vadd.f32 v16, v11;
	v16 =	vmul.f32 v27, v12  }
0x3ef: {  	v22 =	vcvt.f32.s32 v39;
	v41 =	vld.idx.msk [tilespmem:v29+s21+$0x0], $0xffff;
	v42 =	vtrunc.f32 v40  }
0x3f0: {  	v25 =	vsub.f32 v3, v14;
	v31 =	vld.idx.msk [tilespmem:v29+s6+$0x0], $0xffff;
	v20 =	vcvt.f32.s32 v42;
	[tilespmem:s2+$0xAC10] =	vst v5;
	v16 =	vadd.f32 v16, v11  }
0x3f1: {  	v27 =	vmul.f32 v27, v10;
	v1 =	vsub.f32 v35, v43;
	v14 =	vcvt.s32.f32 v22;
	v13 =	vld.idx.msk [tilespmem:v7+s21+$0x0], $0xffff  }
0x3f2: {  	v8 =	vmax.f32 v8, $0.0e+00;
	v44 =	vld.idx.msk [tilespmem:v7+s6+$0x0], $0xffff;
	v30 =	vcvt.s32.f32 v20;
	v16 =	vmax.f32 v16, $0.0e+00  }
0x3f3: {  	v8 =	vmin.f32 v8, $3.500000000e+01;
	v48 =	vld.idx.msk [tilespmem:v7+s5+$0x0], $0xffff;
	[tilespmem:$0x1FEF0] =	vst v4;
	v4 =	vadd.f32 v49, v11;
	v34 =	vmin.f32 v16, $3.500000000e+01  }
0x3f4: {  	v45 =	vtrunc.f32 v8;
	v23 =	vsub.f32 v38, v14;
	v14 =	vtrunc.f32 v34  }
0x3f5: {  	v18 =	vcvt.f32.s32 v45;
	v35 =	vcvt.f32.s32 v14  }
0x3f6: {  	v33 =	vld [tilespmem:s11+$0x3C00];
	v47 =	vmul.f32 v26, v41;
	v4 =	vmax.f32 v4, $0.0e+00;
	v13 =	vmul.f32 v1, v13  }
0x3f7: {  	v41 =	vmul.f32 v32, v10;
	v4 =	vmin.f32 v4, $3.500000000e+01;
	v14 =	vmul.f32 v28, v12  }
0x3f8: {  	v2 =	vadd.f32 v47, v31;
	v9 =	vtrunc.f32 v4;
	v5 =	vadd.f32 v13, v44  }
0x3f9: {  	v16 =	vsub.f32 v40, v30;
	v37 =	vcvt.s32.f32 v18;
	v9 =	vcvt.f32.s32 v9  }
0x3fa: {  	v7 =	vld.idx.msk [tilespmem:v7+s3+$0x0], $0xffff;
	v14 =	vadd.f32 v14, v11;
	v50 =	vmul.f32 v2, v26;
	v5 =	vmul.f32 v5, v1  }
0x3fb: {  	v2 =	vadd.f32 v51, v11;
	v31 =	vcvt.s32.f32 v35;
	v58 =	vmul.f32 v33, v12;
	v30 =	vld.idx.msk [tilespmem:v35+s21+$0x0], $0xffff  }
0x3fc: {  	v39 =	vld.idx.msk [tilespmem:v29+s5+$0x0], $0xffff;
	v33 =	vmul.f32 v33, v10;
	v52 =	vmax.f32 v14, $0.0e+00;
	v5 =	vadd.f32 v5, v48  }
0x3fd: {  	v13 =	vsub.f32 v8, v37;
	v2 =	vmax.f32 v2, $0.0e+00;
	v6 =	vmin.f32 v52, $3.500000000e+01;
	v38 =	vld.idx.msk [tilespmem:v35+s6+$0x0], $0xffff  }
0x3fe: {  	v31 =	vsub.f32 v34, v31;
	v53 =	vtrunc.f32 v6;
	v1 =	vmul.f32 v5, v1  }
0x3ff: {  	v56 =	vld.idx.msk [tilespmem:v29+s3+$0x0], $0xffff;
	v14 =	vmul.f32 v36, v12;
	v2 =	vmin.f32 v2, $3.500000000e+01;
	v5 =	vcvt.f32.s32 v53  }
0x400: {  	v43 =	vld [tilespmem:s11+$0x3840];
	v8 =	vtrunc.f32 v2;
	v1 =	vadd.f32 v1, v7;
	v29 =	vmul.f32 v31, v30  }
0x401: {  	v0 =	vadd.f32 v50, v39;
	v55 =	vadd.f32 v14, v11;
	v32 =	vcvt.f32.s32 v8;
	v8 =	vld.idx.msk [tilespmem:v35+s5+$0x0], $0xffff  }
0x402: {  	v57 =	vcvt.s32.f32 v9;
	v35 =	vld.idx.msk [tilespmem:v35+s3+$0x0], $0xffff;
	v1 =	vadd.f32 v1, v54;
	v29 =	vadd.f32 v29, v38  }
0x403: {  	v34 =	vmul.f32 v46, v10;
	v0 =	vmul.f32 v0, v26;
	v62 =	vld.idx.msk [tilespmem:v9+s21+$0x0], $0xffff;
	v38 =	vadd.f32 v58, v11  }
0x404: {  	v49 =	vld.idx.msk [tilespmem:v9+s6+$0x0], $0xffff;
	v61 =	vcvt.s32.f32 v32;
	v30 =	vmax.f32 v55, $0.0e+00;
	[tilespmem:s2+$0xAC20] =	vst v1;
	v29 =	vmul.f32 v29, v31  }
0x405: {  	v59 =	vmin.f32 v30, $3.500000000e+01;
	v30 =	vcvt.s32.f32 v5;
	v26 =	vmax.f32 v38, $0.0e+00;
	v40 =	vld.idx.msk [tilespmem:v5+s21+$0x0], $0xffff  }
0x406: {  	v37 =	vld [tilespmem:s2+$0x3C40];
	v1 =	vsub.f32 v4, v57;
	v63 =	vmin.f32 v26, $3.500000000e+01;
	v8 =	vadd.f32 v29, v8  }
0x407: {  	v0 =	vadd.f32 v0, v56;
	v6 =	vsub.f32 v6, v30;
	v60 =	vld.idx.msk [tilespmem:v5+s6+$0x0], $0xffff;
	v29 =	vtrunc.f32 v63  }
0x408: {  	v42 =	vld [tilespmem:s11+$0x3830];
	v38 =	vsub.f32 v2, v61;
	v2 =	vmul.f32 v1, v62;
	v8 =	vmul.f32 v8, v31  }
0x409: {  	v44 =	vld.idx.msk [tilespmem:v9+s5+$0x0], $0xffff;
	v0 =	vadd.f32 v0, v19;
	v54 =	vmul.f32 v28, v10;
	v31 =	vcvt.f32.s32 v29  }
0x40a: {  	v9 =	vld.idx.msk [tilespmem:v9+s3+$0x0], $0xffff;
	v2 =	vadd.f32 v2, v49;
	v26 =	vmul.f32 v6, v40;
	v8 =	vadd.f32 v8, v35  }
0x40b: {  	[tilespmem:s2+$0xA820] =	vst v0;
	v28 =	vmul.f32 v43, v12;
	v48 =	vld.idx.msk [tilespmem:v5+s5+$0x0], $0xffff;
	v29 =	vmul.f32 v37, v12  }
0x40c: {  	v45 =	vld.idx.msk [tilespmem:v24+s21+$0x0], $0xffff;
	v2 =	vmul.f32 v2, v1;
	v26 =	vadd.f32 v26, v60;
	v8 =	vadd.f32 v8, v27  }
0x40d: {  	v30 =	vtrunc.f32 v59;
	v5 =	vld.idx.msk [tilespmem:v5+s3+$0x0], $0xffff;
	v27 =	vmul.f32 v36, v10  }
0x40e: {  	v40 =	vld [tilespmem:s11+$0x3C10];
	v2 =	vadd.f32 v2, v44;
	v19 =	vmul.f32 v26, v6;
	v26 =	vadd.f32 v29, v11;
	[tilespmem:s11+$0xA870] =	vst v8  }
0x40f: {  	v29 =	vcvt.f32.s32 v30;
	v30 =	vmul.f32 v42, v12;
	v8 =	vld.idx.msk [tilespmem:v31+s21+$0x0], $0xffff  }
0x410: {  	v1 =	vmul.f32 v2, v1;
	v53 =	vld.idx.msk [tilespmem:v31+s6+$0x0], $0xffff;
	v50 =	vadd.f32 v19, v48;
	v51 =	vmax.f32 v26, $0.0e+00  }
0x411: {  	v58 =	vld.idx.msk [tilespmem:v31+s5+$0x0], $0xffff;
	v26 =	vcvt.s32.f32 v29;
	v19 =	vadd.f32 v30, v11;
	v30 =	vcvt.s32.f32 v31  }
0x412: {  	v1 =	vadd.f32 v1, v9;
	v48 =	vld.idx.msk [tilespmem:v31+s3+$0x0], $0xffff;
	v31 =	vmul.f32 v42, v10;
	v7 =	vmin.f32 v51, $3.500000000e+01  }
0x413: {  	v0 =	vmul.f32 v50, v6;
	v52 =	vtrunc.f32 v7;
	v19 =	vmax.f32 v19, $0.0e+00  }
0x414: {  	v39 =	vld [tilespmem:s2+$0x3C50];
	v4 =	vsub.f32 v63, v30;
	v30 =	vsub.f32 v59, v26;
	v59 =	vmul.f32 v25, v45  }
0x415: {  	v26 =	vmul.f32 v40, v12;
	v6 =	vcvt.f32.s32 v52;
	v55 =	vmin.f32 v19, $3.500000000e+01  }
0x416: {  	v46 =	vld.idx.msk [tilespmem:v24+s6+$0x0], $0xffff;
	v1 =	vadd.f32 v1, v41;
	v0 =	vadd.f32 v0, v5;
	v56 =	vtrunc.f32 v55  }
0x417: {  	v61 =	vld.idx.msk [tilespmem:v24+s5+$0x0], $0xffff;
	v57 =	vmul.f32 v4, v8;
	v8 =	vadd.f32 v28, v11;
	v26 =	vadd.f32 v26, v11  }
0x418: {  	v35 =	vld [tilespmem:s11+$0x3850];
	v28 =	vcvt.f32.s32 v56;
	v9 =	vcvt.s32.f32 v6;
	v0 =	vadd.f32 v0, v54  }
0x419: {  	v41 =	vld [tilespmem:s11+$0x3C20];
	[tilespmem:s11+$0xA800] =	vst v1;
	v56 =	vmul.f32 v39, v12;
	v5 =	vadd.f32 v57, v53;
	v8 =	vmax.f32 v8, $0.0e+00  }
0x41a: {  	v39 =	vmul.f32 v39, v10;
	v49 =	vmax.f32 v26, $0.0e+00;
	v51 =	vmin.f32 v8, $3.500000000e+01;
	v8 =	vld.idx.msk [tilespmem:v32+s21+$0x0], $0xffff;
	[tilespmem:s2+$0xAC30] =	vst v0  }
0x41b: {  	v26 =	vmul.f32 v43, v10;
	v0 =	vadd.f32 v59, v46;
	v5 =	vmul.f32 v5, v4;
	v60 =	vld.idx.msk [tilespmem:v6+s21+$0x0], $0xffff  }
0x41c: {  	v54 =	vld.idx.msk [tilespmem:v32+s6+$0x0], $0xffff;
	v63 =	vcvt.s32.f32 v28;
	v7 =	vsub.f32 v7, v9;
	v50 =	vmin.f32 v49, $3.500000000e+01  }
0x41d: {  	v52 =	vtrunc.f32 v50;
	v62 =	vld.idx.msk [tilespmem:v6+s6+$0x0], $0xffff;
	v2 =	vadd.f32 v5, v58;
	v0 =	vmul.f32 v0, v25  }
0x41e: {  	v9 =	vld.idx.msk [tilespmem:v24+s3+$0x0], $0xffff;
	v24 =	vtrunc.f32 v51;
	v36 =	vsub.f32 v55, v63;
	v55 =	vmul.f32 v35, v12  }
0x41f: {  	v2 =	vmul.f32 v2, v4;
	v4 =	vcvt.f32.s32 v52;
	v0 =	vadd.f32 v0, v61  }
0x420: {  	v57 =	vadd.f32 v56, v11;
	v8 =	vmul.f32 v38, v8;
	v3 =	vmul.f32 v7, v60  }
0x421: {  	v53 =	vld.idx.msk [tilespmem:v6+s5+$0x0], $0xffff;
	v63 =	vmul.f32 v37, v10;
	v2 =	vadd.f32 v2, v48;
	v0 =	vmul.f32 v0, v25  }
0x422: {  	v19 =	vld [tilespmem:s11+$0x3860];
	v58 =	vadd.f32 v8, v54;
	v59 =	vcvt.s32.f32 v4;
	v3 =	vadd.f32 v3, v62  }
0x423: {  	v6 =	vld.idx.msk [tilespmem:v6+s3+$0x0], $0xffff;
	v48 =	vmul.f32 v41, v12;
	v2 =	vadd.f32 v2, v33;
	v0 =	vadd.f32 v0, v9  }
0x424: {  	v25 =	vld.idx.msk [tilespmem:v32+s5+$0x0], $0xffff;
	v33 =	vcvt.f32.s32 v24;
	v24 =	vadd.f32 v55, v11;
	v3 =	vmul.f32 v3, v7  }
0x425: {  	v61 =	vld.idx.msk [tilespmem:v32+s3+$0x0], $0xffff;
	v8 =	vmax.f32 v57, $0.0e+00;
	v1 =	vsub.f32 v50, v59;
	[tilespmem:s11+$0xAC00] =	vst v2;
	v0 =	vadd.f32 v0, v21  }
0x426: {  	v8 =	vmin.f32 v8, $3.500000000e+01;
	v37 =	vadd.f32 v48, v11;
	v9 =	vld.idx.msk [tilespmem:v4+s21+$0x0], $0xffff;
	v3 =	vadd.f32 v3, v53  }
0x427: {  	v21 =	vtrunc.f32 v8;
	v2 =	vmul.f32 v58, v38;
	v24 =	vmax.f32 v24, $0.0e+00;
	v60 =	vld.idx.msk [tilespmem:v4+s6+$0x0], $0xffff;
	[tilespmem:s2+$0xA830] =	vst v0  }
0x428: {  	v32 =	vcvt.s32.f32 v33;
	v45 =	vmin.f32 v24, $3.500000000e+01;
	v24 =	vld.idx.msk [tilespmem:v22+s21+$0x0], $0xffff;
	v3 =	vmul.f32 v3, v7  }
0x429: {  	v44 =	vcvt.f32.s32 v21;
	v47 =	vld.idx.msk [tilespmem:v4+s5+$0x0], $0xffff;
	v2 =	vadd.f32 v2, v25;
	v21 =	vtrunc.f32 v45  }
0x42a: {  	s24 =	simm.s32 $0x100;
	s12 =	simm.s32 $0x200;
	v53 =	vmul.f32 v19, v12;
	v21 =	vcvt.f32.s32 v21;
	v25 =	vld.idx.msk [tilespmem:v22+s6+$0x0], $0xffff;
	v62 =	vadd.f32 v3, v6  }
0x42b: {  	s12 =	sand.u32 $0x3800, s12;
	s10 =	sand.u32 $0x380, s24;
	v4 =	vld.idx.msk [tilespmem:v4+s3+$0x0], $0xffff;
	v32 =	vsub.f32 v51, v32;
	v2 =	vmul.f32 v2, v38;
	v9 =	vmul.f32 v1, v9  }
0x42c: {  	s12 =	sor.u32 s10, s12;
	v49 =	vld.idx.msk [tilespmem:v22+s5+$0x0], $0xffff;
	v54 =	vcvt.s32.f32 v44;
	v38 =	vadd.f32 v53, v11;
	v0 =	vadd.f32 v62, v63  }
0x42d: {  	v50 =	vadd.f32 v2, v61;
	v9 =	vadd.f32 v9, v60;
	v24 =	vmul.f32 v23, v24;
	v63 =	vld [tilespmem:s12+$0x3800]  }
0x42e: {  	v55 =	vld.idx.msk [tilespmem:v22+s3+$0x0], $0xffff;
	v22 =	vmul.f32 v35, v10;
	v56 =	vsub.f32 v8, v54;
	v8 =	vmax.f32 v38, $0.0e+00;
	[tilespmem:s2+$0xAC40] =	vst v0  }
0x42f: {  	v9 =	vmul.f32 v9, v1;
	v0 =	vadd.f32 v50, v34;
	v24 =	vadd.f32 v24, v25;
	v52 =	vld.idx.msk [tilespmem:v44+s21+$0x0], $0xffff  }
0x430: {  	v51 =	vcvt.s32.f32 v21;
	v8 =	vmin.f32 v8, $3.500000000e+01;
	v60 =	vmul.f32 v40, v10;
	v25 =	vld.idx.msk [tilespmem:v44+s6+$0x0], $0xffff  }
0x431: {  	v3 =	vadd.f32 v9, v47;
	v9 =	vmax.f32 v37, $0.0e+00;
	v37 =	vld [tilespmem:s12+$0x3870];
	[tilespmem:s11+$0xA810] =	vst v0;
	v24 =	vmul.f32 v24, v23  }
0x432: {  	v62 =	vtrunc.f32 v8;
	v9 =	vmin.f32 v9, $3.500000000e+01;
	v58 =	vld.idx.msk [tilespmem:v29+s21+$0x0], $0xffff;
	v34 =	vmul.f32 v63, v10  }
0x433: {  	v1 =	vmul.f32 v3, v1;
	v57 =	vtrunc.f32 v9;
	v5 =	vadd.f32 v24, v49  }
0x434: {  	v61 =	vld.idx.msk [tilespmem:v29+s6+$0x0], $0xffff;
	v3 =	vcvt.f32.s32 v57;
	v6 =	vmul.f32 v56, v52  }
0x435: {  	v59 =	vld.idx.msk [tilespmem:v44+s5+$0x0], $0xffff;
	v1 =	vadd.f32 v1, v4;
	v5 =	vmul.f32 v5, v23;
	v23 =	vcvt.f32.s32 v62  }
0x436: {  	v4 =	vld [tilespmem:s12+$0x3810];
	v24 =	vmul.f32 v37, v12;
	v52 =	vcvt.s32.f32 v3;
	v6 =	vadd.f32 v6, v25  }
0x437: {  	v35 =	vld [tilespmem:s11+$0x3C30];
	v1 =	vadd.f32 v1, v60;
	v48 =	vadd.f32 v5, v55;
	v49 =	vmul.f32 v30, v58  }
0x438: {  	v54 =	vcvt.s32.f32 v23;
	v46 =	vadd.f32 v24, v11;
	v24 =	vsub.f32 v45, v51  }
0x439: {  	v45 =	vld [tilespmem:s12+$0x3820];
	v47 =	vmul.f32 v6, v56;
	[tilespmem:s11+$0xAC10] =	vst v1;
	v5 =	vadd.f32 v49, v61;
	v1 =	vadd.f32 v48, v15  }
0x43a: {  	v14 =	vsub.f32 v8, v54;
	v8 =	vmul.f32 v63, v12;
	v50 =	vld.idx.msk [tilespmem:v3+s21+$0x0], $0xffff;
	v51 =	vmax.f32 v46, $0.0e+00  }
0x43b: {  	v25 =	vld.idx.msk [tilespmem:v44+s3+$0x0], $0xffff;
	v57 =	vmul.f32 v4, v12;
	v2 =	vadd.f32 v47, v59;
	v7 =	vmin.f32 v51, $3.500000000e+01  }
0x43c: {  	v53 =	vld.idx.msk [tilespmem:v3+s6+$0x0], $0xffff;
	v8 =	vadd.f32 v8, v11;
	v59 =	vmul.f32 v35, v12;
	v55 =	vtrunc.f32 v7  }
0x43d: {  	v0 =	vmul.f32 v2, v56;
	v56 =	vsub.f32 v9, v52;
	v9 =	vcvt.f32.s32 v55  }
0x43e: {  	v5 =	vmul.f32 v5, v30;
	v60 =	vadd.f32 v57, v11;
	v61 =	vmul.f32 v45, v12  }
0x43f: {  	v8 =	vmax.f32 v8, $0.0e+00;
	v38 =	vadd.f32 v59, v11;
	v6 =	vmul.f32 v56, v50  }
0x440: {  	v58 =	vld.idx.msk [tilespmem:v3+s5+$0x0], $0xffff;
	v8 =	vmin.f32 v8, $3.500000000e+01;
	v0 =	vadd.f32 v0, v25;
	v43 =	vcvt.s32.f32 v9  }
0x441: {  	v47 =	vld [tilespmem:s12+$0x3C00];
	v51 =	vtrunc.f32 v8;
	v38 =	vmax.f32 v38, $0.0e+00;
	v6 =	vadd.f32 v6, v53  }
0x442: {  	v48 =	vcvt.f32.s32 v51;
	v46 =	vmin.f32 v38, $3.500000000e+01;
	v7 =	vsub.f32 v7, v43;
	v43 =	vld.idx.msk [tilespmem:v29+s5+$0x0], $0xffff  }
0x443: {  	v38 =	vmul.f32 v4, v10;
	v25 =	vadd.f32 v0, v39;
	v6 =	vmul.f32 v6, v56;
	v62 =	vld.idx.msk [tilespmem:v9+s21+$0x0], $0xffff  }
0x444: {  	v3 =	vld.idx.msk [tilespmem:v3+s3+$0x0], $0xffff;
	v0 =	vmax.f32 v60, $0.0e+00;
	v52 =	vtrunc.f32 v46;
	v53 =	vadd.f32 v61, v11  }
0x445: {  	v0 =	vmin.f32 v0, $3.500000000e+01;
	v59 =	vcvt.s32.f32 v48;
	v63 =	vld.idx.msk [tilespmem:v9+s6+$0x0], $0xffff;
	v6 =	vadd.f32 v6, v58  }
0x446: {  	v55 =	vtrunc.f32 v0;
	v50 =	vmax.f32 v53, $0.0e+00;
	v58 =	vmul.f32 v47, v12  }
0x447: {  	v44 =	vld [tilespmem:s11+$0x3C40];
	v50 =	vmin.f32 v50, $3.500000000e+01;
	v2 =	vmul.f32 v6, v56;
	v6 =	vcvt.f32.s32 v52  }
0x448: {  	v49 =	vld [tilespmem:s12+$0x3830];
	v5 =	vadd.f32 v5, v43;
	v56 =	vmul.f32 v41, v10;
	v54 =	vmul.f32 v7, v62  }
0x449: {  	v57 =	vld.idx.msk [tilespmem:v9+s5+$0x0], $0xffff;
	v41 =	vcvt.f32.s32 v55;
	v61 =	vadd.f32 v58, v11;
	v2 =	vadd.f32 v2, v3  }
0x44a: {  	v62 =	vld.idx.msk [tilespmem:v9+s3+$0x0], $0xffff;
	v9 =	vtrunc.f32 v50;
	v5 =	vmul.f32 v5, v30;
	v39 =	vadd.f32 v54, v63  }
0x44b: {  	v51 =	vcvt.s32.f32 v41;
	v40 =	vcvt.f32.s32 v9;
	v63 =	vld.idx.msk [tilespmem:v48+s21+$0x0], $0xffff;
	v2 =	vadd.f32 v2, v56  }
0x44c: {  	v29 =	vld.idx.msk [tilespmem:v29+s3+$0x0], $0xffff;
	v8 =	vsub.f32 v8, v59;
	v9 =	vcvt.s32.f32 v6;
	v60 =	vmul.f32 v39, v7  }
0x44d: {  	v55 =	vld.idx.msk [tilespmem:v48+s6+$0x0], $0xffff;
	v54 =	vmul.f32 v49, v12;
	v58 =	vcvt.s32.f32 v40;
	v39 =	vmax.f32 v61, $0.0e+00;
	[tilespmem:s11+$0xAC20] =	vst v2  }
0x44e: {  	v9 =	vsub.f32 v46, v9;
	v53 =	vmin.f32 v39, $3.500000000e+01;
	v52 =	vld.idx.msk [tilespmem:v6+s21+$0x0], $0xffff;
	v4 =	vadd.f32 v60, v57  }
0x44f: {  	v30 =	vld.idx.msk [tilespmem:v48+s5+$0x0], $0xffff;
	v42 =	vsub.f32 v50, v58;
	v50 =	vmul.f32 v44, v12;
	v39 =	vtrunc.f32 v53  }
0x450: {  	v46 =	vsub.f32 v0, v51;
	v43 =	vld.idx.msk [tilespmem:v6+s6+$0x0], $0xffff;
	v63 =	vmul.f32 v8, v63;
	v4 =	vmul.f32 v4, v7  }
0x451: {  	v3 =	vld [tilespmem:s12+$0x3840];
	v57 =	vmul.f32 v37, v10;
	v60 =	vadd.f32 v54, v11;
	v7 =	vcvt.f32.s32 v39  }
0x452: {  	v61 =	vld.idx.msk [tilespmem:v6+s5+$0x0], $0xffff;
	v39 =	vmul.f32 v45, v10;
	v54 =	vadd.f32 v63, v55;
	v2 =	vadd.f32 v4, v62  }
0x453: {  	v62 =	vadd.f32 v5, v29;
	v29 =	vld.idx.msk [tilespmem:v48+s3+$0x0], $0xffff;
	v48 =	vmax.f32 v60, $0.0e+00;
	v59 =	vmul.f32 v9, v52  }
0x454: {  	v6 =	vld.idx.msk [tilespmem:v6+s3+$0x0], $0xffff;
	v56 =	vcvt.s32.f32 v7;
	v0 =	vmin.f32 v48, $3.500000000e+01;
	v2 =	vadd.f32 v2, v57  }
0x455: {  	[tilespmem:s2+$0xA840] =	vst v1;
	v45 =	vld [tilespmem:s12+$0x3C10];
	v58 =	vmul.f32 v54, v8;
	v52 =	vadd.f32 v62, v27;
	v37 =	vadd.f32 v59, v43  }
0x456: {  	v27 =	vadd.f32 v50, v11;
	v57 =	vmul.f32 v3, v12;
	v60 =	vtrunc.f32 v0;
	v50 =	vld.idx.msk [tilespmem:v20+s5+$0x0], $0xffff;
	[tilespmem:s12+$0xA870] =	vst v2  }
0x457: {  	v53 =	vsub.f32 v53, v56;
	v2 =	vadd.f32 v58, v30;
	v55 =	vmul.f32 v37, v9;
	v37 =	vld.idx.msk [tilespmem:v7+s21+$0x0], $0xffff  }
0x458: {  	v62 =	vmax.f32 v27, $0.0e+00;
	v58 =	vmul.f32 v35, v10;
	v35 =	vcvt.f32.s32 v60;
	v48 =	vld.idx.msk [tilespmem:v7+s6+$0x0], $0xffff  }
0x459: {  	[tilespmem:s11+$0xA820] =	vst v52;
	v30 =	vmin.f32 v62, $3.500000000e+01;
	v56 =	vmul.f32 v2, v8;
	v8 =	vld.idx.msk [tilespmem:v20+s21+$0x0], $0xffff;
	v59 =	vadd.f32 v55, v61  }
0x45a: {  	v62 =	vcvt.s32.f32 v35;
	v61 =	vld.idx.msk [tilespmem:v28+s21+$0x0], $0xffff;
	v55 =	vtrunc.f32 v30  }
0x45b: {  	v52 =	vld.idx.msk [tilespmem:v20+s6+$0x0], $0xffff;
	v2 =	vcvt.f32.s32 v55;
	v1 =	vadd.f32 v56, v29;
	v4 =	vmul.f32 v59, v9  }
0x45c: {  	v63 =	vld.idx.msk [tilespmem:v28+s6+$0x0], $0xffff;
	v9 =	vadd.f32 v57, v11;
	v59 =	vmul.f32 v45, v12;
	v37 =	vmul.f32 v53, v37  }
0x45d: {  	v27 =	vld [tilespmem:s12+$0x3850];
	v1 =	vadd.f32 v1, v34;
	v34 =	vmul.f32 v49, v10;
	v4 =	vadd.f32 v4, v6  }
0x45e: {  	v57 =	vld.idx.msk [tilespmem:v7+s5+$0x0], $0xffff;
	v9 =	vmax.f32 v9, $0.0e+00;
	v8 =	vmul.f32 v16, v8;
	v37 =	vadd.f32 v37, v48  }
0x45f: {  	v43 =	vld [tilespmem:s11+$0x3C50];
	v60 =	vmul.f32 v36, v61;
	v48 =	vadd.f32 v59, v11;
	v9 =	vmin.f32 v9, $3.500000000e+01  }
0x460: {  	v29 =	vld [tilespmem:s12+$0x3860];
	v59 =	vmul.f32 v47, v10;
	v4 =	vadd.f32 v4, v58;
	v8 =	vadd.f32 v8, v52  }
0x461: {  	v61 =	vld.idx.msk [tilespmem:v28+s5+$0x0], $0xffff;
	v37 =	vmul.f32 v37, v53;
	v5 =	vadd.f32 v60, v63;
	v54 =	vmax.f32 v48, $0.0e+00  }
0x462: {  	v49 =	vld.idx.msk [tilespmem:v28+s3+$0x0], $0xffff;
	v28 =	vtrunc.f32 v9;
	v60 =	vmul.f32 v27, v12;
	v6 =	vmin.f32 v54, $3.500000000e+01  }
0x463: {  	v7 =	vld.idx.msk [tilespmem:v7+s3+$0x0], $0xffff;
	v8 =	vmul.f32 v8, v16;
	v63 =	vadd.f32 v37, v57;
	v5 =	vmul.f32 v5, v36  }
0x464: {  	s25 =	simm.s32 $0x180;
	s13 =	simm.s32 $0x300;
	v20 =	vld.idx.msk [tilespmem:v20+s3+$0x0], $0xffff;
	[tilespmem:s11+$0xAC30] =	vst v4;
	v37 =	vsub.f32 v0, v62;
	v56 =	vtrunc.f32 v6;
	v57 =	vcvt.s32.f32 v2  }
0x465: {  	s13 =	sand.u32 $0x3800, s13;
	s10 =	sand.u32 $0x380, s25;
	v48 =	vld.idx.msk [tilespmem:v2+s21+$0x0], $0xffff;
	v62 =	vadd.f32 v60, v11;
	v4 =	vcvt.f32.s32 v56;
	v56 =	vmul.f32 v43, v12  }
0x466: {  	s13 =	sor.u32 s10, s13;
	v58 =	vld.idx.msk [tilespmem:v2+s6+$0x0], $0xffff;
	v8 =	vadd.f32 v8, v50;
	v55 =	vmul.f32 v63, v53;
	v5 =	vadd.f32 v5, v61  }
0x467: {  	[tilespmem:s12+$0xA800] =	vst v1;
	v50 =	vld [tilespmem:s13+$0x3870];
	v1 =	vsub.f32 v30, v57;
	v30 =	vcvt.f32.s32 v28;
	v28 =	vmul.f32 v3, v10  }
0x468: {  	v61 =	vld.idx.msk [tilespmem:v41+s21+$0x0], $0xffff;
	v53 =	vmul.f32 v29, v12;
	v60 =	vcvt.s32.f32 v4;
	v0 =	vadd.f32 v55, v7  }
0x469: {  	v63 =	vld.idx.msk [tilespmem:v2+s5+$0x0], $0xffff;
	v8 =	vmul.f32 v8, v16;
	v5 =	vmul.f32 v5, v36  }
0x46a: {  	v36 =	vld.idx.msk [tilespmem:v41+s6+$0x0], $0xffff;
	v52 =	vadd.f32 v53, v11;
	v55 =	vmul.f32 v1, v48;
	v0 =	vadd.f32 v0, v59  }
0x46b: {  	v2 =	vld.idx.msk [tilespmem:v2+s3+$0x0], $0xffff;
	v3 =	vcvt.s32.f32 v30;
	v6 =	vsub.f32 v6, v60;
	v5 =	vadd.f32 v5, v49  }
0x46c: {  	v47 =	vld [tilespmem:s12+$0x3C20];
	v60 =	vmul.f32 v44, v10;
	v8 =	vadd.f32 v8, v20;
	v57 =	vadd.f32 v55, v58;
	[tilespmem:s12+$0xAC00] =	vst v0  }
0x46d: {  	v58 =	vadd.f32 v56, v11;
	v5 =	vadd.f32 v5, v31;
	v31 =	vmul.f32 v46, v61;
	v59 =	vld.idx.msk [tilespmem:v4+s21+$0x0], $0xffff  }
0x46e: {  	v49 =	vld.idx.msk [tilespmem:v41+s5+$0x0], $0xffff;
	v20 =	vmul.f32 v50, v12;
	v44 =	vadd.f32 v8, v17;
	v7 =	vmul.f32 v57, v1  }
0x46f: {  	v0 =	vmax.f32 v62, $0.0e+00;
	v61 =	vld.idx.msk [tilespmem:v4+s6+$0x0], $0xffff;
	v62 =	vmax.f32 v58, $0.0e+00;
	v36 =	vadd.f32 v31, v36  }
0x470: {  	v17 =	vadd.f32 v20, v11;
	v54 =	vmin.f32 v62, $3.500000000e+01;
	[tilespmem:s11+$0xA830] =	vst v5;
	v7 =	vadd.f32 v7, v63  }
0x471: {  	v31 =	vsub.f32 v9, v3;
	v63 =	vtrunc.f32 v54;
	v58 =	vld.idx.msk [tilespmem:v33+s21+$0x0], $0xffff;
	v9 =	vmul.f32 v36, v46  }
0x472: {  	v0 =	vmin.f32 v0, $3.500000000e+01;
	v3 =	vld.idx.msk [tilespmem:v41+s3+$0x0], $0xffff;
	v1 =	vmul.f32 v7, v1;
	v56 =	vmul.f32 v6, v59  }
0x473: {  	v57 =	vld.idx.msk [tilespmem:v4+s5+$0x0], $0xffff;
	v5 =	vcvt.f32.s32 v63;
	v9 =	vadd.f32 v9, v49;
	v59 =	vmul.f32 v47, v12  }
0x474: {  	v17 =	vmax.f32 v17, $0.0e+00;
	v1 =	vadd.f32 v1, v2;
	v36 =	vadd.f32 v56, v61;
	v61 =	vld.idx.msk [tilespmem:v33+s6+$0x0], $0xffff  }
0x475: {  	v63 =	vtrunc.f32 v0;
	v9 =	vmul.f32 v9, v46;
	v62 =	vadd.f32 v59, v11  }
0x476: {  	v53 =	vld.idx.msk [tilespmem:v4+s3+$0x0], $0xffff;
	v55 =	vmul.f32 v32, v58;
	v1 =	vadd.f32 v1, v60;
	v36 =	vmul.f32 v36, v6  }
0x477: {  	v4 =	vld.idx.msk [tilespmem:v33+s5+$0x0], $0xffff;
	v58 =	vcvt.s32.f32 v5;
	v3 =	vadd.f32 v9, v3;
	v9 =	vmax.f32 v62, $0.0e+00  }
0x478: {  	v60 =	vmul.f32 v45, v10;
	v45 =	vld [tilespmem:s12+$0x3C30];
	[tilespmem:s11+$0xAC40] =	vst v1;
	v1 =	vmin.f32 v9, $3.500000000e+01;
	v7 =	vadd.f32 v36, v57  }
0x479: {  	v9 =	vld.idx.msk [tilespmem:v5+s21+$0x0], $0xffff;
	v3 =	vadd.f32 v3, v38;
	v56 =	vtrunc.f32 v1;
	v57 =	vadd.f32 v55, v61  }
0x47a: {  	v41 =	vsub.f32 v54, v58;
	v59 =	vld.idx.msk [tilespmem:v5+s6+$0x0], $0xffff;
	v36 =	vcvt.f32.s32 v63;
	v6 =	vmul.f32 v7, v6  }
0x47b: {  	v61 =	vmax.f32 v52, $0.0e+00;
	v7 =	vcvt.f32.s32 v56;
	[tilespmem:s12+$0xA810] =	vst v3;
	v56 =	vld [tilespmem:s13+$0x3800];
	v38 =	vmul.f32 v57, v32  }
0x47c: {  	v52 =	vcvt.s32.f32 v36;
	v62 =	vld.idx.msk [tilespmem:v40+s21+$0x0], $0xffff;
	v2 =	vadd.f32 v6, v53;
	v6 =	vmin.f32 v61, $3.500000000e+01  }
0x47d: {  	v33 =	vld.idx.msk [tilespmem:v33+s3+$0x0], $0xffff;
	v57 =	vcvt.s32.f32 v7;
	v16 =	vtrunc.f32 v6;
	v4 =	vadd.f32 v38, v4  }
0x47e: {  	v53 =	vld.idx.msk [tilespmem:v40+s6+$0x0], $0xffff;
	v9 =	vmul.f32 v41, v9;
	v2 =	vadd.f32 v2, v60;
	v16 =	vcvt.f32.s32 v16  }
0x47f: {  	v63 =	vld.idx.msk [tilespmem:v5+s5+$0x0], $0xffff;
	v38 =	vsub.f32 v0, v52;
	v60 =	vmul.f32 v45, v12;
	v55 =	vmul.f32 v4, v32  }
0x480: {  	v54 =	vadd.f32 v9, v59;
	v32 =	vld [tilespmem:s13+$0x3810];
	v59 =	vmul.f32 v56, v12;
	v46 =	vmul.f32 v56, v10;
	[tilespmem:s12+$0xAC10] =	vst v2  }
0x481: {  	v1 =	vsub.f32 v1, v57;
	v20 =	vmul.f32 v42, v62;
	v58 =	vcvt.s32.f32 v16;
	v9 =	vld.idx.msk [tilespmem:v7+s21+$0x0], $0xffff  }
0x482: {  	v2 =	vmul.f32 v54, v41;
	v0 =	vadd.f32 v55, v33;
	v33 =	vmin.f32 v17, $3.500000000e+01  }
0x483: {  	v8 =	vld.idx.msk [tilespmem:v7+s6+$0x0], $0xffff;
	v20 =	vadd.f32 v20, v53;
	v17 =	vtrunc.f32 v33;
	v4 =	vsub.f32 v6, v58  }
0x484: {  	v5 =	vld.idx.msk [tilespmem:v5+s3+$0x0], $0xffff;
	v6 =	vadd.f32 v60, v11;
	v2 =	vadd.f32 v2, v63;
	v51 =	vcvt.f32.s32 v17  }
0x485: {  	v52 =	vld [tilespmem:s13+$0x3820];
	v0 =	vadd.f32 v0, v26;
	v49 =	vmul.f32 v20, v42;
	v61 =	vmul.f32 v32, v12  }
0x486: {  	v26 =	vld.idx.msk [tilespmem:v7+s5+$0x0], $0xffff;
	[tilespmem:$0x1FF00] =	vst v4;
	v4 =	vadd.f32 v59, v11;
	v6 =	vmax.f32 v6, $0.0e+00;
	v9 =	vmul.f32 v1, v9  }
0x487: {  	v2 =	vmul.f32 v2, v41;
	v6 =	vmin.f32 v6, $3.500000000e+01;
	v59 =	vcvt.s32.f32 v51  }
0x488: {  	v20 =	vld [tilespmem:s13+$0x3C00];
	v62 =	vadd.f32 v61, v11;
	v58 =	vtrunc.f32 v6;
	v8 =	vadd.f32 v9, v8  }
0x489: {  	v4 =	vmax.f32 v4, $0.0e+00;
	v61 =	vmul.f32 v47, v10;
	v47 =	vmul.f32 v32, v10  }
0x48a: {  	v54 =	vld.idx.msk [tilespmem:v40+s5+$0x0], $0xffff;
	v2 =	vadd.f32 v2, v5;
	v4 =	vmin.f32 v4, $3.500000000e+01;
	v8 =	vmul.f32 v8, v1  }
0x48b: {  	v63 =	vld.idx.msk [tilespmem:v7+s3+$0x0], $0xffff;
	v7 =	vcvt.f32.s32 v58;
	v55 =	vsub.f32 v33, v59;
	v9 =	vmul.f32 v43, v10  }
0x48c: {  	v3 =	vmax.f32 v62, $0.0e+00;
	v60 =	vtrunc.f32 v4;
	v57 =	vadd.f32 v8, v26;
	v26 =	vld.idx.msk [tilespmem:v51+s21+$0x0], $0xffff  }
0x48d: {  	v3 =	vmin.f32 v3, $3.500000000e+01;
	v56 =	vcvt.f32.s32 v60;
	v59 =	vmul.f32 v20, v12  }
0x48e: {  	v53 =	vld.idx.msk [tilespmem:v51+s6+$0x0], $0xffff;
	v41 =	vadd.f32 v2, v9;
	v8 =	vmul.f32 v52, v12;
	v1 =	vmul.f32 v57, v1  }
0x48f: {  	v62 =	vtrunc.f32 v3;
	v54 =	vadd.f32 v49, v54;
	v5 =	vadd.f32 v59, v11  }
0x490: {  	v43 =	vld [tilespmem:s13+$0x3830];
	v48 =	vcvt.f32.s32 v62;
	v8 =	vadd.f32 v8, v11;
	v1 =	vadd.f32 v1, v63  }
0x491: {  	v32 =	vld.idx.msk [tilespmem:v51+s5+$0x0], $0xffff;
	v62 =	vmul.f32 v54, v42;
	v5 =	vmax.f32 v5, $0.0e+00;
	v63 =	vmul.f32 v55, v26  }
0x492: {  	v49 =	vld [tilespmem:s12+$0x3C40];
	v8 =	vmax.f32 v8, $0.0e+00;
	v26 =	vcvt.s32.f32 v56;
	v1 =	vadd.f32 v1, v61  }
0x493: {  	v57 =	vld.idx.msk [tilespmem:v40+s3+$0x0], $0xffff;
	v5 =	vmin.f32 v5, $3.500000000e+01;
	v8 =	vmin.f32 v8, $3.500000000e+01;
	v58 =	vadd.f32 v63, v53  }
0x494: {  	v59 =	vtrunc.f32 v5;
	v9 =	vtrunc.f32 v8;
	v4 =	vsub.f32 v4, v26;
	v26 =	vld.idx.msk [tilespmem:v51+s3+$0x0], $0xffff;
	[tilespmem:s12+$0xAC20] =	vst v1  }
0x495: {  	[tilespmem:s11+$0xA840] =	vst v0;
	v33 =	vcvt.f32.s32 v9;
	v61 =	vld.idx.msk [tilespmem:v7+s21+$0x0], $0xffff;
	v1 =	vmul.f32 v58, v55  }
0x496: {  	v9 =	vcvt.s32.f32 v7;
	v53 =	vcvt.f32.s32 v59;
	v59 =	vld.idx.msk [tilespmem:v21+s21+$0x0], $0xffff  }
0x497: {  	v60 =	vcvt.s32.f32 v48;
	v63 =	vld.idx.msk [tilespmem:v7+s6+$0x0], $0xffff;
	v1 =	vadd.f32 v1, v32  }
0x498: {  	v20 =	vmul.f32 v20, v10;
	v6 =	vsub.f32 v6, v9;
	v9 =	vadd.f32 v62, v57;
	v32 =	vld.idx.msk [tilespmem:v56+s21+$0x0], $0xffff  }
0x499: {  	v40 =	vld [tilespmem:s13+$0x3840];
	v51 =	vsub.f32 v3, v60;
	v58 =	vmul.f32 v43, v12;
	v1 =	vmul.f32 v1, v55  }
0x49a: {  	v2 =	vld.idx.msk [tilespmem:v56+s6+$0x0], $0xffff;
	v62 =	vmul.f32 v49, v12;
	v9 =	vadd.f32 v9, v39;
	v60 =	vmul.f32 v6, v61  }
0x49b: {  	v57 =	vld.idx.msk [tilespmem:v56+s5+$0x0], $0xffff;
	v59 =	vmul.f32 v24, v59;
	v1 =	vadd.f32 v1, v26;
	v26 =	vmul.f32 v50, v10  }
0x49c: {  	v55 =	vld.idx.msk [tilespmem:v7+s5+$0x0], $0xffff;
	[tilespmem:s12+$0xA820] =	vst v9;
	v61 =	vadd.f32 v58, v11;
	v3 =	vadd.f32 v60, v63;
	v63 =	vcvt.s32.f32 v33  }
0x49d: {  	v9 =	vld.idx.msk [tilespmem:v56+s3+$0x0], $0xffff;
	v60 =	vmul.f32 v4, v32;
	v32 =	vmul.f32 v52, v10;
	v1 =	vadd.f32 v1, v26  }
0x49e: {  	v7 =	vld.idx.msk [tilespmem:v7+s3+$0x0], $0xffff;
	v26 =	vadd.f32 v62, v11;
	v3 =	vmul.f32 v3, v6;
	v39 =	vsub.f32 v8, v63  }
0x49f: {  	v56 =	vld.idx.msk [tilespmem:v35+s21+$0x0], $0xffff;
	v8 =	vmax.f32 v61, $0.0e+00;
	v2 =	vadd.f32 v60, v2;
	v60 =	vmul.f32 v45, v10;
	[tilespmem:s13+$0xA870] =	vst v1  }
0x4a0: {  	v1 =	vmul.f32 v40, v12;
	v26 =	vmax.f32 v26, $0.0e+00;
	v8 =	vmin.f32 v8, $3.500000000e+01;
	v61 =	vld.idx.msk [tilespmem:v53+s21+$0x0], $0xffff  }
0x4a1: {  	v52 =	vld [tilespmem:s13+$0x3C10];
	v3 =	vadd.f32 v3, v55;
	v54 =	vmin.f32 v26, $3.500000000e+01;
	v26 =	vcvt.s32.f32 v53  }
0x4a2: {  	v2 =	vmul.f32 v2, v4;
	v55 =	vld.idx.msk [tilespmem:v53+s6+$0x0], $0xffff;
	v63 =	vtrunc.f32 v8  }
0x4a3: {  	v58 =	vld.idx.msk [tilespmem:v35+s6+$0x0], $0xffff;
	v62 =	vtrunc.f32 v54;
	v3 =	vmul.f32 v3, v6;
	v5 =	vsub.f32 v5, v26  }
0x4a4: {  	v42 =	vld [tilespmem:s13+$0x3850];
	v1 =	vadd.f32 v1, v11;
	v6 =	vcvt.f32.s32 v62;
	v2 =	vadd.f32 v2, v57  }
0x4a5: {  	v50 =	vld [tilespmem:s12+$0x3C50];
	v26 =	vcvt.f32.s32 v63;
	v3 =	vadd.f32 v3, v7;
	v61 =	vmul.f32 v5, v61  }
0x4a6: {  	v62 =	vmul.f32 v37, v56;
	v63 =	vld.idx.msk [tilespmem:v53+s5+$0x0], $0xffff;
	v1 =	vmax.f32 v1, $0.0e+00;
	v2 =	vmul.f32 v2, v4  }
0x4a7: {  	v3 =	vadd.f32 v3, v60;
	v60 =	vld.idx.msk [tilespmem:v35+s5+$0x0], $0xffff;
	v0 =	vadd.f32 v61, v55;
	v61 =	vmul.f32 v52, v12  }
0x4a8: {  	v45 =	vld [tilespmem:s13+$0x3860];
	v56 =	vcvt.s32.f32 v26;
	v4 =	vadd.f32 v62, v58;
	v2 =	vadd.f32 v2, v9  }
0x4a9: {  	v53 =	vld.idx.msk [tilespmem:v53+s3+$0x0], $0xffff;
	v1 =	vmin.f32 v1, $3.500000000e+01;
	[tilespmem:s12+$0xAC30] =	vst v3;
	v0 =	vmul.f32 v0, v5;
	v9 =	vadd.f32 v61, v11  }
0x4aa: {  	v62 =	vcvt.s32.f32 v6;
	v4 =	vmul.f32 v4, v37;
	v2 =	vadd.f32 v2, v46;
	v3 =	vld.idx.msk [tilespmem:v6+s21+$0x0], $0xffff  }
0x4ab: {  	v55 =	vld.idx.msk [tilespmem:v35+s3+$0x0], $0xffff;
	v46 =	vtrunc.f32 v1;
	v0 =	vadd.f32 v0, v63;
	v63 =	vmax.f32 v9, $0.0e+00  }
0x4ac: {  	v58 =	vld.idx.msk [tilespmem:v6+s6+$0x0], $0xffff;
	v9 =	vmul.f32 v42, v12;
	v4 =	vadd.f32 v4, v60;
	v7 =	vmin.f32 v63, $3.500000000e+01  }
0x4ad: {  	v57 =	vld.idx.msk [tilespmem:v21+s6+$0x0], $0xffff;
	v54 =	vsub.f32 v54, v62;
	v0 =	vmul.f32 v0, v5;
	v35 =	vtrunc.f32 v7  }
0x4ae: {  	v62 =	vld.idx.msk [tilespmem:v6+s5+$0x0], $0xffff;
	[tilespmem:s13+$0xA800] =	vst v2;
	v4 =	vmul.f32 v4, v37;
	v5 =	vcvt.f32.s32 v35  }
0x4af: {  	v61 =	vadd.f32 v9, v11;
	v9 =	vld.idx.msk [tilespmem:v48+s21+$0x0], $0xffff;
	v3 =	vmul.f32 v54, v3;
	v0 =	vadd.f32 v0, v53  }
0x4b0: {  	v46 =	vcvt.f32.s32 v46;
	v6 =	vld.idx.msk [tilespmem:v6+s3+$0x0], $0xffff;
	v35 =	vmul.f32 v43, v10;
	v4 =	vadd.f32 v4, v55  }
0x4b1: {  	v43 =	vld.idx.msk [tilespmem:v48+s6+$0x0], $0xffff;
	v2 =	vmax.f32 v61, $0.0e+00;
	v3 =	vadd.f32 v3, v58;
	v0 =	vadd.f32 v0, v20  }
0x4b2: {  	v60 =	vld.idx.msk [tilespmem:v21+s5+$0x0], $0xffff;
	v63 =	vmul.f32 v50, v12;
	v53 =	vcvt.s32.f32 v46;
	v2 =	vmin.f32 v2, $3.500000000e+01  }
0x4b3: {  	v55 =	vld.idx.msk [tilespmem:v48+s5+$0x0], $0xffff;
	v37 =	vcvt.s32.f32 v5;
	v4 =	vadd.f32 v4, v34;
	v3 =	vmul.f32 v3, v54;
	[tilespmem:s13+$0xAC00] =	vst v0  }
0x4b4: {  	v20 =	vtrunc.f32 v2;
	v34 =	vmul.f32 v51, v9;
	v9 =	vadd.f32 v63, v11;
	v58 =	vld.idx.msk [tilespmem:v5+s21+$0x0], $0xffff  }
0x4b5: {  	v20 =	vcvt.f32.s32 v20;
	v7 =	vsub.f32 v7, v37;
	[tilespmem:s12+$0xA830] =	vst v4;
	v3 =	vadd.f32 v3, v62;
	v61 =	vld.idx.msk [tilespmem:v5+s6+$0x0], $0xffff  }
0x4b6: {  	v0 =	vadd.f32 v34, v43;
	v43 =	vmax.f32 v9, $0.0e+00;
	v9 =	vmul.f32 v45, v12;
	v62 =	vld.idx.msk [tilespmem:v30+s21+$0x0], $0xffff  }
0x4b7: {  	v34 =	vld [tilespmem:s13+$0x3C20];
	v4 =	vmin.f32 v43, $3.500000000e+01;
	v43 =	vsub.f32 v8, v56;
	v3 =	vmul.f32 v3, v54  }
0x4b8: {  	v8 =	vld.idx.msk [tilespmem:v48+s3+$0x0], $0xffff;
	v48 =	vsub.f32 v1, v53;
	v56 =	vtrunc.f32 v4;
	v0 =	vmul.f32 v0, v51  }
0x4b9: {  	[tilespmem:s2+$0xA850] =	vst v44;
	v1 =	vld.idx.msk [tilespmem:v30+s6+$0x0], $0xffff;
	v53 =	vadd.f32 v59, v57;
	v54 =	vcvt.s32.f32 v20;
	v44 =	vcvt.f32.s32 v56  }
0x4ba: {  	v21 =	vld.idx.msk [tilespmem:v21+s3+$0x0], $0xffff;
	v3 =	vadd.f32 v3, v6;
	v6 =	vmul.f32 v49, v10;
	v58 =	vmul.f32 v7, v58  }
0x4bb: {  	v53 =	vmul.f32 v53, v24;
	v49 =	vld.idx.msk [tilespmem:v5+s5+$0x0], $0xffff;
	v0 =	vadd.f32 v0, v55;
	v63 =	vmul.f32 v31, v62  }
0x4bc: {  	v55 =	vld.idx.msk [tilespmem:v18+s21+$0x0], $0xffff;
	v3 =	vadd.f32 v3, v6;
	v37 =	vadd.f32 v58, v61;
	v61 =	vmul.f32 v34, v12  }
0x4bd: {  	v53 =	vadd.f32 v53, v60;
	v6 =	vld.idx.msk [tilespmem:v30+s5+$0x0], $0xffff;
	v0 =	vmul.f32 v0, v51;
	v51 =	vmul.f32 v52, v10  }
0x4be: {  	v1 =	vadd.f32 v63, v1;
	v63 =	vcvt.s32.f32 v44;
	[tilespmem:s12+$0xAC40] =	vst v3;
	v3 =	vld.idx.msk [tilespmem:v5+s3+$0x0], $0xffff;
	v61 =	vadd.f32 v61, v11  }
0x4bf: {  	s29 =	simm.s32 $0x200;
	s14 =	simm.s32 $0x400;
	v9 =	vadd.f32 v9, v11;
	v53 =	vmul.f32 v53, v24;
	v37 =	vmul.f32 v37, v7;
	v5 =	vld.idx.msk [tilespmem:v44+s21+$0x0], $0xffff  }
0x4c0: {  	s14 =	sand.u32 $0x3800, s14;
	s10 =	sand.u32 $0x380, s29;
	v24 =	vsub.f32 v2, v54;
	v0 =	vadd.f32 v0, v8;
	v62 =	vmax.f32 v61, $0.0e+00;
	v61 =	vld.idx.msk [tilespmem:v44+s6+$0x0], $0xffff  }
0x4c1: {  	s10 =	sor.u32 s10, s14;
	v1 =	vmul.f32 v1, v31;
	v8 =	vadd.f32 v37, v49;
	v56 =	vmin.f32 v62, $3.500000000e+01;
	v62 =	vld.idx.msk [tilespmem:v30+s3+$0x0], $0xffff  }
0x4c2: {  	v52 =	vmax.f32 v9, $0.0e+00;
	v4 =	vsub.f32 v4, v63;
	v0 =	vadd.f32 v0, v47;
	v30 =	vld [tilespmem:s10+$0x3870]  }
0x4c3: {  	v2 =	vld [tilespmem:s10+$0x3800];
	v1 =	vadd.f32 v1, v6;
	v7 =	vmul.f32 v8, v7;
	v8 =	vtrunc.f32 v56  }
0x4c4: {  	v49 =	vld.idx.msk [tilespmem:v18+s6+$0x0], $0xffff;
	v6 =	vmin.f32 v52, $3.500000000e+01;
	[tilespmem:s13+$0xA810] =	vst v0;
	v8 =	vcvt.f32.s32 v8;
	v5 =	vmul.f32 v4, v5  }
0x4c5: {  	v57 =	vtrunc.f32 v6;
	v9 =	vld.idx.msk [tilespmem:v33+s21+$0x0], $0xffff;
	v1 =	vmul.f32 v1, v31;
	v63 =	vadd.f32 v7, v3  }
0x4c6: {  	v17 =	vmovc v13;
	v31 =	vld.idx.msk [tilespmem:v44+s5+$0x0], $0xffff;
	v13 =	vcvt.f32.s32 v57;
	v7 =	vadd.f32 v53, v21;
	v5 =	vadd.f32 v5, v61  }
0x4c7: {  	v58 =	vld.idx.msk [tilespmem:v33+s6+$0x0], $0xffff;
	v0 =	vadd.f32 v63, v51;
	v1 =	vadd.f32 v1, v62;
	v61 =	vmul.f32 v30, v12  }
0x4c8: {  	v47 =	vadd.f32 v7, v22;
	v62 =	vmul.f32 v17, v55;
	v22 =	vcvt.s32.f32 v8  }
0x4c9: {  	v30 =	vmul.f32 v30, v10;
	v59 =	vmul.f32 v5, v4;
	[tilespmem:s13+$0xAC10] =	vst v0;
	v1 =	vadd.f32 v1, v28  }
0x4ca: {  	v9 =	vmul.f32 v39, v9;
	v5 =	vadd.f32 v61, v11;
	v7 =	vadd.f32 v62, v49;
	v60 =	vld.idx.msk [tilespmem:v8+s21+$0x0], $0xffff  }
0x4cb: {  	v37 =	vld [tilespmem:s13+$0x3C30];
	v49 =	vsub.f32 v56, v22;
	v22 =	vmul.f32 v2, v12;
	v0 =	vadd.f32 v59, v31  }
0x4cc: {  	v2 =	vmul.f32 v2, v10;
	v28 =	vld.idx.msk [tilespmem:v8+s6+$0x0], $0xffff;
	v31 =	vcvt.s32.f32 v13;
	v9 =	vadd.f32 v9, v58  }
0x4cd: {  	[tilespmem:$0x1FF10] =	vst v13;
	v5 =	vmax.f32 v5, $0.0e+00;
	v63 =	vadd.f32 v22, v11;
	v0 =	vmul.f32 v0, v4  }
0x4ce: {  	v51 =	vld [tilespmem:s10+$0x3810];
	v4 =	vmin.f32 v5, $3.500000000e+01;
	v5 =	vmul.f32 v7, v17;
	v9 =	vmul.f32 v9, v39  }
0x4cf: {  	v52 =	vld [tilespmem:s10+$0x3820];
	v22 =	vtrunc.f32 v4;
	v3 =	vmul.f32 v49, v60  }
0x4d0: {  	v6 =	vsub.f32 v6, v31;
	v7 =	vmax.f32 v63, $0.0e+00;
	v56 =	vcvt.f32.s32 v22;
	v60 =	vld.idx.msk [tilespmem:v8+s5+$0x0], $0xffff  }
0x4d1: {  	v22 =	vmul.f32 v37, v12;
	v7 =	vmin.f32 v7, $3.500000000e+01;
	v3 =	vadd.f32 v3, v28  }
0x4d2: {  	v37 =	vmul.f32 v37, v10;
	v31 =	vtrunc.f32 v7;
	v28 =	vld.idx.msk [tilespmem:v44+s3+$0x0], $0xffff  }
0x4d3: {  	v61 =	vadd.f32 v22, v11;
	v62 =	vmul.f32 v51, v12;
	[tilespmem:$0x1FF20] =	vst v6;
	v3 =	vmul.f32 v3, v49  }
0x4d4: {  	v58 =	vcvt.f32.s32 v31;
	v63 =	vmul.f32 v52, v12;
	v8 =	vld.idx.msk [tilespmem:v8+s3+$0x0], $0xffff  }
0x4d5: {  	v44 =	vmul.f32 v50, v10;
	v55 =	vld.idx.msk [tilespmem:v33+s5+$0x0], $0xffff;
	v31 =	vmax.f32 v61, $0.0e+00;
	v3 =	vadd.f32 v3, v60  }
0x4d6: {  	v6 =	vadd.f32 v62, v11;
	v31 =	vmin.f32 v31, $3.500000000e+01;
	v53 =	vld.idx.msk [tilespmem:v56+s21+$0x0], $0xffff;
	v60 =	vcvt.s32.f32 v56  }
0x4d7: {  	v54 =	vld [tilespmem:s10+$0x3830];
	v0 =	vadd.f32 v0, v28;
	v28 =	vtrunc.f32 v31;
	v3 =	vmul.f32 v3, v49  }
0x4d8: {  	v50 =	vadd.f32 v63, v11;
	v6 =	vmax.f32 v6, $0.0e+00;
	v59 =	vld.idx.msk [tilespmem:v56+s6+$0x0], $0xffff;
	v49 =	vcvt.f32.s32 v28  }
0x4d9: {  	v28 =	vld [tilespmem:s10+$0x3C00];
	v4 =	vsub.f32 v4, v60;
	v3 =	vadd.f32 v3, v8;
	v8 =	vmul.f32 v34, v10  }
0x4da: {  	v33 =	vld.idx.msk [tilespmem:v33+s3+$0x0], $0xffff;
	v62 =	vcvt.s32.f32 v58;
	v57 =	vmax.f32 v50, $0.0e+00;
	v6 =	vmin.f32 v6, $3.500000000e+01  }
0x4db: {  	v60 =	vld.idx.msk [tilespmem:v58+s21+$0x0], $0xffff;
	v34 =	vtrunc.f32 v6;
	v61 =	vmul.f32 v4, v53;
	v3 =	vadd.f32 v3, v8  }
0x4dc: {  	v8 =	vadd.f32 v9, v55;
	v55 =	vadd.f32 v0, v44;
	v44 =	vmin.f32 v57, $3.500000000e+01;
	v57 =	vld.idx.msk [tilespmem:v56+s5+$0x0], $0xffff  }
0x4dd: {  	v50 =	vcvt.f32.s32 v34;
	v9 =	vld.idx.msk [tilespmem:v58+s6+$0x0], $0xffff;
	v34 =	vadd.f32 v61, v59;
	v59 =	vcvt.s32.f32 v49  }
0x4de: {  	v53 =	vld [tilespmem:s13+$0x3C40];
	v0 =	vsub.f32 v7, v62;
	v61 =	vmul.f32 v54, v12;
	v7 =	vmul.f32 v28, v12;
	[tilespmem:s13+$0xAC20] =	vst v3  }
0x4df: {  	v8 =	vmul.f32 v8, v39;
	v34 =	vmul.f32 v34, v4;
	v59 =	vsub.f32 v31, v59;
	v39 =	vld.idx.msk [tilespmem:v49+s21+$0x0], $0xffff  }
0x4e0: {  	v56 =	vld.idx.msk [tilespmem:v56+s3+$0x0], $0xffff;
	v60 =	vmul.f32 v0, v60;
	v61 =	vadd.f32 v61, v11;
	v7 =	vadd.f32 v7, v11  }
0x4e1: {  	v3 =	vcvt.s32.f32 v50;
	v8 =	vadd.f32 v8, v33;
	v33 =	vld.idx.msk [tilespmem:v49+s6+$0x0], $0xffff;
	v34 =	vadd.f32 v34, v57  }
0x4e2: {  	v62 =	vld.idx.msk [tilespmem:v58+s5+$0x0], $0xffff;
	v61 =	vmax.f32 v61, $0.0e+00;
	v9 =	vadd.f32 v60, v9;
	v7 =	vmax.f32 v7, $0.0e+00  }
0x4e3: {  	v7 =	vmin.f32 v7, $3.500000000e+01;
	v8 =	vadd.f32 v8, v32;
	v4 =	vmul.f32 v34, v4  }
0x4e4: {  	v3 =	vsub.f32 v6, v3;
	v6 =	vld.idx.msk [tilespmem:v58+s3+$0x0], $0xffff;
	v63 =	vtrunc.f32 v7;
	v39 =	vmul.f32 v59, v39  }
0x4e5: {  	v32 =	vld.idx.msk [tilespmem:v49+s5+$0x0], $0xffff;
	v9 =	vmul.f32 v9, v0;
	[tilespmem:s13+$0xA820] =	vst v8;
	v8 =	vmin.f32 v61, $3.500000000e+01;
	v4 =	vadd.f32 v4, v56  }
0x4e6: {  	v57 =	vld [tilespmem:s10+$0x3840];
	v61 =	vcvt.f32.s32 v63;
	v33 =	vadd.f32 v39, v33;
	v39 =	vmul.f32 v53, v12  }
0x4e7: {  	v31 =	vtrunc.f32 v44;
	v60 =	vld.idx.msk [tilespmem:v18+s5+$0x0], $0xffff;
	v9 =	vadd.f32 v9, v62;
	v4 =	vadd.f32 v4, v30  }
0x4e8: {  	v34 =	vld.idx.msk [tilespmem:v26+s21+$0x0], $0xffff;
	v30 =	vtrunc.f32 v8;
	v33 =	vmul.f32 v33, v59;
	v62 =	vadd.f32 v39, v11  }
0x4e9: {  	v49 =	vld.idx.msk [tilespmem:v49+s3+$0x0], $0xffff;
	v0 =	vmul.f32 v9, v0;
	v39 =	vcvt.f32.s32 v31  }
0x4ea: {  	[tilespmem:s12+$0xA840] =	vst v1;
	v1 =	vld.idx.msk [tilespmem:v26+s6+$0x0], $0xffff;
	v31 =	vcvt.f32.s32 v30;
	v32 =	vadd.f32 v33, v32;
	v33 =	vmax.f32 v62, $0.0e+00  }
0x4eb: {  	v56 =	vld [tilespmem:s10+$0x3850];
	[tilespmem:s10+$0xA870] =	vst v4;
	v0 =	vadd.f32 v0, v6;
	v62 =	vmul.f32 v57, v12;
	v30 =	vmin.f32 v33, $3.500000000e+01  }
0x4ec: {  	v58 =	vld.idx.msk [tilespmem:v61+s21+$0x0], $0xffff;
	v63 =	vmul.f32 v32, v59;
	v33 =	vtrunc.f32 v30;
	v32 =	vadd.f32 v5, v60  }
0x4ed: {  	v5 =	vmul.f32 v43, v34;
	v34 =	vcvt.s32.f32 v61;
	v60 =	vadd.f32 v62, v11;
	v62 =	vld.idx.msk [tilespmem:v26+s3+$0x0], $0xffff  }
0x4ee: {  	v0 =	vadd.f32 v0, v2;
	v59 =	vcvt.f32.s32 v33;
	v33 =	vld.idx.msk [tilespmem:v26+s5+$0x0], $0xffff;
	v26 =	vcvt.s32.f32 v31  }
0x4ef: {  	[tilespmem:s11+$0xA850] =	vst v47;
	v4 =	vadd.f32 v63, v49;
	v49 =	vcvt.s32.f32 v39;
	v1 =	vadd.f32 v5, v1;
	v5 =	vld.idx.msk [tilespmem:v61+s6+$0x0], $0xffff  }
0x4f0: {  	v47 =	vld.idx.msk [tilespmem:v23+s6+$0x0], $0xffff;
	v7 =	vsub.f32 v7, v34;
	v63 =	vmax.f32 v60, $0.0e+00;
	v34 =	vsub.f32 v8, v26  }
0x4f1: {  	v8 =	vld.idx.msk [tilespmem:v61+s5+$0x0], $0xffff;
	v2 =	vmin.f32 v63, $3.500000000e+01;
	v4 =	vadd.f32 v4, v37;
	v1 =	vmul.f32 v1, v43  }
0x4f2: {  	[tilespmem:s10+$0xA800] =	vst v0;
	v37 =	vsub.f32 v44, v49;
	v49 =	vld [tilespmem:s10+$0x3C10];
	v58 =	vmul.f32 v7, v58;
	v6 =	vtrunc.f32 v2  }
0x4f3: {  	v63 =	vmul.f32 v56, v12;
	[tilespmem:s13+$0xAC30] =	vst v4;
	v1 =	vadd.f32 v1, v33;
	v33 =	vcvt.f32.s32 v6;
	v6 =	vld.idx.msk [tilespmem:v50+s21+$0x0], $0xffff  }
0x4f4: {  	v60 =	vcvt.s32.f32 v59;
	v4 =	vld.idx.msk [tilespmem:v59+s21+$0x0], $0xffff;
	v5 =	vadd.f32 v58, v5  }
0x4f5: {  	v51 =	vmul.f32 v51, v10;
	v0 =	vadd.f32 v63, v11;
	v58 =	vld.idx.msk [tilespmem:v61+s3+$0x0], $0xffff  }
0x4f6: {  	v30 =	vsub.f32 v30, v60;
	v61 =	vld.idx.msk [tilespmem:v50+s6+$0x0], $0xffff;
	v1 =	vmul.f32 v1, v43;
	v5 =	vmul.f32 v5, v7  }
0x4f7: {  	v0 =	vmax.f32 v0, $0.0e+00;
	v43 =	vld.idx.msk [tilespmem:v59+s6+$0x0], $0xffff;
	v60 =	vcvt.s32.f32 v33;
	v44 =	vmul.f32 v49, v12  }
0x4f8: {  	v9 =	vld.idx.msk [tilespmem:v36+s21+$0x0], $0xffff;
	v0 =	vmin.f32 v0, $3.500000000e+01;
	v1 =	vadd.f32 v1, v62;
	v5 =	vadd.f32 v5, v8  }
0x4f9: {  	v26 =	vld [tilespmem:s10+$0x3860];
	v8 =	vadd.f32 v44, v11;
	v44 =	vtrunc.f32 v0;
	v6 =	vmul.f32 v3, v6  }
0x4fa: {  	v62 =	vld.idx.msk [tilespmem:v36+s6+$0x0], $0xffff;
	v4 =	vmul.f32 v30, v4;
	v1 =	vadd.f32 v1, v35;
	v44 =	vcvt.f32.s32 v44  }
0x4fb: {  	v35 =	vld.idx.msk [tilespmem:v59+s5+$0x0], $0xffff;
	v5 =	vmul.f32 v5, v7;
	v8 =	vmax.f32 v8, $0.0e+00;
	v6 =	vadd.f32 v6, v61  }
0x4fc: {  	v59 =	vld.idx.msk [tilespmem:v59+s3+$0x0], $0xffff;
	v4 =	vadd.f32 v4, v43;
	v8 =	vmin.f32 v8, $3.500000000e+01;
	v63 =	vcvt.s32.f32 v44  }
0x4fd: {  	v43 =	vld [tilespmem:s13+$0x3C50];
	v61 =	vtrunc.f32 v8;
	v6 =	vmul.f32 v6, v3  }
0x4fe: {  	v5 =	vadd.f32 v5, v58;
	v58 =	vld.idx.msk [tilespmem:v50+s5+$0x0], $0xffff;
	v4 =	vmul.f32 v4, v30;
	v7 =	vcvt.f32.s32 v61  }
0x4ff: {  	[tilespmem:s13+$0xA830] =	vst v1;
	v61 =	vmul.f32 v28, v10;
	v28 =	vld.idx.msk [tilespmem:v18+s3+$0x0], $0xffff;
	v18 =	vmul.f32 v19, v10  }
0x500: {  	v4 =	vadd.f32 v4, v35;
	v35 =	vsub.f32 v2, v60;
	v60 =	vmul.f32 v38, v9;
	v9 =	vld.idx.msk [tilespmem:v46+s21+$0x0], $0xffff  }
0x501: {  	v19 =	vmul.f32 v29, v10;
	v29 =	vmul.f32 v42, v10;
	v5 =	vadd.f32 v5, v61;
	v61 =	vld.idx.msk [tilespmem:v50+s3+$0x0], $0xffff  }
0x502: {  	v50 =	vld [tilespmem:s10+$0x3C20];
	v2 =	vmul.f32 v43, v12;
	v4 =	vmul.f32 v4, v30  }
0x503: {  	v30 =	vsub.f32 v0, v63;
	v1 =	vadd.f32 v60, v62;
	[tilespmem:s10+$0xAC00] =	vst v5;
	v5 =	vld.idx.msk [tilespmem:v46+s6+$0x0], $0xffff  }
0x504: {  	v0 =	vld.idx.msk [tilespmem:v36+s5+$0x0], $0xffff;
	v6 =	vadd.f32 v6, v58;
	v58 =	vcvt.s32.f32 v7;
	v2 =	vadd.f32 v2, v11  }
0x505: {  	v60 =	vld.idx.msk [tilespmem:v36+s3+$0x0], $0xffff;
	v36 =	vmul.f32 v40, v10;
	v4 =	vadd.f32 v4, v59;
	v59 =	vmul.f32 v27, v10  }
0x506: {  	v63 =	vld.idx.msk [tilespmem:v46+s5+$0x0], $0xffff;
	v58 =	vsub.f32 v8, v58;
	v2 =	vmax.f32 v2, $0.0e+00;
	v9 =	vmul.f32 v48, v9  }
0x507: {  	v8 =	vld.idx.msk [tilespmem:v7+s21+$0x0], $0xffff;
	v27 =	vmul.f32 v53, v10;
	v3 =	vmul.f32 v6, v3;
	v2 =	vmin.f32 v2, $3.500000000e+01  }
0x508: {  	v40 =	vld.idx.msk [tilespmem:v23+s21+$0x0], $0xffff;
	v1 =	vmul.f32 v1, v38;
	v5 =	vadd.f32 v9, v5;
	v9 =	vtrunc.f32 v2  }
0x509: {  	v62 =	vld.idx.msk [tilespmem:v7+s6+$0x0], $0xffff;
	v4 =	vadd.f32 v4, v27;
	v3 =	vadd.f32 v3, v61;
	v53 =	vcvt.f32.s32 v9  }
0x50a: {  	v6 =	vld.idx.msk [tilespmem:v7+s5+$0x0], $0xffff;
	v27 =	vmul.f32 v45, v10;
	v45 =	vmul.f32 v52, v10;
	v0 =	vadd.f32 v1, v0  }
0x50b: {  	[tilespmem:s13+$0xAC40] =	vst v4;
	v3 =	vadd.f32 v3, v51;
	v4 =	vmul.f32 v50, v12;
	v51 =	vmul.f32 v57, v10  }
0x50c: {  	v9 =	vld.idx.msk [tilespmem:v46+s3+$0x0], $0xffff;
	v42 =	vmul.f32 v58, v8;
	v5 =	vmul.f32 v5, v48  }
0x50d: {  	v46 =	vld.idx.msk [tilespmem:v23+s3+$0x0], $0xffff;
	v0 =	vmul.f32 v0, v38;
	v8 =	vmul.f32 v26, v12  }
0x50e: {  	v38 =	vld.idx.msk [tilespmem:v23+s5+$0x0], $0xffff;
	v23 =	vmul.f32 v56, v10;
	v4 =	vadd.f32 v4, v11;
	v5 =	vadd.f32 v5, v63  }
0x50f: {  	v1 =	vadd.f32 v42, v62;
	v8 =	vadd.f32 v8, v11;
	v62 =	vcvt.s32.f32 v53;
	v63 =	vld.idx.msk [tilespmem:v53+s21+$0x0], $0xffff  }
0x510: {  	v42 =	vmul.f32 v54, v10;
	v0 =	vadd.f32 v0, v60;
	v5 =	vmul.f32 v5, v48  }
0x511: {  	[tilespmem:s10+$0xA810] =	vst v3;
	v60 =	vld.idx.msk [tilespmem:v7+s3+$0x0], $0xffff;
	v8 =	vmax.f32 v8, $0.0e+00;
	v1 =	vmul.f32 v1, v58;
	v48 =	vsub.f32 v2, v62  }
0x512: {  	[tilespmem:s2+$0xAC50] =	vst v25;
	v61 =	vld.idx.msk [tilespmem:v39+s21+$0x0], $0xffff;
	v56 =	vadd.f32 v0, v59;
	v59 =	vmax.f32 v4, $0.0e+00;
	v54 =	vmin.f32 v8, $3.500000000e+01  }
0x513: {  	[tilespmem:s11+$0xAC50] =	vst v41;
	v52 =	vld.idx.msk [tilespmem:v53+s6+$0x0], $0xffff;
	v59 =	vmin.f32 v59, $3.500000000e+01;
	v62 =	vadd.f32 v1, v6;
	v57 =	vtrunc.f32 v54  }
0x514: {  	s24 =	simm.s32 $0x8;
	s25 =	simm.s32 $0x280;
	s14 =	simm.s32 $0x500;
	[tilespmem:s12+$0xAC50] =	vst v55;
	v41 =	vld.idx.msk [tilespmem:v53+s5+$0x0], $0xffff;
	v25 =	vcvt.f32.s32 v57;
	v57 =	vadd.f32 v5, v9;
	v55 =	vmul.f32 v48, v63  }
.LBB2_9:
0x515: {  	v0 =	vld.idx.msk [tilespmem:v39+s6+$0x0], $0xffff  }
0x516: {  	v1 =	vmul.f32 v62, v58;
	v2 =	vtrunc.f32 v59;
	v4 =	vadd.f32 v57, v36;
	v57 =	vld.idx.msk [tilespmem:v53+s3+$0x0], $0xffff  }
0x517: {  	v8 =	vmul.f32 v14, v40;
	v40 =	vld [tilespmem:$0x1FF00];
	v2 =	vcvt.f32.s32 v2  }
0x518: {  	s16 =	sand.u32 $0x3800, s14;
	s29 =	sand.u32 $0x380, s25;
	[tilespmem:s12+$0xA850] =	vst v56;
	v5 =	vadd.f32 v55, v52;
	v7 =	vmul.f32 v49, v10;
	v13 =	vld [tilespmem:$0x1FF20];
	v1 =	vadd.f32 v1, v60  }
0x519: {  	v36 =	vmov v51;
	v6 =	vcvt.s32.f32 v25;
	s29 =	sor.u32 s29, s16;
	v3 =	vld.idx.msk [tilespmem:v39+s5+$0x0], $0xffff  }
0x51a: {  	v58 =	vmul.f32 v37, v61;
	v51 =	vld [tilespmem:s29+$0x3870];
	[tilespmem:s13+$0xA840] =	vst v4;
	v5 =	vmul.f32 v5, v48;
	v1 =	vadd.f32 v1, v7  }
0x51b: {  	v32 =	vmul.f32 v32, v17;
	v53 =	vmul.f32 v43, v10;
	v9 =	vld [tilespmem:s29+$0x3800]  }
0x51c: {  	v50 =	vmul.f32 v50, v10;
	v6 =	vsub.f32 v54, v6;
	v7 =	vld [tilespmem:s29+$0x3810];
	v5 =	vadd.f32 v5, v41;
	[tilespmem:s10+$0xAC10] =	vst v1  }
0x51d: {  	v8 =	vadd.f32 v8, v47;
	v47 =	vmul.f32 v26, v10;
	v0 =	vadd.f32 v58, v0;
	v1 =	vld.idx.msk [tilespmem:v2+s21+$0x0], $0xffff  }
0x51e: {  	v62 =	vadd.f32 v32, v28;
	v61 =	vld [tilespmem:s29+$0x3820];
	v5 =	vmul.f32 v5, v48;
	v48 =	vcvt.s32.f32 v2  }
0x51f: {  	v41 =	vmov v13;
	v26 =	vmul.f32 v51, v12;
	v0 =	vmul.f32 v0, v37;
	v52 =	vld.idx.msk [tilespmem:v2+s6+$0x0], $0xffff  }
0x520: {  	v60 =	vld [tilespmem:s10+$0x3C30];
	v13 =	vmovc v6;
	v4 =	vadd.f32 v5, v57;
	v54 =	vmul.f32 v9, v12;
	v6 =	vsub.f32 v59, v48  }
0x521: {  	v49 =	vld [tilespmem:s29+$0x3830];
	v58 =	vmul.f32 v9, v10;
	v55 =	vmul.f32 v7, v12;
	v26 =	vadd.f32 v26, v11  }
0x522: {  	v43 =	vld [tilespmem:s29+$0x3840];
	v22 =	vmovc v40;
	v0 =	vadd.f32 v0, v3;
	v4 =	vadd.f32 v4, v53;
	v1 =	vmul.f32 v6, v1  }
0x523: {  	v40 =	vmul.f32 v61, v12;
	v48 =	vld.idx.msk [tilespmem:v2+s5+$0x0], $0xffff;
	v56 =	vadd.f32 v54, v11;
	v57 =	vadd.f32 v55, v11  }
0x524: {  	[tilespmem:$0x1FF00] =	vst v41;
	v41 =	vld [tilespmem:s29+$0x3850];
	v26 =	vmax.f32 v26, $0.0e+00;
	v0 =	vmul.f32 v0, v37;
	v1 =	vadd.f32 v1, v52  }
0x525: {  	v28 =	vmovc v46;
	v9 =	vld.idx.msk [tilespmem:v39+s3+$0x0], $0xffff;
	v46 =	vmin.f32 v26, $3.500000000e+01;
	v59 =	vmax.f32 v56, $0.0e+00;
	v57 =	vmax.f32 v57, $0.0e+00  }
0x526: {  	v53 =	vld.idx.msk [tilespmem:v20+s6+$0x0], $0xffff;
	[tilespmem:s13+$0xAC50] =	vst v4;
	v26 =	vtrunc.f32 v46;
	v4 =	vmin.f32 v59, $3.500000000e+01;
	v1 =	vmul.f32 v1, v6  }
0x527: {  	v59 =	vadd.f32 v40, v11;
	v2 =	vld.idx.msk [tilespmem:v2+s3+$0x0], $0xffff;
	v63 =	vcvt.f32.s32 v26;
	v26 =	vmul.f32 v60, v12  }
0x528: {  	v55 =	vld.idx.msk [tilespmem:v20+s21+$0x0], $0xffff;
	v5 =	vmin.f32 v57, $3.500000000e+01;
	v54 =	vtrunc.f32 v4;
	v1 =	vadd.f32 v1, v48  }
0x529: {  	[tilespmem:$0x1FF20] =	vst v13;
	v13 =	vcvt.f32.s32 v54;
	v54 =	vld.idx.msk [tilespmem:v20+s5+$0x0], $0xffff;
	v40 =	vadd.f32 v26, v11;
	v26 =	vtrunc.f32 v5  }
0x52a: {  	v57 =	vcvt.f32.s32 v26;
	v26 =	vld [tilespmem:s29+$0x3860];
	v1 =	vmul.f32 v1, v6  }
0x52b: {  	v0 =	vadd.f32 v0, v9;
	v52 =	vmul.f32 v7, v10;
	v56 =	vmax.f32 v40, $0.0e+00;
	v48 =	vld.idx.msk [tilespmem:v20+s3+$0x0], $0xffff  }
0x52c: {  	v17 =	vcvt.s32.f32 v63;
	v40 =	vld.idx.msk [tilespmem:v16+s21+$0x0], $0xffff;
	v7 =	vmin.f32 v56, $3.500000000e+01;
	v1 =	vadd.f32 v1, v2  }
0x52d: {  	v21 =	vmovc v14;
	v32 =	vmax.f32 v59, $0.0e+00;
	v59 =	vcvt.s32.f32 v13;
	v14 =	vld.idx.msk [tilespmem:v63+s21+$0x0], $0xffff;
	v56 =	vtrunc.f32 v7  }
0x52e: {  	v20 =	vmovc v44;
	v44 =	vmin.f32 v32, $3.500000000e+01;
	v6 =	vcvt.f32.s32 v56;
	v1 =	vadd.f32 v1, v50;
	v50 =	vld [tilespmem:$0x1FEF0]  }
0x52f: {  	v4 =	vsub.f32 v4, v59;
	v59 =	vcvt.s32.f32 v57;
	v39 =	vtrunc.f32 v44;
	v15 =	vld.idx.msk [tilespmem:v63+s6+$0x0], $0xffff  }
0x530: {  	v8 =	vmul.f32 v8, v21;
	v0 =	vadd.f32 v0, v45;
	v39 =	vcvt.f32.s32 v39;
	v3 =	vld.idx.msk [tilespmem:v13+s21+$0x0], $0xffff  }
0x531: {  	v56 =	vsub.f32 v5, v59;
	v59 =	vld [tilespmem:s29+$0x3C00];
	v5 =	vsub.f32 v46, v17  }
0x532: {  	v32 =	vadd.f32 v8, v38;
	v17 =	vmul.f32 v49, v12;
	v2 =	vld.idx.msk [tilespmem:v13+s6+$0x0], $0xffff;
	v8 =	vcvt.s32.f32 v39  }
0x533: {  	v38 =	vld.idx.msk [tilespmem:v63+s5+$0x0], $0xffff;
	v14 =	vmul.f32 v5, v14;
	[tilespmem:s10+$0xAC20] =	vst v1;
	v1 =	vadd.f32 v62, v50  }
0x534: {  	v55 =	vmul.f32 v24, v55;
	v17 =	vadd.f32 v17, v11;
	v37 =	vsub.f32 v44, v8;
	v9 =	vld.idx.msk [tilespmem:v6+s21+$0x0], $0xffff  }
0x535: {  	v3 =	vmul.f32 v4, v3;
	v8 =	vadd.f32 v14, v15;
	v15 =	vcvt.s32.f32 v6;
	v50 =	vld [tilespmem:s10+$0x3C40];
	[tilespmem:s2+$0xA860] =	vst v1;
	s2 =	smov.u32 s11  }
0x536: {  	v46 =	vmul.f32 v61, v10;
	v14 =	vmul.f32 v59, v12;
	s11 =	smov.u32 s12;
	s12 =	smov.u32 s13;
	v1 =	vmax.f32 v17, $0.0e+00;
	v17 =	vld.idx.msk [tilespmem:v6+s6+$0x0], $0xffff;
	s13 =	smov.u32 s10  }
0x537: {  	v2 =	vadd.f32 v3, v2;
	v62 =	vmov v18;
	v61 =	vld.idx.msk [tilespmem:v13+s5+$0x0], $0xffff;
	[tilespmem:s13+$0xA820] =	vst v0;
	v0 =	vsub.f32 v7, v15  }
0x538: {  	v8 =	vmul.f32 v8, v5;
	v14 =	vadd.f32 v14, v11;
	[tilespmem:$0x1FEF0] =	vst v62;
	v62 =	vmul.f32 v43, v12  }
0x539: {  	v44 =	vld.idx.msk [tilespmem:v63+s3+$0x0], $0xffff;
	v2 =	vmul.f32 v2, v4;
	v9 =	vmul.f32 v0, v9  }
0x53a: {  	v38 =	vadd.f32 v8, v38;
	v8 =	vmax.f32 v14, $0.0e+00;
	v14 =	vld.idx.msk [tilespmem:v6+s5+$0x0], $0xffff;
	v1 =	vmin.f32 v1, $3.500000000e+01  }
0x53b: {  	v18 =	vmovc v19;
	v19 =	vmovc v27;
	v8 =	vmin.f32 v8, $3.500000000e+01;
	v9 =	vadd.f32 v9, v17;
	v17 =	vmul.f32 v50, v12  }
0x53c: {  	v15 =	vadd.f32 v62, v11;
	v62 =	vmul.f32 v51, v10;
	v7 =	vld.idx.msk [tilespmem:v13+s3+$0x0], $0xffff;
	v3 =	vmul.f32 v38, v5  }
0x53d: {  	v27 =	vmovc v47;
	v47 =	vtrunc.f32 v8;
	v38 =	vld.idx.msk [tilespmem:v31+s21+$0x0], $0xffff;
	v9 =	vmul.f32 v9, v0;
	v17 =	vadd.f32 v17, v11  }
0x53e: {  	v6 =	vld.idx.msk [tilespmem:v6+s3+$0x0], $0xffff;
	v13 =	vtrunc.f32 v1;
	v5 =	vcvt.f32.s32 v47;
	v2 =	vadd.f32 v2, v61  }
0x53f: {  	v45 =	vmovc v46;
	v46 =	vld.idx.msk [tilespmem:v31+s6+$0x0], $0xffff;
	v3 =	vadd.f32 v3, v44;
	v9 =	vadd.f32 v9, v14;
	v14 =	vmax.f32 v17, $0.0e+00  }
0x540: {  	v51 =	vld.idx.msk [tilespmem:v31+s5+$0x0], $0xffff;
	v13 =	vcvt.f32.s32 v13;
	v2 =	vmul.f32 v2, v4;
	v4 =	vmin.f32 v14, $3.500000000e+01  }
0x541: {  	v47 =	vld.idx.msk [tilespmem:v16+s6+$0x0], $0xffff;
	v3 =	vadd.f32 v3, v62;
	v0 =	vmul.f32 v9, v0;
	v9 =	vtrunc.f32 v4  }
0x542: {  	v63 =	vmul.f32 v34, v38;
	v2 =	vadd.f32 v2, v7;
	v7 =	vcvt.f32.s32 v9;
	v9 =	vld [tilespmem:$0x1FF10]  }
0x543: {  	v55 =	vadd.f32 v55, v53;
	s10 =	smov.u32 s29;
	v44 =	vld.idx.msk [tilespmem:v31+s3+$0x0], $0xffff  }
0x544: {  	v15 =	vmax.f32 v15, $0.0e+00;
	v61 =	vcvt.s32.f32 v13;
	v38 =	vld.idx.msk [tilespmem:v16+s5+$0x0], $0xffff;
	[tilespmem:s10+$0xA870] =	vst v3;
	v3 =	vadd.f32 v63, v46  }
0x545: {  	v55 =	vmul.f32 v55, v24;
	v15 =	vmin.f32 v15, $3.500000000e+01;
	v31 =	vmov v13;
	v13 =	vld.idx.msk [tilespmem:v5+s21+$0x0], $0xffff  }
0x546: {  	v1 =	vsub.f32 v1, v61;
	v61 =	vmul.f32 v60, v10;
	v46 =	vld.idx.msk [tilespmem:v16+s3+$0x0], $0xffff;
	v3 =	vmul.f32 v3, v34  }
0x547: {  	v62 =	vtrunc.f32 v15;
	v14 =	vld.idx.msk [tilespmem:v5+s6+$0x0], $0xffff;
	v17 =	vmovc v25;
	v0 =	vadd.f32 v0, v6;
	v16 =	vmovc v9;
	v9 =	vcvt.s32.f32 v5  }
0x548: {  	[tilespmem:$0x1FF10] =	vst v17;
	v2 =	vadd.f32 v2, v58;
	v17 =	vmul.f32 v49, v10;
	v49 =	vld [tilespmem:s10+$0x3C10];
	v3 =	vadd.f32 v3, v51  }
0x549: {  	v63 =	vmul.f32 v41, v12;
	v0 =	vadd.f32 v0, v61;
	v8 =	vsub.f32 v8, v9  }
0x54a: {  	v51 =	vmul.f32 v43, v10;
	[tilespmem:s10+$0xA800] =	vst v2;
	v2 =	vcvt.f32.s32 v62  }
0x54b: {  	v3 =	vmul.f32 v3, v34;
	v9 =	vld.idx.msk [tilespmem:v5+s5+$0x0], $0xffff;
	[tilespmem:s13+$0xAC30] =	vst v0;
	v13 =	vmul.f32 v8, v13  }
0x54c: {  	v58 =	vadd.f32 v63, v11;
	v61 =	vcvt.s32.f32 v7;
	v25 =	vcvt.s32.f32 v2;
	v6 =	vld.idx.msk [tilespmem:v7+s21+$0x0], $0xffff  }
0x54d: {  	v43 =	vld [tilespmem:s13+$0x3C50];
	v60 =	vadd.f32 v3, v44;
	v13 =	vadd.f32 v13, v14;
	v14 =	vmul.f32 v49, v12  }
0x54e: {  	v3 =	vsub.f32 v4, v61;
	v15 =	vsub.f32 v15, v25;
	v0 =	vmax.f32 v58, $0.0e+00;
	v62 =	vld.idx.msk [tilespmem:v7+s6+$0x0], $0xffff  }
0x54f: {  	v25 =	vld.idx.msk [tilespmem:v57+s21+$0x0], $0xffff;
	v0 =	vmin.f32 v0, $3.500000000e+01;
	v13 =	vmul.f32 v13, v8;
	v14 =	vadd.f32 v14, v11  }
0x550: {  	v34 =	vmovc v1;
	v1 =	vadd.f32 v60, v42;
	v42 =	vmov v17;
	v5 =	vld.idx.msk [tilespmem:v5+s3+$0x0], $0xffff;
	v17 =	vtrunc.f32 v0  }
0x551: {  	v63 =	vld.idx.msk [tilespmem:v57+s6+$0x0], $0xffff;
	v6 =	vmul.f32 v3, v6;
	v9 =	vadd.f32 v13, v9;
	v13 =	vmax.f32 v14, $0.0e+00  }
0x552: {  	v61 =	vmul.f32 v43, v12;
	v60 =	vld.idx.msk [tilespmem:v7+s5+$0x0], $0xffff;
	[tilespmem:s13+$0xA830] =	vst v1;
	v44 =	vcvt.f32.s32 v17;
	v13 =	vmin.f32 v13, $3.500000000e+01  }
0x553: {  	v17 =	vld.idx.msk [tilespmem:v57+s3+$0x0], $0xffff;
	v6 =	vadd.f32 v6, v62;
	v8 =	vmul.f32 v9, v8;
	v9 =	vtrunc.f32 v13  }
0x554: {  	v25 =	vmul.f32 v56, v25;
	v14 =	vld.idx.msk [tilespmem:v57+s5+$0x0], $0xffff;
	v57 =	vadd.f32 v61, v11;
	v9 =	vcvt.f32.s32 v9  }
0x555: {  	v7 =	vld.idx.msk [tilespmem:v7+s3+$0x0], $0xffff;
	v6 =	vmul.f32 v6, v3;
	v5 =	vadd.f32 v8, v5;
	v8 =	vmul.f32 v59, v10  }
0x556: {  	v4 =	vadd.f32 v25, v63;
	v25 =	vld.idx.msk [tilespmem:v33+s5+$0x0], $0xffff;
	v62 =	vcvt.s32.f32 v44;
	v63 =	vmax.f32 v57, $0.0e+00  }
0x557: {  	v57 =	vmul.f32 v26, v12;
	v59 =	vld.idx.msk [tilespmem:v33+s21+$0x0], $0xffff;
	v1 =	vadd.f32 v6, v60;
	v5 =	vadd.f32 v5, v8  }
0x558: {  	v0 =	vsub.f32 v0, v62;
	v6 =	vmin.f32 v63, $3.500000000e+01;
	v62 =	vcvt.s32.f32 v9;
	v8 =	vld.idx.msk [tilespmem:v33+s6+$0x0], $0xffff  }
0x559: {  	v61 =	vadd.f32 v57, v11;
	v58 =	vtrunc.f32 v6;
	v1 =	vmul.f32 v1, v3;
	[tilespmem:s10+$0xAC00] =	vst v5;
	v5 =	vld.idx.msk [tilespmem:v33+s3+$0x0], $0xffff  }
0x55a: {  	v53 =	vcvt.f32.s32 v58;
	v58 =	vsub.f32 v13, v62;
	v33 =	vmovc v2;
	v2 =	vmul.f32 v4, v56;
	v60 =	vld.idx.msk [tilespmem:v9+s21+$0x0], $0xffff  }
0x55b: {  	v63 =	vmul.f32 v50, v10;
	v50 =	vld [tilespmem:s10+$0x3C20];
	v62 =	vadd.f32 v55, v54;
	v1 =	vadd.f32 v1, v7  }
0x55c: {  	v4 =	vmax.f32 v61, $0.0e+00;
	v57 =	vld.idx.msk [tilespmem:v9+s6+$0x0], $0xffff;
	v2 =	vadd.f32 v2, v14;
	v14 =	vmul.f32 v35, v59  }
0x55d: {  	v54 =	vmin.f32 v4, $3.500000000e+01;
	v7 =	vmul.f32 v62, v24;
	v1 =	vadd.f32 v1, v63  }
0x55e: {  	v4 =	vld.idx.msk [tilespmem:v9+s5+$0x0], $0xffff;
	v59 =	vcvt.s32.f32 v53;
	v2 =	vmul.f32 v2, v56;
	v61 =	vadd.f32 v14, v8  }
0x55f: {  	v7 =	vadd.f32 v7, v48;
	v8 =	vmul.f32 v41, v10;
	[tilespmem:s13+$0xAC40] =	vst v1;
	v13 =	vmul.f32 v58, v60  }
0x560: {  	s24 =	sadd.s32 $0x2, s24;
	v14 =	vtrunc.f32 v54;
	v3 =	vld.idx.msk [tilespmem:v53+s21+$0x0], $0xffff;
	v63 =	vadd.f32 v2, v17;
	v55 =	vmul.f32 v61, v35  }
0x561: {  	p0 =	slt.u32 s24, $0x6E;
	v41 =	vmul.f32 v50, v12;
	v48 =	vsub.f32 v6, v59;
	v13 =	vadd.f32 v13, v57  }
.Ltmp8:
0x562: {  	v24 =	vmov v30;
	v56 =	vadd.f32 v63, v52;
	v57 =	vadd.f32 v55, v25;
	(pc) =	sbr.rel @p0 .LBB2_9-.Ltmp8, $4  }
0x563: {  	v30 =	vmovc v0;
	v60 =	vld.idx.msk [tilespmem:v9+s3+$0x0], $0xffff;
	v17 =	vmov v21;
	v9 =	vmul.f32 v13, v58;
	v13 =	vadd.f32 v41, v11  }
0x564: {  	v52 =	vld.idx.msk [tilespmem:v53+s6+$0x0], $0xffff;
	v25 =	vcvt.f32.s32 v14;
	v14 =	vmovc v22;
	[tilespmem:s10+$0xA810] =	vst v56;
	v41 =	vmul.f32 v57, v35;
	v35 =	vmov v15  }
0x565: {  	v56 =	vadd.f32 v7, v29;
	v29 =	vmovc v23;
	v55 =	vmul.f32 v48, v3;
	v61 =	vld.idx.msk [tilespmem:v39+s21+$0x0], $0xffff;
	v63 =	vmax.f32 v13, $0.0e+00  }
0x566: {  	s25 =	sadd.s32 $0x80, s25;
	s14 =	sadd.s32 $0x100, s14;
	v23 =	vmovc v8;
	v62 =	vadd.f32 v9, v4;
	v57 =	vadd.f32 v41, v5;
	v41 =	vld.idx.msk [tilespmem:v53+s5+$0x0], $0xffff;
	v59 =	vmin.f32 v63, $3.500000000e+01  }
.Ltmp9:
0x567: {  	_ = 	snop;
	(pc) =	sbr.rel .LBB2_10-.Ltmp9, $1  }
0x568: {  	_ =	sdelay $0x3  }
.LBB2_13:
0x569: {  	_ =	sfence.sel $0x180000  }
0x56a: {  	[bflag:$0x0] =	sbarrier.arrive $0xFFFF  }
0x56b: {  	_ =	strace $0x90000047  }
0x56c: {  	s0 =	stileid.u32;
	[bflag:$0x2] =	sbarrier.arrive $0xFFFF  }
0x56d: {  	p0 =	sne.s32 s0, $0x0;
	s0 =	rddreg [dreg:$0x7]  }
0x56e: {  	s0 =	sadd.s32 @!p0 $0x100000, s0  }
0x56f: {  	[sflag:s0] =	ssyncadd.tile.s32 @!p0 $0x1;
	_ =	shalt  }
.Lfunc_end2:
_tile_overlayer_lowered:
.L_overlay_start_2:
0x570: {  	(tag) =	ssettag $0x2  }
0x571: {  	s0 =	rddreg [dreg:$0x0];
	s2 =	stileid.u32  }
0x572: {  	s1 =	rddreg [dreg:$0x1];
	p0 =	sne.s32 s2, $0x0  }
0x573: {  	s3 =	rddreg [dreg:$0x2];
	[bflag:$0x3] =	sbarrier.arrive $0xFFFF;
	s2 =	simm.s32 @!p0 $0x1C05  }
0x574: {  	[timem:s3], [sflag:s2] =	dma.local @!p0 [hbm:s0], s1  }
0x575: {  	s0 =	simm.s32 @!p0 $0x5  }
0x576: {  	_ =	swait.ge @!p0 [sflag:s0], s1  }
0x577: {  	s1 =	ssub.s32 @!p0 $0x0, s1;
	[sflag:s0] =	ssyncset.done @!p0 $0x0  }
0x578: {  	[sflag:s0] =	ssyncadd.s32 @!p0 s1  }
0x579: {  	[bflag:$0x3] =	sbarrier.arrive $0xFFFF  }
0x57a: {  	_ =	shalt  }

</sc_bundles>
